<compile_context>
chip_gen: v7x
topology: tpu7x:2x2x1
jax: 0.10.2.dev20260603
libtpu: 0.0.44.dev20260713+nightly
codegen_flags: <defaults>
</compile_context>

<pallas_src>
import functools

import jax
import jax.numpy as jnp
from jax import lax
from jax.experimental import pallas as pl
from jax.experimental.pallas import tpu as pltpu
from jax.experimental.pallas import tpu_sc as plsc

N_RES = 4096
N_IN = 512
C_TOT = N_RES + N_IN
NW = 32
LANES = 16

B3 = 288
CAP = 64
ROW = 2 * CAP
RND = 8192
ROUNDS = 8
N_PAD3 = NW * ROUNDS * RND
PAD_IDX = C_TOT * N_RES
SCR_WORDS = B3 * NW * ROUNDS * ROW
BPT = B3 // NW


def _mesh():
    return plsc.VectorSubcoreMesh(core_axis_name="c", subcore_axis_name="s")


def _partition(comb):

    @functools.partial(
        pl.kernel,
        mesh=_mesh(),
        out_type=jax.ShapeDtypeStruct((SCR_WORDS,), jnp.int32),
        scratch_types=[
            pltpu.VMEM((B3 * ROW,), jnp.int32),
            pltpu.VMEM((304,), jnp.int32),
            pltpu.VMEM((2 * RND,), jnp.int32),
            pltpu.VMEM((2 * RND,), jnp.int32),
            pltpu.SemaphoreType.DMA,
            pltpu.SemaphoreType.DMA,
            pltpu.SemaphoreType.DMA,
        ],
        compiler_params=pltpu.CompilerParams(needs_layout_passes=False),
    )
    def k(comb_hbm, scr_hbm, stage, cnt, buf0, buf1, sem0, sem1, fsem):
        wid = lax.axis_index("s") * 2 + lax.axis_index("c")
        zeros16 = jnp.zeros((LANES,), jnp.int32)
        ones16 = jnp.ones((LANES,), jnp.int32)
        bufs, sems = (buf0, buf1), (sem0, sem1)

        def zero_stage(i, c):
            stage[pl.ds(i * LANES, LANES)] = zeros16
            return c

        lax.fori_loop(0, B3 * ROW // LANES, zero_stage, 0)

        def start(rr, bb):
            chunk = wid * ROUNDS + rr
            pltpu.async_copy(
                comb_hbm.at[pl.ds(chunk * 2 * RND, 2 * RND)], bufs[bb],
                sems[bb])

        def wait_stream(bb):
            pltpu.make_async_copy(
                comb_hbm.at[pl.ds(0, 2 * RND)], bufs[bb], sems[bb]).wait()

        def drain_flush(i, c):
            pltpu.make_async_copy(
                stage.at[pl.ds(0, ROW)], scr_hbm.at[pl.ds(0, ROW)],
                fsem).wait()
            return c

        start(0, 0)
        start(1, 1)
        for r in range(ROUNDS):
            bb = r % 2
            if r > 0:
                lax.fori_loop(0, B3, drain_flush, 0)

                def zero_vals(bk, c):
                    for j in range(CAP // LANES):
                        stage[pl.ds(bk * ROW + CAP + j * LANES, LANES)] = (
                            zeros16)
                    return c

                lax.fori_loop(0, B3, zero_vals, 0)

            def zero_cnt(i, c):
                cnt[pl.ds(i * LANES, LANES)] = zeros16
                return c

            lax.fori_loop(0, 304 // LANES, zero_cnt, 0)
            wait_stream(bb)
            buf = bufs[bb]

            def vec(j, c):
                iv = buf[pl.ds(j * LANES, LANES)]
                vvb = buf[pl.ds(RND + j * LANES, LANES)]
                bkt = lax.shift_right_logical(iv, 16)
                loc = lax.bitwise_and(iv, jnp.int32(0xFFFF))
                rank = plsc.scan_count(bkt)[0]
                cnts = plsc.load_gather(cnt, [bkt])
                slot = cnts + rank - 1
                valid = (bkt < B3) & (slot < CAP)
                addr = jnp.where(valid, bkt * ROW + slot, 0)
                plsc.store_scatter(stage, [addr], loc, mask=valid)
                plsc.store_scatter(stage, [addr + CAP], vvb, mask=valid)
                plsc.addupdate_scatter(cnt, [bkt], ones16, mask=valid)
                return c

            lax.fori_loop(0, RND // LANES, vec, 0, unroll=4)
            if r + 2 < ROUNDS:
                start(r + 2, bb)

            def flush(bk, c):
                dst = ((bk * NW + wid) * ROUNDS + r) * ROW
                pltpu.async_copy(
                    stage.at[pl.ds(bk * ROW, ROW)],
                    scr_hbm.at[pl.ds(dst, ROW)], fsem)
                return c

            lax.fori_loop(0, B3, flush, 0)
        lax.fori_loop(0, B3, drain_flush, 0)

    return k(comb)


def _scatter_dense(scr, bpt, base):
    seg_half = NW * ROUNDS * ROW // 2

    @functools.partial(
        pl.kernel,
        mesh=_mesh(),
        out_type=jax.ShapeDtypeStruct((NW * bpt * 16 * N_RES,), jnp.float32),
        scratch_types=[
            pltpu.VMEM((16 * N_RES,), jnp.float32),
            pltpu.VMEM((seg_half,), jnp.int32),
            pltpu.VMEM((seg_half,), jnp.int32),
            pltpu.SemaphoreType.DMA,
            pltpu.SemaphoreType.DMA,
        ],
        compiler_params=pltpu.CompilerParams(needs_layout_passes=False),
    )
    def k(scr_hbm, w_hbm, acc, sb0, sb1, sem0, sem1):
        wid = lax.axis_index("s") * 2 + lax.axis_index("c")
        sbufs, sems = (sb0, sb1), (sem0, sem1)
        zeros16f = jnp.zeros((LANES,), jnp.float32)

        def zero_acc(i, c):
            acc[pl.ds(i * LANES, LANES)] = zeros16f
            return c

        for kb in range(bpt):
            b = base + wid * bpt + kb
            src0 = b * 2 * seg_half
            for h in range(2):
                pltpu.async_copy(
                    scr_hbm.at[pl.ds(src0 + h * seg_half, seg_half)],
                    sbufs[h], sems[h])
            lax.fori_loop(0, 16 * N_RES // LANES, zero_acc, 0, unroll=8)
            for h in range(2):
                sbuf = sbufs[h]
                pltpu.make_async_copy(
                    scr_hbm.at[pl.ds(0, seg_half)], sbuf, sems[h]).wait()

                def seg(s, c):
                    for j in range(CAP // LANES):
                        locv = sbuf[pl.ds(s * ROW + j * LANES, LANES)]
                        vvb = sbuf[pl.ds(s * ROW + CAP + j * LANES, LANES)]
                        m = vvb != 0
                        plsc.addupdate_scatter(
                            acc, [locv], plsc.bitcast(vvb, jnp.float32),
                            mask=m)
                    return c

                lax.fori_loop(0, seg_half // ROW, seg, 0)
            pltpu.sync_copy(
                acc,
                w_hbm.at[pl.ds((b - base) * 16 * N_RES, 16 * N_RES)])

    return k(scr)


def _erf(x):
    ax = jnp.abs(x)
    t = 1.0 / (1.0 + 0.3275911 * ax)
    poly = t * (0.254829592 + t * (-0.284496736 + t * (
        1.421413741 + t * (-1.453152027 + t * 1.061405429))))
    y = 1.0 - poly * jnp.exp(-ax * ax)
    return jnp.where(x < 0, -y, y)


BM = 512
BN = 512


def _dot(a_ref, w_ref):
    return lax.dot_general(
        a_ref[...], w_ref[...], (((1,), (0,)), ((), ())),
        precision=lax.Precision.HIGHEST,
        preferred_element_type=jnp.float32)


def _mm_partial_kernel(a_ref, w_ref, o_ref):
    o_ref[...] = _dot(a_ref, w_ref)


def _mm_final_kernel(a_ref, w_ref, z_ref, b_ref, o_ref):
    o_ref[...] = _erf(_dot(a_ref, w_ref) + z_ref[...] + b_ref[...])


def _matmul_partial(a, w):
    m, kk = a.shape
    return pl.pallas_call(
        _mm_partial_kernel,
        grid=(m // BM, N_RES // BN),
        in_specs=[
            pl.BlockSpec((BM, kk), lambda i, j: (i, 0)),
            pl.BlockSpec((kk, BN), lambda i, j: (0, j)),
        ],
        out_specs=pl.BlockSpec((BM, BN), lambda i, j: (i, j)),
        out_shape=jax.ShapeDtypeStruct((m, N_RES), jnp.float32),
        compiler_params=pltpu.CompilerParams(
            dimension_semantics=("parallel", "parallel")),
    )(a, w)


def _matmul_final(a, w, z1, bias2):
    m, kk = a.shape
    return pl.pallas_call(
        _mm_final_kernel,
        grid=(m // BM, N_RES // BN),
        in_specs=[
            pl.BlockSpec((BM, kk), lambda i, j: (i, 0)),
            pl.BlockSpec((kk, BN), lambda i, j: (0, j)),
            pl.BlockSpec((BM, BN), lambda i, j: (i, j)),
            pl.BlockSpec((1, BN), lambda i, j: (0, j)),
        ],
        out_specs=pl.BlockSpec((BM, BN), lambda i, j: (i, j)),
        out_shape=jax.ShapeDtypeStruct((m, N_RES), jnp.float32),
        compiler_params=pltpu.CompilerParams(
            dimension_semantics=("parallel", "parallel")),
    )(a, w, z1, bias2)


def kernel(state, x, res_vals, res_rows, res_cols, res_bias,
           in_vals, in_rows, in_cols):
    in_rows = in_rows.astype(jnp.int32)
    in_cols = in_cols.astype(jnp.int32)
    res_rows = res_rows.astype(jnp.int32)
    res_cols = res_cols.astype(jnp.int32)
    idx = jnp.concatenate([
        in_cols * N_RES + in_rows,
        (res_cols + N_IN) * N_RES + res_rows,
    ])
    vals = jnp.concatenate([in_vals, res_vals])
    n = idx.shape[0]
    idx = jnp.pad(idx, (0, N_PAD3 - n), constant_values=PAD_IDX)
    vals = jnp.pad(vals, (0, N_PAD3 - n))
    nchunks = NW * ROUNDS
    idx_c = idx.reshape(RND, nchunks).T
    val_c = lax.bitcast_convert_type(vals, jnp.int32).reshape(RND, nchunks).T
    comb = jnp.stack([idx_c, val_c], axis=1).reshape(-1)
    scr = _partition(comb)
    wa = _scatter_dense(scr, 5, 0).reshape(160 * 16, N_RES)
    wb = _scatter_dense(scr, 4, 160).reshape(128 * 16, N_RES)

    a = jnp.concatenate([x, state], axis=1)
    bias2 = res_bias.reshape(1, N_RES)
    ka = 160 * 16
    z1 = _matmul_partial(a[:, :ka], wa)
    return _matmul_final(a[:, ka:], wb, z1, bias2)

# --- scband reference (transcript-rebuilt; emitter-appended) ---
"""Pipeline reference for scband-sparse-reservoir-90726889161555 (READ-ONLY COPY).

The authoritative reference and input builder live on the scoring server;
editing this copy changes nothing except your own understanding.
"""

import jax, jax.numpy as jnp
import numpy as np

N_RES = 4096
N_IN = 512
BATCH = 1024
NNZ_FRAC = 0.1
NNZ_RES = int(NNZ_FRAC * N_RES * N_RES)
NNZ_IN = int(NNZ_FRAC * N_RES * N_IN)


def coo_matmat(vals, rows, cols, mat, n_rows):
    # COO sparse (n_rows x k) @ dense (k x m) via gather + scatter-add
    contrib = vals[:, None] * mat[cols]
    return jnp.zeros((n_rows, mat.shape[1]), vals.dtype).at[rows].add(contrib)


def leaky_erf(z, prev_state, leak_rate=1.0):
    return (1.0 - leak_rate) * prev_state + leak_rate * jax.lax.erf(z)


def setup_inputs(seed: int = 0) -> dict:
    key = jax.random.key(seed)
    ks = jax.random.split(key, 10)
    state = jax.random.normal(ks[0], (BATCH, N_RES), dtype=jnp.float32)
    x = jax.random.normal(ks[1], (BATCH, N_IN), dtype=jnp.float32)
    # reservoir sparse kernel (res_scale=0.9), with bias (bias_scale=0.1)
    res_vals = 0.9 * jax.random.normal(ks[2], (NNZ_RES,), dtype=jnp.float32)
    res_rows = jax.random.randint(ks[3], (NNZ_RES,), 0, N_RES)
    res_cols = jax.random.randint(ks[4], (NNZ_RES,), 0, N_RES)
    res_bias = 0.1 * jax.random.normal(ks[5], (N_RES,), dtype=jnp.float32)
    # input sparse kernel (input_scale=0.4), no bias
    in_vals = 0.4 * jax.random.normal(ks[6], (NNZ_IN,), dtype=jnp.float32)
    in_rows = jax.random.randint(ks[7], (NNZ_IN,), 0, N_RES)
    in_cols = jax.random.randint(ks[8], (NNZ_IN,), 0, N_IN)
    return {
        "state": state,
        "x": x,
        "res_vals": res_vals,
        "res_rows": res_rows,
        "res_cols": res_cols,
        "res_bias": res_bias,
        "in_vals": in_vals,
        "in_rows": in_rows,
        "in_cols": in_cols,
    }


def reference(state, x, res_vals, res_rows, res_cols, res_bias, in_vals, in_rows, in_cols):
    # z_input = Sparse(n_reservoir, use_bias=False)(x)
    z_in = coo_matmat(in_vals, in_rows, in_cols, x.T, N_RES).T
    # z_res = Sparse(n_reservoir, use_bias=True)(state)
    z_res = coo_matmat(res_vals, res_rows, res_cols, state.T, N_RES).T + res_bias
    updated_state = leaky_erf(z_in + z_res, state)
    return updated_state

if __name__ == "__main__":
    import jax
    _d = setup_inputs()
    print(jax.jit(kernel)(*tuple(_d.values())))

</pallas_src>

<mosaic_0001>
#map = affine_map<(d0, d1) -> (0)>
module attributes {stable_mosaic.version = 14 : i64} {
  func.func @k(%arg0: i32, %arg1: i32, %arg2: memref<4194304xi32, #tpu.memory_space<hbm>>, %arg3: memref<9437184xi32, #tpu.memory_space<hbm>>, %arg4: memref<36864xi32, #tpu.memory_space<vmem>>, %arg5: memref<304xi32, #tpu.memory_space<vmem>>, %arg6: memref<16384xi32, #tpu.memory_space<vmem>>, %arg7: memref<16384xi32, #tpu.memory_space<vmem>>, %arg8: memref<!tpu.dma_semaphore, #tpu.memory_space<semaphore_mem>>, %arg9: memref<!tpu.dma_semaphore, #tpu.memory_space<semaphore_mem>>, %arg10: memref<!tpu.dma_semaphore, #tpu.memory_space<semaphore_mem>>) attributes {dimension_semantics = [#tpu.dimension_semantics<core_parallel>, #tpu.dimension_semantics<subcore_parallel>], iteration_bounds = array<i64: 2, 16>, scalar_prefetch = 0 : i64, scratch_operands = 7 : i64, tpu.core_type = #tpu.core_type<sc_vector_subcore>, window_params = [{transform_indices = #map}, {transform_indices = #map}]} {
    %mul3A = arith.constant 2 : i32
    %mul3A_0 = arith.muli %arg1, %mul3A : i32
    %add3A = arith.addi %mul3A_0, %arg0 : i32
    %broadcast_in_dim3A = arith.constant 0 : i32
    %broadcast_in_dim3A_1 = vector.broadcast %broadcast_in_dim3A : i32 to vector<16xi32>
    %broadcast_in_dim3A_2 = arith.constant 1 : i32
    %broadcast_in_dim3A_3 = vector.broadcast %broadcast_in_dim3A_2 : i32 to vector<16xi32>
    %scan3A = arith.constant 0 : i32
    %scan3A_4 = arith.constant 0 : i32
    %scan3A_5 = arith.constant 2304 : i32
    %scan3A_6 = arith.addi %scan3A_4, %scan3A_5 : i32
    %scan3A_7 = arith.constant 1 : i32
    scf.for %scan3A_353 = %scan3A_4 to %scan3A_6 step %scan3A_7  : i32 {
      %mul3A_354 = arith.constant 16 : i32
      %mul3A_355 = arith.muli %scan3A_353, %mul3A_354 : i32
      %swap3A = arith.index_cast %mul3A_355 : i32 to index
      %swap3A_356 = tpu.vector_load %arg4[%swap3A] {strides = array<i32>} : memref<36864xi32, #tpu.memory_space<vmem>>, vector<16xi32>,
      tpu.vector_store %arg4[%swap3A], %broadcast_in_dim3A_1 {strides = array<i32>} : memref<36864xi32, #tpu.memory_space<vmem>>, vector<16xi32>,
    }
    %scan3A_8 = arith.constant 2304 : i32
    %mul3A_9 = arith.constant 8 : i32
    %mul3A_10 = arith.muli %add3A, %mul3A_9 : i32
    %add3A_11 = arith.constant 0 : i32
    %add3A_12 = arith.addi %mul3A_10, %add3A_11 : i32
    %mul3A_13 = arith.constant 2 : i32
    %mul3A_14 = arith.muli %add3A_12, %mul3A_13 : i32
    %mul3A_15 = arith.constant 8192 : i32
    %mul3A_16 = arith.muli %mul3A_14, %mul3A_15 : i32
    %dma_start3A = tpu.memref_slice %arg2[%mul3A_16] : memref<4194304xi32, #tpu.memory_space<hbm>> -> memref<16384xi32, #tpu.memory_space<hbm>>
    %dma_start3A_17 = tpu.memref_slice %arg2[%mul3A_16] : memref<4194304xi32, #tpu.memory_space<hbm>> -> memref<16384xi32, #tpu.memory_space<hbm>>
    tpu.enqueue_dma source(%dma_start3A_17 : memref<16384xi32, #tpu.memory_space<hbm>>) target(%arg6 : memref<16384xi32, #tpu.memory_space<vmem>>) target_semaphore(%arg8 : memref<!tpu.dma_semaphore, #tpu.memory_space<semaphore_mem>>)
    %mul3A_18 = arith.constant 8 : i32
    %mul3A_19 = arith.muli %add3A, %mul3A_18 : i32
    %add3A_20 = arith.constant 1 : i32
    %add3A_21 = arith.addi %mul3A_19, %add3A_20 : i32
    %mul3A_22 = arith.constant 2 : i32
    %mul3A_23 = arith.muli %add3A_21, %mul3A_22 : i32
    %mul3A_24 = arith.constant 8192 : i32
    %mul3A_25 = arith.muli %mul3A_23, %mul3A_24 : i32
    %dma_start3A_26 = tpu.memref_slice %arg2[%mul3A_25] : memref<4194304xi32, #tpu.memory_space<hbm>> -> memref<16384xi32, #tpu.memory_space<hbm>>
    %dma_start3A_27 = tpu.memref_slice %arg2[%mul3A_25] : memref<4194304xi32, #tpu.memory_space<hbm>> -> memref<16384xi32, #tpu.memory_space<hbm>>
    tpu.enqueue_dma source(%dma_start3A_27 : memref<16384xi32, #tpu.memory_space<hbm>>) target(%arg7 : memref<16384xi32, #tpu.memory_space<vmem>>) target_semaphore(%arg9 : memref<!tpu.dma_semaphore, #tpu.memory_space<semaphore_mem>>)
    %scan3A_28 = arith.constant 0 : i32
    %scan3A_29 = arith.constant 0 : i32
    %scan3A_30 = arith.constant 19 : i32
    %scan3A_31 = arith.addi %scan3A_29, %scan3A_30 : i32
    %scan3A_32 = arith.constant 1 : i32
    scf.for %scan3A_353 = %scan3A_29 to %scan3A_31 step %scan3A_32  : i32 {
      %mul3A_354 = arith.constant 16 : i32
      %mul3A_355 = arith.muli %scan3A_353, %mul3A_354 : i32
      %swap3A = arith.index_cast %mul3A_355 : i32 to index
      %swap3A_356 = tpu.vector_load %arg5[%swap3A] {strides = array<i32>} : memref<304xi32, #tpu.memory_space<vmem>>, vector<16xi32>,
      tpu.vector_store %arg5[%swap3A], %broadcast_in_dim3A_1 {strides = array<i32>} : memref<304xi32, #tpu.memory_space<vmem>>, vector<16xi32>,
    }
    %scan3A_33 = arith.constant 19 : i32
    %dma_wait3A = arith.constant 0 : i32
    %dma_wait3A_34 = tpu.memref_slice %arg2[%dma_wait3A] : memref<4194304xi32, #tpu.memory_space<hbm>> -> memref<16384xi32, #tpu.memory_space<hbm>>
    %dma_wait3A_35 = arith.constant 0 : i32
    %dma_wait3A_36 = tpu.memref_slice %arg2[%dma_wait3A_35] : memref<4194304xi32, #tpu.memory_space<hbm>> -> memref<16384xi32, #tpu.memory_space<hbm>>
    tpu.wait_dma2 semaphore(%arg8 : memref<!tpu.dma_semaphore, #tpu.memory_space<semaphore_mem>>) src(%dma_wait3A_36 : memref<16384xi32, #tpu.memory_space<hbm>>) dst(%arg6 : memref<16384xi32, #tpu.memory_space<vmem>>)
    %scan3A_37 = arith.constant 0 : i32
    %scan3A_38 = arith.constant 0 : i32
    %scan3A_39 = arith.constant 512 : i32
    %scan3A_40 = arith.addi %scan3A_38, %scan3A_39 : i32
    %scan3A_41 = arith.constant 4 : i32
    scf.for %scan3A_353 = %scan3A_38 to %scan3A_40 step %scan3A_41  : i32 {
      %mul3A_354 = arith.constant 16 : i32
      %mul3A_355 = arith.muli %scan3A_353, %mul3A_354 : i32
      %get3A = arith.index_cast %mul3A_355 : i32 to index
      %get3A_356 = tpu.vector_load %arg6[%get3A] {strides = array<i32>} : memref<16384xi32, #tpu.memory_space<vmem>>, vector<16xi32>,
      %mul3A_357 = arith.constant 16 : i32
      %mul3A_358 = arith.muli %scan3A_353, %mul3A_357 : i32
      %add3A_359 = arith.constant 8192 : i32
      %add3A_360 = arith.addi %add3A_359, %mul3A_358 : i32
      %get3A_361 = arith.index_cast %add3A_360 : i32 to index
      %get3A_362 = tpu.vector_load %arg6[%get3A_361] {strides = array<i32>} : memref<16384xi32, #tpu.memory_space<vmem>>, vector<16xi32>,
      %shift_right_logical3A = arith.constant 16 : i32
      %shift_right_logical3A_363 = vector.broadcast %shift_right_logical3A : i32 to vector<16xi32>
      %shift_right_logical3A_364 = arith.shrui %get3A_356, %shift_right_logical3A_363 : vector<16xi32>
      %and3A = arith.constant 65535 : i32
      %and3A_365 = vector.broadcast %and3A : i32 to vector<16xi32>
      %and3A_366 = arith.andi %get3A_356, %and3A_365 : vector<16xi32>
      %broadcast_in_dim3A_367 = arith.constant true
      %broadcast_in_dim3A_368 = vector.broadcast %broadcast_in_dim3A_367 : i1 to vector<16xi1>
      %unique3A, %unique3A_369 = tpu.scan_count mask(%broadcast_in_dim3A_368 : vector<16xi1>) value(%shift_right_logical3A_364 : vector<16xi32>) : vector<16xi1>, vector<16xi32>
      %gather3A = tpu.vector_load_idx %arg5[%shift_right_logical3A_364] : memref<304xi32, #tpu.memory_space<vmem>>[vector<16xi32>], vector<16xi32>,
      %add3A_370 = arith.addi %gather3A, %unique3A_369 : vector<16xi32>
      %sub3A = arith.constant 1 : i32
      %sub3A_371 = vector.broadcast %sub3A : i32 to vector<16xi32>
      %sub3A_372 = arith.subi %add3A_370, %sub3A_371 : vector<16xi32>
      %lt3A = arith.constant 288 : i32
      %lt3A_373 = vector.broadcast %lt3A : i32 to vector<16xi32>
      %lt3A_374 = arith.cmpi slt, %shift_right_logical3A_364, %lt3A_373 : vector<16xi32>
      %lt3A_375 = arith.constant 64 : i32
      %lt3A_376 = vector.broadcast %lt3A_375 : i32 to vector<16xi32>
      %lt3A_377 = arith.cmpi slt, %sub3A_372, %lt3A_376 : vector<16xi32>
      %and3A_378 = arith.andi %lt3A_374, %lt3A_377 : vector<16xi1>
      %mul3A_379 = arith.constant 128 : i32
      %mul3A_380 = vector.broadcast %mul3A_379 : i32 to vector<16xi32>
      %mul3A_381 = arith.muli %shift_right_logical3A_364, %mul3A_380 : vector<16xi32>
      %add3A_382 = arith.addi %mul3A_381, %sub3A_372 : vector<16xi32>
      %jit3A = arith.constant 0 : i32
      %broadcast_in_dim3A_383 = vector.broadcast %jit3A : i32 to vector<16xi32>
      %select_n3A = arith.select %and3A_378, %add3A_382, %broadcast_in_dim3A_383 : vector<16xi1>, vector<16xi32>
      tpu.vector_store_idx %arg4[%select_n3A], %and3A_366 masked %and3A_378 : memref<36864xi32, #tpu.memory_space<vmem>>[vector<16xi32>], vector<16xi32>, vector<16xi1>
      %add3A_384 = arith.constant 64 : i32
      %add3A_385 = vector.broadcast %add3A_384 : i32 to vector<16xi32>
      %add3A_386 = arith.addi %select_n3A, %add3A_385 : vector<16xi32>
      tpu.vector_store_idx %arg4[%add3A_386], %get3A_362 masked %and3A_378 : memref<36864xi32, #tpu.memory_space<vmem>>[vector<16xi32>], vector<16xi32>, vector<16xi1>
      tpu.vector_store_idx %arg5[%shift_right_logical3A_364], %broadcast_in_dim3A_3 masked %and3A_378 {add = true} : memref<304xi32, #tpu.memory_space<vmem>>[vector<16xi32>], vector<16xi32>, vector<16xi1>
      %scan3A_387 = arith.constant 1 : i32
      %scan3A_388 = arith.addi %scan3A_353, %scan3A_387 : i32
      %mul3A_389 = arith.constant 16 : i32
      %mul3A_390 = arith.muli %scan3A_388, %mul3A_389 : i32
      %get3A_391 = arith.index_cast %mul3A_390 : i32 to index
      %get3A_392 = tpu.vector_load %arg6[%get3A_391] {strides = array<i32>} : memref<16384xi32, #tpu.memory_space<vmem>>, vector<16xi32>,
      %mul3A_393 = arith.constant 16 : i32
      %mul3A_394 = arith.muli %scan3A_388, %mul3A_393 : i32
      %add3A_395 = arith.constant 8192 : i32
      %add3A_396 = arith.addi %add3A_395, %mul3A_394 : i32
      %get3A_397 = arith.index_cast %add3A_396 : i32 to index
      %get3A_398 = tpu.vector_load %arg6[%get3A_397] {strides = array<i32>} : memref<16384xi32, #tpu.memory_space<vmem>>, vector<16xi32>,
      %shift_right_logical3A_399 = arith.constant 16 : i32
      %shift_right_logical3A_400 = vector.broadcast %shift_right_logical3A_399 : i32 to vector<16xi32>
      %shift_right_logical3A_401 = arith.shrui %get3A_392, %shift_right_logical3A_400 : vector<16xi32>
      %and3A_402 = arith.constant 65535 : i32
      %and3A_403 = vector.broadcast %and3A_402 : i32 to vector<16xi32>
      %and3A_404 = arith.andi %get3A_392, %and3A_403 : vector<16xi32>
      %broadcast_in_dim3A_405 = arith.constant true
      %broadcast_in_dim3A_406 = vector.broadcast %broadcast_in_dim3A_405 : i1 to vector<16xi1>
      %unique3A_407, %unique3A_408 = tpu.scan_count mask(%broadcast_in_dim3A_406 : vector<16xi1>) value(%shift_right_logical3A_401 : vector<16xi32>) : vector<16xi1>, vector<16xi32>
      %gather3A_409 = tpu.vector_load_idx %arg5[%shift_right_logical3A_401] : memref<304xi32, #tpu.memory_space<vmem>>[vector<16xi32>], vector<16xi32>,
      %add3A_410 = arith.addi %gather3A_409, %unique3A_408 : vector<16xi32>
      %sub3A_411 = arith.constant 1 : i32
      %sub3A_412 = vector.broadcast %sub3A_411 : i32 to vector<16xi32>
      %sub3A_413 = arith.subi %add3A_410, %sub3A_412 : vector<16xi32>
      %lt3A_414 = arith.constant 288 : i32
      %lt3A_415 = vector.broadcast %lt3A_414 : i32 to vector<16xi32>
      %lt3A_416 = arith.cmpi slt, %shift_right_logical3A_401, %lt3A_415 : vector<16xi32>
      %lt3A_417 = arith.constant 64 : i32
      %lt3A_418 = vector.broadcast %lt3A_417 : i32 to vector<16xi32>
      %lt3A_419 = arith.cmpi slt, %sub3A_413, %lt3A_418 : vector<16xi32>
      %and3A_420 = arith.andi %lt3A_416, %lt3A_419 : vector<16xi1>
      %mul3A_421 = arith.constant 128 : i32
      %mul3A_422 = vector.broadcast %mul3A_421 : i32 to vector<16xi32>
      %mul3A_423 = arith.muli %shift_right_logical3A_401, %mul3A_422 : vector<16xi32>
      %add3A_424 = arith.addi %mul3A_423, %sub3A_413 : vector<16xi32>
      %jit3A_425 = arith.constant 0 : i32
      %broadcast_in_dim3A_426 = vector.broadcast %jit3A_425 : i32 to vector<16xi32>
      %select_n3A_427 = arith.select %and3A_420, %add3A_424, %broadcast_in_dim3A_426 : vector<16xi1>, vector<16xi32>
      tpu.vector_store_idx %arg4[%select_n3A_427], %and3A_404 masked %and3A_420 : memref<36864xi32, #tpu.memory_space<vmem>>[vector<16xi32>], vector<16xi32>, vector<16xi1>
      %add3A_428 = arith.constant 64 : i32
      %add3A_429 = vector.broadcast %add3A_428 : i32 to vector<16xi32>
      %add3A_430 = arith.addi %select_n3A_427, %add3A_429 : vector<16xi32>
      tpu.vector_store_idx %arg4[%add3A_430], %get3A_398 masked %and3A_420 : memref<36864xi32, #tpu.memory_space<vmem>>[vector<16xi32>], vector<16xi32>, vector<16xi1>
      tpu.vector_store_idx %arg5[%shift_right_logical3A_401], %broadcast_in_dim3A_3 masked %and3A_420 {add = true} : memref<304xi32, #tpu.memory_space<vmem>>[vector<16xi32>], vector<16xi32>, vector<16xi1>
      %scan3A_431 = arith.constant 2 : i32
      %scan3A_432 = arith.addi %scan3A_353, %scan3A_431 : i32
      %mul3A_433 = arith.constant 16 : i32
      %mul3A_434 = arith.muli %scan3A_432, %mul3A_433 : i32
      %get3A_435 = arith.index_cast %mul3A_434 : i32 to index
      %get3A_436 = tpu.vector_load %arg6[%get3A_435] {strides = array<i32>} : memref<16384xi32, #tpu.memory_space<vmem>>, vector<16xi32>,
      %mul3A_437 = arith.constant 16 : i32
      %mul3A_438 = arith.muli %scan3A_432, %mul3A_437 : i32
      %add3A_439 = arith.constant 8192 : i32
      %add3A_440 = arith.addi %add3A_439, %mul3A_438 : i32
      %get3A_441 = arith.index_cast %add3A_440 : i32 to index
      %get3A_442 = tpu.vector_load %arg6[%get3A_441] {strides = array<i32>} : memref<16384xi32, #tpu.memory_space<vmem>>, vector<16xi32>,
      %shift_right_logical3A_443 = arith.constant 16 : i32
      %shift_right_logical3A_444 = vector.broadcast %shift_right_logical3A_443 : i32 to vector<16xi32>
      %shift_right_logical3A_445 = arith.shrui %get3A_436, %shift_right_logical3A_444 : vector<16xi32>
      %and3A_446 = arith.constant 65535 : i32
      %and3A_447 = vector.broadcast %and3A_446 : i32 to vector<16xi32>
      %and3A_448 = arith.andi %get3A_436, %and3A_447 : vector<16xi32>
      %broadcast_in_dim3A_449 = arith.constant true
      %broadcast_in_dim3A_450 = vector.broadcast %broadcast_in_dim3A_449 : i1 to vector<16xi1>
      %unique3A_451, %unique3A_452 = tpu.scan_count mask(%broadcast_in_dim3A_450 : vector<16xi1>) value(%shift_right_logical3A_445 : vector<16xi32>) : vector<16xi1>, vector<16xi32>
      %gather3A_453 = tpu.vector_load_idx %arg5[%shift_right_logical3A_445] : memref<304xi32, #tpu.memory_space<vmem>>[vector<16xi32>], vector<16xi32>,
      %add3A_454 = arith.addi %gather3A_453, %unique3A_452 : vector<16xi32>
      %sub3A_455 = arith.constant 1 : i32
      %sub3A_456 = vector.broadcast %sub3A_455 : i32 to vector<16xi32>
      %sub3A_457 = arith.subi %add3A_454, %sub3A_456 : vector<16xi32>
      %lt3A_458 = arith.constant 288 : i32
      %lt3A_459 = vector.broadcast %lt3A_458 : i32 to vector<16xi32>
      %lt3A_460 = arith.cmpi slt, %shift_right_logical3A_445, %lt3A_459 : vector<16xi32>
      %lt3A_461 = arith.constant 64 : i32
      %lt3A_462 = vector.broadcast %lt3A_461 : i32 to vector<16xi32>
      %lt3A_463 = arith.cmpi slt, %sub3A_457, %lt3A_462 : vector<16xi32>
      %and3A_464 = arith.andi %lt3A_460, %lt3A_463 : vector<16xi1>
      %mul3A_465 = arith.constant 128 : i32
      %mul3A_466 = vector.broadcast %mul3A_465 : i32 to vector<16xi32>
      %mul3A_467 = arith.muli %shift_right_logical3A_445, %mul3A_466 : vector<16xi32>
      %add3A_468 = arith.addi %mul3A_467, %sub3A_457 : vector<16xi32>
      %jit3A_469 = arith.constant 0 : i32
      %broadcast_in_dim3A_470 = vector.broadcast %jit3A_469 : i32 to vector<16xi32>
      %select_n3A_471 = arith.select %and3A_464, %add3A_468, %broadcast_in_dim3A_470 : vector<16xi1>, vector<16xi32>
      tpu.vector_store_idx %arg4[%select_n3A_471], %and3A_448 masked %and3A_464 : memref<36864xi32, #tpu.memory_space<vmem>>[vector<16xi32>], vector<16xi32>, vector<16xi1>
      %add3A_472 = arith.constant 64 : i32
      %add3A_473 = vector.broadcast %add3A_472 : i32 to vector<16xi32>
      %add3A_474 = arith.addi %select_n3A_471, %add3A_473 : vector<16xi32>
      tpu.vector_store_idx %arg4[%add3A_474], %get3A_442 masked %and3A_464 : memref<36864xi32, #tpu.memory_space<vmem>>[vector<16xi32>], vector<16xi32>, vector<16xi1>
      tpu.vector_store_idx %arg5[%shift_right_logical3A_445], %broadcast_in_dim3A_3 masked %and3A_464 {add = true} : memref<304xi32, #tpu.memory_space<vmem>>[vector<16xi32>], vector<16xi32>, vector<16xi1>
      %scan3A_475 = arith.constant 3 : i32
      %scan3A_476 = arith.addi %scan3A_353, %scan3A_475 : i32
      %mul3A_477 = arith.constant 16 : i32
      %mul3A_478 = arith.muli %scan3A_476, %mul3A_477 : i32
      %get3A_479 = arith.index_cast %mul3A_478 : i32 to index
      %get3A_480 = tpu.vector_load %arg6[%get3A_479] {strides = array<i32>} : memref<16384xi32, #tpu.memory_space<vmem>>, vector<16xi32>,
      %mul3A_481 = arith.constant 16 : i32
      %mul3A_482 = arith.muli %scan3A_476, %mul3A_481 : i32
      %add3A_483 = arith.constant 8192 : i32
      %add3A_484 = arith.addi %add3A_483, %mul3A_482 : i32
      %get3A_485 = arith.index_cast %add3A_484 : i32 to index
      %get3A_486 = tpu.vector_load %arg6[%get3A_485] {strides = array<i32>} : memref<16384xi32, #tpu.memory_space<vmem>>, vector<16xi32>,
      %shift_right_logical3A_487 = arith.constant 16 : i32
      %shift_right_logical3A_488 = vector.broadcast %shift_right_logical3A_487 : i32 to vector<16xi32>
      %shift_right_logical3A_489 = arith.shrui %get3A_480, %shift_right_logical3A_488 : vector<16xi32>
      %and3A_490 = arith.constant 65535 : i32
      %and3A_491 = vector.broadcast %and3A_490 : i32 to vector<16xi32>
      %and3A_492 = arith.andi %get3A_480, %and3A_491 : vector<16xi32>
      %broadcast_in_dim3A_493 = arith.constant true
      %broadcast_in_dim3A_494 = vector.broadcast %broadcast_in_dim3A_493 : i1 to vector<16xi1>
      %unique3A_495, %unique3A_496 = tpu.scan_count mask(%broadcast_in_dim3A_494 : vector<16xi1>) value(%shift_right_logical3A_489 : vector<16xi32>) : vector<16xi1>, vector<16xi32>
      %gather3A_497 = tpu.vector_load_idx %arg5[%shift_right_logical3A_489] : memref<304xi32, #tpu.memory_space<vmem>>[vector<16xi32>], vector<16xi32>,
      %add3A_498 = arith.addi %gather3A_497, %unique3A_496 : vector<16xi32>
      %sub3A_499 = arith.constant 1 : i32
      %sub3A_500 = vector.broadcast %sub3A_499 : i32 to vector<16xi32>
      %sub3A_501 = arith.subi %add3A_498, %sub3A_500 : vector<16xi32>
      %lt3A_502 = arith.constant 288 : i32
      %lt3A_503 = vector.broadcast %lt3A_502 : i32 to vector<16xi32>
      %lt3A_504 = arith.cmpi slt, %shift_right_logical3A_489, %lt3A_503 : vector<16xi32>
      %lt3A_505 = arith.constant 64 : i32
      %lt3A_506 = vector.broadcast %lt3A_505 : i32 to vector<16xi32>
      %lt3A_507 = arith.cmpi slt, %sub3A_501, %lt3A_506 : vector<16xi32>
      %and3A_508 = arith.andi %lt3A_504, %lt3A_507 : vector<16xi1>
      %mul3A_509 = arith.constant 128 : i32
      %mul3A_510 = vector.broadcast %mul3A_509 : i32 to vector<16xi32>
      %mul3A_511 = arith.muli %shift_right_logical3A_489, %mul3A_510 : vector<16xi32>
      %add3A_512 = arith.addi %mul3A_511, %sub3A_501 : vector<16xi32>
      %jit3A_513 = arith.constant 0 : i32
      %broadcast_in_dim3A_514 = vector.broadcast %jit3A_513 : i32 to vector<16xi32>
      %select_n3A_515 = arith.select %and3A_508, %add3A_512, %broadcast_in_dim3A_514 : vector<16xi1>, vector<16xi32>
      tpu.vector_store_idx %arg4[%select_n3A_515], %and3A_492 masked %and3A_508 : memref<36864xi32, #tpu.memory_space<vmem>>[vector<16xi32>], vector<16xi32>, vector<16xi1>
      %add3A_516 = arith.constant 64 : i32
      %add3A_517 = vector.broadcast %add3A_516 : i32 to vector<16xi32>
      %add3A_518 = arith.addi %select_n3A_515, %add3A_517 : vector<16xi32>
      tpu.vector_store_idx %arg4[%add3A_518], %get3A_486 masked %and3A_508 : memref<36864xi32, #tpu.memory_space<vmem>>[vector<16xi32>], vector<16xi32>, vector<16xi1>
      tpu.vector_store_idx %arg5[%shift_right_logical3A_489], %broadcast_in_dim3A_3 masked %and3A_508 {add = true} : memref<304xi32, #tpu.memory_space<vmem>>[vector<16xi32>], vector<16xi32>, vector<16xi1>
    }
    %scan3A_42 = arith.constant 512 : i32
    %mul3A_43 = arith.constant 8 : i32
    %mul3A_44 = arith.muli %add3A, %mul3A_43 : i32
    %add3A_45 = arith.constant 2 : i32
    %add3A_46 = arith.addi %mul3A_44, %add3A_45 : i32
    %mul3A_47 = arith.constant 2 : i32
    %mul3A_48 = arith.muli %add3A_46, %mul3A_47 : i32
    %mul3A_49 = arith.constant 8192 : i32
    %mul3A_50 = arith.muli %mul3A_48, %mul3A_49 : i32
    %dma_start3A_51 = tpu.memref_slice %arg2[%mul3A_50] : memref<4194304xi32, #tpu.memory_space<hbm>> -> memref<16384xi32, #tpu.memory_space<hbm>>
    %dma_start3A_52 = tpu.memref_slice %arg2[%mul3A_50] : memref<4194304xi32, #tpu.memory_space<hbm>> -> memref<16384xi32, #tpu.memory_space<hbm>>
    tpu.enqueue_dma source(%dma_start3A_52 : memref<16384xi32, #tpu.memory_space<hbm>>) target(%arg6 : memref<16384xi32, #tpu.memory_space<vmem>>) target_semaphore(%arg8 : memref<!tpu.dma_semaphore, #tpu.memory_space<semaphore_mem>>)
    %scan3A_53 = arith.constant 0 : i32
    %scan3A_54 = arith.constant 0 : i32
    %scan3A_55 = arith.constant 288 : i32
    %scan3A_56 = arith.addi %scan3A_54, %scan3A_55 : i32
    %scan3A_57 = arith.constant 1 : i32
    scf.for %scan3A_353 = %scan3A_54 to %scan3A_56 step %scan3A_57  : i32 {
      %mul3A_354 = arith.constant 32 : i32
      %mul3A_355 = arith.muli %scan3A_353, %mul3A_354 : i32
      %add3A_356 = arith.addi %mul3A_355, %add3A : i32
      %mul3A_357 = arith.constant 8 : i32
      %mul3A_358 = arith.muli %add3A_356, %mul3A_357 : i32
      %add3A_359 = arith.constant 0 : i32
      %add3A_360 = arith.addi %mul3A_358, %add3A_359 : i32
      %mul3A_361 = arith.constant 128 : i32
      %mul3A_362 = arith.muli %add3A_360, %mul3A_361 : i32
      %mul3A_363 = arith.constant 128 : i32
      %mul3A_364 = arith.muli %scan3A_353, %mul3A_363 : i32
      %dma_start3A_365 = tpu.memref_slice %arg4[%mul3A_364] : memref<36864xi32, #tpu.memory_space<vmem>> -> memref<128xi32, #tpu.memory_space<vmem>>
      %dma_start3A_366 = tpu.memref_slice %arg3[%mul3A_362] : memref<9437184xi32, #tpu.memory_space<hbm>> -> memref<128xi32, #tpu.memory_space<hbm>>
      %dma_start3A_367 = tpu.memref_slice %arg3[%mul3A_362] : memref<9437184xi32, #tpu.memory_space<hbm>> -> memref<128xi32, #tpu.memory_space<hbm>>
      %dma_start3A_368 = tpu.memref_slice %arg4[%mul3A_364] : memref<36864xi32, #tpu.memory_space<vmem>> -> memref<128xi32, #tpu.memory_space<vmem>>
      tpu.enqueue_dma source(%dma_start3A_368 : memref<128xi32, #tpu.memory_space<vmem>>) target(%dma_start3A_367 : memref<128xi32, #tpu.memory_space<hbm>>) target_semaphore(%arg10 : memref<!tpu.dma_semaphore, #tpu.memory_space<semaphore_mem>>)
    }
    %scan3A_58 = arith.constant 288 : i32
    %scan3A_59 = arith.constant 0 : i32
    %scan3A_60 = arith.constant 0 : i32
    %scan3A_61 = arith.constant 288 : i32
    %scan3A_62 = arith.addi %scan3A_60, %scan3A_61 : i32
    %scan3A_63 = arith.constant 1 : i32
    scf.for %scan3A_353 = %scan3A_60 to %scan3A_62 step %scan3A_63  : i32 {
      %dma_wait3A_354 = arith.constant 0 : i32
      %dma_wait3A_355 = tpu.memref_slice %arg4[%dma_wait3A_354] : memref<36864xi32, #tpu.memory_space<vmem>> -> memref<128xi32, #tpu.memory_space<vmem>>
      %dma_wait3A_356 = arith.constant 0 : i32
      %dma_wait3A_357 = tpu.memref_slice %arg3[%dma_wait3A_356] : memref<9437184xi32, #tpu.memory_space<hbm>> -> memref<128xi32, #tpu.memory_space<hbm>>
      %dma_wait3A_358 = arith.constant 0 : i32
      %dma_wait3A_359 = tpu.memref_slice %arg3[%dma_wait3A_358] : memref<9437184xi32, #tpu.memory_space<hbm>> -> memref<128xi32, #tpu.memory_space<hbm>>
      %dma_wait3A_360 = arith.constant 0 : i32
      %dma_wait3A_361 = tpu.memref_slice %arg4[%dma_wait3A_360] : memref<36864xi32, #tpu.memory_space<vmem>> -> memref<128xi32, #tpu.memory_space<vmem>>
      tpu.wait_dma2 semaphore(%arg10 : memref<!tpu.dma_semaphore, #tpu.memory_space<semaphore_mem>>) src(%dma_wait3A_361 : memref<128xi32, #tpu.memory_space<vmem>>) dst(%dma_wait3A_359 : memref<128xi32, #tpu.memory_space<hbm>>)
    }
    %scan3A_64 = arith.constant 288 : i32
    %scan3A_65 = arith.constant 0 : i32
    %scan3A_66 = arith.constant 0 : i32
    %scan3A_67 = arith.constant 288 : i32
    %scan3A_68 = arith.addi %scan3A_66, %scan3A_67 : i32
    %scan3A_69 = arith.constant 1 : i32
    scf.for %scan3A_353 = %scan3A_66 to %scan3A_68 step %scan3A_69  : i32 {
      %mul3A_354 = arith.constant 128 : i32
      %mul3A_355 = arith.muli %scan3A_353, %mul3A_354 : i32
      %add3A_356 = arith.constant 64 : i32
      %add3A_357 = arith.addi %mul3A_355, %add3A_356 : i32
      %add3A_358 = arith.constant 0 : i32
      %add3A_359 = arith.addi %add3A_357, %add3A_358 : i32
      %swap3A = arith.index_cast %add3A_359 : i32 to index
      %swap3A_360 = tpu.vector_load %arg4[%swap3A] {strides = array<i32>} : memref<36864xi32, #tpu.memory_space<vmem>>, vector<16xi32>,
      tpu.vector_store %arg4[%swap3A], %broadcast_in_dim3A_1 {strides = array<i32>} : memref<36864xi32, #tpu.memory_space<vmem>>, vector<16xi32>,
      %mul3A_361 = arith.constant 128 : i32
      %mul3A_362 = arith.muli %scan3A_353, %mul3A_361 : i32
      %add3A_363 = arith.constant 64 : i32
      %add3A_364 = arith.addi %mul3A_362, %add3A_363 : i32
      %add3A_365 = arith.constant 16 : i32
      %add3A_366 = arith.addi %add3A_364, %add3A_365 : i32
      %swap3A_367 = arith.index_cast %add3A_366 : i32 to index
      %swap3A_368 = tpu.vector_load %arg4[%swap3A_367] {strides = array<i32>} : memref<36864xi32, #tpu.memory_space<vmem>>, vector<16xi32>,
      tpu.vector_store %arg4[%swap3A_367], %broadcast_in_dim3A_1 {strides = array<i32>} : memref<36864xi32, #tpu.memory_space<vmem>>, vector<16xi32>,
      %mul3A_369 = arith.constant 128 : i32
      %mul3A_370 = arith.muli %scan3A_353, %mul3A_369 : i32
      %add3A_371 = arith.constant 64 : i32
      %add3A_372 = arith.addi %mul3A_370, %add3A_371 : i32
      %add3A_373 = arith.constant 32 : i32
      %add3A_374 = arith.addi %add3A_372, %add3A_373 : i32
      %swap3A_375 = arith.index_cast %add3A_374 : i32 to index
      %swap3A_376 = tpu.vector_load %arg4[%swap3A_375] {strides = array<i32>} : memref<36864xi32, #tpu.memory_space<vmem>>, vector<16xi32>,
      tpu.vector_store %arg4[%swap3A_375], %broadcast_in_dim3A_1 {strides = array<i32>} : memref<36864xi32, #tpu.memory_space<vmem>>, vector<16xi32>,
      %mul3A_377 = arith.constant 128 : i32
      %mul3A_378 = arith.muli %scan3A_353, %mul3A_377 : i32
      %add3A_379 = arith.constant 64 : i32
      %add3A_380 = arith.addi %mul3A_378, %add3A_379 : i32
      %add3A_381 = arith.constant 48 : i32
      %add3A_382 = arith.addi %add3A_380, %add3A_381 : i32
      %swap3A_383 = arith.index_cast %add3A_382 : i32 to index
      %swap3A_384 = tpu.vector_load %arg4[%swap3A_383] {strides = array<i32>} : memref<36864xi32, #tpu.memory_space<vmem>>, vector<16xi32>,
      tpu.vector_store %arg4[%swap3A_383], %broadcast_in_dim3A_1 {strides = array<i32>} : memref<36864xi32, #tpu.memory_space<vmem>>, vector<16xi32>,
    }
    %scan3A_70 = arith.constant 288 : i32
    %scan3A_71 = arith.constant 0 : i32
    %scan3A_72 = arith.constant 0 : i32
    %scan3A_73 = arith.constant 19 : i32
    %scan3A_74 = arith.addi %scan3A_72, %scan3A_73 : i32
    %scan3A_75 = arith.constant 1 : i32
    scf.for %scan3A_353 = %scan3A_72 to %scan3A_74 step %scan3A_75  : i32 {
      %mul3A_354 = arith.constant 16 : i32
      %mul3A_355 = arith.muli %scan3A_353, %mul3A_354 : i32
      %swap3A = arith.index_cast %mul3A_355 : i32 to index
      %swap3A_356 = tpu.vector_load %arg5[%swap3A] {strides = array<i32>} : memref<304xi32, #tpu.memory_space<vmem>>, vector<16xi32>,
      tpu.vector_store %arg5[%swap3A], %broadcast_in_dim3A_1 {strides = array<i32>} : memref<304xi32, #tpu.memory_space<vmem>>, vector<16xi32>,
    }
    %scan3A_76 = arith.constant 19 : i32
    %dma_wait3A_77 = arith.constant 0 : i32
    %dma_wait3A_78 = tpu.memref_slice %arg2[%dma_wait3A_77] : memref<4194304xi32, #tpu.memory_space<hbm>> -> memref<16384xi32, #tpu.memory_space<hbm>>
    %dma_wait3A_79 = arith.constant 0 : i32
    %dma_wait3A_80 = tpu.memref_slice %arg2[%dma_wait3A_79] : memref<4194304xi32, #tpu.memory_space<hbm>> -> memref<16384xi32, #tpu.memory_space<hbm>>
    tpu.wait_dma2 semaphore(%arg9 : memref<!tpu.dma_semaphore, #tpu.memory_space<semaphore_mem>>) src(%dma_wait3A_80 : memref<16384xi32, #tpu.memory_space<hbm>>) dst(%arg7 : memref<16384xi32, #tpu.memory_space<vmem>>)
    %scan3A_81 = arith.constant 0 : i32
    %scan3A_82 = arith.constant 0 : i32
    %scan3A_83 = arith.constant 512 : i32
    %scan3A_84 = arith.addi %scan3A_82, %scan3A_83 : i32
    %scan3A_85 = arith.constant 4 : i32
    scf.for %scan3A_353 = %scan3A_82 to %scan3A_84 step %scan3A_85  : i32 {
      %mul3A_354 = arith.constant 16 : i32
      %mul3A_355 = arith.muli %scan3A_353, %mul3A_354 : i32
      %get3A = arith.index_cast %mul3A_355 : i32 to index
      %get3A_356 = tpu.vector_load %arg7[%get3A] {strides = array<i32>} : memref<16384xi32, #tpu.memory_space<vmem>>, vector<16xi32>,
      %mul3A_357 = arith.constant 16 : i32
      %mul3A_358 = arith.muli %scan3A_353, %mul3A_357 : i32
      %add3A_359 = arith.constant 8192 : i32
      %add3A_360 = arith.addi %add3A_359, %mul3A_358 : i32
      %get3A_361 = arith.index_cast %add3A_360 : i32 to index
      %get3A_362 = tpu.vector_load %arg7[%get3A_361] {strides = array<i32>} : memref<16384xi32, #tpu.memory_space<vmem>>, vector<16xi32>,
      %shift_right_logical3A = arith.constant 16 : i32
      %shift_right_logical3A_363 = vector.broadcast %shift_right_logical3A : i32 to vector<16xi32>
      %shift_right_logical3A_364 = arith.shrui %get3A_356, %shift_right_logical3A_363 : vector<16xi32>
      %and3A = arith.constant 65535 : i32
      %and3A_365 = vector.broadcast %and3A : i32 to vector<16xi32>
      %and3A_366 = arith.andi %get3A_356, %and3A_365 : vector<16xi32>
      %broadcast_in_dim3A_367 = arith.constant true
      %broadcast_in_dim3A_368 = vector.broadcast %broadcast_in_dim3A_367 : i1 to vector<16xi1>
      %unique3A, %unique3A_369 = tpu.scan_count mask(%broadcast_in_dim3A_368 : vector<16xi1>) value(%shift_right_logical3A_364 : vector<16xi32>) : vector<16xi1>, vector<16xi32>
      %gather3A = tpu.vector_load_idx %arg5[%shift_right_logical3A_364] : memref<304xi32, #tpu.memory_space<vmem>>[vector<16xi32>], vector<16xi32>,
      %add3A_370 = arith.addi %gather3A, %unique3A_369 : vector<16xi32>
      %sub3A = arith.constant 1 : i32
      %sub3A_371 = vector.broadcast %sub3A : i32 to vector<16xi32>
      %sub3A_372 = arith.subi %add3A_370, %sub3A_371 : vector<16xi32>
      %lt3A = arith.constant 288 : i32
      %lt3A_373 = vector.broadcast %lt3A : i32 to vector<16xi32>
      %lt3A_374 = arith.cmpi slt, %shift_right_logical3A_364, %lt3A_373 : vector<16xi32>
      %lt3A_375 = arith.constant 64 : i32
      %lt3A_376 = vector.broadcast %lt3A_375 : i32 to vector<16xi32>
      %lt3A_377 = arith.cmpi slt, %sub3A_372, %lt3A_376 : vector<16xi32>
      %and3A_378 = arith.andi %lt3A_374, %lt3A_377 : vector<16xi1>
      %mul3A_379 = arith.constant 128 : i32
      %mul3A_380 = vector.broadcast %mul3A_379 : i32 to vector<16xi32>
      %mul3A_381 = arith.muli %shift_right_logical3A_364, %mul3A_380 : vector<16xi32>
      %add3A_382 = arith.addi %mul3A_381, %sub3A_372 : vector<16xi32>
      %jit3A = arith.constant 0 : i32
      %broadcast_in_dim3A_383 = vector.broadcast %jit3A : i32 to vector<16xi32>
      %select_n3A = arith.select %and3A_378, %add3A_382, %broadcast_in_dim3A_383 : vector<16xi1>, vector<16xi32>
      tpu.vector_store_idx %arg4[%select_n3A], %and3A_366 masked %and3A_378 : memref<36864xi32, #tpu.memory_space<vmem>>[vector<16xi32>], vector<16xi32>, vector<16xi1>
      %add3A_384 = arith.constant 64 : i32
      %add3A_385 = vector.broadcast %add3A_384 : i32 to vector<16xi32>
      %add3A_386 = arith.addi %select_n3A, %add3A_385 : vector<16xi32>
      tpu.vector_store_idx %arg4[%add3A_386], %get3A_362 masked %and3A_378 : memref<36864xi32, #tpu.memory_space<vmem>>[vector<16xi32>], vector<16xi32>, vector<16xi1>
      tpu.vector_store_idx %arg5[%shift_right_logical3A_364], %broadcast_in_dim3A_3 masked %and3A_378 {add = true} : memref<304xi32, #tpu.memory_space<vmem>>[vector<16xi32>], vector<16xi32>, vector<16xi1>
      %scan3A_387 = arith.constant 1 : i32
      %scan3A_388 = arith.addi %scan3A_353, %scan3A_387 : i32
      %mul3A_389 = arith.constant 16 : i32
      %mul3A_390 = arith.muli %scan3A_388, %mul3A_389 : i32
      %get3A_391 = arith.index_cast %mul3A_390 : i32 to index
      %get3A_392 = tpu.vector_load %arg7[%get3A_391] {strides = array<i32>} : memref<16384xi32, #tpu.memory_space<vmem>>, vector<16xi32>,
      %mul3A_393 = arith.constant 16 : i32
      %mul3A_394 = arith.muli %scan3A_388, %mul3A_393 : i32
      %add3A_395 = arith.constant 8192 : i32
      %add3A_396 = arith.addi %add3A_395, %mul3A_394 : i32
      %get3A_397 = arith.index_cast %add3A_396 : i32 to index
      %get3A_398 = tpu.vector_load %arg7[%get3A_397] {strides = array<i32>} : memref<16384xi32, #tpu.memory_space<vmem>>, vector<16xi32>,
      %shift_right_logical3A_399 = arith.constant 16 : i32
      %shift_right_logical3A_400 = vector.broadcast %shift_right_logical3A_399 : i32 to vector<16xi32>
      %shift_right_logical3A_401 = arith.shrui %get3A_392, %shift_right_logical3A_400 : vector<16xi32>
      %and3A_402 = arith.constant 65535 : i32
      %and3A_403 = vector.broadcast %and3A_402 : i32 to vector<16xi32>
      %and3A_404 = arith.andi %get3A_392, %and3A_403 : vector<16xi32>
      %broadcast_in_dim3A_405 = arith.constant true
      %broadcast_in_dim3A_406 = vector.broadcast %broadcast_in_dim3A_405 : i1 to vector<16xi1>
      %unique3A_407, %unique3A_408 = tpu.scan_count mask(%broadcast_in_dim3A_406 : vector<16xi1>) value(%shift_right_logical3A_401 : vector<16xi32>) : vector<16xi1>, vector<16xi32>
      %gather3A_409 = tpu.vector_load_idx %arg5[%shift_right_logical3A_401] : memref<304xi32, #tpu.memory_space<vmem>>[vector<16xi32>], vector<16xi32>,
      %add3A_410 = arith.addi %gather3A_409, %unique3A_408 : vector<16xi32>
      %sub3A_411 = arith.constant 1 : i32
      %sub3A_412 = vector.broadcast %sub3A_411 : i32 to vector<16xi32>
      %sub3A_413 = arith.subi %add3A_410, %sub3A_412 : vector<16xi32>
      %lt3A_414 = arith.constant 288 : i32
      %lt3A_415 = vector.broadcast %lt3A_414 : i32 to vector<16xi32>
      %lt3A_416 = arith.cmpi slt, %shift_right_logical3A_401, %lt3A_415 : vector<16xi32>
      %lt3A_417 = arith.constant 64 : i32
      %lt3A_418 = vector.broadcast %lt3A_417 : i32 to vector<16xi32>
      %lt3A_419 = arith.cmpi slt, %sub3A_413, %lt3A_418 : vector<16xi32>
      %and3A_420 = arith.andi %lt3A_416, %lt3A_419 : vector<16xi1>
      %mul3A_421 = arith.constant 128 : i32
      %mul3A_422 = vector.broadcast %mul3A_421 : i32 to vector<16xi32>
      %mul3A_423 = arith.muli %shift_right_logical3A_401, %mul3A_422 : vector<16xi32>
      %add3A_424 = arith.addi %mul3A_423, %sub3A_413 : vector<16xi32>
      %jit3A_425 = arith.constant 0 : i32
      %broadcast_in_dim3A_426 = vector.broadcast %jit3A_425 : i32 to vector<16xi32>
      %select_n3A_427 = arith.select %and3A_420, %add3A_424, %broadcast_in_dim3A_426 : vector<16xi1>, vector<16xi32>
      tpu.vector_store_idx %arg4[%select_n3A_427], %and3A_404 masked %and3A_420 : memref<36864xi32, #tpu.memory_space<vmem>>[vector<16xi32>], vector<16xi32>, vector<16xi1>
      %add3A_428 = arith.constant 64 : i32
      %add3A_429 = vector.broadcast %add3A_428 : i32 to vector<16xi32>
      %add3A_430 = arith.addi %select_n3A_427, %add3A_429 : vector<16xi32>
      tpu.vector_store_idx %arg4[%add3A_430], %get3A_398 masked %and3A_420 : memref<36864xi32, #tpu.memory_space<vmem>>[vector<16xi32>], vector<16xi32>, vector<16xi1>
      tpu.vector_store_idx %arg5[%shift_right_logical3A_401], %broadcast_in_dim3A_3 masked %and3A_420 {add = true} : memref<304xi32, #tpu.memory_space<vmem>>[vector<16xi32>], vector<16xi32>, vector<16xi1>
      %scan3A_431 = arith.constant 2 : i32
      %scan3A_432 = arith.addi %scan3A_353, %scan3A_431 : i32
      %mul3A_433 = arith.constant 16 : i32
      %mul3A_434 = arith.muli %scan3A_432, %mul3A_433 : i32
      %get3A_435 = arith.index_cast %mul3A_434 : i32 to index
      %get3A_436 = tpu.vector_load %arg7[%get3A_435] {strides = array<i32>} : memref<16384xi32, #tpu.memory_space<vmem>>, vector<16xi32>,
      %mul3A_437 = arith.constant 16 : i32
      %mul3A_438 = arith.muli %scan3A_432, %mul3A_437 : i32
      %add3A_439 = arith.constant 8192 : i32
      %add3A_440 = arith.addi %add3A_439, %mul3A_438 : i32
      %get3A_441 = arith.index_cast %add3A_440 : i32 to index
      %get3A_442 = tpu.vector_load %arg7[%get3A_441] {strides = array<i32>} : memref<16384xi32, #tpu.memory_space<vmem>>, vector<16xi32>,
      %shift_right_logical3A_443 = arith.constant 16 : i32
      %shift_right_logical3A_444 = vector.broadcast %shift_right_logical3A_443 : i32 to vector<16xi32>
      %shift_right_logical3A_445 = arith.shrui %get3A_436, %shift_right_logical3A_444 : vector<16xi32>
      %and3A_446 = arith.constant 65535 : i32
      %and3A_447 = vector.broadcast %and3A_446 : i32 to vector<16xi32>
      %and3A_448 = arith.andi %get3A_436, %and3A_447 : vector<16xi32>
      %broadcast_in_dim3A_449 = arith.constant true
      %broadcast_in_dim3A_450 = vector.broadcast %broadcast_in_dim3A_449 : i1 to vector<16xi1>
      %unique3A_451, %unique3A_452 = tpu.scan_count mask(%broadcast_in_dim3A_450 : vector<16xi1>) value(%shift_right_logical3A_445 : vector<16xi32>) : vector<16xi1>, vector<16xi32>
      %gather3A_453 = tpu.vector_load_idx %arg5[%shift_right_logical3A_445] : memref<304xi32, #tpu.memory_space<vmem>>[vector<16xi32>], vector<16xi32>,
      %add3A_454 = arith.addi %gather3A_453, %unique3A_452 : vector<16xi32>
      %sub3A_455 = arith.constant 1 : i32
      %sub3A_456 = vector.broadcast %sub3A_455 : i32 to vector<16xi32>
      %sub3A_457 = arith.subi %add3A_454, %sub3A_456 : vector<16xi32>
      %lt3A_458 = arith.constant 288 : i32
      %lt3A_459 = vector.broadcast %lt3A_458 : i32 to vector<16xi32>
      %lt3A_460 = arith.cmpi slt, %shift_right_logical3A_445, %lt3A_459 : vector<16xi32>
      %lt3A_461 = arith.constant 64 : i32
      %lt3A_462 = vector.broadcast %lt3A_461 : i32 to vector<16xi32>
      %lt3A_463 = arith.cmpi slt, %sub3A_457, %lt3A_462 : vector<16xi32>
      %and3A_464 = arith.andi %lt3A_460, %lt3A_463 : vector<16xi1>
      %mul3A_465 = arith.constant 128 : i32
      %mul3A_466 = vector.broadcast %mul3A_465 : i32 to vector<16xi32>
      %mul3A_467 = arith.muli %shift_right_logical3A_445, %mul3A_466 : vector<16xi32>
      %add3A_468 = arith.addi %mul3A_467, %sub3A_457 : vector<16xi32>
      %jit3A_469 = arith.constant 0 : i32
      %broadcast_in_dim3A_470 = vector.broadcast %jit3A_469 : i32 to vector<16xi32>
      %select_n3A_471 = arith.select %and3A_464, %add3A_468, %broadcast_in_dim3A_470 : vector<16xi1>, vector<16xi32>
      tpu.vector_store_idx %arg4[%select_n3A_471], %and3A_448 masked %and3A_464 : memref<36864xi32, #tpu.memory_space<vmem>>[vector<16xi32>], vector<16xi32>, vector<16xi1>
      %add3A_472 = arith.constant 64 : i32
      %add3A_473 = vector.broadcast %add3A_472 : i32 to vector<16xi32>
      %add3A_474 = arith.addi %select_n3A_471, %add3A_473 : vector<16xi32>
      tpu.vector_store_idx %arg4[%add3A_474], %get3A_442 masked %and3A_464 : memref<36864xi32, #tpu.memory_space<vmem>>[vector<16xi32>], vector<16xi32>, vector<16xi1>
      tpu.vector_store_idx %arg5[%shift_right_logical3A_445], %broadcast_in_dim3A_3 masked %and3A_464 {add = true} : memref<304xi32, #tpu.memory_space<vmem>>[vector<16xi32>], vector<16xi32>, vector<16xi1>
      %scan3A_475 = arith.constant 3 : i32
      %scan3A_476 = arith.addi %scan3A_353, %scan3A_475 : i32
      %mul3A_477 = arith.constant 16 : i32
      %mul3A_478 = arith.muli %scan3A_476, %mul3A_477 : i32
      %get3A_479 = arith.index_cast %mul3A_478 : i32 to index
      %get3A_480 = tpu.vector_load %arg7[%get3A_479] {strides = array<i32>} : memref<16384xi32, #tpu.memory_space<vmem>>, vector<16xi32>,
      %mul3A_481 = arith.constant 16 : i32
      %mul3A_482 = arith.muli %scan3A_476, %mul3A_481 : i32
      %add3A_483 = arith.constant 8192 : i32
      %add3A_484 = arith.addi %add3A_483, %mul3A_482 : i32
      %get3A_485 = arith.index_cast %add3A_484 : i32 to index
      %get3A_486 = tpu.vector_load %arg7[%get3A_485] {strides = array<i32>} : memref<16384xi32, #tpu.memory_space<vmem>>, vector<16xi32>,
      %shift_right_logical3A_487 = arith.constant 16 : i32
      %shift_right_logical3A_488 = vector.broadcast %shift_right_logical3A_487 : i32 to vector<16xi32>
      %shift_right_logical3A_489 = arith.shrui %get3A_480, %shift_right_logical3A_488 : vector<16xi32>
      %and3A_490 = arith.constant 65535 : i32
      %and3A_491 = vector.broadcast %and3A_490 : i32 to vector<16xi32>
      %and3A_492 = arith.andi %get3A_480, %and3A_491 : vector<16xi32>
      %broadcast_in_dim3A_493 = arith.constant true
      %broadcast_in_dim3A_494 = vector.broadcast %broadcast_in_dim3A_493 : i1 to vector<16xi1>
      %unique3A_495, %unique3A_496 = tpu.scan_count mask(%broadcast_in_dim3A_494 : vector<16xi1>) value(%shift_right_logical3A_489 : vector<16xi32>) : vector<16xi1>, vector<16xi32>
      %gather3A_497 = tpu.vector_load_idx %arg5[%shift_right_logical3A_489] : memref<304xi32, #tpu.memory_space<vmem>>[vector<16xi32>], vector<16xi32>,
      %add3A_498 = arith.addi %gather3A_497, %unique3A_496 : vector<16xi32>
      %sub3A_499 = arith.constant 1 : i32
      %sub3A_500 = vector.broadcast %sub3A_499 : i32 to vector<16xi32>
      %sub3A_501 = arith.subi %add3A_498, %sub3A_500 : vector<16xi32>
      %lt3A_502 = arith.constant 288 : i32
      %lt3A_503 = vector.broadcast %lt3A_502 : i32 to vector<16xi32>
      %lt3A_504 = arith.cmpi slt, %shift_right_logical3A_489, %lt3A_503 : vector<16xi32>
      %lt3A_505 = arith.constant 64 : i32
      %lt3A_506 = vector.broadcast %lt3A_505 : i32 to vector<16xi32>
      %lt3A_507 = arith.cmpi slt, %sub3A_501, %lt3A_506 : vector<16xi32>
      %and3A_508 = arith.andi %lt3A_504, %lt3A_507 : vector<16xi1>
      %mul3A_509 = arith.constant 128 : i32
      %mul3A_510 = vector.broadcast %mul3A_509 : i32 to vector<16xi32>
      %mul3A_511 = arith.muli %shift_right_logical3A_489, %mul3A_510 : vector<16xi32>
      %add3A_512 = arith.addi %mul3A_511, %sub3A_501 : vector<16xi32>
      %jit3A_513 = arith.constant 0 : i32
      %broadcast_in_dim3A_514 = vector.broadcast %jit3A_513 : i32 to vector<16xi32>
      %select_n3A_515 = arith.select %and3A_508, %add3A_512, %broadcast_in_dim3A_514 : vector<16xi1>, vector<16xi32>
      tpu.vector_store_idx %arg4[%select_n3A_515], %and3A_492 masked %and3A_508 : memref<36864xi32, #tpu.memory_space<vmem>>[vector<16xi32>], vector<16xi32>, vector<16xi1>
      %add3A_516 = arith.constant 64 : i32
      %add3A_517 = vector.broadcast %add3A_516 : i32 to vector<16xi32>
      %add3A_518 = arith.addi %select_n3A_515, %add3A_517 : vector<16xi32>
      tpu.vector_store_idx %arg4[%add3A_518], %get3A_486 masked %and3A_508 : memref<36864xi32, #tpu.memory_space<vmem>>[vector<16xi32>], vector<16xi32>, vector<16xi1>
      tpu.vector_store_idx %arg5[%shift_right_logical3A_489], %broadcast_in_dim3A_3 masked %and3A_508 {add = true} : memref<304xi32, #tpu.memory_space<vmem>>[vector<16xi32>], vector<16xi32>, vector<16xi1>
    }
    %scan3A_86 = arith.constant 512 : i32
    %mul3A_87 = arith.constant 8 : i32
    %mul3A_88 = arith.muli %add3A, %mul3A_87 : i32
    %add3A_89 = arith.constant 3 : i32
    %add3A_90 = arith.addi %mul3A_88, %add3A_89 : i32
    %mul3A_91 = arith.constant 2 : i32
    %mul3A_92 = arith.muli %add3A_90, %mul3A_91 : i32
    %mul3A_93 = arith.constant 8192 : i32
    %mul3A_94 = arith.muli %mul3A_92, %mul3A_93 : i32
    %dma_start3A_95 = tpu.memref_slice %arg2[%mul3A_94] : memref<4194304xi32, #tpu.memory_space<hbm>> -> memref<16384xi32, #tpu.memory_space<hbm>>
    %dma_start3A_96 = tpu.memref_slice %arg2[%mul3A_94] : memref<4194304xi32, #tpu.memory_space<hbm>> -> memref<16384xi32, #tpu.memory_space<hbm>>
    tpu.enqueue_dma source(%dma_start3A_96 : memref<16384xi32, #tpu.memory_space<hbm>>) target(%arg7 : memref<16384xi32, #tpu.memory_space<vmem>>) target_semaphore(%arg9 : memref<!tpu.dma_semaphore, #tpu.memory_space<semaphore_mem>>)
    %scan3A_97 = arith.constant 0 : i32
    %scan3A_98 = arith.constant 0 : i32
    %scan3A_99 = arith.constant 288 : i32
    %scan3A_100 = arith.addi %scan3A_98, %scan3A_99 : i32
    %scan3A_101 = arith.constant 1 : i32
    scf.for %scan3A_353 = %scan3A_98 to %scan3A_100 step %scan3A_101  : i32 {
      %mul3A_354 = arith.constant 32 : i32
      %mul3A_355 = arith.muli %scan3A_353, %mul3A_354 : i32
      %add3A_356 = arith.addi %mul3A_355, %add3A : i32
      %mul3A_357 = arith.constant 8 : i32
      %mul3A_358 = arith.muli %add3A_356, %mul3A_357 : i32
      %add3A_359 = arith.constant 1 : i32
      %add3A_360 = arith.addi %mul3A_358, %add3A_359 : i32
      %mul3A_361 = arith.constant 128 : i32
      %mul3A_362 = arith.muli %add3A_360, %mul3A_361 : i32
      %mul3A_363 = arith.constant 128 : i32
      %mul3A_364 = arith.muli %scan3A_353, %mul3A_363 : i32
      %dma_start3A_365 = tpu.memref_slice %arg4[%mul3A_364] : memref<36864xi32, #tpu.memory_space<vmem>> -> memref<128xi32, #tpu.memory_space<vmem>>
      %dma_start3A_366 = tpu.memref_slice %arg3[%mul3A_362] : memref<9437184xi32, #tpu.memory_space<hbm>> -> memref<128xi32, #tpu.memory_space<hbm>>
      %dma_start3A_367 = tpu.memref_slice %arg3[%mul3A_362] : memref<9437184xi32, #tpu.memory_space<hbm>> -> memref<128xi32, #tpu.memory_space<hbm>>
      %dma_start3A_368 = tpu.memref_slice %arg4[%mul3A_364] : memref<36864xi32, #tpu.memory_space<vmem>> -> memref<128xi32, #tpu.memory_space<vmem>>
      tpu.enqueue_dma source(%dma_start3A_368 : memref<128xi32, #tpu.memory_space<vmem>>) target(%dma_start3A_367 : memref<128xi32, #tpu.memory_space<hbm>>) target_semaphore(%arg10 : memref<!tpu.dma_semaphore, #tpu.memory_space<semaphore_mem>>)
    }
    %scan3A_102 = arith.constant 288 : i32
    %scan3A_103 = arith.constant 0 : i32
    %scan3A_104 = arith.constant 0 : i32
    %scan3A_105 = arith.constant 288 : i32
    %scan3A_106 = arith.addi %scan3A_104, %scan3A_105 : i32
    %scan3A_107 = arith.constant 1 : i32
    scf.for %scan3A_353 = %scan3A_104 to %scan3A_106 step %scan3A_107  : i32 {
      %dma_wait3A_354 = arith.constant 0 : i32
      %dma_wait3A_355 = tpu.memref_slice %arg4[%dma_wait3A_354] : memref<36864xi32, #tpu.memory_space<vmem>> -> memref<128xi32, #tpu.memory_space<vmem>>
      %dma_wait3A_356 = arith.constant 0 : i32
      %dma_wait3A_357 = tpu.memref_slice %arg3[%dma_wait3A_356] : memref<9437184xi32, #tpu.memory_space<hbm>> -> memref<128xi32, #tpu.memory_space<hbm>>
      %dma_wait3A_358 = arith.constant 0 : i32
      %dma_wait3A_359 = tpu.memref_slice %arg3[%dma_wait3A_358] : memref<9437184xi32, #tpu.memory_space<hbm>> -> memref<128xi32, #tpu.memory_space<hbm>>
      %dma_wait3A_360 = arith.constant 0 : i32
      %dma_wait3A_361 = tpu.memref_slice %arg4[%dma_wait3A_360] : memref<36864xi32, #tpu.memory_space<vmem>> -> memref<128xi32, #tpu.memory_space<vmem>>
      tpu.wait_dma2 semaphore(%arg10 : memref<!tpu.dma_semaphore, #tpu.memory_space<semaphore_mem>>) src(%dma_wait3A_361 : memref<128xi32, #tpu.memory_space<vmem>>) dst(%dma_wait3A_359 : memref<128xi32, #tpu.memory_space<hbm>>)
    }
    %scan3A_108 = arith.constant 288 : i32
    %scan3A_109 = arith.constant 0 : i32
    %scan3A_110 = arith.constant 0 : i32
    %scan3A_111 = arith.constant 288 : i32
    %scan3A_112 = arith.addi %scan3A_110, %scan3A_111 : i32
    %scan3A_113 = arith.constant 1 : i32
    scf.for %scan3A_353 = %scan3A_110 to %scan3A_112 step %scan3A_113  : i32 {
      %mul3A_354 = arith.constant 128 : i32
      %mul3A_355 = arith.muli %scan3A_353, %mul3A_354 : i32
      %add3A_356 = arith.constant 64 : i32
      %add3A_357 = arith.addi %mul3A_355, %add3A_356 : i32
      %add3A_358 = arith.constant 0 : i32
      %add3A_359 = arith.addi %add3A_357, %add3A_358 : i32
      %swap3A = arith.index_cast %add3A_359 : i32 to index
      %swap3A_360 = tpu.vector_load %arg4[%swap3A] {strides = array<i32>} : memref<36864xi32, #tpu.memory_space<vmem>>, vector<16xi32>,
      tpu.vector_store %arg4[%swap3A], %broadcast_in_dim3A_1 {strides = array<i32>} : memref<36864xi32, #tpu.memory_space<vmem>>, vector<16xi32>,
      %mul3A_361 = arith.constant 128 : i32
      %mul3A_362 = arith.muli %scan3A_353, %mul3A_361 : i32
      %add3A_363 = arith.constant 64 : i32
      %add3A_364 = arith.addi %mul3A_362, %add3A_363 : i32
      %add3A_365 = arith.constant 16 : i32
      %add3A_366 = arith.addi %add3A_364, %add3A_365 : i32
      %swap3A_367 = arith.index_cast %add3A_366 : i32 to index
      %swap3A_368 = tpu.vector_load %arg4[%swap3A_367] {strides = array<i32>} : memref<36864xi32, #tpu.memory_space<vmem>>, vector<16xi32>,
      tpu.vector_store %arg4[%swap3A_367], %broadcast_in_dim3A_1 {strides = array<i32>} : memref<36864xi32, #tpu.memory_space<vmem>>, vector<16xi32>,
      %mul3A_369 = arith.constant 128 : i32
      %mul3A_370 = arith.muli %scan3A_353, %mul3A_369 : i32
      %add3A_371 = arith.constant 64 : i32
      %add3A_372 = arith.addi %mul3A_370, %add3A_371 : i32
      %add3A_373 = arith.constant 32 : i32
      %add3A_374 = arith.addi %add3A_372, %add3A_373 : i32
      %swap3A_375 = arith.index_cast %add3A_374 : i32 to index
      %swap3A_376 = tpu.vector_load %arg4[%swap3A_375] {strides = array<i32>} : memref<36864xi32, #tpu.memory_space<vmem>>, vector<16xi32>,
      tpu.vector_store %arg4[%swap3A_375], %broadcast_in_dim3A_1 {strides = array<i32>} : memref<36864xi32, #tpu.memory_space<vmem>>, vector<16xi32>,
      %mul3A_377 = arith.constant 128 : i32
      %mul3A_378 = arith.muli %scan3A_353, %mul3A_377 : i32
      %add3A_379 = arith.constant 64 : i32
      %add3A_380 = arith.addi %mul3A_378, %add3A_379 : i32
      %add3A_381 = arith.constant 48 : i32
      %add3A_382 = arith.addi %add3A_380, %add3A_381 : i32
      %swap3A_383 = arith.index_cast %add3A_382 : i32 to index
      %swap3A_384 = tpu.vector_load %arg4[%swap3A_383] {strides = array<i32>} : memref<36864xi32, #tpu.memory_space<vmem>>, vector<16xi32>,
      tpu.vector_store %arg4[%swap3A_383], %broadcast_in_dim3A_1 {strides = array<i32>} : memref<36864xi32, #tpu.memory_space<vmem>>, vector<16xi32>,
    }
    %scan3A_114 = arith.constant 288 : i32
    %scan3A_115 = arith.constant 0 : i32
    %scan3A_116 = arith.constant 0 : i32
    %scan3A_117 = arith.constant 19 : i32
    %scan3A_118 = arith.addi %scan3A_116, %scan3A_117 : i32
    %scan3A_119 = arith.constant 1 : i32
    scf.for %scan3A_353 = %scan3A_116 to %scan3A_118 step %scan3A_119  : i32 {
      %mul3A_354 = arith.constant 16 : i32
      %mul3A_355 = arith.muli %scan3A_353, %mul3A_354 : i32
      %swap3A = arith.index_cast %mul3A_355 : i32 to index
      %swap3A_356 = tpu.vector_load %arg5[%swap3A] {strides = array<i32>} : memref<304xi32, #tpu.memory_space<vmem>>, vector<16xi32>,
      tpu.vector_store %arg5[%swap3A], %broadcast_in_dim3A_1 {strides = array<i32>} : memref<304xi32, #tpu.memory_space<vmem>>, vector<16xi32>,
    }
    %scan3A_120 = arith.constant 19 : i32
    %dma_wait3A_121 = arith.constant 0 : i32
    %dma_wait3A_122 = tpu.memref_slice %arg2[%dma_wait3A_121] : memref<4194304xi32, #tpu.memory_space<hbm>> -> memref<16384xi32, #tpu.memory_space<hbm>>
    %dma_wait3A_123 = arith.constant 0 : i32
    %dma_wait3A_124 = tpu.memref_slice %arg2[%dma_wait3A_123] : memref<4194304xi32, #tpu.memory_space<hbm>> -> memref<16384xi32, #tpu.memory_space<hbm>>
    tpu.wait_dma2 semaphore(%arg8 : memref<!tpu.dma_semaphore, #tpu.memory_space<semaphore_mem>>) src(%dma_wait3A_124 : memref<16384xi32, #tpu.memory_space<hbm>>) dst(%arg6 : memref<16384xi32, #tpu.memory_space<vmem>>)
    %scan3A_125 = arith.constant 0 : i32
    %scan3A_126 = arith.constant 0 : i32
    %scan3A_127 = arith.constant 512 : i32
    %scan3A_128 = arith.addi %scan3A_126, %scan3A_127 : i32
    %scan3A_129 = arith.constant 4 : i32
    scf.for %scan3A_353 = %scan3A_126 to %scan3A_128 step %scan3A_129  : i32 {
      %mul3A_354 = arith.constant 16 : i32
      %mul3A_355 = arith.muli %scan3A_353, %mul3A_354 : i32
      %get3A = arith.index_cast %mul3A_355 : i32 to index
      %get3A_356 = tpu.vector_load %arg6[%get3A] {strides = array<i32>} : memref<16384xi32, #tpu.memory_space<vmem>>, vector<16xi32>,
      %mul3A_357 = arith.constant 16 : i32
      %mul3A_358 = arith.muli %scan3A_353, %mul3A_357 : i32
      %add3A_359 = arith.constant 8192 : i32
      %add3A_360 = arith.addi %add3A_359, %mul3A_358 : i32
      %get3A_361 = arith.index_cast %add3A_360 : i32 to index
      %get3A_362 = tpu.vector_load %arg6[%get3A_361] {strides = array<i32>} : memref<16384xi32, #tpu.memory_space<vmem>>, vector<16xi32>,
      %shift_right_logical3A = arith.constant 16 : i32
      %shift_right_logical3A_363 = vector.broadcast %shift_right_logical3A : i32 to vector<16xi32>
      %shift_right_logical3A_364 = arith.shrui %get3A_356, %shift_right_logical3A_363 : vector<16xi32>
      %and3A = arith.constant 65535 : i32
      %and3A_365 = vector.broadcast %and3A : i32 to vector<16xi32>
      %and3A_366 = arith.andi %get3A_356, %and3A_365 : vector<16xi32>
      %broadcast_in_dim3A_367 = arith.constant true
      %broadcast_in_dim3A_368 = vector.broadcast %broadcast_in_dim3A_367 : i1 to vector<16xi1>
      %unique3A, %unique3A_369 = tpu.scan_count mask(%broadcast_in_dim3A_368 : vector<16xi1>) value(%shift_right_logical3A_364 : vector<16xi32>) : vector<16xi1>, vector<16xi32>
      %gather3A = tpu.vector_load_idx %arg5[%shift_right_logical3A_364] : memref<304xi32, #tpu.memory_space<vmem>>[vector<16xi32>], vector<16xi32>,
      %add3A_370 = arith.addi %gather3A, %unique3A_369 : vector<16xi32>
      %sub3A = arith.constant 1 : i32
      %sub3A_371 = vector.broadcast %sub3A : i32 to vector<16xi32>
      %sub3A_372 = arith.subi %add3A_370, %sub3A_371 : vector<16xi32>
      %lt3A = arith.constant 288 : i32
      %lt3A_373 = vector.broadcast %lt3A : i32 to vector<16xi32>
      %lt3A_374 = arith.cmpi slt, %shift_right_logical3A_364, %lt3A_373 : vector<16xi32>
      %lt3A_375 = arith.constant 64 : i32
      %lt3A_376 = vector.broadcast %lt3A_375 : i32 to vector<16xi32>
      %lt3A_377 = arith.cmpi slt, %sub3A_372, %lt3A_376 : vector<16xi32>
      %and3A_378 = arith.andi %lt3A_374, %lt3A_377 : vector<16xi1>
      %mul3A_379 = arith.constant 128 : i32
      %mul3A_380 = vector.broadcast %mul3A_379 : i32 to vector<16xi32>
      %mul3A_381 = arith.muli %shift_right_logical3A_364, %mul3A_380 : vector<16xi32>
      %add3A_382 = arith.addi %mul3A_381, %sub3A_372 : vector<16xi32>
      %jit3A = arith.constant 0 : i32
      %broadcast_in_dim3A_383 = vector.broadcast %jit3A : i32 to vector<16xi32>
      %select_n3A = arith.select %and3A_378, %add3A_382, %broadcast_in_dim3A_383 : vector<16xi1>, vector<16xi32>
      tpu.vector_store_idx %arg4[%select_n3A], %and3A_366 masked %and3A_378 : memref<36864xi32, #tpu.memory_space<vmem>>[vector<16xi32>], vector<16xi32>, vector<16xi1>
      %add3A_384 = arith.constant 64 : i32
      %add3A_385 = vector.broadcast %add3A_384 : i32 to vector<16xi32>
      %add3A_386 = arith.addi %select_n3A, %add3A_385 : vector<16xi32>
      tpu.vector_store_idx %arg4[%add3A_386], %get3A_362 masked %and3A_378 : memref<36864xi32, #tpu.memory_space<vmem>>[vector<16xi32>], vector<16xi32>, vector<16xi1>
      tpu.vector_store_idx %arg5[%shift_right_logical3A_364], %broadcast_in_dim3A_3 masked %and3A_378 {add = true} : memref<304xi32, #tpu.memory_space<vmem>>[vector<16xi32>], vector<16xi32>, vector<16xi1>
      %scan3A_387 = arith.constant 1 : i32
      %scan3A_388 = arith.addi %scan3A_353, %scan3A_387 : i32
      %mul3A_389 = arith.constant 16 : i32
      %mul3A_390 = arith.muli %scan3A_388, %mul3A_389 : i32
      %get3A_391 = arith.index_cast %mul3A_390 : i32 to index
      %get3A_392 = tpu.vector_load %arg6[%get3A_391] {strides = array<i32>} : memref<16384xi32, #tpu.memory_space<vmem>>, vector<16xi32>,
      %mul3A_393 = arith.constant 16 : i32
      %mul3A_394 = arith.muli %scan3A_388, %mul3A_393 : i32
      %add3A_395 = arith.constant 8192 : i32
      %add3A_396 = arith.addi %add3A_395, %mul3A_394 : i32
      %get3A_397 = arith.index_cast %add3A_396 : i32 to index
      %get3A_398 = tpu.vector_load %arg6[%get3A_397] {strides = array<i32>} : memref<16384xi32, #tpu.memory_space<vmem>>, vector<16xi32>,
      %shift_right_logical3A_399 = arith.constant 16 : i32
      %shift_right_logical3A_400 = vector.broadcast %shift_right_logical3A_399 : i32 to vector<16xi32>
      %shift_right_logical3A_401 = arith.shrui %get3A_392, %shift_right_logical3A_400 : vector<16xi32>
      %and3A_402 = arith.constant 65535 : i32
      %and3A_403 = vector.broadcast %and3A_402 : i32 to vector<16xi32>
      %and3A_404 = arith.andi %get3A_392, %and3A_403 : vector<16xi32>
      %broadcast_in_dim3A_405 = arith.constant true
      %broadcast_in_dim3A_406 = vector.broadcast %broadcast_in_dim3A_405 : i1 to vector<16xi1>
      %unique3A_407, %unique3A_408 = tpu.scan_count mask(%broadcast_in_dim3A_406 : vector<16xi1>) value(%shift_right_logical3A_401 : vector<16xi32>) : vector<16xi1>, vector<16xi32>
      %gather3A_409 = tpu.vector_load_idx %arg5[%shift_right_logical3A_401] : memref<304xi32, #tpu.memory_space<vmem>>[vector<16xi32>], vector<16xi32>,
      %add3A_410 = arith.addi %gather3A_409, %unique3A_408 : vector<16xi32>
      %sub3A_411 = arith.constant 1 : i32
      %sub3A_412 = vector.broadcast %sub3A_411 : i32 to vector<16xi32>
      %sub3A_413 = arith.subi %add3A_410, %sub3A_412 : vector<16xi32>
      %lt3A_414 = arith.constant 288 : i32
      %lt3A_415 = vector.broadcast %lt3A_414 : i32 to vector<16xi32>
      %lt3A_416 = arith.cmpi slt, %shift_right_logical3A_401, %lt3A_415 : vector<16xi32>
      %lt3A_417 = arith.constant 64 : i32
      %lt3A_418 = vector.broadcast %lt3A_417 : i32 to vector<16xi32>
      %lt3A_419 = arith.cmpi slt, %sub3A_413, %lt3A_418 : vector<16xi32>
      %and3A_420 = arith.andi %lt3A_416, %lt3A_419 : vector<16xi1>
      %mul3A_421 = arith.constant 128 : i32
      %mul3A_422 = vector.broadcast %mul3A_421 : i32 to vector<16xi32>
      %mul3A_423 = arith.muli %shift_right_logical3A_401, %mul3A_422 : vector<16xi32>
      %add3A_424 = arith.addi %mul3A_423, %sub3A_413 : vector<16xi32>
      %jit3A_425 = arith.constant 0 : i32
      %broadcast_in_dim3A_426 = vector.broadcast %jit3A_425 : i32 to vector<16xi32>
      %select_n3A_427 = arith.select %and3A_420, %add3A_424, %broadcast_in_dim3A_426 : vector<16xi1>, vector<16xi32>
      tpu.vector_store_idx %arg4[%select_n3A_427], %and3A_404 masked %and3A_420 : memref<36864xi32, #tpu.memory_space<vmem>>[vector<16xi32>], vector<16xi32>, vector<16xi1>
      %add3A_428 = arith.constant 64 : i32
      %add3A_429 = vector.broadcast %add3A_428 : i32 to vector<16xi32>
      %add3A_430 = arith.addi %select_n3A_427, %add3A_429 : vector<16xi32>
      tpu.vector_store_idx %arg4[%add3A_430], %get3A_398 masked %and3A_420 : memref<36864xi32, #tpu.memory_space<vmem>>[vector<16xi32>], vector<16xi32>, vector<16xi1>
      tpu.vector_store_idx %arg5[%shift_right_logical3A_401], %broadcast_in_dim3A_3 masked %and3A_420 {add = true} : memref<304xi32, #tpu.memory_space<vmem>>[vector<16xi32>], vector<16xi32>, vector<16xi1>
      %scan3A_431 = arith.constant 2 : i32
      %scan3A_432 = arith.addi %scan3A_353, %scan3A_431 : i32
      %mul3A_433 = arith.constant 16 : i32
      %mul3A_434 = arith.muli %scan3A_432, %mul3A_433 : i32
      %get3A_435 = arith.index_cast %mul3A_434 : i32 to index
      %get3A_436 = tpu.vector_load %arg6[%get3A_435] {strides = array<i32>} : memref<16384xi32, #tpu.memory_space<vmem>>, vector<16xi32>,
      %mul3A_437 = arith.constant 16 : i32
      %mul3A_438 = arith.muli %scan3A_432, %mul3A_437 : i32
      %add3A_439 = arith.constant 8192 : i32
      %add3A_440 = arith.addi %add3A_439, %mul3A_438 : i32
      %get3A_441 = arith.index_cast %add3A_440 : i32 to index
      %get3A_442 = tpu.vector_load %arg6[%get3A_441] {strides = array<i32>} : memref<16384xi32, #tpu.memory_space<vmem>>, vector<16xi32>,
      %shift_right_logical3A_443 = arith.constant 16 : i32
      %shift_right_logical3A_444 = vector.broadcast %shift_right_logical3A_443 : i32 to vector<16xi32>
      %shift_right_logical3A_445 = arith.shrui %get3A_436, %shift_right_logical3A_444 : vector<16xi32>
      %and3A_446 = arith.constant 65535 : i32
      %and3A_447 = vector.broadcast %and3A_446 : i32 to vector<16xi32>
      %and3A_448 = arith.andi %get3A_436, %and3A_447 : vector<16xi32>
      %broadcast_in_dim3A_449 = arith.constant true
      %broadcast_in_dim3A_450 = vector.broadcast %broadcast_in_dim3A_449 : i1 to vector<16xi1>
      %unique3A_451, %unique3A_452 = tpu.scan_count mask(%broadcast_in_dim3A_450 : vector<16xi1>) value(%shift_right_logical3A_445 : vector<16xi32>) : vector<16xi1>, vector<16xi32>
      %gather3A_453 = tpu.vector_load_idx %arg5[%shift_right_logical3A_445] : memref<304xi32, #tpu.memory_space<vmem>>[vector<16xi32>], vector<16xi32>,
      %add3A_454 = arith.addi %gather3A_453, %unique3A_452 : vector<16xi32>
      %sub3A_455 = arith.constant 1 : i32
      %sub3A_456 = vector.broadcast %sub3A_455 : i32 to vector<16xi32>
      %sub3A_457 = arith.subi %add3A_454, %sub3A_456 : vector<16xi32>
      %lt3A_458 = arith.constant 288 : i32
      %lt3A_459 = vector.broadcast %lt3A_458 : i32 to vector<16xi32>
      %lt3A_460 = arith.cmpi slt, %shift_right_logical3A_445, %lt3A_459 : vector<16xi32>
      %lt3A_461 = arith.constant 64 : i32
      %lt3A_462 = vector.broadcast %lt3A_461 : i32 to vector<16xi32>
      %lt3A_463 = arith.cmpi slt, %sub3A_457, %lt3A_462 : vector<16xi32>
      %and3A_464 = arith.andi %lt3A_460, %lt3A_463 : vector<16xi1>
      %mul3A_465 = arith.constant 128 : i32
      %mul3A_466 = vector.broadcast %mul3A_465 : i32 to vector<16xi32>
      %mul3A_467 = arith.muli %shift_right_logical3A_445, %mul3A_466 : vector<16xi32>
      %add3A_468 = arith.addi %mul3A_467, %sub3A_457 : vector<16xi32>
      %jit3A_469 = arith.constant 0 : i32
      %broadcast_in_dim3A_470 = vector.broadcast %jit3A_469 : i32 to vector<16xi32>
      %select_n3A_471 = arith.select %and3A_464, %add3A_468, %broadcast_in_dim3A_470 : vector<16xi1>, vector<16xi32>
      tpu.vector_store_idx %arg4[%select_n3A_471], %and3A_448 masked %and3A_464 : memref<36864xi32, #tpu.memory_space<vmem>>[vector<16xi32>], vector<16xi32>, vector<16xi1>
      %add3A_472 = arith.constant 64 : i32
      %add3A_473 = vector.broadcast %add3A_472 : i32 to vector<16xi32>
      %add3A_474 = arith.addi %select_n3A_471, %add3A_473 : vector<16xi32>
      tpu.vector_store_idx %arg4[%add3A_474], %get3A_442 masked %and3A_464 : memref<36864xi32, #tpu.memory_space<vmem>>[vector<16xi32>], vector<16xi32>, vector<16xi1>
      tpu.vector_store_idx %arg5[%shift_right_logical3A_445], %broadcast_in_dim3A_3 masked %and3A_464 {add = true} : memref<304xi32, #tpu.memory_space<vmem>>[vector<16xi32>], vector<16xi32>, vector<16xi1>
      %scan3A_475 = arith.constant 3 : i32
      %scan3A_476 = arith.addi %scan3A_353, %scan3A_475 : i32
      %mul3A_477 = arith.constant 16 : i32
      %mul3A_478 = arith.muli %scan3A_476, %mul3A_477 : i32
      %get3A_479 = arith.index_cast %mul3A_478 : i32 to index
      %get3A_480 = tpu.vector_load %arg6[%get3A_479] {strides = array<i32>} : memref<16384xi32, #tpu.memory_space<vmem>>, vector<16xi32>,
      %mul3A_481 = arith.constant 16 : i32
      %mul3A_482 = arith.muli %scan3A_476, %mul3A_481 : i32
      %add3A_483 = arith.constant 8192 : i32
      %add3A_484 = arith.addi %add3A_483, %mul3A_482 : i32
      %get3A_485 = arith.index_cast %add3A_484 : i32 to index
      %get3A_486 = tpu.vector_load %arg6[%get3A_485] {strides = array<i32>} : memref<16384xi32, #tpu.memory_space<vmem>>, vector<16xi32>,
      %shift_right_logical3A_487 = arith.constant 16 : i32
      %shift_right_logical3A_488 = vector.broadcast %shift_right_logical3A_487 : i32 to vector<16xi32>
      %shift_right_logical3A_489 = arith.shrui %get3A_480, %shift_right_logical3A_488 : vector<16xi32>
      %and3A_490 = arith.constant 65535 : i32
      %and3A_491 = vector.broadcast %and3A_490 : i32 to vector<16xi32>
      %and3A_492 = arith.andi %get3A_480, %and3A_491 : vector<16xi32>
      %broadcast_in_dim3A_493 = arith.constant true
      %broadcast_in_dim3A_494 = vector.broadcast %broadcast_in_dim3A_493 : i1 to vector<16xi1>
      %unique3A_495, %unique3A_496 = tpu.scan_count mask(%broadcast_in_dim3A_494 : vector<16xi1>) value(%shift_right_logical3A_489 : vector<16xi32>) : vector<16xi1>, vector<16xi32>
      %gather3A_497 = tpu.vector_load_idx %arg5[%shift_right_logical3A_489] : memref<304xi32, #tpu.memory_space<vmem>>[vector<16xi32>], vector<16xi32>,
      %add3A_498 = arith.addi %gather3A_497, %unique3A_496 : vector<16xi32>
      %sub3A_499 = arith.constant 1 : i32
      %sub3A_500 = vector.broadcast %sub3A_499 : i32 to vector<16xi32>
      %sub3A_501 = arith.subi %add3A_498, %sub3A_500 : vector<16xi32>
      %lt3A_502 = arith.constant 288 : i32
      %lt3A_503 = vector.broadcast %lt3A_502 : i32 to vector<16xi32>
      %lt3A_504 = arith.cmpi slt, %shift_right_logical3A_489, %lt3A_503 : vector<16xi32>
      %lt3A_505 = arith.constant 64 : i32
      %lt3A_506 = vector.broadcast %lt3A_505 : i32 to vector<16xi32>
      %lt3A_507 = arith.cmpi slt, %sub3A_501, %lt3A_506 : vector<16xi32>
      %and3A_508 = arith.andi %lt3A_504, %lt3A_507 : vector<16xi1>
      %mul3A_509 = arith.constant 128 : i32
      %mul3A_510 = vector.broadcast %mul3A_509 : i32 to vector<16xi32>
      %mul3A_511 = arith.muli %shift_right_logical3A_489, %mul3A_510 : vector<16xi32>
      %add3A_512 = arith.addi %mul3A_511, %sub3A_501 : vector<16xi32>
      %jit3A_513 = arith.constant 0 : i32
      %broadcast_in_dim3A_514 = vector.broadcast %jit3A_513 : i32 to vector<16xi32>
      %select_n3A_515 = arith.select %and3A_508, %add3A_512, %broadcast_in_dim3A_514 : vector<16xi1>, vector<16xi32>
      tpu.vector_store_idx %arg4[%select_n3A_515], %and3A_492 masked %and3A_508 : memref<36864xi32, #tpu.memory_space<vmem>>[vector<16xi32>], vector<16xi32>, vector<16xi1>
      %add3A_516 = arith.constant 64 : i32
      %add3A_517 = vector.broadcast %add3A_516 : i32 to vector<16xi32>
      %add3A_518 = arith.addi %select_n3A_515, %add3A_517 : vector<16xi32>
      tpu.vector_store_idx %arg4[%add3A_518], %get3A_486 masked %and3A_508 : memref<36864xi32, #tpu.memory_space<vmem>>[vector<16xi32>], vector<16xi32>, vector<16xi1>
      tpu.vector_store_idx %arg5[%shift_right_logical3A_489], %broadcast_in_dim3A_3 masked %and3A_508 {add = true} : memref<304xi32, #tpu.memory_space<vmem>>[vector<16xi32>], vector<16xi32>, vector<16xi1>
    }
    %scan3A_130 = arith.constant 512 : i32
    %mul3A_131 = arith.constant 8 : i32
    %mul3A_132 = arith.muli %add3A, %mul3A_131 : i32
    %add3A_133 = arith.constant 4 : i32
    %add3A_134 = arith.addi %mul3A_132, %add3A_133 : i32
    %mul3A_135 = arith.constant 2 : i32
    %mul3A_136 = arith.muli %add3A_134, %mul3A_135 : i32
    %mul3A_137 = arith.constant 8192 : i32
    %mul3A_138 = arith.muli %mul3A_136, %mul3A_137 : i32
    %dma_start3A_139 = tpu.memref_slice %arg2[%mul3A_138] : memref<4194304xi32, #tpu.memory_space<hbm>> -> memref<16384xi32, #tpu.memory_space<hbm>>
    %dma_start3A_140 = tpu.memref_slice %arg2[%mul3A_138] : memref<4194304xi32, #tpu.memory_space<hbm>> -> memref<16384xi32, #tpu.memory_space<hbm>>
    tpu.enqueue_dma source(%dma_start3A_140 : memref<16384xi32, #tpu.memory_space<hbm>>) target(%arg6 : memref<16384xi32, #tpu.memory_space<vmem>>) target_semaphore(%arg8 : memref<!tpu.dma_semaphore, #tpu.memory_space<semaphore_mem>>)
    %scan3A_141 = arith.constant 0 : i32
    %scan3A_142 = arith.constant 0 : i32
    %scan3A_143 = arith.constant 288 : i32
    %scan3A_144 = arith.addi %scan3A_142, %scan3A_143 : i32
    %scan3A_145 = arith.constant 1 : i32
    scf.for %scan3A_353 = %scan3A_142 to %scan3A_144 step %scan3A_145  : i32 {
      %mul3A_354 = arith.constant 32 : i32
      %mul3A_355 = arith.muli %scan3A_353, %mul3A_354 : i32
      %add3A_356 = arith.addi %mul3A_355, %add3A : i32
      %mul3A_357 = arith.constant 8 : i32
      %mul3A_358 = arith.muli %add3A_356, %mul3A_357 : i32
      %add3A_359 = arith.constant 2 : i32
      %add3A_360 = arith.addi %mul3A_358, %add3A_359 : i32
      %mul3A_361 = arith.constant 128 : i32
      %mul3A_362 = arith.muli %add3A_360, %mul3A_361 : i32
      %mul3A_363 = arith.constant 128 : i32
      %mul3A_364 = arith.muli %scan3A_353, %mul3A_363 : i32
      %dma_start3A_365 = tpu.memref_slice %arg4[%mul3A_364] : memref<36864xi32, #tpu.memory_space<vmem>> -> memref<128xi32, #tpu.memory_space<vmem>>
      %dma_start3A_366 = tpu.memref_slice %arg3[%mul3A_362] : memref<9437184xi32, #tpu.memory_space<hbm>> -> memref<128xi32, #tpu.memory_space<hbm>>
      %dma_start3A_367 = tpu.memref_slice %arg3[%mul3A_362] : memref<9437184xi32, #tpu.memory_space<hbm>> -> memref<128xi32, #tpu.memory_space<hbm>>
      %dma_start3A_368 = tpu.memref_slice %arg4[%mul3A_364] : memref<36864xi32, #tpu.memory_space<vmem>> -> memref<128xi32, #tpu.memory_space<vmem>>
      tpu.enqueue_dma source(%dma_start3A_368 : memref<128xi32, #tpu.memory_space<vmem>>) target(%dma_start3A_367 : memref<128xi32, #tpu.memory_space<hbm>>) target_semaphore(%arg10 : memref<!tpu.dma_semaphore, #tpu.memory_space<semaphore_mem>>)
    }
    %scan3A_146 = arith.constant 288 : i32
    %scan3A_147 = arith.constant 0 : i32
    %scan3A_148 = arith.constant 0 : i32
    %scan3A_149 = arith.constant 288 : i32
    %scan3A_150 = arith.addi %scan3A_148, %scan3A_149 : i32
    %scan3A_151 = arith.constant 1 : i32
    scf.for %scan3A_353 = %scan3A_148 to %scan3A_150 step %scan3A_151  : i32 {
      %dma_wait3A_354 = arith.constant 0 : i32
      %dma_wait3A_355 = tpu.memref_slice %arg4[%dma_wait3A_354] : memref<36864xi32, #tpu.memory_space<vmem>> -> memref<128xi32, #tpu.memory_space<vmem>>
      %dma_wait3A_356 = arith.constant 0 : i32
      %dma_wait3A_357 = tpu.memref_slice %arg3[%dma_wait3A_356] : memref<9437184xi32, #tpu.memory_space<hbm>> -> memref<128xi32, #tpu.memory_space<hbm>>
      %dma_wait3A_358 = arith.constant 0 : i32
      %dma_wait3A_359 = tpu.memref_slice %arg3[%dma_wait3A_358] : memref<9437184xi32, #tpu.memory_space<hbm>> -> memref<128xi32, #tpu.memory_space<hbm>>
      %dma_wait3A_360 = arith.constant 0 : i32
      %dma_wait3A_361 = tpu.memref_slice %arg4[%dma_wait3A_360] : memref<36864xi32, #tpu.memory_space<vmem>> -> memref<128xi32, #tpu.memory_space<vmem>>
      tpu.wait_dma2 semaphore(%arg10 : memref<!tpu.dma_semaphore, #tpu.memory_space<semaphore_mem>>) src(%dma_wait3A_361 : memref<128xi32, #tpu.memory_space<vmem>>) dst(%dma_wait3A_359 : memref<128xi32, #tpu.memory_space<hbm>>)
    }
    %scan3A_152 = arith.constant 288 : i32
    %scan3A_153 = arith.constant 0 : i32
    %scan3A_154 = arith.constant 0 : i32
    %scan3A_155 = arith.constant 288 : i32
    %scan3A_156 = arith.addi %scan3A_154, %scan3A_155 : i32
    %scan3A_157 = arith.constant 1 : i32
    scf.for %scan3A_353 = %scan3A_154 to %scan3A_156 step %scan3A_157  : i32 {
      %mul3A_354 = arith.constant 128 : i32
      %mul3A_355 = arith.muli %scan3A_353, %mul3A_354 : i32
      %add3A_356 = arith.constant 64 : i32
      %add3A_357 = arith.addi %mul3A_355, %add3A_356 : i32
      %add3A_358 = arith.constant 0 : i32
      %add3A_359 = arith.addi %add3A_357, %add3A_358 : i32
      %swap3A = arith.index_cast %add3A_359 : i32 to index
      %swap3A_360 = tpu.vector_load %arg4[%swap3A] {strides = array<i32>} : memref<36864xi32, #tpu.memory_space<vmem>>, vector<16xi32>,
      tpu.vector_store %arg4[%swap3A], %broadcast_in_dim3A_1 {strides = array<i32>} : memref<36864xi32, #tpu.memory_space<vmem>>, vector<16xi32>,
      %mul3A_361 = arith.constant 128 : i32
      %mul3A_362 = arith.muli %scan3A_353, %mul3A_361 : i32
      %add3A_363 = arith.constant 64 : i32
      %add3A_364 = arith.addi %mul3A_362, %add3A_363 : i32
      %add3A_365 = arith.constant 16 : i32
      %add3A_366 = arith.addi %add3A_364, %add3A_365 : i32
      %swap3A_367 = arith.index_cast %add3A_366 : i32 to index
      %swap3A_368 = tpu.vector_load %arg4[%swap3A_367] {strides = array<i32>} : memref<36864xi32, #tpu.memory_space<vmem>>, vector<16xi32>,
      tpu.vector_store %arg4[%swap3A_367], %broadcast_in_dim3A_1 {strides = array<i32>} : memref<36864xi32, #tpu.memory_space<vmem>>, vector<16xi32>,
      %mul3A_369 = arith.constant 128 : i32
      %mul3A_370 = arith.muli %scan3A_353, %mul3A_369 : i32
      %add3A_371 = arith.constant 64 : i32
      %add3A_372 = arith.addi %mul3A_370, %add3A_371 : i32
      %add3A_373 = arith.constant 32 : i32
      %add3A_374 = arith.addi %add3A_372, %add3A_373 : i32
      %swap3A_375 = arith.index_cast %add3A_374 : i32 to index
      %swap3A_376 = tpu.vector_load %arg4[%swap3A_375] {strides = array<i32>} : memref<36864xi32, #tpu.memory_space<vmem>>, vector<16xi32>,
      tpu.vector_store %arg4[%swap3A_375], %broadcast_in_dim3A_1 {strides = array<i32>} : memref<36864xi32, #tpu.memory_space<vmem>>, vector<16xi32>,
      %mul3A_377 = arith.constant 128 : i32
      %mul3A_378 = arith.muli %scan3A_353, %mul3A_377 : i32
      %add3A_379 = arith.constant 64 : i32
      %add3A_380 = arith.addi %mul3A_378, %add3A_379 : i32
      %add3A_381 = arith.constant 48 : i32
      %add3A_382 = arith.addi %add3A_380, %add3A_381 : i32
      %swap3A_383 = arith.index_cast %add3A_382 : i32 to index
      %swap3A_384 = tpu.vector_load %arg4[%swap3A_383] {strides = array<i32>} : memref<36864xi32, #tpu.memory_space<vmem>>, vector<16xi32>,
      tpu.vector_store %arg4[%swap3A_383], %broadcast_in_dim3A_1 {strides = array<i32>} : memref<36864xi32, #tpu.memory_space<vmem>>, vector<16xi32>,
    }
    %scan3A_158 = arith.constant 288 : i32
    %scan3A_159 = arith.constant 0 : i32
    %scan3A_160 = arith.constant 0 : i32
    %scan3A_161 = arith.constant 19 : i32
    %scan3A_162 = arith.addi %scan3A_160, %scan3A_161 : i32
    %scan3A_163 = arith.constant 1 : i32
    scf.for %scan3A_353 = %scan3A_160 to %scan3A_162 step %scan3A_163  : i32 {
      %mul3A_354 = arith.constant 16 : i32
      %mul3A_355 = arith.muli %scan3A_353, %mul3A_354 : i32
      %swap3A = arith.index_cast %mul3A_355 : i32 to index
      %swap3A_356 = tpu.vector_load %arg5[%swap3A] {strides = array<i32>} : memref<304xi32, #tpu.memory_space<vmem>>, vector<16xi32>,
      tpu.vector_store %arg5[%swap3A], %broadcast_in_dim3A_1 {strides = array<i32>} : memref<304xi32, #tpu.memory_space<vmem>>, vector<16xi32>,
    }
    %scan3A_164 = arith.constant 19 : i32
    %dma_wait3A_165 = arith.constant 0 : i32
    %dma_wait3A_166 = tpu.memref_slice %arg2[%dma_wait3A_165] : memref<4194304xi32, #tpu.memory_space<hbm>> -> memref<16384xi32, #tpu.memory_space<hbm>>
    %dma_wait3A_167 = arith.constant 0 : i32
    %dma_wait3A_168 = tpu.memref_slice %arg2[%dma_wait3A_167] : memref<4194304xi32, #tpu.memory_space<hbm>> -> memref<16384xi32, #tpu.memory_space<hbm>>
    tpu.wait_dma2 semaphore(%arg9 : memref<!tpu.dma_semaphore, #tpu.memory_space<semaphore_mem>>) src(%dma_wait3A_168 : memref<16384xi32, #tpu.memory_space<hbm>>) dst(%arg7 : memref<16384xi32, #tpu.memory_space<vmem>>)
    %scan3A_169 = arith.constant 0 : i32
    %scan3A_170 = arith.constant 0 : i32
    %scan3A_171 = arith.constant 512 : i32
    %scan3A_172 = arith.addi %scan3A_170, %scan3A_171 : i32
    %scan3A_173 = arith.constant 4 : i32
    scf.for %scan3A_353 = %scan3A_170 to %scan3A_172 step %scan3A_173  : i32 {
      %mul3A_354 = arith.constant 16 : i32
      %mul3A_355 = arith.muli %scan3A_353, %mul3A_354 : i32
      %get3A = arith.index_cast %mul3A_355 : i32 to index
      %get3A_356 = tpu.vector_load %arg7[%get3A] {strides = array<i32>} : memref<16384xi32, #tpu.memory_space<vmem>>, vector<16xi32>,
      %mul3A_357 = arith.constant 16 : i32
      %mul3A_358 = arith.muli %scan3A_353, %mul3A_357 : i32
      %add3A_359 = arith.constant 8192 : i32
      %add3A_360 = arith.addi %add3A_359, %mul3A_358 : i32
      %get3A_361 = arith.index_cast %add3A_360 : i32 to index
      %get3A_362 = tpu.vector_load %arg7[%get3A_361] {strides = array<i32>} : memref<16384xi32, #tpu.memory_space<vmem>>, vector<16xi32>,
      %shift_right_logical3A = arith.constant 16 : i32
      %shift_right_logical3A_363 = vector.broadcast %shift_right_logical3A : i32 to vector<16xi32>
      %shift_right_logical3A_364 = arith.shrui %get3A_356, %shift_right_logical3A_363 : vector<16xi32>
      %and3A = arith.constant 65535 : i32
      %and3A_365 = vector.broadcast %and3A : i32 to vector<16xi32>
      %and3A_366 = arith.andi %get3A_356, %and3A_365 : vector<16xi32>
      %broadcast_in_dim3A_367 = arith.constant true
      %broadcast_in_dim3A_368 = vector.broadcast %broadcast_in_dim3A_367 : i1 to vector<16xi1>
      %unique3A, %unique3A_369 = tpu.scan_count mask(%broadcast_in_dim3A_368 : vector<16xi1>) value(%shift_right_logical3A_364 : vector<16xi32>) : vector<16xi1>, vector<16xi32>
      %gather3A = tpu.vector_load_idx %arg5[%shift_right_logical3A_364] : memref<304xi32, #tpu.memory_space<vmem>>[vector<16xi32>], vector<16xi32>,
      %add3A_370 = arith.addi %gather3A, %unique3A_369 : vector<16xi32>
      %sub3A = arith.constant 1 : i32
      %sub3A_371 = vector.broadcast %sub3A : i32 to vector<16xi32>
      %sub3A_372 = arith.subi %add3A_370, %sub3A_371 : vector<16xi32>
      %lt3A = arith.constant 288 : i32
      %lt3A_373 = vector.broadcast %lt3A : i32 to vector<16xi32>
      %lt3A_374 = arith.cmpi slt, %shift_right_logical3A_364, %lt3A_373 : vector<16xi32>
      %lt3A_375 = arith.constant 64 : i32
      %lt3A_376 = vector.broadcast %lt3A_375 : i32 to vector<16xi32>
      %lt3A_377 = arith.cmpi slt, %sub3A_372, %lt3A_376 : vector<16xi32>
      %and3A_378 = arith.andi %lt3A_374, %lt3A_377 : vector<16xi1>
      %mul3A_379 = arith.constant 128 : i32
      %mul3A_380 = vector.broadcast %mul3A_379 : i32 to vector<16xi32>
      %mul3A_381 = arith.muli %shift_right_logical3A_364, %mul3A_380 : vector<16xi32>
      %add3A_382 = arith.addi %mul3A_381, %sub3A_372 : vector<16xi32>
      %jit3A = arith.constant 0 : i32
      %broadcast_in_dim3A_383 = vector.broadcast %jit3A : i32 to vector<16xi32>
      %select_n3A = arith.select %and3A_378, %add3A_382, %broadcast_in_dim3A_383 : vector<16xi1>, vector<16xi32>
      tpu.vector_store_idx %arg4[%select_n3A], %and3A_366 masked %and3A_378 : memref<36864xi32, #tpu.memory_space<vmem>>[vector<16xi32>], vector<16xi32>, vector<16xi1>
      %add3A_384 = arith.constant 64 : i32
      %add3A_385 = vector.broadcast %add3A_384 : i32 to vector<16xi32>
      %add3A_386 = arith.addi %select_n3A, %add3A_385 : vector<16xi32>
      tpu.vector_store_idx %arg4[%add3A_386], %get3A_362 masked %and3A_378 : memref<36864xi32, #tpu.memory_space<vmem>>[vector<16xi32>], vector<16xi32>, vector<16xi1>
      tpu.vector_store_idx %arg5[%shift_right_logical3A_364], %broadcast_in_dim3A_3 masked %and3A_378 {add = true} : memref<304xi32, #tpu.memory_space<vmem>>[vector<16xi32>], vector<16xi32>, vector<16xi1>
      %scan3A_387 = arith.constant 1 : i32
      %scan3A_388 = arith.addi %scan3A_353, %scan3A_387 : i32
      %mul3A_389 = arith.constant 16 : i32
      %mul3A_390 = arith.muli %scan3A_388, %mul3A_389 : i32
      %get3A_391 = arith.index_cast %mul3A_390 : i32 to index
      %get3A_392 = tpu.vector_load %arg7[%get3A_391] {strides = array<i32>} : memref<16384xi32, #tpu.memory_space<vmem>>, vector<16xi32>,
      %mul3A_393 = arith.constant 16 : i32
      %mul3A_394 = arith.muli %scan3A_388, %mul3A_393 : i32
      %add3A_395 = arith.constant 8192 : i32
      %add3A_396 = arith.addi %add3A_395, %mul3A_394 : i32
      %get3A_397 = arith.index_cast %add3A_396 : i32 to index
      %get3A_398 = tpu.vector_load %arg7[%get3A_397] {strides = array<i32>} : memref<16384xi32, #tpu.memory_space<vmem>>, vector<16xi32>,
      %shift_right_logical3A_399 = arith.constant 16 : i32
      %shift_right_logical3A_400 = vector.broadcast %shift_right_logical3A_399 : i32 to vector<16xi32>
      %shift_right_logical3A_401 = arith.shrui %get3A_392, %shift_right_logical3A_400 : vector<16xi32>
      %and3A_402 = arith.constant 65535 : i32
      %and3A_403 = vector.broadcast %and3A_402 : i32 to vector<16xi32>
      %and3A_404 = arith.andi %get3A_392, %and3A_403 : vector<16xi32>
      %broadcast_in_dim3A_405 = arith.constant true
      %broadcast_in_dim3A_406 = vector.broadcast %broadcast_in_dim3A_405 : i1 to vector<16xi1>
      %unique3A_407, %unique3A_408 = tpu.scan_count mask(%broadcast_in_dim3A_406 : vector<16xi1>) value(%shift_right_logical3A_401 : vector<16xi32>) : vector<16xi1>, vector<16xi32>
      %gather3A_409 = tpu.vector_load_idx %arg5[%shift_right_logical3A_401] : memref<304xi32, #tpu.memory_space<vmem>>[vector<16xi32>], vector<16xi32>,
      %add3A_410 = arith.addi %gather3A_409, %unique3A_408 : vector<16xi32>
      %sub3A_411 = arith.constant 1 : i32
      %sub3A_412 = vector.broadcast %sub3A_411 : i32 to vector<16xi32>
      %sub3A_413 = arith.subi %add3A_410, %sub3A_412 : vector<16xi32>
      %lt3A_414 = arith.constant 288 : i32
      %lt3A_415 = vector.broadcast %lt3A_414 : i32 to vector<16xi32>
      %lt3A_416 = arith.cmpi slt, %shift_right_logical3A_401, %lt3A_415 : vector<16xi32>
      %lt3A_417 = arith.constant 64 : i32
      %lt3A_418 = vector.broadcast %lt3A_417 : i32 to vector<16xi32>
      %lt3A_419 = arith.cmpi slt, %sub3A_413, %lt3A_418 : vector<16xi32>
      %and3A_420 = arith.andi %lt3A_416, %lt3A_419 : vector<16xi1>
      %mul3A_421 = arith.constant 128 : i32
      %mul3A_422 = vector.broadcast %mul3A_421 : i32 to vector<16xi32>
      %mul3A_423 = arith.muli %shift_right_logical3A_401, %mul3A_422 : vector<16xi32>
      %add3A_424 = arith.addi %mul3A_423, %sub3A_413 : vector<16xi32>
      %jit3A_425 = arith.constant 0 : i32
      %broadcast_in_dim3A_426 = vector.broadcast %jit3A_425 : i32 to vector<16xi32>
      %select_n3A_427 = arith.select %and3A_420, %add3A_424, %broadcast_in_dim3A_426 : vector<16xi1>, vector<16xi32>
      tpu.vector_store_idx %arg4[%select_n3A_427], %and3A_404 masked %and3A_420 : memref<36864xi32, #tpu.memory_space<vmem>>[vector<16xi32>], vector<16xi32>, vector<16xi1>
      %add3A_428 = arith.constant 64 : i32
      %add3A_429 = vector.broadcast %add3A_428 : i32 to vector<16xi32>
      %add3A_430 = arith.addi %select_n3A_427, %add3A_429 : vector<16xi32>
      tpu.vector_store_idx %arg4[%add3A_430], %get3A_398 masked %and3A_420 : memref<36864xi32, #tpu.memory_space<vmem>>[vector<16xi32>], vector<16xi32>, vector<16xi1>
      tpu.vector_store_idx %arg5[%shift_right_logical3A_401], %broadcast_in_dim3A_3 masked %and3A_420 {add = true} : memref<304xi32, #tpu.memory_space<vmem>>[vector<16xi32>], vector<16xi32>, vector<16xi1>
      %scan3A_431 = arith.constant 2 : i32
      %scan3A_432 = arith.addi %scan3A_353, %scan3A_431 : i32
      %mul3A_433 = arith.constant 16 : i32
      %mul3A_434 = arith.muli %scan3A_432, %mul3A_433 : i32
      %get3A_435 = arith.index_cast %mul3A_434 : i32 to index
      %get3A_436 = tpu.vector_load %arg7[%get3A_435] {strides = array<i32>} : memref<16384xi32, #tpu.memory_space<vmem>>, vector<16xi32>,
      %mul3A_437 = arith.constant 16 : i32
      %mul3A_438 = arith.muli %scan3A_432, %mul3A_437 : i32
      %add3A_439 = arith.constant 8192 : i32
      %add3A_440 = arith.addi %add3A_439, %mul3A_438 : i32
      %get3A_441 = arith.index_cast %add3A_440 : i32 to index
      %get3A_442 = tpu.vector_load %arg7[%get3A_441] {strides = array<i32>} : memref<16384xi32, #tpu.memory_space<vmem>>, vector<16xi32>,
      %shift_right_logical3A_443 = arith.constant 16 : i32
      %shift_right_logical3A_444 = vector.broadcast %shift_right_logical3A_443 : i32 to vector<16xi32>
      %shift_right_logical3A_445 = arith.shrui %get3A_436, %shift_right_logical3A_444 : vector<16xi32>
      %and3A_446 = arith.constant 65535 : i32
      %and3A_447 = vector.broadcast %and3A_446 : i32 to vector<16xi32>
      %and3A_448 = arith.andi %get3A_436, %and3A_447 : vector<16xi32>
      %broadcast_in_dim3A_449 = arith.constant true
      %broadcast_in_dim3A_450 = vector.broadcast %broadcast_in_dim3A_449 : i1 to vector<16xi1>
      %unique3A_451, %unique3A_452 = tpu.scan_count mask(%broadcast_in_dim3A_450 : vector<16xi1>) value(%shift_right_logical3A_445 : vector<16xi32>) : vector<16xi1>, vector<16xi32>
      %gather3A_453 = tpu.vector_load_idx %arg5[%shift_right_logical3A_445] : memref<304xi32, #tpu.memory_space<vmem>>[vector<16xi32>], vector<16xi32>,
      %add3A_454 = arith.addi %gather3A_453, %unique3A_452 : vector<16xi32>
      %sub3A_455 = arith.constant 1 : i32
      %sub3A_456 = vector.broadcast %sub3A_455 : i32 to vector<16xi32>
      %sub3A_457 = arith.subi %add3A_454, %sub3A_456 : vector<16xi32>
      %lt3A_458 = arith.constant 288 : i32
      %lt3A_459 = vector.broadcast %lt3A_458 : i32 to vector<16xi32>
      %lt3A_460 = arith.cmpi slt, %shift_right_logical3A_445, %lt3A_459 : vector<16xi32>
      %lt3A_461 = arith.constant 64 : i32
      %lt3A_462 = vector.broadcast %lt3A_461 : i32 to vector<16xi32>
      %lt3A_463 = arith.cmpi slt, %sub3A_457, %lt3A_462 : vector<16xi32>
      %and3A_464 = arith.andi %lt3A_460, %lt3A_463 : vector<16xi1>
      %mul3A_465 = arith.constant 128 : i32
      %mul3A_466 = vector.broadcast %mul3A_465 : i32 to vector<16xi32>
      %mul3A_467 = arith.muli %shift_right_logical3A_445, %mul3A_466 : vector<16xi32>
      %add3A_468 = arith.addi %mul3A_467, %sub3A_457 : vector<16xi32>
      %jit3A_469 = arith.constant 0 : i32
      %broadcast_in_dim3A_470 = vector.broadcast %jit3A_469 : i32 to vector<16xi32>
      %select_n3A_471 = arith.select %and3A_464, %add3A_468, %broadcast_in_dim3A_470 : vector<16xi1>, vector<16xi32>
      tpu.vector_store_idx %arg4[%select_n3A_471], %and3A_448 masked %and3A_464 : memref<36864xi32, #tpu.memory_space<vmem>>[vector<16xi32>], vector<16xi32>, vector<16xi1>
      %add3A_472 = arith.constant 64 : i32
      %add3A_473 = vector.broadcast %add3A_472 : i32 to vector<16xi32>
      %add3A_474 = arith.addi %select_n3A_471, %add3A_473 : vector<16xi32>
      tpu.vector_store_idx %arg4[%add3A_474], %get3A_442 masked %and3A_464 : memref<36864xi32, #tpu.memory_space<vmem>>[vector<16xi32>], vector<16xi32>, vector<16xi1>
      tpu.vector_store_idx %arg5[%shift_right_logical3A_445], %broadcast_in_dim3A_3 masked %and3A_464 {add = true} : memref<304xi32, #tpu.memory_space<vmem>>[vector<16xi32>], vector<16xi32>, vector<16xi1>
      %scan3A_475 = arith.constant 3 : i32
      %scan3A_476 = arith.addi %scan3A_353, %scan3A_475 : i32
      %mul3A_477 = arith.constant 16 : i32
      %mul3A_478 = arith.muli %scan3A_476, %mul3A_477 : i32
      %get3A_479 = arith.index_cast %mul3A_478 : i32 to index
      %get3A_480 = tpu.vector_load %arg7[%get3A_479] {strides = array<i32>} : memref<16384xi32, #tpu.memory_space<vmem>>, vector<16xi32>,
      %mul3A_481 = arith.constant 16 : i32
      %mul3A_482 = arith.muli %scan3A_476, %mul3A_481 : i32
      %add3A_483 = arith.constant 8192 : i32
      %add3A_484 = arith.addi %add3A_483, %mul3A_482 : i32
      %get3A_485 = arith.index_cast %add3A_484 : i32 to index
      %get3A_486 = tpu.vector_load %arg7[%get3A_485] {strides = array<i32>} : memref<16384xi32, #tpu.memory_space<vmem>>, vector<16xi32>,
      %shift_right_logical3A_487 = arith.constant 16 : i32
      %shift_right_logical3A_488 = vector.broadcast %shift_right_logical3A_487 : i32 to vector<16xi32>
      %shift_right_logical3A_489 = arith.shrui %get3A_480, %shift_right_logical3A_488 : vector<16xi32>
      %and3A_490 = arith.constant 65535 : i32
      %and3A_491 = vector.broadcast %and3A_490 : i32 to vector<16xi32>
      %and3A_492 = arith.andi %get3A_480, %and3A_491 : vector<16xi32>
      %broadcast_in_dim3A_493 = arith.constant true
      %broadcast_in_dim3A_494 = vector.broadcast %broadcast_in_dim3A_493 : i1 to vector<16xi1>
      %unique3A_495, %unique3A_496 = tpu.scan_count mask(%broadcast_in_dim3A_494 : vector<16xi1>) value(%shift_right_logical3A_489 : vector<16xi32>) : vector<16xi1>, vector<16xi32>
      %gather3A_497 = tpu.vector_load_idx %arg5[%shift_right_logical3A_489] : memref<304xi32, #tpu.memory_space<vmem>>[vector<16xi32>], vector<16xi32>,
      %add3A_498 = arith.addi %gather3A_497, %unique3A_496 : vector<16xi32>
      %sub3A_499 = arith.constant 1 : i32
      %sub3A_500 = vector.broadcast %sub3A_499 : i32 to vector<16xi32>
      %sub3A_501 = arith.subi %add3A_498, %sub3A_500 : vector<16xi32>
      %lt3A_502 = arith.constant 288 : i32
      %lt3A_503 = vector.broadcast %lt3A_502 : i32 to vector<16xi32>
      %lt3A_504 = arith.cmpi slt, %shift_right_logical3A_489, %lt3A_503 : vector<16xi32>
      %lt3A_505 = arith.constant 64 : i32
      %lt3A_506 = vector.broadcast %lt3A_505 : i32 to vector<16xi32>
      %lt3A_507 = arith.cmpi slt, %sub3A_501, %lt3A_506 : vector<16xi32>
      %and3A_508 = arith.andi %lt3A_504, %lt3A_507 : vector<16xi1>
      %mul3A_509 = arith.constant 128 : i32
      %mul3A_510 = vector.broadcast %mul3A_509 : i32 to vector<16xi32>
      %mul3A_511 = arith.muli %shift_right_logical3A_489, %mul3A_510 : vector<16xi32>
      %add3A_512 = arith.addi %mul3A_511, %sub3A_501 : vector<16xi32>
      %jit3A_513 = arith.constant 0 : i32
      %broadcast_in_dim3A_514 = vector.broadcast %jit3A_513 : i32 to vector<16xi32>
      %select_n3A_515 = arith.select %and3A_508, %add3A_512, %broadcast_in_dim3A_514 : vector<16xi1>, vector<16xi32>
      tpu.vector_store_idx %arg4[%select_n3A_515], %and3A_492 masked %and3A_508 : memref<36864xi32, #tpu.memory_space<vmem>>[vector<16xi32>], vector<16xi32>, vector<16xi1>
      %add3A_516 = arith.constant 64 : i32
      %add3A_517 = vector.broadcast %add3A_516 : i32 to vector<16xi32>
      %add3A_518 = arith.addi %select_n3A_515, %add3A_517 : vector<16xi32>
      tpu.vector_store_idx %arg4[%add3A_518], %get3A_486 masked %and3A_508 : memref<36864xi32, #tpu.memory_space<vmem>>[vector<16xi32>], vector<16xi32>, vector<16xi1>
      tpu.vector_store_idx %arg5[%shift_right_logical3A_489], %broadcast_in_dim3A_3 masked %and3A_508 {add = true} : memref<304xi32, #tpu.memory_space<vmem>>[vector<16xi32>], vector<16xi32>, vector<16xi1>
    }
    %scan3A_174 = arith.constant 512 : i32
    %mul3A_175 = arith.constant 8 : i32
    %mul3A_176 = arith.muli %add3A, %mul3A_175 : i32
    %add3A_177 = arith.constant 5 : i32
    %add3A_178 = arith.addi %mul3A_176, %add3A_177 : i32
    %mul3A_179 = arith.constant 2 : i32
    %mul3A_180 = arith.muli %add3A_178, %mul3A_179 : i32
    %mul3A_181 = arith.constant 8192 : i32
    %mul3A_182 = arith.muli %mul3A_180, %mul3A_181 : i32
    %dma_start3A_183 = tpu.memref_slice %arg2[%mul3A_182] : memref<4194304xi32, #tpu.memory_space<hbm>> -> memref<16384xi32, #tpu.memory_space<hbm>>
    %dma_start3A_184 = tpu.memref_slice %arg2[%mul3A_182] : memref<4194304xi32, #tpu.memory_space<hbm>> -> memref<16384xi32, #tpu.memory_space<hbm>>
    tpu.enqueue_dma source(%dma_start3A_184 : memref<16384xi32, #tpu.memory_space<hbm>>) target(%arg7 : memref<16384xi32, #tpu.memory_space<vmem>>) target_semaphore(%arg9 : memref<!tpu.dma_semaphore, #tpu.memory_space<semaphore_mem>>)
    %scan3A_185 = arith.constant 0 : i32
    %scan3A_186 = arith.constant 0 : i32
    %scan3A_187 = arith.constant 288 : i32
    %scan3A_188 = arith.addi %scan3A_186, %scan3A_187 : i32
    %scan3A_189 = arith.constant 1 : i32
    scf.for %scan3A_353 = %scan3A_186 to %scan3A_188 step %scan3A_189  : i32 {
      %mul3A_354 = arith.constant 32 : i32
      %mul3A_355 = arith.muli %scan3A_353, %mul3A_354 : i32
      %add3A_356 = arith.addi %mul3A_355, %add3A : i32
      %mul3A_357 = arith.constant 8 : i32
      %mul3A_358 = arith.muli %add3A_356, %mul3A_357 : i32
      %add3A_359 = arith.constant 3 : i32
      %add3A_360 = arith.addi %mul3A_358, %add3A_359 : i32
      %mul3A_361 = arith.constant 128 : i32
      %mul3A_362 = arith.muli %add3A_360, %mul3A_361 : i32
      %mul3A_363 = arith.constant 128 : i32
      %mul3A_364 = arith.muli %scan3A_353, %mul3A_363 : i32
      %dma_start3A_365 = tpu.memref_slice %arg4[%mul3A_364] : memref<36864xi32, #tpu.memory_space<vmem>> -> memref<128xi32, #tpu.memory_space<vmem>>
      %dma_start3A_366 = tpu.memref_slice %arg3[%mul3A_362] : memref<9437184xi32, #tpu.memory_space<hbm>> -> memref<128xi32, #tpu.memory_space<hbm>>
      %dma_start3A_367 = tpu.memref_slice %arg3[%mul3A_362] : memref<9437184xi32, #tpu.memory_space<hbm>> -> memref<128xi32, #tpu.memory_space<hbm>>
      %dma_start3A_368 = tpu.memref_slice %arg4[%mul3A_364] : memref<36864xi32, #tpu.memory_space<vmem>> -> memref<128xi32, #tpu.memory_space<vmem>>
      tpu.enqueue_dma source(%dma_start3A_368 : memref<128xi32, #tpu.memory_space<vmem>>) target(%dma_start3A_367 : memref<128xi32, #tpu.memory_space<hbm>>) target_semaphore(%arg10 : memref<!tpu.dma_semaphore, #tpu.memory_space<semaphore_mem>>)
    }
    %scan3A_190 = arith.constant 288 : i32
    %scan3A_191 = arith.constant 0 : i32
    %scan3A_192 = arith.constant 0 : i32
    %scan3A_193 = arith.constant 288 : i32
    %scan3A_194 = arith.addi %scan3A_192, %scan3A_193 : i32
    %scan3A_195 = arith.constant 1 : i32
    scf.for %scan3A_353 = %scan3A_192 to %scan3A_194 step %scan3A_195  : i32 {
      %dma_wait3A_354 = arith.constant 0 : i32
      %dma_wait3A_355 = tpu.memref_slice %arg4[%dma_wait3A_354] : memref<36864xi32, #tpu.memory_space<vmem>> -> memref<128xi32, #tpu.memory_space<vmem>>
      %dma_wait3A_356 = arith.constant 0 : i32
      %dma_wait3A_357 = tpu.memref_slice %arg3[%dma_wait3A_356] : memref<9437184xi32, #tpu.memory_space<hbm>> -> memref<128xi32, #tpu.memory_space<hbm>>
      %dma_wait3A_358 = arith.constant 0 : i32
      %dma_wait3A_359 = tpu.memref_slice %arg3[%dma_wait3A_358] : memref<9437184xi32, #tpu.memory_space<hbm>> -> memref<128xi32, #tpu.memory_space<hbm>>
      %dma_wait3A_360 = arith.constant 0 : i32
      %dma_wait3A_361 = tpu.memref_slice %arg4[%dma_wait3A_360] : memref<36864xi32, #tpu.memory_space<vmem>> -> memref<128xi32, #tpu.memory_space<vmem>>
      tpu.wait_dma2 semaphore(%arg10 : memref<!tpu.dma_semaphore, #tpu.memory_space<semaphore_mem>>) src(%dma_wait3A_361 : memref<128xi32, #tpu.memory_space<vmem>>) dst(%dma_wait3A_359 : memref<128xi32, #tpu.memory_space<hbm>>)
    }
    %scan3A_196 = arith.constant 288 : i32
    %scan3A_197 = arith.constant 0 : i32
    %scan3A_198 = arith.constant 0 : i32
    %scan3A_199 = arith.constant 288 : i32
    %scan3A_200 = arith.addi %scan3A_198, %scan3A_199 : i32
    %scan3A_201 = arith.constant 1 : i32
    scf.for %scan3A_353 = %scan3A_198 to %scan3A_200 step %scan3A_201  : i32 {
      %mul3A_354 = arith.constant 128 : i32
      %mul3A_355 = arith.muli %scan3A_353, %mul3A_354 : i32
      %add3A_356 = arith.constant 64 : i32
      %add3A_357 = arith.addi %mul3A_355, %add3A_356 : i32
      %add3A_358 = arith.constant 0 : i32
      %add3A_359 = arith.addi %add3A_357, %add3A_358 : i32
      %swap3A = arith.index_cast %add3A_359 : i32 to index
      %swap3A_360 = tpu.vector_load %arg4[%swap3A] {strides = array<i32>} : memref<36864xi32, #tpu.memory_space<vmem>>, vector<16xi32>,
      tpu.vector_store %arg4[%swap3A], %broadcast_in_dim3A_1 {strides = array<i32>} : memref<36864xi32, #tpu.memory_space<vmem>>, vector<16xi32>,
      %mul3A_361 = arith.constant 128 : i32
      %mul3A_362 = arith.muli %scan3A_353, %mul3A_361 : i32
      %add3A_363 = arith.constant 64 : i32
      %add3A_364 = arith.addi %mul3A_362, %add3A_363 : i32
      %add3A_365 = arith.constant 16 : i32
      %add3A_366 = arith.addi %add3A_364, %add3A_365 : i32
      %swap3A_367 = arith.index_cast %add3A_366 : i32 to index
      %swap3A_368 = tpu.vector_load %arg4[%swap3A_367] {strides = array<i32>} : memref<36864xi32, #tpu.memory_space<vmem>>, vector<16xi32>,
      tpu.vector_store %arg4[%swap3A_367], %broadcast_in_dim3A_1 {strides = array<i32>} : memref<36864xi32, #tpu.memory_space<vmem>>, vector<16xi32>,
      %mul3A_369 = arith.constant 128 : i32
      %mul3A_370 = arith.muli %scan3A_353, %mul3A_369 : i32
      %add3A_371 = arith.constant 64 : i32
      %add3A_372 = arith.addi %mul3A_370, %add3A_371 : i32
      %add3A_373 = arith.constant 32 : i32
      %add3A_374 = arith.addi %add3A_372, %add3A_373 : i32
      %swap3A_375 = arith.index_cast %add3A_374 : i32 to index
      %swap3A_376 = tpu.vector_load %arg4[%swap3A_375] {strides = array<i32>} : memref<36864xi32, #tpu.memory_space<vmem>>, vector<16xi32>,
      tpu.vector_store %arg4[%swap3A_375], %broadcast_in_dim3A_1 {strides = array<i32>} : memref<36864xi32, #tpu.memory_space<vmem>>, vector<16xi32>,
      %mul3A_377 = arith.constant 128 : i32
      %mul3A_378 = arith.muli %scan3A_353, %mul3A_377 : i32
      %add3A_379 = arith.constant 64 : i32
      %add3A_380 = arith.addi %mul3A_378, %add3A_379 : i32
      %add3A_381 = arith.constant 48 : i32
      %add3A_382 = arith.addi %add3A_380, %add3A_381 : i32
      %swap3A_383 = arith.index_cast %add3A_382 : i32 to index
      %swap3A_384 = tpu.vector_load %arg4[%swap3A_383] {strides = array<i32>} : memref<36864xi32, #tpu.memory_space<vmem>>, vector<16xi32>,
      tpu.vector_store %arg4[%swap3A_383], %broadcast_in_dim3A_1 {strides = array<i32>} : memref<36864xi32, #tpu.memory_space<vmem>>, vector<16xi32>,
    }
    %scan3A_202 = arith.constant 288 : i32
    %scan3A_203 = arith.constant 0 : i32
    %scan3A_204 = arith.constant 0 : i32
    %scan3A_205 = arith.constant 19 : i32
    %scan3A_206 = arith.addi %scan3A_204, %scan3A_205 : i32
    %scan3A_207 = arith.constant 1 : i32
    scf.for %scan3A_353 = %scan3A_204 to %scan3A_206 step %scan3A_207  : i32 {
      %mul3A_354 = arith.constant 16 : i32
      %mul3A_355 = arith.muli %scan3A_353, %mul3A_354 : i32
      %swap3A = arith.index_cast %mul3A_355 : i32 to index
      %swap3A_356 = tpu.vector_load %arg5[%swap3A] {strides = array<i32>} : memref<304xi32, #tpu.memory_space<vmem>>, vector<16xi32>,
      tpu.vector_store %arg5[%swap3A], %broadcast_in_dim3A_1 {strides = array<i32>} : memref<304xi32, #tpu.memory_space<vmem>>, vector<16xi32>,
    }
    %scan3A_208 = arith.constant 19 : i32
    %dma_wait3A_209 = arith.constant 0 : i32
    %dma_wait3A_210 = tpu.memref_slice %arg2[%dma_wait3A_209] : memref<4194304xi32, #tpu.memory_space<hbm>> -> memref<16384xi32, #tpu.memory_space<hbm>>
    %dma_wait3A_211 = arith.constant 0 : i32
    %dma_wait3A_212 = tpu.memref_slice %arg2[%dma_wait3A_211] : memref<4194304xi32, #tpu.memory_space<hbm>> -> memref<16384xi32, #tpu.memory_space<hbm>>
    tpu.wait_dma2 semaphore(%arg8 : memref<!tpu.dma_semaphore, #tpu.memory_space<semaphore_mem>>) src(%dma_wait3A_212 : memref<16384xi32, #tpu.memory_space<hbm>>) dst(%arg6 : memref<16384xi32, #tpu.memory_space<vmem>>)
    %scan3A_213 = arith.constant 0 : i32
    %scan3A_214 = arith.constant 0 : i32
    %scan3A_215 = arith.constant 512 : i32
    %scan3A_216 = arith.addi %scan3A_214, %scan3A_215 : i32
    %scan3A_217 = arith.constant 4 : i32
    scf.for %scan3A_353 = %scan3A_214 to %scan3A_216 step %scan3A_217  : i32 {
      %mul3A_354 = arith.constant 16 : i32
      %mul3A_355 = arith.muli %scan3A_353, %mul3A_354 : i32
      %get3A = arith.index_cast %mul3A_355 : i32 to index
      %get3A_356 = tpu.vector_load %arg6[%get3A] {strides = array<i32>} : memref<16384xi32, #tpu.memory_space<vmem>>, vector<16xi32>,
      %mul3A_357 = arith.constant 16 : i32
      %mul3A_358 = arith.muli %scan3A_353, %mul3A_357 : i32
      %add3A_359 = arith.constant 8192 : i32
      %add3A_360 = arith.addi %add3A_359, %mul3A_358 : i32
      %get3A_361 = arith.index_cast %add3A_360 : i32 to index
      %get3A_362 = tpu.vector_load %arg6[%get3A_361] {strides = array<i32>} : memref<16384xi32, #tpu.memory_space<vmem>>, vector<16xi32>,
      %shift_right_logical3A = arith.constant 16 : i32
      %shift_right_logical3A_363 = vector.broadcast %shift_right_logical3A : i32 to vector<16xi32>
      %shift_right_logical3A_364 = arith.shrui %get3A_356, %shift_right_logical3A_363 : vector<16xi32>
      %and3A = arith.constant 65535 : i32
      %and3A_365 = vector.broadcast %and3A : i32 to vector<16xi32>
      %and3A_366 = arith.andi %get3A_356, %and3A_365 : vector<16xi32>
      %broadcast_in_dim3A_367 = arith.constant true
      %broadcast_in_dim3A_368 = vector.broadcast %broadcast_in_dim3A_367 : i1 to vector<16xi1>
      %unique3A, %unique3A_369 = tpu.scan_count mask(%broadcast_in_dim3A_368 : vector<16xi1>) value(%shift_right_logical3A_364 : vector<16xi32>) : vector<16xi1>, vector<16xi32>
      %gather3A = tpu.vector_load_idx %arg5[%shift_right_logical3A_364] : memref<304xi32, #tpu.memory_space<vmem>>[vector<16xi32>], vector<16xi32>,
      %add3A_370 = arith.addi %gather3A, %unique3A_369 : vector<16xi32>
      %sub3A = arith.constant 1 : i32
      %sub3A_371 = vector.broadcast %sub3A : i32 to vector<16xi32>
      %sub3A_372 = arith.subi %add3A_370, %sub3A_371 : vector<16xi32>
      %lt3A = arith.constant 288 : i32
      %lt3A_373 = vector.broadcast %lt3A : i32 to vector<16xi32>
      %lt3A_374 = arith.cmpi slt, %shift_right_logical3A_364, %lt3A_373 : vector<16xi32>
      %lt3A_375 = arith.constant 64 : i32
      %lt3A_376 = vector.broadcast %lt3A_375 : i32 to vector<16xi32>
      %lt3A_377 = arith.cmpi slt, %sub3A_372, %lt3A_376 : vector<16xi32>
      %and3A_378 = arith.andi %lt3A_374, %lt3A_377 : vector<16xi1>
      %mul3A_379 = arith.constant 128 : i32
      %mul3A_380 = vector.broadcast %mul3A_379 : i32 to vector<16xi32>
      %mul3A_381 = arith.muli %shift_right_logical3A_364, %mul3A_380 : vector<16xi32>
      %add3A_382 = arith.addi %mul3A_381, %sub3A_372 : vector<16xi32>
      %jit3A = arith.constant 0 : i32
      %broadcast_in_dim3A_383 = vector.broadcast %jit3A : i32 to vector<16xi32>
      %select_n3A = arith.select %and3A_378, %add3A_382, %broadcast_in_dim3A_383 : vector<16xi1>, vector<16xi32>
      tpu.vector_store_idx %arg4[%select_n3A], %and3A_366 masked %and3A_378 : memref<36864xi32, #tpu.memory_space<vmem>>[vector<16xi32>], vector<16xi32>, vector<16xi1>
      %add3A_384 = arith.constant 64 : i32
      %add3A_385 = vector.broadcast %add3A_384 : i32 to vector<16xi32>
      %add3A_386 = arith.addi %select_n3A, %add3A_385 : vector<16xi32>
      tpu.vector_store_idx %arg4[%add3A_386], %get3A_362 masked %and3A_378 : memref<36864xi32, #tpu.memory_space<vmem>>[vector<16xi32>], vector<16xi32>, vector<16xi1>
      tpu.vector_store_idx %arg5[%shift_right_logical3A_364], %broadcast_in_dim3A_3 masked %and3A_378 {add = true} : memref<304xi32, #tpu.memory_space<vmem>>[vector<16xi32>], vector<16xi32>, vector<16xi1>
      %scan3A_387 = arith.constant 1 : i32
      %scan3A_388 = arith.addi %scan3A_353, %scan3A_387 : i32
      %mul3A_389 = arith.constant 16 : i32
      %mul3A_390 = arith.muli %scan3A_388, %mul3A_389 : i32
      %get3A_391 = arith.index_cast %mul3A_390 : i32 to index
      %get3A_392 = tpu.vector_load %arg6[%get3A_391] {strides = array<i32>} : memref<16384xi32, #tpu.memory_space<vmem>>, vector<16xi32>,
      %mul3A_393 = arith.constant 16 : i32
      %mul3A_394 = arith.muli %scan3A_388, %mul3A_393 : i32
      %add3A_395 = arith.constant 8192 : i32
      %add3A_396 = arith.addi %add3A_395, %mul3A_394 : i32
      %get3A_397 = arith.index_cast %add3A_396 : i32 to index
      %get3A_398 = tpu.vector_load %arg6[%get3A_397] {strides = array<i32>} : memref<16384xi32, #tpu.memory_space<vmem>>, vector<16xi32>,
      %shift_right_logical3A_399 = arith.constant 16 : i32
      %shift_right_logical3A_400 = vector.broadcast %shift_right_logical3A_399 : i32 to vector<16xi32>
      %shift_right_logical3A_401 = arith.shrui %get3A_392, %shift_right_logical3A_400 : vector<16xi32>
      %and3A_402 = arith.constant 65535 : i32
      %and3A_403 = vector.broadcast %and3A_402 : i32 to vector<16xi32>
      %and3A_404 = arith.andi %get3A_392, %and3A_403 : vector<16xi32>
      %broadcast_in_dim3A_405 = arith.constant true
      %broadcast_in_dim3A_406 = vector.broadcast %broadcast_in_dim3A_405 : i1 to vector<16xi1>
      %unique3A_407, %unique3A_408 = tpu.scan_count mask(%broadcast_in_dim3A_406 : vector<16xi1>) value(%shift_right_logical3A_401 : vector<16xi32>) : vector<16xi1>, vector<16xi32>
      %gather3A_409 = tpu.vector_load_idx %arg5[%shift_right_logical3A_401] : memref<304xi32, #tpu.memory_space<vmem>>[vector<16xi32>], vector<16xi32>,
      %add3A_410 = arith.addi %gather3A_409, %unique3A_408 : vector<16xi32>
      %sub3A_411 = arith.constant 1 : i32
      %sub3A_412 = vector.broadcast %sub3A_411 : i32 to vector<16xi32>
      %sub3A_413 = arith.subi %add3A_410, %sub3A_412 : vector<16xi32>
      %lt3A_414 = arith.constant 288 : i32
      %lt3A_415 = vector.broadcast %lt3A_414 : i32 to vector<16xi32>
      %lt3A_416 = arith.cmpi slt, %shift_right_logical3A_401, %lt3A_415 : vector<16xi32>
      %lt3A_417 = arith.constant 64 : i32
      %lt3A_418 = vector.broadcast %lt3A_417 : i32 to vector<16xi32>
      %lt3A_419 = arith.cmpi slt, %sub3A_413, %lt3A_418 : vector<16xi32>
      %and3A_420 = arith.andi %lt3A_416, %lt3A_419 : vector<16xi1>
      %mul3A_421 = arith.constant 128 : i32
      %mul3A_422 = vector.broadcast %mul3A_421 : i32 to vector<16xi32>
      %mul3A_423 = arith.muli %shift_right_logical3A_401, %mul3A_422 : vector<16xi32>
      %add3A_424 = arith.addi %mul3A_423, %sub3A_413 : vector<16xi32>
      %jit3A_425 = arith.constant 0 : i32
      %broadcast_in_dim3A_426 = vector.broadcast %jit3A_425 : i32 to vector<16xi32>
      %select_n3A_427 = arith.select %and3A_420, %add3A_424, %broadcast_in_dim3A_426 : vector<16xi1>, vector<16xi32>
      tpu.vector_store_idx %arg4[%select_n3A_427], %and3A_404 masked %and3A_420 : memref<36864xi32, #tpu.memory_space<vmem>>[vector<16xi32>], vector<16xi32>, vector<16xi1>
      %add3A_428 = arith.constant 64 : i32
      %add3A_429 = vector.broadcast %add3A_428 : i32 to vector<16xi32>
      %add3A_430 = arith.addi %select_n3A_427, %add3A_429 : vector<16xi32>
      tpu.vector_store_idx %arg4[%add3A_430], %get3A_398 masked %and3A_420 : memref<36864xi32, #tpu.memory_space<vmem>>[vector<16xi32>], vector<16xi32>, vector<16xi1>
      tpu.vector_store_idx %arg5[%shift_right_logical3A_401], %broadcast_in_dim3A_3 masked %and3A_420 {add = true} : memref<304xi32, #tpu.memory_space<vmem>>[vector<16xi32>], vector<16xi32>, vector<16xi1>
      %scan3A_431 = arith.constant 2 : i32
      %scan3A_432 = arith.addi %scan3A_353, %scan3A_431 : i32
      %mul3A_433 = arith.constant 16 : i32
      %mul3A_434 = arith.muli %scan3A_432, %mul3A_433 : i32
      %get3A_435 = arith.index_cast %mul3A_434 : i32 to index
      %get3A_436 = tpu.vector_load %arg6[%get3A_435] {strides = array<i32>} : memref<16384xi32, #tpu.memory_space<vmem>>, vector<16xi32>,
      %mul3A_437 = arith.constant 16 : i32
      %mul3A_438 = arith.muli %scan3A_432, %mul3A_437 : i32
      %add3A_439 = arith.constant 8192 : i32
      %add3A_440 = arith.addi %add3A_439, %mul3A_438 : i32
      %get3A_441 = arith.index_cast %add3A_440 : i32 to index
      %get3A_442 = tpu.vector_load %arg6[%get3A_441] {strides = array<i32>} : memref<16384xi32, #tpu.memory_space<vmem>>, vector<16xi32>,
      %shift_right_logical3A_443 = arith.constant 16 : i32
      %shift_right_logical3A_444 = vector.broadcast %shift_right_logical3A_443 : i32 to vector<16xi32>
      %shift_right_logical3A_445 = arith.shrui %get3A_436, %shift_right_logical3A_444 : vector<16xi32>
      %and3A_446 = arith.constant 65535 : i32
      %and3A_447 = vector.broadcast %and3A_446 : i32 to vector<16xi32>
      %and3A_448 = arith.andi %get3A_436, %and3A_447 : vector<16xi32>
      %broadcast_in_dim3A_449 = arith.constant true
      %broadcast_in_dim3A_450 = vector.broadcast %broadcast_in_dim3A_449 : i1 to vector<16xi1>
      %unique3A_451, %unique3A_452 = tpu.scan_count mask(%broadcast_in_dim3A_450 : vector<16xi1>) value(%shift_right_logical3A_445 : vector<16xi32>) : vector<16xi1>, vector<16xi32>
      %gather3A_453 = tpu.vector_load_idx %arg5[%shift_right_logical3A_445] : memref<304xi32, #tpu.memory_space<vmem>>[vector<16xi32>], vector<16xi32>,
      %add3A_454 = arith.addi %gather3A_453, %unique3A_452 : vector<16xi32>
      %sub3A_455 = arith.constant 1 : i32
      %sub3A_456 = vector.broadcast %sub3A_455 : i32 to vector<16xi32>
      %sub3A_457 = arith.subi %add3A_454, %sub3A_456 : vector<16xi32>
      %lt3A_458 = arith.constant 288 : i32
      %lt3A_459 = vector.broadcast %lt3A_458 : i32 to vector<16xi32>
      %lt3A_460 = arith.cmpi slt, %shift_right_logical3A_445, %lt3A_459 : vector<16xi32>
      %lt3A_461 = arith.constant 64 : i32
      %lt3A_462 = vector.broadcast %lt3A_461 : i32 to vector<16xi32>
      %lt3A_463 = arith.cmpi slt, %sub3A_457, %lt3A_462 : vector<16xi32>
      %and3A_464 = arith.andi %lt3A_460, %lt3A_463 : vector<16xi1>
      %mul3A_465 = arith.constant 128 : i32
      %mul3A_466 = vector.broadcast %mul3A_465 : i32 to vector<16xi32>
      %mul3A_467 = arith.muli %shift_right_logical3A_445, %mul3A_466 : vector<16xi32>
      %add3A_468 = arith.addi %mul3A_467, %sub3A_457 : vector<16xi32>
      %jit3A_469 = arith.constant 0 : i32
      %broadcast_in_dim3A_470 = vector.broadcast %jit3A_469 : i32 to vector<16xi32>
      %select_n3A_471 = arith.select %and3A_464, %add3A_468, %broadcast_in_dim3A_470 : vector<16xi1>, vector<16xi32>
      tpu.vector_store_idx %arg4[%select_n3A_471], %and3A_448 masked %and3A_464 : memref<36864xi32, #tpu.memory_space<vmem>>[vector<16xi32>], vector<16xi32>, vector<16xi1>
      %add3A_472 = arith.constant 64 : i32
      %add3A_473 = vector.broadcast %add3A_472 : i32 to vector<16xi32>
      %add3A_474 = arith.addi %select_n3A_471, %add3A_473 : vector<16xi32>
      tpu.vector_store_idx %arg4[%add3A_474], %get3A_442 masked %and3A_464 : memref<36864xi32, #tpu.memory_space<vmem>>[vector<16xi32>], vector<16xi32>, vector<16xi1>
      tpu.vector_store_idx %arg5[%shift_right_logical3A_445], %broadcast_in_dim3A_3 masked %and3A_464 {add = true} : memref<304xi32, #tpu.memory_space<vmem>>[vector<16xi32>], vector<16xi32>, vector<16xi1>
      %scan3A_475 = arith.constant 3 : i32
      %scan3A_476 = arith.addi %scan3A_353, %scan3A_475 : i32
      %mul3A_477 = arith.constant 16 : i32
      %mul3A_478 = arith.muli %scan3A_476, %mul3A_477 : i32
      %get3A_479 = arith.index_cast %mul3A_478 : i32 to index
      %get3A_480 = tpu.vector_load %arg6[%get3A_479] {strides = array<i32>} : memref<16384xi32, #tpu.memory_space<vmem>>, vector<16xi32>,
      %mul3A_481 = arith.constant 16 : i32
      %mul3A_482 = arith.muli %scan3A_476, %mul3A_481 : i32
      %add3A_483 = arith.constant 8192 : i32
      %add3A_484 = arith.addi %add3A_483, %mul3A_482 : i32
      %get3A_485 = arith.index_cast %add3A_484 : i32 to index
      %get3A_486 = tpu.vector_load %arg6[%get3A_485] {strides = array<i32>} : memref<16384xi32, #tpu.memory_space<vmem>>, vector<16xi32>,
      %shift_right_logical3A_487 = arith.constant 16 : i32
      %shift_right_logical3A_488 = vector.broadcast %shift_right_logical3A_487 : i32 to vector<16xi32>
      %shift_right_logical3A_489 = arith.shrui %get3A_480, %shift_right_logical3A_488 : vector<16xi32>
      %and3A_490 = arith.constant 65535 : i32
      %and3A_491 = vector.broadcast %and3A_490 : i32 to vector<16xi32>
      %and3A_492 = arith.andi %get3A_480, %and3A_491 : vector<16xi32>
      %broadcast_in_dim3A_493 = arith.constant true
      %broadcast_in_dim3A_494 = vector.broadcast %broadcast_in_dim3A_493 : i1 to vector<16xi1>
      %unique3A_495, %unique3A_496 = tpu.scan_count mask(%broadcast_in_dim3A_494 : vector<16xi1>) value(%shift_right_logical3A_489 : vector<16xi32>) : vector<16xi1>, vector<16xi32>
      %gather3A_497 = tpu.vector_load_idx %arg5[%shift_right_logical3A_489] : memref<304xi32, #tpu.memory_space<vmem>>[vector<16xi32>], vector<16xi32>,
      %add3A_498 = arith.addi %gather3A_497, %unique3A_496 : vector<16xi32>
      %sub3A_499 = arith.constant 1 : i32
      %sub3A_500 = vector.broadcast %sub3A_499 : i32 to vector<16xi32>
      %sub3A_501 = arith.subi %add3A_498, %sub3A_500 : vector<16xi32>
      %lt3A_502 = arith.constant 288 : i32
      %lt3A_503 = vector.broadcast %lt3A_502 : i32 to vector<16xi32>
      %lt3A_504 = arith.cmpi slt, %shift_right_logical3A_489, %lt3A_503 : vector<16xi32>
      %lt3A_505 = arith.constant 64 : i32
      %lt3A_506 = vector.broadcast %lt3A_505 : i32 to vector<16xi32>
      %lt3A_507 = arith.cmpi slt, %sub3A_501, %lt3A_506 : vector<16xi32>
      %and3A_508 = arith.andi %lt3A_504, %lt3A_507 : vector<16xi1>
      %mul3A_509 = arith.constant 128 : i32
      %mul3A_510 = vector.broadcast %mul3A_509 : i32 to vector<16xi32>
      %mul3A_511 = arith.muli %shift_right_logical3A_489, %mul3A_510 : vector<16xi32>
      %add3A_512 = arith.addi %mul3A_511, %sub3A_501 : vector<16xi32>
      %jit3A_513 = arith.constant 0 : i32
      %broadcast_in_dim3A_514 = vector.broadcast %jit3A_513 : i32 to vector<16xi32>
      %select_n3A_515 = arith.select %and3A_508, %add3A_512, %broadcast_in_dim3A_514 : vector<16xi1>, vector<16xi32>
      tpu.vector_store_idx %arg4[%select_n3A_515], %and3A_492 masked %and3A_508 : memref<36864xi32, #tpu.memory_space<vmem>>[vector<16xi32>], vector<16xi32>, vector<16xi1>
      %add3A_516 = arith.constant 64 : i32
      %add3A_517 = vector.broadcast %add3A_516 : i32 to vector<16xi32>
      %add3A_518 = arith.addi %select_n3A_515, %add3A_517 : vector<16xi32>
      tpu.vector_store_idx %arg4[%add3A_518], %get3A_486 masked %and3A_508 : memref<36864xi32, #tpu.memory_space<vmem>>[vector<16xi32>], vector<16xi32>, vector<16xi1>
      tpu.vector_store_idx %arg5[%shift_right_logical3A_489], %broadcast_in_dim3A_3 masked %and3A_508 {add = true} : memref<304xi32, #tpu.memory_space<vmem>>[vector<16xi32>], vector<16xi32>, vector<16xi1>
    }
    %scan3A_218 = arith.constant 512 : i32
    %mul3A_219 = arith.constant 8 : i32
    %mul3A_220 = arith.muli %add3A, %mul3A_219 : i32
    %add3A_221 = arith.constant 6 : i32
    %add3A_222 = arith.addi %mul3A_220, %add3A_221 : i32
    %mul3A_223 = arith.constant 2 : i32
    %mul3A_224 = arith.muli %add3A_222, %mul3A_223 : i32
    %mul3A_225 = arith.constant 8192 : i32
    %mul3A_226 = arith.muli %mul3A_224, %mul3A_225 : i32
    %dma_start3A_227 = tpu.memref_slice %arg2[%mul3A_226] : memref<4194304xi32, #tpu.memory_space<hbm>> -> memref<16384xi32, #tpu.memory_space<hbm>>
    %dma_start3A_228 = tpu.memref_slice %arg2[%mul3A_226] : memref<4194304xi32, #tpu.memory_space<hbm>> -> memref<16384xi32, #tpu.memory_space<hbm>>
    tpu.enqueue_dma source(%dma_start3A_228 : memref<16384xi32, #tpu.memory_space<hbm>>) target(%arg6 : memref<16384xi32, #tpu.memory_space<vmem>>) target_semaphore(%arg8 : memref<!tpu.dma_semaphore, #tpu.memory_space<semaphore_mem>>)
    %scan3A_229 = arith.constant 0 : i32
    %scan3A_230 = arith.constant 0 : i32
    %scan3A_231 = arith.constant 288 : i32
    %scan3A_232 = arith.addi %scan3A_230, %scan3A_231 : i32
    %scan3A_233 = arith.constant 1 : i32
    scf.for %scan3A_353 = %scan3A_230 to %scan3A_232 step %scan3A_233  : i32 {
      %mul3A_354 = arith.constant 32 : i32
      %mul3A_355 = arith.muli %scan3A_353, %mul3A_354 : i32
      %add3A_356 = arith.addi %mul3A_355, %add3A : i32
      %mul3A_357 = arith.constant 8 : i32
      %mul3A_358 = arith.muli %add3A_356, %mul3A_357 : i32
      %add3A_359 = arith.constant 4 : i32
      %add3A_360 = arith.addi %mul3A_358, %add3A_359 : i32
      %mul3A_361 = arith.constant 128 : i32
      %mul3A_362 = arith.muli %add3A_360, %mul3A_361 : i32
      %mul3A_363 = arith.constant 128 : i32
      %mul3A_364 = arith.muli %scan3A_353, %mul3A_363 : i32
      %dma_start3A_365 = tpu.memref_slice %arg4[%mul3A_364] : memref<36864xi32, #tpu.memory_space<vmem>> -> memref<128xi32, #tpu.memory_space<vmem>>
      %dma_start3A_366 = tpu.memref_slice %arg3[%mul3A_362] : memref<9437184xi32, #tpu.memory_space<hbm>> -> memref<128xi32, #tpu.memory_space<hbm>>
      %dma_start3A_367 = tpu.memref_slice %arg3[%mul3A_362] : memref<9437184xi32, #tpu.memory_space<hbm>> -> memref<128xi32, #tpu.memory_space<hbm>>
      %dma_start3A_368 = tpu.memref_slice %arg4[%mul3A_364] : memref<36864xi32, #tpu.memory_space<vmem>> -> memref<128xi32, #tpu.memory_space<vmem>>
      tpu.enqueue_dma source(%dma_start3A_368 : memref<128xi32, #tpu.memory_space<vmem>>) target(%dma_start3A_367 : memref<128xi32, #tpu.memory_space<hbm>>) target_semaphore(%arg10 : memref<!tpu.dma_semaphore, #tpu.memory_space<semaphore_mem>>)
    }
    %scan3A_234 = arith.constant 288 : i32
    %scan3A_235 = arith.constant 0 : i32
    %scan3A_236 = arith.constant 0 : i32
    %scan3A_237 = arith.constant 288 : i32
    %scan3A_238 = arith.addi %scan3A_236, %scan3A_237 : i32
    %scan3A_239 = arith.constant 1 : i32
    scf.for %scan3A_353 = %scan3A_236 to %scan3A_238 step %scan3A_239  : i32 {
      %dma_wait3A_354 = arith.constant 0 : i32
      %dma_wait3A_355 = tpu.memref_slice %arg4[%dma_wait3A_354] : memref<36864xi32, #tpu.memory_space<vmem>> -> memref<128xi32, #tpu.memory_space<vmem>>
      %dma_wait3A_356 = arith.constant 0 : i32
      %dma_wait3A_357 = tpu.memref_slice %arg3[%dma_wait3A_356] : memref<9437184xi32, #tpu.memory_space<hbm>> -> memref<128xi32, #tpu.memory_space<hbm>>
      %dma_wait3A_358 = arith.constant 0 : i32
      %dma_wait3A_359 = tpu.memref_slice %arg3[%dma_wait3A_358] : memref<9437184xi32, #tpu.memory_space<hbm>> -> memref<128xi32, #tpu.memory_space<hbm>>
      %dma_wait3A_360 = arith.constant 0 : i32
      %dma_wait3A_361 = tpu.memref_slice %arg4[%dma_wait3A_360] : memref<36864xi32, #tpu.memory_space<vmem>> -> memref<128xi32, #tpu.memory_space<vmem>>
      tpu.wait_dma2 semaphore(%arg10 : memref<!tpu.dma_semaphore, #tpu.memory_space<semaphore_mem>>) src(%dma_wait3A_361 : memref<128xi32, #tpu.memory_space<vmem>>) dst(%dma_wait3A_359 : memref<128xi32, #tpu.memory_space<hbm>>)
    }
    %scan3A_240 = arith.constant 288 : i32
    %scan3A_241 = arith.constant 0 : i32
    %scan3A_242 = arith.constant 0 : i32
    %scan3A_243 = arith.constant 288 : i32
    %scan3A_244 = arith.addi %scan3A_242, %scan3A_243 : i32
    %scan3A_245 = arith.constant 1 : i32
    scf.for %scan3A_353 = %scan3A_242 to %scan3A_244 step %scan3A_245  : i32 {
      %mul3A_354 = arith.constant 128 : i32
      %mul3A_355 = arith.muli %scan3A_353, %mul3A_354 : i32
      %add3A_356 = arith.constant 64 : i32
      %add3A_357 = arith.addi %mul3A_355, %add3A_356 : i32
      %add3A_358 = arith.constant 0 : i32
      %add3A_359 = arith.addi %add3A_357, %add3A_358 : i32
      %swap3A = arith.index_cast %add3A_359 : i32 to index
      %swap3A_360 = tpu.vector_load %arg4[%swap3A] {strides = array<i32>} : memref<36864xi32, #tpu.memory_space<vmem>>, vector<16xi32>,
      tpu.vector_store %arg4[%swap3A], %broadcast_in_dim3A_1 {strides = array<i32>} : memref<36864xi32, #tpu.memory_space<vmem>>, vector<16xi32>,
      %mul3A_361 = arith.constant 128 : i32
      %mul3A_362 = arith.muli %scan3A_353, %mul3A_361 : i32
      %add3A_363 = arith.constant 64 : i32
      %add3A_364 = arith.addi %mul3A_362, %add3A_363 : i32
      %add3A_365 = arith.constant 16 : i32
      %add3A_366 = arith.addi %add3A_364, %add3A_365 : i32
      %swap3A_367 = arith.index_cast %add3A_366 : i32 to index
      %swap3A_368 = tpu.vector_load %arg4[%swap3A_367] {strides = array<i32>} : memref<36864xi32, #tpu.memory_space<vmem>>, vector<16xi32>,
      tpu.vector_store %arg4[%swap3A_367], %broadcast_in_dim3A_1 {strides = array<i32>} : memref<36864xi32, #tpu.memory_space<vmem>>, vector<16xi32>,
      %mul3A_369 = arith.constant 128 : i32
      %mul3A_370 = arith.muli %scan3A_353, %mul3A_369 : i32
      %add3A_371 = arith.constant 64 : i32
      %add3A_372 = arith.addi %mul3A_370, %add3A_371 : i32
      %add3A_373 = arith.constant 32 : i32
      %add3A_374 = arith.addi %add3A_372, %add3A_373 : i32
      %swap3A_375 = arith.index_cast %add3A_374 : i32 to index
      %swap3A_376 = tpu.vector_load %arg4[%swap3A_375] {strides = array<i32>} : memref<36864xi32, #tpu.memory_space<vmem>>, vector<16xi32>,
      tpu.vector_store %arg4[%swap3A_375], %broadcast_in_dim3A_1 {strides = array<i32>} : memref<36864xi32, #tpu.memory_space<vmem>>, vector<16xi32>,
      %mul3A_377 = arith.constant 128 : i32
      %mul3A_378 = arith.muli %scan3A_353, %mul3A_377 : i32
      %add3A_379 = arith.constant 64 : i32
      %add3A_380 = arith.addi %mul3A_378, %add3A_379 : i32
      %add3A_381 = arith.constant 48 : i32
      %add3A_382 = arith.addi %add3A_380, %add3A_381 : i32
      %swap3A_383 = arith.index_cast %add3A_382 : i32 to index
      %swap3A_384 = tpu.vector_load %arg4[%swap3A_383] {strides = array<i32>} : memref<36864xi32, #tpu.memory_space<vmem>>, vector<16xi32>,
      tpu.vector_store %arg4[%swap3A_383], %broadcast_in_dim3A_1 {strides = array<i32>} : memref<36864xi32, #tpu.memory_space<vmem>>, vector<16xi32>,
    }
    %scan3A_246 = arith.constant 288 : i32
    %scan3A_247 = arith.constant 0 : i32
    %scan3A_248 = arith.constant 0 : i32
    %scan3A_249 = arith.constant 19 : i32
    %scan3A_250 = arith.addi %scan3A_248, %scan3A_249 : i32
    %scan3A_251 = arith.constant 1 : i32
    scf.for %scan3A_353 = %scan3A_248 to %scan3A_250 step %scan3A_251  : i32 {
      %mul3A_354 = arith.constant 16 : i32
      %mul3A_355 = arith.muli %scan3A_353, %mul3A_354 : i32
      %swap3A = arith.index_cast %mul3A_355 : i32 to index
      %swap3A_356 = tpu.vector_load %arg5[%swap3A] {strides = array<i32>} : memref<304xi32, #tpu.memory_space<vmem>>, vector<16xi32>,
      tpu.vector_store %arg5[%swap3A], %broadcast_in_dim3A_1 {strides = array<i32>} : memref<304xi32, #tpu.memory_space<vmem>>, vector<16xi32>,
    }
    %scan3A_252 = arith.constant 19 : i32
    %dma_wait3A_253 = arith.constant 0 : i32
    %dma_wait3A_254 = tpu.memref_slice %arg2[%dma_wait3A_253] : memref<4194304xi32, #tpu.memory_space<hbm>> -> memref<16384xi32, #tpu.memory_space<hbm>>
    %dma_wait3A_255 = arith.constant 0 : i32
    %dma_wait3A_256 = tpu.memref_slice %arg2[%dma_wait3A_255] : memref<4194304xi32, #tpu.memory_space<hbm>> -> memref<16384xi32, #tpu.memory_space<hbm>>
    tpu.wait_dma2 semaphore(%arg9 : memref<!tpu.dma_semaphore, #tpu.memory_space<semaphore_mem>>) src(%dma_wait3A_256 : memref<16384xi32, #tpu.memory_space<hbm>>) dst(%arg7 : memref<16384xi32, #tpu.memory_space<vmem>>)
    %scan3A_257 = arith.constant 0 : i32
    %scan3A_258 = arith.constant 0 : i32
    %scan3A_259 = arith.constant 512 : i32
    %scan3A_260 = arith.addi %scan3A_258, %scan3A_259 : i32
    %scan3A_261 = arith.constant 4 : i32
    scf.for %scan3A_353 = %scan3A_258 to %scan3A_260 step %scan3A_261  : i32 {
      %mul3A_354 = arith.constant 16 : i32
      %mul3A_355 = arith.muli %scan3A_353, %mul3A_354 : i32
      %get3A = arith.index_cast %mul3A_355 : i32 to index
      %get3A_356 = tpu.vector_load %arg7[%get3A] {strides = array<i32>} : memref<16384xi32, #tpu.memory_space<vmem>>, vector<16xi32>,
      %mul3A_357 = arith.constant 16 : i32
      %mul3A_358 = arith.muli %scan3A_353, %mul3A_357 : i32
      %add3A_359 = arith.constant 8192 : i32
      %add3A_360 = arith.addi %add3A_359, %mul3A_358 : i32
      %get3A_361 = arith.index_cast %add3A_360 : i32 to index
      %get3A_362 = tpu.vector_load %arg7[%get3A_361] {strides = array<i32>} : memref<16384xi32, #tpu.memory_space<vmem>>, vector<16xi32>,
      %shift_right_logical3A = arith.constant 16 : i32
      %shift_right_logical3A_363 = vector.broadcast %shift_right_logical3A : i32 to vector<16xi32>
      %shift_right_logical3A_364 = arith.shrui %get3A_356, %shift_right_logical3A_363 : vector<16xi32>
      %and3A = arith.constant 65535 : i32
      %and3A_365 = vector.broadcast %and3A : i32 to vector<16xi32>
      %and3A_366 = arith.andi %get3A_356, %and3A_365 : vector<16xi32>
      %broadcast_in_dim3A_367 = arith.constant true
      %broadcast_in_dim3A_368 = vector.broadcast %broadcast_in_dim3A_367 : i1 to vector<16xi1>
      %unique3A, %unique3A_369 = tpu.scan_count mask(%broadcast_in_dim3A_368 : vector<16xi1>) value(%shift_right_logical3A_364 : vector<16xi32>) : vector<16xi1>, vector<16xi32>
      %gather3A = tpu.vector_load_idx %arg5[%shift_right_logical3A_364] : memref<304xi32, #tpu.memory_space<vmem>>[vector<16xi32>], vector<16xi32>,
      %add3A_370 = arith.addi %gather3A, %unique3A_369 : vector<16xi32>
      %sub3A = arith.constant 1 : i32
      %sub3A_371 = vector.broadcast %sub3A : i32 to vector<16xi32>
      %sub3A_372 = arith.subi %add3A_370, %sub3A_371 : vector<16xi32>
      %lt3A = arith.constant 288 : i32
      %lt3A_373 = vector.broadcast %lt3A : i32 to vector<16xi32>
      %lt3A_374 = arith.cmpi slt, %shift_right_logical3A_364, %lt3A_373 : vector<16xi32>
      %lt3A_375 = arith.constant 64 : i32
      %lt3A_376 = vector.broadcast %lt3A_375 : i32 to vector<16xi32>
      %lt3A_377 = arith.cmpi slt, %sub3A_372, %lt3A_376 : vector<16xi32>
      %and3A_378 = arith.andi %lt3A_374, %lt3A_377 : vector<16xi1>
      %mul3A_379 = arith.constant 128 : i32
      %mul3A_380 = vector.broadcast %mul3A_379 : i32 to vector<16xi32>
      %mul3A_381 = arith.muli %shift_right_logical3A_364, %mul3A_380 : vector<16xi32>
      %add3A_382 = arith.addi %mul3A_381, %sub3A_372 : vector<16xi32>
      %jit3A = arith.constant 0 : i32
      %broadcast_in_dim3A_383 = vector.broadcast %jit3A : i32 to vector<16xi32>
      %select_n3A = arith.select %and3A_378, %add3A_382, %broadcast_in_dim3A_383 : vector<16xi1>, vector<16xi32>
      tpu.vector_store_idx %arg4[%select_n3A], %and3A_366 masked %and3A_378 : memref<36864xi32, #tpu.memory_space<vmem>>[vector<16xi32>], vector<16xi32>, vector<16xi1>
      %add3A_384 = arith.constant 64 : i32
      %add3A_385 = vector.broadcast %add3A_384 : i32 to vector<16xi32>
      %add3A_386 = arith.addi %select_n3A, %add3A_385 : vector<16xi32>
      tpu.vector_store_idx %arg4[%add3A_386], %get3A_362 masked %and3A_378 : memref<36864xi32, #tpu.memory_space<vmem>>[vector<16xi32>], vector<16xi32>, vector<16xi1>
      tpu.vector_store_idx %arg5[%shift_right_logical3A_364], %broadcast_in_dim3A_3 masked %and3A_378 {add = true} : memref<304xi32, #tpu.memory_space<vmem>>[vector<16xi32>], vector<16xi32>, vector<16xi1>
      %scan3A_387 = arith.constant 1 : i32
      %scan3A_388 = arith.addi %scan3A_353, %scan3A_387 : i32
      %mul3A_389 = arith.constant 16 : i32
      %mul3A_390 = arith.muli %scan3A_388, %mul3A_389 : i32
      %get3A_391 = arith.index_cast %mul3A_390 : i32 to index
      %get3A_392 = tpu.vector_load %arg7[%get3A_391] {strides = array<i32>} : memref<16384xi32, #tpu.memory_space<vmem>>, vector<16xi32>,
      %mul3A_393 = arith.constant 16 : i32
      %mul3A_394 = arith.muli %scan3A_388, %mul3A_393 : i32
      %add3A_395 = arith.constant 8192 : i32
      %add3A_396 = arith.addi %add3A_395, %mul3A_394 : i32
      %get3A_397 = arith.index_cast %add3A_396 : i32 to index
      %get3A_398 = tpu.vector_load %arg7[%get3A_397] {strides = array<i32>} : memref<16384xi32, #tpu.memory_space<vmem>>, vector<16xi32>,
      %shift_right_logical3A_399 = arith.constant 16 : i32
      %shift_right_logical3A_400 = vector.broadcast %shift_right_logical3A_399 : i32 to vector<16xi32>
      %shift_right_logical3A_401 = arith.shrui %get3A_392, %shift_right_logical3A_400 : vector<16xi32>
      %and3A_402 = arith.constant 65535 : i32
      %and3A_403 = vector.broadcast %and3A_402 : i32 to vector<16xi32>
      %and3A_404 = arith.andi %get3A_392, %and3A_403 : vector<16xi32>
      %broadcast_in_dim3A_405 = arith.constant true
      %broadcast_in_dim3A_406 = vector.broadcast %broadcast_in_dim3A_405 : i1 to vector<16xi1>
      %unique3A_407, %unique3A_408 = tpu.scan_count mask(%broadcast_in_dim3A_406 : vector<16xi1>) value(%shift_right_logical3A_401 : vector<16xi32>) : vector<16xi1>, vector<16xi32>
      %gather3A_409 = tpu.vector_load_idx %arg5[%shift_right_logical3A_401] : memref<304xi32, #tpu.memory_space<vmem>>[vector<16xi32>], vector<16xi32>,
      %add3A_410 = arith.addi %gather3A_409, %unique3A_408 : vector<16xi32>
      %sub3A_411 = arith.constant 1 : i32
      %sub3A_412 = vector.broadcast %sub3A_411 : i32 to vector<16xi32>
      %sub3A_413 = arith.subi %add3A_410, %sub3A_412 : vector<16xi32>
      %lt3A_414 = arith.constant 288 : i32
      %lt3A_415 = vector.broadcast %lt3A_414 : i32 to vector<16xi32>
      %lt3A_416 = arith.cmpi slt, %shift_right_logical3A_401, %lt3A_415 : vector<16xi32>
      %lt3A_417 = arith.constant 64 : i32
      %lt3A_418 = vector.broadcast %lt3A_417 : i32 to vector<16xi32>
      %lt3A_419 = arith.cmpi slt, %sub3A_413, %lt3A_418 : vector<16xi32>
      %and3A_420 = arith.andi %lt3A_416, %lt3A_419 : vector<16xi1>
      %mul3A_421 = arith.constant 128 : i32
      %mul3A_422 = vector.broadcast %mul3A_421 : i32 to vector<16xi32>
      %mul3A_423 = arith.muli %shift_right_logical3A_401, %mul3A_422 : vector<16xi32>
      %add3A_424 = arith.addi %mul3A_423, %sub3A_413 : vector<16xi32>
      %jit3A_425 = arith.constant 0 : i32
      %broadcast_in_dim3A_426 = vector.broadcast %jit3A_425 : i32 to vector<16xi32>
      %select_n3A_427 = arith.select %and3A_420, %add3A_424, %broadcast_in_dim3A_426 : vector<16xi1>, vector<16xi32>
      tpu.vector_store_idx %arg4[%select_n3A_427], %and3A_404 masked %and3A_420 : memref<36864xi32, #tpu.memory_space<vmem>>[vector<16xi32>], vector<16xi32>, vector<16xi1>
      %add3A_428 = arith.constant 64 : i32
      %add3A_429 = vector.broadcast %add3A_428 : i32 to vector<16xi32>
      %add3A_430 = arith.addi %select_n3A_427, %add3A_429 : vector<16xi32>
      tpu.vector_store_idx %arg4[%add3A_430], %get3A_398 masked %and3A_420 : memref<36864xi32, #tpu.memory_space<vmem>>[vector<16xi32>], vector<16xi32>, vector<16xi1>
      tpu.vector_store_idx %arg5[%shift_right_logical3A_401], %broadcast_in_dim3A_3 masked %and3A_420 {add = true} : memref<304xi32, #tpu.memory_space<vmem>>[vector<16xi32>], vector<16xi32>, vector<16xi1>
      %scan3A_431 = arith.constant 2 : i32
      %scan3A_432 = arith.addi %scan3A_353, %scan3A_431 : i32
      %mul3A_433 = arith.constant 16 : i32
      %mul3A_434 = arith.muli %scan3A_432, %mul3A_433 : i32
      %get3A_435 = arith.index_cast %mul3A_434 : i32 to index
      %get3A_436 = tpu.vector_load %arg7[%get3A_435] {strides = array<i32>} : memref<16384xi32, #tpu.memory_space<vmem>>, vector<16xi32>,
      %mul3A_437 = arith.constant 16 : i32
      %mul3A_438 = arith.muli %scan3A_432, %mul3A_437 : i32
      %add3A_439 = arith.constant 8192 : i32
      %add3A_440 = arith.addi %add3A_439, %mul3A_438 : i32
      %get3A_441 = arith.index_cast %add3A_440 : i32 to index
      %get3A_442 = tpu.vector_load %arg7[%get3A_441] {strides = array<i32>} : memref<16384xi32, #tpu.memory_space<vmem>>, vector<16xi32>,
      %shift_right_logical3A_443 = arith.constant 16 : i32
      %shift_right_logical3A_444 = vector.broadcast %shift_right_logical3A_443 : i32 to vector<16xi32>
      %shift_right_logical3A_445 = arith.shrui %get3A_436, %shift_right_logical3A_444 : vector<16xi32>
      %and3A_446 = arith.constant 65535 : i32
      %and3A_447 = vector.broadcast %and3A_446 : i32 to vector<16xi32>
      %and3A_448 = arith.andi %get3A_436, %and3A_447 : vector<16xi32>
      %broadcast_in_dim3A_449 = arith.constant true
      %broadcast_in_dim3A_450 = vector.broadcast %broadcast_in_dim3A_449 : i1 to vector<16xi1>
      %unique3A_451, %unique3A_452 = tpu.scan_count mask(%broadcast_in_dim3A_450 : vector<16xi1>) value(%shift_right_logical3A_445 : vector<16xi32>) : vector<16xi1>, vector<16xi32>
      %gather3A_453 = tpu.vector_load_idx %arg5[%shift_right_logical3A_445] : memref<304xi32, #tpu.memory_space<vmem>>[vector<16xi32>], vector<16xi32>,
      %add3A_454 = arith.addi %gather3A_453, %unique3A_452 : vector<16xi32>
      %sub3A_455 = arith.constant 1 : i32
      %sub3A_456 = vector.broadcast %sub3A_455 : i32 to vector<16xi32>
      %sub3A_457 = arith.subi %add3A_454, %sub3A_456 : vector<16xi32>
      %lt3A_458 = arith.constant 288 : i32
      %lt3A_459 = vector.broadcast %lt3A_458 : i32 to vector<16xi32>
      %lt3A_460 = arith.cmpi slt, %shift_right_logical3A_445, %lt3A_459 : vector<16xi32>
      %lt3A_461 = arith.constant 64 : i32
      %lt3A_462 = vector.broadcast %lt3A_461 : i32 to vector<16xi32>
      %lt3A_463 = arith.cmpi slt, %sub3A_457, %lt3A_462 : vector<16xi32>
      %and3A_464 = arith.andi %lt3A_460, %lt3A_463 : vector<16xi1>
      %mul3A_465 = arith.constant 128 : i32
      %mul3A_466 = vector.broadcast %mul3A_465 : i32 to vector<16xi32>
      %mul3A_467 = arith.muli %shift_right_logical3A_445, %mul3A_466 : vector<16xi32>
      %add3A_468 = arith.addi %mul3A_467, %sub3A_457 : vector<16xi32>
      %jit3A_469 = arith.constant 0 : i32
      %broadcast_in_dim3A_470 = vector.broadcast %jit3A_469 : i32 to vector<16xi32>
      %select_n3A_471 = arith.select %and3A_464, %add3A_468, %broadcast_in_dim3A_470 : vector<16xi1>, vector<16xi32>
      tpu.vector_store_idx %arg4[%select_n3A_471], %and3A_448 masked %and3A_464 : memref<36864xi32, #tpu.memory_space<vmem>>[vector<16xi32>], vector<16xi32>, vector<16xi1>
      %add3A_472 = arith.constant 64 : i32
      %add3A_473 = vector.broadcast %add3A_472 : i32 to vector<16xi32>
      %add3A_474 = arith.addi %select_n3A_471, %add3A_473 : vector<16xi32>
      tpu.vector_store_idx %arg4[%add3A_474], %get3A_442 masked %and3A_464 : memref<36864xi32, #tpu.memory_space<vmem>>[vector<16xi32>], vector<16xi32>, vector<16xi1>
      tpu.vector_store_idx %arg5[%shift_right_logical3A_445], %broadcast_in_dim3A_3 masked %and3A_464 {add = true} : memref<304xi32, #tpu.memory_space<vmem>>[vector<16xi32>], vector<16xi32>, vector<16xi1>
      %scan3A_475 = arith.constant 3 : i32
      %scan3A_476 = arith.addi %scan3A_353, %scan3A_475 : i32
      %mul3A_477 = arith.constant 16 : i32
      %mul3A_478 = arith.muli %scan3A_476, %mul3A_477 : i32
      %get3A_479 = arith.index_cast %mul3A_478 : i32 to index
      %get3A_480 = tpu.vector_load %arg7[%get3A_479] {strides = array<i32>} : memref<16384xi32, #tpu.memory_space<vmem>>, vector<16xi32>,
      %mul3A_481 = arith.constant 16 : i32
      %mul3A_482 = arith.muli %scan3A_476, %mul3A_481 : i32
      %add3A_483 = arith.constant 8192 : i32
      %add3A_484 = arith.addi %add3A_483, %mul3A_482 : i32
      %get3A_485 = arith.index_cast %add3A_484 : i32 to index
      %get3A_486 = tpu.vector_load %arg7[%get3A_485] {strides = array<i32>} : memref<16384xi32, #tpu.memory_space<vmem>>, vector<16xi32>,
      %shift_right_logical3A_487 = arith.constant 16 : i32
      %shift_right_logical3A_488 = vector.broadcast %shift_right_logical3A_487 : i32 to vector<16xi32>
      %shift_right_logical3A_489 = arith.shrui %get3A_480, %shift_right_logical3A_488 : vector<16xi32>
      %and3A_490 = arith.constant 65535 : i32
      %and3A_491 = vector.broadcast %and3A_490 : i32 to vector<16xi32>
      %and3A_492 = arith.andi %get3A_480, %and3A_491 : vector<16xi32>
      %broadcast_in_dim3A_493 = arith.constant true
      %broadcast_in_dim3A_494 = vector.broadcast %broadcast_in_dim3A_493 : i1 to vector<16xi1>
      %unique3A_495, %unique3A_496 = tpu.scan_count mask(%broadcast_in_dim3A_494 : vector<16xi1>) value(%shift_right_logical3A_489 : vector<16xi32>) : vector<16xi1>, vector<16xi32>
      %gather3A_497 = tpu.vector_load_idx %arg5[%shift_right_logical3A_489] : memref<304xi32, #tpu.memory_space<vmem>>[vector<16xi32>], vector<16xi32>,
      %add3A_498 = arith.addi %gather3A_497, %unique3A_496 : vector<16xi32>
      %sub3A_499 = arith.constant 1 : i32
      %sub3A_500 = vector.broadcast %sub3A_499 : i32 to vector<16xi32>
      %sub3A_501 = arith.subi %add3A_498, %sub3A_500 : vector<16xi32>
      %lt3A_502 = arith.constant 288 : i32
      %lt3A_503 = vector.broadcast %lt3A_502 : i32 to vector<16xi32>
      %lt3A_504 = arith.cmpi slt, %shift_right_logical3A_489, %lt3A_503 : vector<16xi32>
      %lt3A_505 = arith.constant 64 : i32
      %lt3A_506 = vector.broadcast %lt3A_505 : i32 to vector<16xi32>
      %lt3A_507 = arith.cmpi slt, %sub3A_501, %lt3A_506 : vector<16xi32>
      %and3A_508 = arith.andi %lt3A_504, %lt3A_507 : vector<16xi1>
      %mul3A_509 = arith.constant 128 : i32
      %mul3A_510 = vector.broadcast %mul3A_509 : i32 to vector<16xi32>
      %mul3A_511 = arith.muli %shift_right_logical3A_489, %mul3A_510 : vector<16xi32>
      %add3A_512 = arith.addi %mul3A_511, %sub3A_501 : vector<16xi32>
      %jit3A_513 = arith.constant 0 : i32
      %broadcast_in_dim3A_514 = vector.broadcast %jit3A_513 : i32 to vector<16xi32>
      %select_n3A_515 = arith.select %and3A_508, %add3A_512, %broadcast_in_dim3A_514 : vector<16xi1>, vector<16xi32>
      tpu.vector_store_idx %arg4[%select_n3A_515], %and3A_492 masked %and3A_508 : memref<36864xi32, #tpu.memory_space<vmem>>[vector<16xi32>], vector<16xi32>, vector<16xi1>
      %add3A_516 = arith.constant 64 : i32
      %add3A_517 = vector.broadcast %add3A_516 : i32 to vector<16xi32>
      %add3A_518 = arith.addi %select_n3A_515, %add3A_517 : vector<16xi32>
      tpu.vector_store_idx %arg4[%add3A_518], %get3A_486 masked %and3A_508 : memref<36864xi32, #tpu.memory_space<vmem>>[vector<16xi32>], vector<16xi32>, vector<16xi1>
      tpu.vector_store_idx %arg5[%shift_right_logical3A_489], %broadcast_in_dim3A_3 masked %and3A_508 {add = true} : memref<304xi32, #tpu.memory_space<vmem>>[vector<16xi32>], vector<16xi32>, vector<16xi1>
    }
    %scan3A_262 = arith.constant 512 : i32
    %mul3A_263 = arith.constant 8 : i32
    %mul3A_264 = arith.muli %add3A, %mul3A_263 : i32
    %add3A_265 = arith.constant 7 : i32
    %add3A_266 = arith.addi %mul3A_264, %add3A_265 : i32
    %mul3A_267 = arith.constant 2 : i32
    %mul3A_268 = arith.muli %add3A_266, %mul3A_267 : i32
    %mul3A_269 = arith.constant 8192 : i32
    %mul3A_270 = arith.muli %mul3A_268, %mul3A_269 : i32
    %dma_start3A_271 = tpu.memref_slice %arg2[%mul3A_270] : memref<4194304xi32, #tpu.memory_space<hbm>> -> memref<16384xi32, #tpu.memory_space<hbm>>
    %dma_start3A_272 = tpu.memref_slice %arg2[%mul3A_270] : memref<4194304xi32, #tpu.memory_space<hbm>> -> memref<16384xi32, #tpu.memory_space<hbm>>
    tpu.enqueue_dma source(%dma_start3A_272 : memref<16384xi32, #tpu.memory_space<hbm>>) target(%arg7 : memref<16384xi32, #tpu.memory_space<vmem>>) target_semaphore(%arg9 : memref<!tpu.dma_semaphore, #tpu.memory_space<semaphore_mem>>)
    %scan3A_273 = arith.constant 0 : i32
    %scan3A_274 = arith.constant 0 : i32
    %scan3A_275 = arith.constant 288 : i32
    %scan3A_276 = arith.addi %scan3A_274, %scan3A_275 : i32
    %scan3A_277 = arith.constant 1 : i32
    scf.for %scan3A_353 = %scan3A_274 to %scan3A_276 step %scan3A_277  : i32 {
      %mul3A_354 = arith.constant 32 : i32
      %mul3A_355 = arith.muli %scan3A_353, %mul3A_354 : i32
      %add3A_356 = arith.addi %mul3A_355, %add3A : i32
      %mul3A_357 = arith.constant 8 : i32
      %mul3A_358 = arith.muli %add3A_356, %mul3A_357 : i32
      %add3A_359 = arith.constant 5 : i32
      %add3A_360 = arith.addi %mul3A_358, %add3A_359 : i32
      %mul3A_361 = arith.constant 128 : i32
      %mul3A_362 = arith.muli %add3A_360, %mul3A_361 : i32
      %mul3A_363 = arith.constant 128 : i32
      %mul3A_364 = arith.muli %scan3A_353, %mul3A_363 : i32
      %dma_start3A_365 = tpu.memref_slice %arg4[%mul3A_364] : memref<36864xi32, #tpu.memory_space<vmem>> -> memref<128xi32, #tpu.memory_space<vmem>>
      %dma_start3A_366 = tpu.memref_slice %arg3[%mul3A_362] : memref<9437184xi32, #tpu.memory_space<hbm>> -> memref<128xi32, #tpu.memory_space<hbm>>
      %dma_start3A_367 = tpu.memref_slice %arg3[%mul3A_362] : memref<9437184xi32, #tpu.memory_space<hbm>> -> memref<128xi32, #tpu.memory_space<hbm>>
      %dma_start3A_368 = tpu.memref_slice %arg4[%mul3A_364] : memref<36864xi32, #tpu.memory_space<vmem>> -> memref<128xi32, #tpu.memory_space<vmem>>
      tpu.enqueue_dma source(%dma_start3A_368 : memref<128xi32, #tpu.memory_space<vmem>>) target(%dma_start3A_367 : memref<128xi32, #tpu.memory_space<hbm>>) target_semaphore(%arg10 : memref<!tpu.dma_semaphore, #tpu.memory_space<semaphore_mem>>)
    }
    %scan3A_278 = arith.constant 288 : i32
    %scan3A_279 = arith.constant 0 : i32
    %scan3A_280 = arith.constant 0 : i32
    %scan3A_281 = arith.constant 288 : i32
    %scan3A_282 = arith.addi %scan3A_280, %scan3A_281 : i32
    %scan3A_283 = arith.constant 1 : i32
    scf.for %scan3A_353 = %scan3A_280 to %scan3A_282 step %scan3A_283  : i32 {
      %dma_wait3A_354 = arith.constant 0 : i32
      %dma_wait3A_355 = tpu.memref_slice %arg4[%dma_wait3A_354] : memref<36864xi32, #tpu.memory_space<vmem>> -> memref<128xi32, #tpu.memory_space<vmem>>
      %dma_wait3A_356 = arith.constant 0 : i32
      %dma_wait3A_357 = tpu.memref_slice %arg3[%dma_wait3A_356] : memref<9437184xi32, #tpu.memory_space<hbm>> -> memref<128xi32, #tpu.memory_space<hbm>>
      %dma_wait3A_358 = arith.constant 0 : i32
      %dma_wait3A_359 = tpu.memref_slice %arg3[%dma_wait3A_358] : memref<9437184xi32, #tpu.memory_space<hbm>> -> memref<128xi32, #tpu.memory_space<hbm>>
      %dma_wait3A_360 = arith.constant 0 : i32
      %dma_wait3A_361 = tpu.memref_slice %arg4[%dma_wait3A_360] : memref<36864xi32, #tpu.memory_space<vmem>> -> memref<128xi32, #tpu.memory_space<vmem>>
      tpu.wait_dma2 semaphore(%arg10 : memref<!tpu.dma_semaphore, #tpu.memory_space<semaphore_mem>>) src(%dma_wait3A_361 : memref<128xi32, #tpu.memory_space<vmem>>) dst(%dma_wait3A_359 : memref<128xi32, #tpu.memory_space<hbm>>)
    }
    %scan3A_284 = arith.constant 288 : i32
    %scan3A_285 = arith.constant 0 : i32
    %scan3A_286 = arith.constant 0 : i32
    %scan3A_287 = arith.constant 288 : i32
    %scan3A_288 = arith.addi %scan3A_286, %scan3A_287 : i32
    %scan3A_289 = arith.constant 1 : i32
    scf.for %scan3A_353 = %scan3A_286 to %scan3A_288 step %scan3A_289  : i32 {
      %mul3A_354 = arith.constant 128 : i32
      %mul3A_355 = arith.muli %scan3A_353, %mul3A_354 : i32
      %add3A_356 = arith.constant 64 : i32
      %add3A_357 = arith.addi %mul3A_355, %add3A_356 : i32
      %add3A_358 = arith.constant 0 : i32
      %add3A_359 = arith.addi %add3A_357, %add3A_358 : i32
      %swap3A = arith.index_cast %add3A_359 : i32 to index
      %swap3A_360 = tpu.vector_load %arg4[%swap3A] {strides = array<i32>} : memref<36864xi32, #tpu.memory_space<vmem>>, vector<16xi32>,
      tpu.vector_store %arg4[%swap3A], %broadcast_in_dim3A_1 {strides = array<i32>} : memref<36864xi32, #tpu.memory_space<vmem>>, vector<16xi32>,
      %mul3A_361 = arith.constant 128 : i32
      %mul3A_362 = arith.muli %scan3A_353, %mul3A_361 : i32
      %add3A_363 = arith.constant 64 : i32
      %add3A_364 = arith.addi %mul3A_362, %add3A_363 : i32
      %add3A_365 = arith.constant 16 : i32
      %add3A_366 = arith.addi %add3A_364, %add3A_365 : i32
      %swap3A_367 = arith.index_cast %add3A_366 : i32 to index
      %swap3A_368 = tpu.vector_load %arg4[%swap3A_367] {strides = array<i32>} : memref<36864xi32, #tpu.memory_space<vmem>>, vector<16xi32>,
      tpu.vector_store %arg4[%swap3A_367], %broadcast_in_dim3A_1 {strides = array<i32>} : memref<36864xi32, #tpu.memory_space<vmem>>, vector<16xi32>,
      %mul3A_369 = arith.constant 128 : i32
      %mul3A_370 = arith.muli %scan3A_353, %mul3A_369 : i32
      %add3A_371 = arith.constant 64 : i32
      %add3A_372 = arith.addi %mul3A_370, %add3A_371 : i32
      %add3A_373 = arith.constant 32 : i32
      %add3A_374 = arith.addi %add3A_372, %add3A_373 : i32
      %swap3A_375 = arith.index_cast %add3A_374 : i32 to index
      %swap3A_376 = tpu.vector_load %arg4[%swap3A_375] {strides = array<i32>} : memref<36864xi32, #tpu.memory_space<vmem>>, vector<16xi32>,
      tpu.vector_store %arg4[%swap3A_375], %broadcast_in_dim3A_1 {strides = array<i32>} : memref<36864xi32, #tpu.memory_space<vmem>>, vector<16xi32>,
      %mul3A_377 = arith.constant 128 : i32
      %mul3A_378 = arith.muli %scan3A_353, %mul3A_377 : i32
      %add3A_379 = arith.constant 64 : i32
      %add3A_380 = arith.addi %mul3A_378, %add3A_379 : i32
      %add3A_381 = arith.constant 48 : i32
      %add3A_382 = arith.addi %add3A_380, %add3A_381 : i32
      %swap3A_383 = arith.index_cast %add3A_382 : i32 to index
      %swap3A_384 = tpu.vector_load %arg4[%swap3A_383] {strides = array<i32>} : memref<36864xi32, #tpu.memory_space<vmem>>, vector<16xi32>,
      tpu.vector_store %arg4[%swap3A_383], %broadcast_in_dim3A_1 {strides = array<i32>} : memref<36864xi32, #tpu.memory_space<vmem>>, vector<16xi32>,
    }
    %scan3A_290 = arith.constant 288 : i32
    %scan3A_291 = arith.constant 0 : i32
    %scan3A_292 = arith.constant 0 : i32
    %scan3A_293 = arith.constant 19 : i32
    %scan3A_294 = arith.addi %scan3A_292, %scan3A_293 : i32
    %scan3A_295 = arith.constant 1 : i32
    scf.for %scan3A_353 = %scan3A_292 to %scan3A_294 step %scan3A_295  : i32 {
      %mul3A_354 = arith.constant 16 : i32
      %mul3A_355 = arith.muli %scan3A_353, %mul3A_354 : i32
      %swap3A = arith.index_cast %mul3A_355 : i32 to index
      %swap3A_356 = tpu.vector_load %arg5[%swap3A] {strides = array<i32>} : memref<304xi32, #tpu.memory_space<vmem>>, vector<16xi32>,
      tpu.vector_store %arg5[%swap3A], %broadcast_in_dim3A_1 {strides = array<i32>} : memref<304xi32, #tpu.memory_space<vmem>>, vector<16xi32>,
    }
    %scan3A_296 = arith.constant 19 : i32
    %dma_wait3A_297 = arith.constant 0 : i32
    %dma_wait3A_298 = tpu.memref_slice %arg2[%dma_wait3A_297] : memref<4194304xi32, #tpu.memory_space<hbm>> -> memref<16384xi32, #tpu.memory_space<hbm>>
    %dma_wait3A_299 = arith.constant 0 : i32
    %dma_wait3A_300 = tpu.memref_slice %arg2[%dma_wait3A_299] : memref<4194304xi32, #tpu.memory_space<hbm>> -> memref<16384xi32, #tpu.memory_space<hbm>>
    tpu.wait_dma2 semaphore(%arg8 : memref<!tpu.dma_semaphore, #tpu.memory_space<semaphore_mem>>) src(%dma_wait3A_300 : memref<16384xi32, #tpu.memory_space<hbm>>) dst(%arg6 : memref<16384xi32, #tpu.memory_space<vmem>>)
    %scan3A_301 = arith.constant 0 : i32
    %scan3A_302 = arith.constant 0 : i32
    %scan3A_303 = arith.constant 512 : i32
    %scan3A_304 = arith.addi %scan3A_302, %scan3A_303 : i32
    %scan3A_305 = arith.constant 4 : i32
    scf.for %scan3A_353 = %scan3A_302 to %scan3A_304 step %scan3A_305  : i32 {
      %mul3A_354 = arith.constant 16 : i32
      %mul3A_355 = arith.muli %scan3A_353, %mul3A_354 : i32
      %get3A = arith.index_cast %mul3A_355 : i32 to index
      %get3A_356 = tpu.vector_load %arg6[%get3A] {strides = array<i32>} : memref<16384xi32, #tpu.memory_space<vmem>>, vector<16xi32>,
      %mul3A_357 = arith.constant 16 : i32
      %mul3A_358 = arith.muli %scan3A_353, %mul3A_357 : i32
      %add3A_359 = arith.constant 8192 : i32
      %add3A_360 = arith.addi %add3A_359, %mul3A_358 : i32
      %get3A_361 = arith.index_cast %add3A_360 : i32 to index
      %get3A_362 = tpu.vector_load %arg6[%get3A_361] {strides = array<i32>} : memref<16384xi32, #tpu.memory_space<vmem>>, vector<16xi32>,
      %shift_right_logical3A = arith.constant 16 : i32
      %shift_right_logical3A_363 = vector.broadcast %shift_right_logical3A : i32 to vector<16xi32>
      %shift_right_logical3A_364 = arith.shrui %get3A_356, %shift_right_logical3A_363 : vector<16xi32>
      %and3A = arith.constant 65535 : i32
      %and3A_365 = vector.broadcast %and3A : i32 to vector<16xi32>
      %and3A_366 = arith.andi %get3A_356, %and3A_365 : vector<16xi32>
      %broadcast_in_dim3A_367 = arith.constant true
      %broadcast_in_dim3A_368 = vector.broadcast %broadcast_in_dim3A_367 : i1 to vector<16xi1>
      %unique3A, %unique3A_369 = tpu.scan_count mask(%broadcast_in_dim3A_368 : vector<16xi1>) value(%shift_right_logical3A_364 : vector<16xi32>) : vector<16xi1>, vector<16xi32>
      %gather3A = tpu.vector_load_idx %arg5[%shift_right_logical3A_364] : memref<304xi32, #tpu.memory_space<vmem>>[vector<16xi32>], vector<16xi32>,
      %add3A_370 = arith.addi %gather3A, %unique3A_369 : vector<16xi32>
      %sub3A = arith.constant 1 : i32
      %sub3A_371 = vector.broadcast %sub3A : i32 to vector<16xi32>
      %sub3A_372 = arith.subi %add3A_370, %sub3A_371 : vector<16xi32>
      %lt3A = arith.constant 288 : i32
      %lt3A_373 = vector.broadcast %lt3A : i32 to vector<16xi32>
      %lt3A_374 = arith.cmpi slt, %shift_right_logical3A_364, %lt3A_373 : vector<16xi32>
      %lt3A_375 = arith.constant 64 : i32
      %lt3A_376 = vector.broadcast %lt3A_375 : i32 to vector<16xi32>
      %lt3A_377 = arith.cmpi slt, %sub3A_372, %lt3A_376 : vector<16xi32>
      %and3A_378 = arith.andi %lt3A_374, %lt3A_377 : vector<16xi1>
      %mul3A_379 = arith.constant 128 : i32
      %mul3A_380 = vector.broadcast %mul3A_379 : i32 to vector<16xi32>
      %mul3A_381 = arith.muli %shift_right_logical3A_364, %mul3A_380 : vector<16xi32>
      %add3A_382 = arith.addi %mul3A_381, %sub3A_372 : vector<16xi32>
      %jit3A = arith.constant 0 : i32
      %broadcast_in_dim3A_383 = vector.broadcast %jit3A : i32 to vector<16xi32>
      %select_n3A = arith.select %and3A_378, %add3A_382, %broadcast_in_dim3A_383 : vector<16xi1>, vector<16xi32>
      tpu.vector_store_idx %arg4[%select_n3A], %and3A_366 masked %and3A_378 : memref<36864xi32, #tpu.memory_space<vmem>>[vector<16xi32>], vector<16xi32>, vector<16xi1>
      %add3A_384 = arith.constant 64 : i32
      %add3A_385 = vector.broadcast %add3A_384 : i32 to vector<16xi32>
      %add3A_386 = arith.addi %select_n3A, %add3A_385 : vector<16xi32>
      tpu.vector_store_idx %arg4[%add3A_386], %get3A_362 masked %and3A_378 : memref<36864xi32, #tpu.memory_space<vmem>>[vector<16xi32>], vector<16xi32>, vector<16xi1>
      tpu.vector_store_idx %arg5[%shift_right_logical3A_364], %broadcast_in_dim3A_3 masked %and3A_378 {add = true} : memref<304xi32, #tpu.memory_space<vmem>>[vector<16xi32>], vector<16xi32>, vector<16xi1>
      %scan3A_387 = arith.constant 1 : i32
      %scan3A_388 = arith.addi %scan3A_353, %scan3A_387 : i32
      %mul3A_389 = arith.constant 16 : i32
      %mul3A_390 = arith.muli %scan3A_388, %mul3A_389 : i32
      %get3A_391 = arith.index_cast %mul3A_390 : i32 to index
      %get3A_392 = tpu.vector_load %arg6[%get3A_391] {strides = array<i32>} : memref<16384xi32, #tpu.memory_space<vmem>>, vector<16xi32>,
      %mul3A_393 = arith.constant 16 : i32
      %mul3A_394 = arith.muli %scan3A_388, %mul3A_393 : i32
      %add3A_395 = arith.constant 8192 : i32
      %add3A_396 = arith.addi %add3A_395, %mul3A_394 : i32
      %get3A_397 = arith.index_cast %add3A_396 : i32 to index
      %get3A_398 = tpu.vector_load %arg6[%get3A_397] {strides = array<i32>} : memref<16384xi32, #tpu.memory_space<vmem>>, vector<16xi32>,
      %shift_right_logical3A_399 = arith.constant 16 : i32
      %shift_right_logical3A_400 = vector.broadcast %shift_right_logical3A_399 : i32 to vector<16xi32>
      %shift_right_logical3A_401 = arith.shrui %get3A_392, %shift_right_logical3A_400 : vector<16xi32>
      %and3A_402 = arith.constant 65535 : i32
      %and3A_403 = vector.broadcast %and3A_402 : i32 to vector<16xi32>
      %and3A_404 = arith.andi %get3A_392, %and3A_403 : vector<16xi32>
      %broadcast_in_dim3A_405 = arith.constant true
      %broadcast_in_dim3A_406 = vector.broadcast %broadcast_in_dim3A_405 : i1 to vector<16xi1>
      %unique3A_407, %unique3A_408 = tpu.scan_count mask(%broadcast_in_dim3A_406 : vector<16xi1>) value(%shift_right_logical3A_401 : vector<16xi32>) : vector<16xi1>, vector<16xi32>
      %gather3A_409 = tpu.vector_load_idx %arg5[%shift_right_logical3A_401] : memref<304xi32, #tpu.memory_space<vmem>>[vector<16xi32>], vector<16xi32>,
      %add3A_410 = arith.addi %gather3A_409, %unique3A_408 : vector<16xi32>
      %sub3A_411 = arith.constant 1 : i32
      %sub3A_412 = vector.broadcast %sub3A_411 : i32 to vector<16xi32>
      %sub3A_413 = arith.subi %add3A_410, %sub3A_412 : vector<16xi32>
      %lt3A_414 = arith.constant 288 : i32
      %lt3A_415 = vector.broadcast %lt3A_414 : i32 to vector<16xi32>
      %lt3A_416 = arith.cmpi slt, %shift_right_logical3A_401, %lt3A_415 : vector<16xi32>
      %lt3A_417 = arith.constant 64 : i32
      %lt3A_418 = vector.broadcast %lt3A_417 : i32 to vector<16xi32>
      %lt3A_419 = arith.cmpi slt, %sub3A_413, %lt3A_418 : vector<16xi32>
      %and3A_420 = arith.andi %lt3A_416, %lt3A_419 : vector<16xi1>
      %mul3A_421 = arith.constant 128 : i32
      %mul3A_422 = vector.broadcast %mul3A_421 : i32 to vector<16xi32>
      %mul3A_423 = arith.muli %shift_right_logical3A_401, %mul3A_422 : vector<16xi32>
      %add3A_424 = arith.addi %mul3A_423, %sub3A_413 : vector<16xi32>
      %jit3A_425 = arith.constant 0 : i32
      %broadcast_in_dim3A_426 = vector.broadcast %jit3A_425 : i32 to vector<16xi32>
      %select_n3A_427 = arith.select %and3A_420, %add3A_424, %broadcast_in_dim3A_426 : vector<16xi1>, vector<16xi32>
      tpu.vector_store_idx %arg4[%select_n3A_427], %and3A_404 masked %and3A_420 : memref<36864xi32, #tpu.memory_space<vmem>>[vector<16xi32>], vector<16xi32>, vector<16xi1>
      %add3A_428 = arith.constant 64 : i32
      %add3A_429 = vector.broadcast %add3A_428 : i32 to vector<16xi32>
      %add3A_430 = arith.addi %select_n3A_427, %add3A_429 : vector<16xi32>
      tpu.vector_store_idx %arg4[%add3A_430], %get3A_398 masked %and3A_420 : memref<36864xi32, #tpu.memory_space<vmem>>[vector<16xi32>], vector<16xi32>, vector<16xi1>
      tpu.vector_store_idx %arg5[%shift_right_logical3A_401], %broadcast_in_dim3A_3 masked %and3A_420 {add = true} : memref<304xi32, #tpu.memory_space<vmem>>[vector<16xi32>], vector<16xi32>, vector<16xi1>
      %scan3A_431 = arith.constant 2 : i32
      %scan3A_432 = arith.addi %scan3A_353, %scan3A_431 : i32
      %mul3A_433 = arith.constant 16 : i32
      %mul3A_434 = arith.muli %scan3A_432, %mul3A_433 : i32
      %get3A_435 = arith.index_cast %mul3A_434 : i32 to index
      %get3A_436 = tpu.vector_load %arg6[%get3A_435] {strides = array<i32>} : memref<16384xi32, #tpu.memory_space<vmem>>, vector<16xi32>,
      %mul3A_437 = arith.constant 16 : i32
      %mul3A_438 = arith.muli %scan3A_432, %mul3A_437 : i32
      %add3A_439 = arith.constant 8192 : i32
      %add3A_440 = arith.addi %add3A_439, %mul3A_438 : i32
      %get3A_441 = arith.index_cast %add3A_440 : i32 to index
      %get3A_442 = tpu.vector_load %arg6[%get3A_441] {strides = array<i32>} : memref<16384xi32, #tpu.memory_space<vmem>>, vector<16xi32>,
      %shift_right_logical3A_443 = arith.constant 16 : i32
      %shift_right_logical3A_444 = vector.broadcast %shift_right_logical3A_443 : i32 to vector<16xi32>
      %shift_right_logical3A_445 = arith.shrui %get3A_436, %shift_right_logical3A_444 : vector<16xi32>
      %and3A_446 = arith.constant 65535 : i32
      %and3A_447 = vector.broadcast %and3A_446 : i32 to vector<16xi32>
      %and3A_448 = arith.andi %get3A_436, %and3A_447 : vector<16xi32>
      %broadcast_in_dim3A_449 = arith.constant true
      %broadcast_in_dim3A_450 = vector.broadcast %broadcast_in_dim3A_449 : i1 to vector<16xi1>
      %unique3A_451, %unique3A_452 = tpu.scan_count mask(%broadcast_in_dim3A_450 : vector<16xi1>) value(%shift_right_logical3A_445 : vector<16xi32>) : vector<16xi1>, vector<16xi32>
      %gather3A_453 = tpu.vector_load_idx %arg5[%shift_right_logical3A_445] : memref<304xi32, #tpu.memory_space<vmem>>[vector<16xi32>], vector<16xi32>,
      %add3A_454 = arith.addi %gather3A_453, %unique3A_452 : vector<16xi32>
      %sub3A_455 = arith.constant 1 : i32
      %sub3A_456 = vector.broadcast %sub3A_455 : i32 to vector<16xi32>
      %sub3A_457 = arith.subi %add3A_454, %sub3A_456 : vector<16xi32>
      %lt3A_458 = arith.constant 288 : i32
      %lt3A_459 = vector.broadcast %lt3A_458 : i32 to vector<16xi32>
      %lt3A_460 = arith.cmpi slt, %shift_right_logical3A_445, %lt3A_459 : vector<16xi32>
      %lt3A_461 = arith.constant 64 : i32
      %lt3A_462 = vector.broadcast %lt3A_461 : i32 to vector<16xi32>
      %lt3A_463 = arith.cmpi slt, %sub3A_457, %lt3A_462 : vector<16xi32>
      %and3A_464 = arith.andi %lt3A_460, %lt3A_463 : vector<16xi1>
      %mul3A_465 = arith.constant 128 : i32
      %mul3A_466 = vector.broadcast %mul3A_465 : i32 to vector<16xi32>
      %mul3A_467 = arith.muli %shift_right_logical3A_445, %mul3A_466 : vector<16xi32>
      %add3A_468 = arith.addi %mul3A_467, %sub3A_457 : vector<16xi32>
      %jit3A_469 = arith.constant 0 : i32
      %broadcast_in_dim3A_470 = vector.broadcast %jit3A_469 : i32 to vector<16xi32>
      %select_n3A_471 = arith.select %and3A_464, %add3A_468, %broadcast_in_dim3A_470 : vector<16xi1>, vector<16xi32>
      tpu.vector_store_idx %arg4[%select_n3A_471], %and3A_448 masked %and3A_464 : memref<36864xi32, #tpu.memory_space<vmem>>[vector<16xi32>], vector<16xi32>, vector<16xi1>
      %add3A_472 = arith.constant 64 : i32
      %add3A_473 = vector.broadcast %add3A_472 : i32 to vector<16xi32>
      %add3A_474 = arith.addi %select_n3A_471, %add3A_473 : vector<16xi32>
      tpu.vector_store_idx %arg4[%add3A_474], %get3A_442 masked %and3A_464 : memref<36864xi32, #tpu.memory_space<vmem>>[vector<16xi32>], vector<16xi32>, vector<16xi1>
      tpu.vector_store_idx %arg5[%shift_right_logical3A_445], %broadcast_in_dim3A_3 masked %and3A_464 {add = true} : memref<304xi32, #tpu.memory_space<vmem>>[vector<16xi32>], vector<16xi32>, vector<16xi1>
      %scan3A_475 = arith.constant 3 : i32
      %scan3A_476 = arith.addi %scan3A_353, %scan3A_475 : i32
      %mul3A_477 = arith.constant 16 : i32
      %mul3A_478 = arith.muli %scan3A_476, %mul3A_477 : i32
      %get3A_479 = arith.index_cast %mul3A_478 : i32 to index
      %get3A_480 = tpu.vector_load %arg6[%get3A_479] {strides = array<i32>} : memref<16384xi32, #tpu.memory_space<vmem>>, vector<16xi32>,
      %mul3A_481 = arith.constant 16 : i32
      %mul3A_482 = arith.muli %scan3A_476, %mul3A_481 : i32
      %add3A_483 = arith.constant 8192 : i32
      %add3A_484 = arith.addi %add3A_483, %mul3A_482 : i32
      %get3A_485 = arith.index_cast %add3A_484 : i32 to index
      %get3A_486 = tpu.vector_load %arg6[%get3A_485] {strides = array<i32>} : memref<16384xi32, #tpu.memory_space<vmem>>, vector<16xi32>,
      %shift_right_logical3A_487 = arith.constant 16 : i32
      %shift_right_logical3A_488 = vector.broadcast %shift_right_logical3A_487 : i32 to vector<16xi32>
      %shift_right_logical3A_489 = arith.shrui %get3A_480, %shift_right_logical3A_488 : vector<16xi32>
      %and3A_490 = arith.constant 65535 : i32
      %and3A_491 = vector.broadcast %and3A_490 : i32 to vector<16xi32>
      %and3A_492 = arith.andi %get3A_480, %and3A_491 : vector<16xi32>
      %broadcast_in_dim3A_493 = arith.constant true
      %broadcast_in_dim3A_494 = vector.broadcast %broadcast_in_dim3A_493 : i1 to vector<16xi1>
      %unique3A_495, %unique3A_496 = tpu.scan_count mask(%broadcast_in_dim3A_494 : vector<16xi1>) value(%shift_right_logical3A_489 : vector<16xi32>) : vector<16xi1>, vector<16xi32>
      %gather3A_497 = tpu.vector_load_idx %arg5[%shift_right_logical3A_489] : memref<304xi32, #tpu.memory_space<vmem>>[vector<16xi32>], vector<16xi32>,
      %add3A_498 = arith.addi %gather3A_497, %unique3A_496 : vector<16xi32>
      %sub3A_499 = arith.constant 1 : i32
      %sub3A_500 = vector.broadcast %sub3A_499 : i32 to vector<16xi32>
      %sub3A_501 = arith.subi %add3A_498, %sub3A_500 : vector<16xi32>
      %lt3A_502 = arith.constant 288 : i32
      %lt3A_503 = vector.broadcast %lt3A_502 : i32 to vector<16xi32>
      %lt3A_504 = arith.cmpi slt, %shift_right_logical3A_489, %lt3A_503 : vector<16xi32>
      %lt3A_505 = arith.constant 64 : i32
      %lt3A_506 = vector.broadcast %lt3A_505 : i32 to vector<16xi32>
      %lt3A_507 = arith.cmpi slt, %sub3A_501, %lt3A_506 : vector<16xi32>
      %and3A_508 = arith.andi %lt3A_504, %lt3A_507 : vector<16xi1>
      %mul3A_509 = arith.constant 128 : i32
      %mul3A_510 = vector.broadcast %mul3A_509 : i32 to vector<16xi32>
      %mul3A_511 = arith.muli %shift_right_logical3A_489, %mul3A_510 : vector<16xi32>
      %add3A_512 = arith.addi %mul3A_511, %sub3A_501 : vector<16xi32>
      %jit3A_513 = arith.constant 0 : i32
      %broadcast_in_dim3A_514 = vector.broadcast %jit3A_513 : i32 to vector<16xi32>
      %select_n3A_515 = arith.select %and3A_508, %add3A_512, %broadcast_in_dim3A_514 : vector<16xi1>, vector<16xi32>
      tpu.vector_store_idx %arg4[%select_n3A_515], %and3A_492 masked %and3A_508 : memref<36864xi32, #tpu.memory_space<vmem>>[vector<16xi32>], vector<16xi32>, vector<16xi1>
      %add3A_516 = arith.constant 64 : i32
      %add3A_517 = vector.broadcast %add3A_516 : i32 to vector<16xi32>
      %add3A_518 = arith.addi %select_n3A_515, %add3A_517 : vector<16xi32>
      tpu.vector_store_idx %arg4[%add3A_518], %get3A_486 masked %and3A_508 : memref<36864xi32, #tpu.memory_space<vmem>>[vector<16xi32>], vector<16xi32>, vector<16xi1>
      tpu.vector_store_idx %arg5[%shift_right_logical3A_489], %broadcast_in_dim3A_3 masked %and3A_508 {add = true} : memref<304xi32, #tpu.memory_space<vmem>>[vector<16xi32>], vector<16xi32>, vector<16xi1>
    }
    %scan3A_306 = arith.constant 512 : i32
    %scan3A_307 = arith.constant 0 : i32
    %scan3A_308 = arith.constant 0 : i32
    %scan3A_309 = arith.constant 288 : i32
    %scan3A_310 = arith.addi %scan3A_308, %scan3A_309 : i32
    %scan3A_311 = arith.constant 1 : i32
    scf.for %scan3A_353 = %scan3A_308 to %scan3A_310 step %scan3A_311  : i32 {
      %mul3A_354 = arith.constant 32 : i32
      %mul3A_355 = arith.muli %scan3A_353, %mul3A_354 : i32
      %add3A_356 = arith.addi %mul3A_355, %add3A : i32
      %mul3A_357 = arith.constant 8 : i32
      %mul3A_358 = arith.muli %add3A_356, %mul3A_357 : i32
      %add3A_359 = arith.constant 6 : i32
      %add3A_360 = arith.addi %mul3A_358, %add3A_359 : i32
      %mul3A_361 = arith.constant 128 : i32
      %mul3A_362 = arith.muli %add3A_360, %mul3A_361 : i32
      %mul3A_363 = arith.constant 128 : i32
      %mul3A_364 = arith.muli %scan3A_353, %mul3A_363 : i32
      %dma_start3A_365 = tpu.memref_slice %arg4[%mul3A_364] : memref<36864xi32, #tpu.memory_space<vmem>> -> memref<128xi32, #tpu.memory_space<vmem>>
      %dma_start3A_366 = tpu.memref_slice %arg3[%mul3A_362] : memref<9437184xi32, #tpu.memory_space<hbm>> -> memref<128xi32, #tpu.memory_space<hbm>>
      %dma_start3A_367 = tpu.memref_slice %arg3[%mul3A_362] : memref<9437184xi32, #tpu.memory_space<hbm>> -> memref<128xi32, #tpu.memory_space<hbm>>
      %dma_start3A_368 = tpu.memref_slice %arg4[%mul3A_364] : memref<36864xi32, #tpu.memory_space<vmem>> -> memref<128xi32, #tpu.memory_space<vmem>>
      tpu.enqueue_dma source(%dma_start3A_368 : memref<128xi32, #tpu.memory_space<vmem>>) target(%dma_start3A_367 : memref<128xi32, #tpu.memory_space<hbm>>) target_semaphore(%arg10 : memref<!tpu.dma_semaphore, #tpu.memory_space<semaphore_mem>>)
    }
    %scan3A_312 = arith.constant 288 : i32
    %scan3A_313 = arith.constant 0 : i32
    %scan3A_314 = arith.constant 0 : i32
    %scan3A_315 = arith.constant 288 : i32
    %scan3A_316 = arith.addi %scan3A_314, %scan3A_315 : i32
    %scan3A_317 = arith.constant 1 : i32
    scf.for %scan3A_353 = %scan3A_314 to %scan3A_316 step %scan3A_317  : i32 {
      %dma_wait3A_354 = arith.constant 0 : i32
      %dma_wait3A_355 = tpu.memref_slice %arg4[%dma_wait3A_354] : memref<36864xi32, #tpu.memory_space<vmem>> -> memref<128xi32, #tpu.memory_space<vmem>>
      %dma_wait3A_356 = arith.constant 0 : i32
      %dma_wait3A_357 = tpu.memref_slice %arg3[%dma_wait3A_356] : memref<9437184xi32, #tpu.memory_space<hbm>> -> memref<128xi32, #tpu.memory_space<hbm>>
      %dma_wait3A_358 = arith.constant 0 : i32
      %dma_wait3A_359 = tpu.memref_slice %arg3[%dma_wait3A_358] : memref<9437184xi32, #tpu.memory_space<hbm>> -> memref<128xi32, #tpu.memory_space<hbm>>
      %dma_wait3A_360 = arith.constant 0 : i32
      %dma_wait3A_361 = tpu.memref_slice %arg4[%dma_wait3A_360] : memref<36864xi32, #tpu.memory_space<vmem>> -> memref<128xi32, #tpu.memory_space<vmem>>
      tpu.wait_dma2 semaphore(%arg10 : memref<!tpu.dma_semaphore, #tpu.memory_space<semaphore_mem>>) src(%dma_wait3A_361 : memref<128xi32, #tpu.memory_space<vmem>>) dst(%dma_wait3A_359 : memref<128xi32, #tpu.memory_space<hbm>>)
    }
    %scan3A_318 = arith.constant 288 : i32
    %scan3A_319 = arith.constant 0 : i32
    %scan3A_320 = arith.constant 0 : i32
    %scan3A_321 = arith.constant 288 : i32
    %scan3A_322 = arith.addi %scan3A_320, %scan3A_321 : i32
    %scan3A_323 = arith.constant 1 : i32
    scf.for %scan3A_353 = %scan3A_320 to %scan3A_322 step %scan3A_323  : i32 {
      %mul3A_354 = arith.constant 128 : i32
      %mul3A_355 = arith.muli %scan3A_353, %mul3A_354 : i32
      %add3A_356 = arith.constant 64 : i32
      %add3A_357 = arith.addi %mul3A_355, %add3A_356 : i32
      %add3A_358 = arith.constant 0 : i32
      %add3A_359 = arith.addi %add3A_357, %add3A_358 : i32
      %swap3A = arith.index_cast %add3A_359 : i32 to index
      %swap3A_360 = tpu.vector_load %arg4[%swap3A] {strides = array<i32>} : memref<36864xi32, #tpu.memory_space<vmem>>, vector<16xi32>,
      tpu.vector_store %arg4[%swap3A], %broadcast_in_dim3A_1 {strides = array<i32>} : memref<36864xi32, #tpu.memory_space<vmem>>, vector<16xi32>,
      %mul3A_361 = arith.constant 128 : i32
      %mul3A_362 = arith.muli %scan3A_353, %mul3A_361 : i32
      %add3A_363 = arith.constant 64 : i32
      %add3A_364 = arith.addi %mul3A_362, %add3A_363 : i32
      %add3A_365 = arith.constant 16 : i32
      %add3A_366 = arith.addi %add3A_364, %add3A_365 : i32
      %swap3A_367 = arith.index_cast %add3A_366 : i32 to index
      %swap3A_368 = tpu.vector_load %arg4[%swap3A_367] {strides = array<i32>} : memref<36864xi32, #tpu.memory_space<vmem>>, vector<16xi32>,
      tpu.vector_store %arg4[%swap3A_367], %broadcast_in_dim3A_1 {strides = array<i32>} : memref<36864xi32, #tpu.memory_space<vmem>>, vector<16xi32>,
      %mul3A_369 = arith.constant 128 : i32
      %mul3A_370 = arith.muli %scan3A_353, %mul3A_369 : i32
      %add3A_371 = arith.constant 64 : i32
      %add3A_372 = arith.addi %mul3A_370, %add3A_371 : i32
      %add3A_373 = arith.constant 32 : i32
      %add3A_374 = arith.addi %add3A_372, %add3A_373 : i32
      %swap3A_375 = arith.index_cast %add3A_374 : i32 to index
      %swap3A_376 = tpu.vector_load %arg4[%swap3A_375] {strides = array<i32>} : memref<36864xi32, #tpu.memory_space<vmem>>, vector<16xi32>,
      tpu.vector_store %arg4[%swap3A_375], %broadcast_in_dim3A_1 {strides = array<i32>} : memref<36864xi32, #tpu.memory_space<vmem>>, vector<16xi32>,
      %mul3A_377 = arith.constant 128 : i32
      %mul3A_378 = arith.muli %scan3A_353, %mul3A_377 : i32
      %add3A_379 = arith.constant 64 : i32
      %add3A_380 = arith.addi %mul3A_378, %add3A_379 : i32
      %add3A_381 = arith.constant 48 : i32
      %add3A_382 = arith.addi %add3A_380, %add3A_381 : i32
      %swap3A_383 = arith.index_cast %add3A_382 : i32 to index
      %swap3A_384 = tpu.vector_load %arg4[%swap3A_383] {strides = array<i32>} : memref<36864xi32, #tpu.memory_space<vmem>>, vector<16xi32>,
      tpu.vector_store %arg4[%swap3A_383], %broadcast_in_dim3A_1 {strides = array<i32>} : memref<36864xi32, #tpu.memory_space<vmem>>, vector<16xi32>,
    }
    %scan3A_324 = arith.constant 288 : i32
    %scan3A_325 = arith.constant 0 : i32
    %scan3A_326 = arith.constant 0 : i32
    %scan3A_327 = arith.constant 19 : i32
    %scan3A_328 = arith.addi %scan3A_326, %scan3A_327 : i32
    %scan3A_329 = arith.constant 1 : i32
    scf.for %scan3A_353 = %scan3A_326 to %scan3A_328 step %scan3A_329  : i32 {
      %mul3A_354 = arith.constant 16 : i32
      %mul3A_355 = arith.muli %scan3A_353, %mul3A_354 : i32
      %swap3A = arith.index_cast %mul3A_355 : i32 to index
      %swap3A_356 = tpu.vector_load %arg5[%swap3A] {strides = array<i32>} : memref<304xi32, #tpu.memory_space<vmem>>, vector<16xi32>,
      tpu.vector_store %arg5[%swap3A], %broadcast_in_dim3A_1 {strides = array<i32>} : memref<304xi32, #tpu.memory_space<vmem>>, vector<16xi32>,
    }
    %scan3A_330 = arith.constant 19 : i32
    %dma_wait3A_331 = arith.constant 0 : i32
    %dma_wait3A_332 = tpu.memref_slice %arg2[%dma_wait3A_331] : memref<4194304xi32, #tpu.memory_space<hbm>> -> memref<16384xi32, #tpu.memory_space<hbm>>
    %dma_wait3A_333 = arith.constant 0 : i32
    %dma_wait3A_334 = tpu.memref_slice %arg2[%dma_wait3A_333] : memref<4194304xi32, #tpu.memory_space<hbm>> -> memref<16384xi32, #tpu.memory_space<hbm>>
    tpu.wait_dma2 semaphore(%arg9 : memref<!tpu.dma_semaphore, #tpu.memory_space<semaphore_mem>>) src(%dma_wait3A_334 : memref<16384xi32, #tpu.memory_space<hbm>>) dst(%arg7 : memref<16384xi32, #tpu.memory_space<vmem>>)
    %scan3A_335 = arith.constant 0 : i32
    %scan3A_336 = arith.constant 0 : i32
    %scan3A_337 = arith.constant 512 : i32
    %scan3A_338 = arith.addi %scan3A_336, %scan3A_337 : i32
    %scan3A_339 = arith.constant 4 : i32
    scf.for %scan3A_353 = %scan3A_336 to %scan3A_338 step %scan3A_339  : i32 {
      %mul3A_354 = arith.constant 16 : i32
      %mul3A_355 = arith.muli %scan3A_353, %mul3A_354 : i32
      %get3A = arith.index_cast %mul3A_355 : i32 to index
      %get3A_356 = tpu.vector_load %arg7[%get3A] {strides = array<i32>} : memref<16384xi32, #tpu.memory_space<vmem>>, vector<16xi32>,
      %mul3A_357 = arith.constant 16 : i32
      %mul3A_358 = arith.muli %scan3A_353, %mul3A_357 : i32
      %add3A_359 = arith.constant 8192 : i32
      %add3A_360 = arith.addi %add3A_359, %mul3A_358 : i32
      %get3A_361 = arith.index_cast %add3A_360 : i32 to index
      %get3A_362 = tpu.vector_load %arg7[%get3A_361] {strides = array<i32>} : memref<16384xi32, #tpu.memory_space<vmem>>, vector<16xi32>,
      %shift_right_logical3A = arith.constant 16 : i32
      %shift_right_logical3A_363 = vector.broadcast %shift_right_logical3A : i32 to vector<16xi32>
      %shift_right_logical3A_364 = arith.shrui %get3A_356, %shift_right_logical3A_363 : vector<16xi32>
      %and3A = arith.constant 65535 : i32
      %and3A_365 = vector.broadcast %and3A : i32 to vector<16xi32>
      %and3A_366 = arith.andi %get3A_356, %and3A_365 : vector<16xi32>
      %broadcast_in_dim3A_367 = arith.constant true
      %broadcast_in_dim3A_368 = vector.broadcast %broadcast_in_dim3A_367 : i1 to vector<16xi1>
      %unique3A, %unique3A_369 = tpu.scan_count mask(%broadcast_in_dim3A_368 : vector<16xi1>) value(%shift_right_logical3A_364 : vector<16xi32>) : vector<16xi1>, vector<16xi32>
      %gather3A = tpu.vector_load_idx %arg5[%shift_right_logical3A_364] : memref<304xi32, #tpu.memory_space<vmem>>[vector<16xi32>], vector<16xi32>,
      %add3A_370 = arith.addi %gather3A, %unique3A_369 : vector<16xi32>
      %sub3A = arith.constant 1 : i32
      %sub3A_371 = vector.broadcast %sub3A : i32 to vector<16xi32>
      %sub3A_372 = arith.subi %add3A_370, %sub3A_371 : vector<16xi32>
      %lt3A = arith.constant 288 : i32
      %lt3A_373 = vector.broadcast %lt3A : i32 to vector<16xi32>
      %lt3A_374 = arith.cmpi slt, %shift_right_logical3A_364, %lt3A_373 : vector<16xi32>
      %lt3A_375 = arith.constant 64 : i32
      %lt3A_376 = vector.broadcast %lt3A_375 : i32 to vector<16xi32>
      %lt3A_377 = arith.cmpi slt, %sub3A_372, %lt3A_376 : vector<16xi32>
      %and3A_378 = arith.andi %lt3A_374, %lt3A_377 : vector<16xi1>
      %mul3A_379 = arith.constant 128 : i32
      %mul3A_380 = vector.broadcast %mul3A_379 : i32 to vector<16xi32>
      %mul3A_381 = arith.muli %shift_right_logical3A_364, %mul3A_380 : vector<16xi32>
      %add3A_382 = arith.addi %mul3A_381, %sub3A_372 : vector<16xi32>
      %jit3A = arith.constant 0 : i32
      %broadcast_in_dim3A_383 = vector.broadcast %jit3A : i32 to vector<16xi32>
      %select_n3A = arith.select %and3A_378, %add3A_382, %broadcast_in_dim3A_383 : vector<16xi1>, vector<16xi32>
      tpu.vector_store_idx %arg4[%select_n3A], %and3A_366 masked %and3A_378 : memref<36864xi32, #tpu.memory_space<vmem>>[vector<16xi32>], vector<16xi32>, vector<16xi1>
      %add3A_384 = arith.constant 64 : i32
      %add3A_385 = vector.broadcast %add3A_384 : i32 to vector<16xi32>
      %add3A_386 = arith.addi %select_n3A, %add3A_385 : vector<16xi32>
      tpu.vector_store_idx %arg4[%add3A_386], %get3A_362 masked %and3A_378 : memref<36864xi32, #tpu.memory_space<vmem>>[vector<16xi32>], vector<16xi32>, vector<16xi1>
      tpu.vector_store_idx %arg5[%shift_right_logical3A_364], %broadcast_in_dim3A_3 masked %and3A_378 {add = true} : memref<304xi32, #tpu.memory_space<vmem>>[vector<16xi32>], vector<16xi32>, vector<16xi1>
      %scan3A_387 = arith.constant 1 : i32
      %scan3A_388 = arith.addi %scan3A_353, %scan3A_387 : i32
      %mul3A_389 = arith.constant 16 : i32
      %mul3A_390 = arith.muli %scan3A_388, %mul3A_389 : i32
      %get3A_391 = arith.index_cast %mul3A_390 : i32 to index
      %get3A_392 = tpu.vector_load %arg7[%get3A_391] {strides = array<i32>} : memref<16384xi32, #tpu.memory_space<vmem>>, vector<16xi32>,
      %mul3A_393 = arith.constant 16 : i32
      %mul3A_394 = arith.muli %scan3A_388, %mul3A_393 : i32
      %add3A_395 = arith.constant 8192 : i32
      %add3A_396 = arith.addi %add3A_395, %mul3A_394 : i32
      %get3A_397 = arith.index_cast %add3A_396 : i32 to index
      %get3A_398 = tpu.vector_load %arg7[%get3A_397] {strides = array<i32>} : memref<16384xi32, #tpu.memory_space<vmem>>, vector<16xi32>,
      %shift_right_logical3A_399 = arith.constant 16 : i32
      %shift_right_logical3A_400 = vector.broadcast %shift_right_logical3A_399 : i32 to vector<16xi32>
      %shift_right_logical3A_401 = arith.shrui %get3A_392, %shift_right_logical3A_400 : vector<16xi32>
      %and3A_402 = arith.constant 65535 : i32
      %and3A_403 = vector.broadcast %and3A_402 : i32 to vector<16xi32>
      %and3A_404 = arith.andi %get3A_392, %and3A_403 : vector<16xi32>
      %broadcast_in_dim3A_405 = arith.constant true
      %broadcast_in_dim3A_406 = vector.broadcast %broadcast_in_dim3A_405 : i1 to vector<16xi1>
      %unique3A_407, %unique3A_408 = tpu.scan_count mask(%broadcast_in_dim3A_406 : vector<16xi1>) value(%shift_right_logical3A_401 : vector<16xi32>) : vector<16xi1>, vector<16xi32>
      %gather3A_409 = tpu.vector_load_idx %arg5[%shift_right_logical3A_401] : memref<304xi32, #tpu.memory_space<vmem>>[vector<16xi32>], vector<16xi32>,
      %add3A_410 = arith.addi %gather3A_409, %unique3A_408 : vector<16xi32>
      %sub3A_411 = arith.constant 1 : i32
      %sub3A_412 = vector.broadcast %sub3A_411 : i32 to vector<16xi32>
      %sub3A_413 = arith.subi %add3A_410, %sub3A_412 : vector<16xi32>
      %lt3A_414 = arith.constant 288 : i32
      %lt3A_415 = vector.broadcast %lt3A_414 : i32 to vector<16xi32>
      %lt3A_416 = arith.cmpi slt, %shift_right_logical3A_401, %lt3A_415 : vector<16xi32>
      %lt3A_417 = arith.constant 64 : i32
      %lt3A_418 = vector.broadcast %lt3A_417 : i32 to vector<16xi32>
      %lt3A_419 = arith.cmpi slt, %sub3A_413, %lt3A_418 : vector<16xi32>
      %and3A_420 = arith.andi %lt3A_416, %lt3A_419 : vector<16xi1>
      %mul3A_421 = arith.constant 128 : i32
      %mul3A_422 = vector.broadcast %mul3A_421 : i32 to vector<16xi32>
      %mul3A_423 = arith.muli %shift_right_logical3A_401, %mul3A_422 : vector<16xi32>
      %add3A_424 = arith.addi %mul3A_423, %sub3A_413 : vector<16xi32>
      %jit3A_425 = arith.constant 0 : i32
      %broadcast_in_dim3A_426 = vector.broadcast %jit3A_425 : i32 to vector<16xi32>
      %select_n3A_427 = arith.select %and3A_420, %add3A_424, %broadcast_in_dim3A_426 : vector<16xi1>, vector<16xi32>
      tpu.vector_store_idx %arg4[%select_n3A_427], %and3A_404 masked %and3A_420 : memref<36864xi32, #tpu.memory_space<vmem>>[vector<16xi32>], vector<16xi32>, vector<16xi1>
      %add3A_428 = arith.constant 64 : i32
      %add3A_429 = vector.broadcast %add3A_428 : i32 to vector<16xi32>
      %add3A_430 = arith.addi %select_n3A_427, %add3A_429 : vector<16xi32>
      tpu.vector_store_idx %arg4[%add3A_430], %get3A_398 masked %and3A_420 : memref<36864xi32, #tpu.memory_space<vmem>>[vector<16xi32>], vector<16xi32>, vector<16xi1>
      tpu.vector_store_idx %arg5[%shift_right_logical3A_401], %broadcast_in_dim3A_3 masked %and3A_420 {add = true} : memref<304xi32, #tpu.memory_space<vmem>>[vector<16xi32>], vector<16xi32>, vector<16xi1>
      %scan3A_431 = arith.constant 2 : i32
      %scan3A_432 = arith.addi %scan3A_353, %scan3A_431 : i32
      %mul3A_433 = arith.constant 16 : i32
      %mul3A_434 = arith.muli %scan3A_432, %mul3A_433 : i32
      %get3A_435 = arith.index_cast %mul3A_434 : i32 to index
      %get3A_436 = tpu.vector_load %arg7[%get3A_435] {strides = array<i32>} : memref<16384xi32, #tpu.memory_space<vmem>>, vector<16xi32>,
      %mul3A_437 = arith.constant 16 : i32
      %mul3A_438 = arith.muli %scan3A_432, %mul3A_437 : i32
      %add3A_439 = arith.constant 8192 : i32
      %add3A_440 = arith.addi %add3A_439, %mul3A_438 : i32
      %get3A_441 = arith.index_cast %add3A_440 : i32 to index
      %get3A_442 = tpu.vector_load %arg7[%get3A_441] {strides = array<i32>} : memref<16384xi32, #tpu.memory_space<vmem>>, vector<16xi32>,
      %shift_right_logical3A_443 = arith.constant 16 : i32
      %shift_right_logical3A_444 = vector.broadcast %shift_right_logical3A_443 : i32 to vector<16xi32>
      %shift_right_logical3A_445 = arith.shrui %get3A_436, %shift_right_logical3A_444 : vector<16xi32>
      %and3A_446 = arith.constant 65535 : i32
      %and3A_447 = vector.broadcast %and3A_446 : i32 to vector<16xi32>
      %and3A_448 = arith.andi %get3A_436, %and3A_447 : vector<16xi32>
      %broadcast_in_dim3A_449 = arith.constant true
      %broadcast_in_dim3A_450 = vector.broadcast %broadcast_in_dim3A_449 : i1 to vector<16xi1>
      %unique3A_451, %unique3A_452 = tpu.scan_count mask(%broadcast_in_dim3A_450 : vector<16xi1>) value(%shift_right_logical3A_445 : vector<16xi32>) : vector<16xi1>, vector<16xi32>
      %gather3A_453 = tpu.vector_load_idx %arg5[%shift_right_logical3A_445] : memref<304xi32, #tpu.memory_space<vmem>>[vector<16xi32>], vector<16xi32>,
      %add3A_454 = arith.addi %gather3A_453, %unique3A_452 : vector<16xi32>
      %sub3A_455 = arith.constant 1 : i32
      %sub3A_456 = vector.broadcast %sub3A_455 : i32 to vector<16xi32>
      %sub3A_457 = arith.subi %add3A_454, %sub3A_456 : vector<16xi32>
      %lt3A_458 = arith.constant 288 : i32
      %lt3A_459 = vector.broadcast %lt3A_458 : i32 to vector<16xi32>
      %lt3A_460 = arith.cmpi slt, %shift_right_logical3A_445, %lt3A_459 : vector<16xi32>
      %lt3A_461 = arith.constant 64 : i32
      %lt3A_462 = vector.broadcast %lt3A_461 : i32 to vector<16xi32>
      %lt3A_463 = arith.cmpi slt, %sub3A_457, %lt3A_462 : vector<16xi32>
      %and3A_464 = arith.andi %lt3A_460, %lt3A_463 : vector<16xi1>
      %mul3A_465 = arith.constant 128 : i32
      %mul3A_466 = vector.broadcast %mul3A_465 : i32 to vector<16xi32>
      %mul3A_467 = arith.muli %shift_right_logical3A_445, %mul3A_466 : vector<16xi32>
      %add3A_468 = arith.addi %mul3A_467, %sub3A_457 : vector<16xi32>
      %jit3A_469 = arith.constant 0 : i32
      %broadcast_in_dim3A_470 = vector.broadcast %jit3A_469 : i32 to vector<16xi32>
      %select_n3A_471 = arith.select %and3A_464, %add3A_468, %broadcast_in_dim3A_470 : vector<16xi1>, vector<16xi32>
      tpu.vector_store_idx %arg4[%select_n3A_471], %and3A_448 masked %and3A_464 : memref<36864xi32, #tpu.memory_space<vmem>>[vector<16xi32>], vector<16xi32>, vector<16xi1>
      %add3A_472 = arith.constant 64 : i32
      %add3A_473 = vector.broadcast %add3A_472 : i32 to vector<16xi32>
      %add3A_474 = arith.addi %select_n3A_471, %add3A_473 : vector<16xi32>
      tpu.vector_store_idx %arg4[%add3A_474], %get3A_442 masked %and3A_464 : memref<36864xi32, #tpu.memory_space<vmem>>[vector<16xi32>], vector<16xi32>, vector<16xi1>
      tpu.vector_store_idx %arg5[%shift_right_logical3A_445], %broadcast_in_dim3A_3 masked %and3A_464 {add = true} : memref<304xi32, #tpu.memory_space<vmem>>[vector<16xi32>], vector<16xi32>, vector<16xi1>
      %scan3A_475 = arith.constant 3 : i32
      %scan3A_476 = arith.addi %scan3A_353, %scan3A_475 : i32
      %mul3A_477 = arith.constant 16 : i32
      %mul3A_478 = arith.muli %scan3A_476, %mul3A_477 : i32
      %get3A_479 = arith.index_cast %mul3A_478 : i32 to index
      %get3A_480 = tpu.vector_load %arg7[%get3A_479] {strides = array<i32>} : memref<16384xi32, #tpu.memory_space<vmem>>, vector<16xi32>,
      %mul3A_481 = arith.constant 16 : i32
      %mul3A_482 = arith.muli %scan3A_476, %mul3A_481 : i32
      %add3A_483 = arith.constant 8192 : i32
      %add3A_484 = arith.addi %add3A_483, %mul3A_482 : i32
      %get3A_485 = arith.index_cast %add3A_484 : i32 to index
      %get3A_486 = tpu.vector_load %arg7[%get3A_485] {strides = array<i32>} : memref<16384xi32, #tpu.memory_space<vmem>>, vector<16xi32>,
      %shift_right_logical3A_487 = arith.constant 16 : i32
      %shift_right_logical3A_488 = vector.broadcast %shift_right_logical3A_487 : i32 to vector<16xi32>
      %shift_right_logical3A_489 = arith.shrui %get3A_480, %shift_right_logical3A_488 : vector<16xi32>
      %and3A_490 = arith.constant 65535 : i32
      %and3A_491 = vector.broadcast %and3A_490 : i32 to vector<16xi32>
      %and3A_492 = arith.andi %get3A_480, %and3A_491 : vector<16xi32>
      %broadcast_in_dim3A_493 = arith.constant true
      %broadcast_in_dim3A_494 = vector.broadcast %broadcast_in_dim3A_493 : i1 to vector<16xi1>
      %unique3A_495, %unique3A_496 = tpu.scan_count mask(%broadcast_in_dim3A_494 : vector<16xi1>) value(%shift_right_logical3A_489 : vector<16xi32>) : vector<16xi1>, vector<16xi32>
      %gather3A_497 = tpu.vector_load_idx %arg5[%shift_right_logical3A_489] : memref<304xi32, #tpu.memory_space<vmem>>[vector<16xi32>], vector<16xi32>,
      %add3A_498 = arith.addi %gather3A_497, %unique3A_496 : vector<16xi32>
      %sub3A_499 = arith.constant 1 : i32
      %sub3A_500 = vector.broadcast %sub3A_499 : i32 to vector<16xi32>
      %sub3A_501 = arith.subi %add3A_498, %sub3A_500 : vector<16xi32>
      %lt3A_502 = arith.constant 288 : i32
      %lt3A_503 = vector.broadcast %lt3A_502 : i32 to vector<16xi32>
      %lt3A_504 = arith.cmpi slt, %shift_right_logical3A_489, %lt3A_503 : vector<16xi32>
      %lt3A_505 = arith.constant 64 : i32
      %lt3A_506 = vector.broadcast %lt3A_505 : i32 to vector<16xi32>
      %lt3A_507 = arith.cmpi slt, %sub3A_501, %lt3A_506 : vector<16xi32>
      %and3A_508 = arith.andi %lt3A_504, %lt3A_507 : vector<16xi1>
      %mul3A_509 = arith.constant 128 : i32
      %mul3A_510 = vector.broadcast %mul3A_509 : i32 to vector<16xi32>
      %mul3A_511 = arith.muli %shift_right_logical3A_489, %mul3A_510 : vector<16xi32>
      %add3A_512 = arith.addi %mul3A_511, %sub3A_501 : vector<16xi32>
      %jit3A_513 = arith.constant 0 : i32
      %broadcast_in_dim3A_514 = vector.broadcast %jit3A_513 : i32 to vector<16xi32>
      %select_n3A_515 = arith.select %and3A_508, %add3A_512, %broadcast_in_dim3A_514 : vector<16xi1>, vector<16xi32>
      tpu.vector_store_idx %arg4[%select_n3A_515], %and3A_492 masked %and3A_508 : memref<36864xi32, #tpu.memory_space<vmem>>[vector<16xi32>], vector<16xi32>, vector<16xi1>
      %add3A_516 = arith.constant 64 : i32
      %add3A_517 = vector.broadcast %add3A_516 : i32 to vector<16xi32>
      %add3A_518 = arith.addi %select_n3A_515, %add3A_517 : vector<16xi32>
      tpu.vector_store_idx %arg4[%add3A_518], %get3A_486 masked %and3A_508 : memref<36864xi32, #tpu.memory_space<vmem>>[vector<16xi32>], vector<16xi32>, vector<16xi1>
      tpu.vector_store_idx %arg5[%shift_right_logical3A_489], %broadcast_in_dim3A_3 masked %and3A_508 {add = true} : memref<304xi32, #tpu.memory_space<vmem>>[vector<16xi32>], vector<16xi32>, vector<16xi1>
    }
    %scan3A_340 = arith.constant 512 : i32
    %scan3A_341 = arith.constant 0 : i32
    %scan3A_342 = arith.constant 0 : i32
    %scan3A_343 = arith.constant 288 : i32
    %scan3A_344 = arith.addi %scan3A_342, %scan3A_343 : i32
    %scan3A_345 = arith.constant 1 : i32
    scf.for %scan3A_353 = %scan3A_342 to %scan3A_344 step %scan3A_345  : i32 {
      %mul3A_354 = arith.constant 32 : i32
      %mul3A_355 = arith.muli %scan3A_353, %mul3A_354 : i32
      %add3A_356 = arith.addi %mul3A_355, %add3A : i32
      %mul3A_357 = arith.constant 8 : i32
      %mul3A_358 = arith.muli %add3A_356, %mul3A_357 : i32
      %add3A_359 = arith.constant 7 : i32
      %add3A_360 = arith.addi %mul3A_358, %add3A_359 : i32
      %mul3A_361 = arith.constant 128 : i32
      %mul3A_362 = arith.muli %add3A_360, %mul3A_361 : i32
      %mul3A_363 = arith.constant 128 : i32
      %mul3A_364 = arith.muli %scan3A_353, %mul3A_363 : i32
      %dma_start3A_365 = tpu.memref_slice %arg4[%mul3A_364] : memref<36864xi32, #tpu.memory_space<vmem>> -> memref<128xi32, #tpu.memory_space<vmem>>
      %dma_start3A_366 = tpu.memref_slice %arg3[%mul3A_362] : memref<9437184xi32, #tpu.memory_space<hbm>> -> memref<128xi32, #tpu.memory_space<hbm>>
      %dma_start3A_367 = tpu.memref_slice %arg3[%mul3A_362] : memref<9437184xi32, #tpu.memory_space<hbm>> -> memref<128xi32, #tpu.memory_space<hbm>>
      %dma_start3A_368 = tpu.memref_slice %arg4[%mul3A_364] : memref<36864xi32, #tpu.memory_space<vmem>> -> memref<128xi32, #tpu.memory_space<vmem>>
      tpu.enqueue_dma source(%dma_start3A_368 : memref<128xi32, #tpu.memory_space<vmem>>) target(%dma_start3A_367 : memref<128xi32, #tpu.memory_space<hbm>>) target_semaphore(%arg10 : memref<!tpu.dma_semaphore, #tpu.memory_space<semaphore_mem>>)
    }
    %scan3A_346 = arith.constant 288 : i32
    %scan3A_347 = arith.constant 0 : i32
    %scan3A_348 = arith.constant 0 : i32
    %scan3A_349 = arith.constant 288 : i32
    %scan3A_350 = arith.addi %scan3A_348, %scan3A_349 : i32
    %scan3A_351 = arith.constant 1 : i32
    scf.for %scan3A_353 = %scan3A_348 to %scan3A_350 step %scan3A_351  : i32 {
      %dma_wait3A_354 = arith.constant 0 : i32
      %dma_wait3A_355 = tpu.memref_slice %arg4[%dma_wait3A_354] : memref<36864xi32, #tpu.memory_space<vmem>> -> memref<128xi32, #tpu.memory_space<vmem>>
      %dma_wait3A_356 = arith.constant 0 : i32
      %dma_wait3A_357 = tpu.memref_slice %arg3[%dma_wait3A_356] : memref<9437184xi32, #tpu.memory_space<hbm>> -> memref<128xi32, #tpu.memory_space<hbm>>
      %dma_wait3A_358 = arith.constant 0 : i32
      %dma_wait3A_359 = tpu.memref_slice %arg3[%dma_wait3A_358] : memref<9437184xi32, #tpu.memory_space<hbm>> -> memref<128xi32, #tpu.memory_space<hbm>>
      %dma_wait3A_360 = arith.constant 0 : i32
      %dma_wait3A_361 = tpu.memref_slice %arg4[%dma_wait3A_360] : memref<36864xi32, #tpu.memory_space<vmem>> -> memref<128xi32, #tpu.memory_space<vmem>>
      tpu.wait_dma2 semaphore(%arg10 : memref<!tpu.dma_semaphore, #tpu.memory_space<semaphore_mem>>) src(%dma_wait3A_361 : memref<128xi32, #tpu.memory_space<vmem>>) dst(%dma_wait3A_359 : memref<128xi32, #tpu.memory_space<hbm>>)
    }
    %scan3A_352 = arith.constant 288 : i32
    return
  }
}

#map = affine_map<(d0, d1) -> (0)>
module attributes {stable_mosaic.version = 14 : i64} {
  func.func @k(%arg0: i32, %arg1: i32, %arg2: memref<9437184xi32, #tpu.memory_space<hbm>>, %arg3: memref<8388608xf32, #tpu.memory_space<hbm>>, %arg4: memref<65536xf32, #tpu.memory_space<vmem>>, %arg5: memref<16384xi32, #tpu.memory_space<vmem>>, %arg6: memref<16384xi32, #tpu.memory_space<vmem>>, %arg7: memref<!tpu.dma_semaphore, #tpu.memory_space<semaphore_mem>>, %arg8: memref<!tpu.dma_semaphore, #tpu.memory_space<semaphore_mem>>) attributes {dimension_semantics = [#tpu.dimension_semantics<core_parallel>, #tpu.dimension_semantics<subcore_parallel>], iteration_bounds = array<i64: 2, 16>, scalar_prefetch = 0 : i64, scratch_operands = 5 : i64, tpu.core_type = #tpu.core_type<sc_vector_subcore>, window_params = [{transform_indices = #map}, {transform_indices = #map}]} {
    %mul3A = arith.constant 2 : i32
    %mul3A_0 = arith.muli %arg1, %mul3A : i32
    %add3A = arith.addi %mul3A_0, %arg0 : i32
    %broadcast_in_dim3A = arith.constant 0.000000e+00 : f32
    %broadcast_in_dim3A_1 = vector.broadcast %broadcast_in_dim3A : f32 to vector<16xf32>
    %mul3A_2 = arith.constant 4 : i32
    %mul3A_3 = arith.muli %add3A, %mul3A_2 : i32
    %add3A_4 = arith.constant 160 : i32
    %add3A_5 = arith.addi %add3A_4, %mul3A_3 : i32
    %add3A_6 = arith.constant 0 : i32
    %add3A_7 = arith.addi %add3A_5, %add3A_6 : i32
    %mul3A_8 = arith.constant 2 : i32
    %mul3A_9 = arith.muli %add3A_7, %mul3A_8 : i32
    %mul3A_10 = arith.constant 16384 : i32
    %mul3A_11 = arith.muli %mul3A_9, %mul3A_10 : i32
    %add3A_12 = arith.constant 0 : i32
    %add3A_13 = arith.addi %mul3A_11, %add3A_12 : i32
    %dma_start3A = tpu.memref_slice %arg2[%add3A_13] : memref<9437184xi32, #tpu.memory_space<hbm>> -> memref<16384xi32, #tpu.memory_space<hbm>>
    %dma_start3A_14 = tpu.memref_slice %arg2[%add3A_13] : memref<9437184xi32, #tpu.memory_space<hbm>> -> memref<16384xi32, #tpu.memory_space<hbm>>
    tpu.enqueue_dma source(%dma_start3A_14 : memref<16384xi32, #tpu.memory_space<hbm>>) target(%arg5 : memref<16384xi32, #tpu.memory_space<vmem>>) target_semaphore(%arg7 : memref<!tpu.dma_semaphore, #tpu.memory_space<semaphore_mem>>)
    %add3A_15 = arith.constant 16384 : i32
    %add3A_16 = arith.addi %mul3A_11, %add3A_15 : i32
    %dma_start3A_17 = tpu.memref_slice %arg2[%add3A_16] : memref<9437184xi32, #tpu.memory_space<hbm>> -> memref<16384xi32, #tpu.memory_space<hbm>>
    %dma_start3A_18 = tpu.memref_slice %arg2[%add3A_16] : memref<9437184xi32, #tpu.memory_space<hbm>> -> memref<16384xi32, #tpu.memory_space<hbm>>
    tpu.enqueue_dma source(%dma_start3A_18 : memref<16384xi32, #tpu.memory_space<hbm>>) target(%arg6 : memref<16384xi32, #tpu.memory_space<vmem>>) target_semaphore(%arg8 : memref<!tpu.dma_semaphore, #tpu.memory_space<semaphore_mem>>)
    %scan3A = arith.constant 0 : i32
    %scan3A_19 = arith.constant 0 : i32
    %scan3A_20 = arith.constant 4096 : i32
    %scan3A_21 = arith.addi %scan3A_19, %scan3A_20 : i32
    %scan3A_22 = arith.constant 8 : i32
    scf.for %scan3A_198 = %scan3A_19 to %scan3A_21 step %scan3A_22  : i32 {
      %mul3A_199 = arith.constant 16 : i32
      %mul3A_200 = arith.muli %scan3A_198, %mul3A_199 : i32
      %swap3A = arith.index_cast %mul3A_200 : i32 to index
      %swap3A_201 = tpu.vector_load %arg4[%swap3A] {strides = array<i32>} : memref<65536xf32, #tpu.memory_space<vmem>>, vector<16xf32>,
      tpu.vector_store %arg4[%swap3A], %broadcast_in_dim3A_1 {strides = array<i32>} : memref<65536xf32, #tpu.memory_space<vmem>>, vector<16xf32>,
      %scan3A_202 = arith.constant 1 : i32
      %scan3A_203 = arith.addi %scan3A_198, %scan3A_202 : i32
      %mul3A_204 = arith.constant 16 : i32
      %mul3A_205 = arith.muli %scan3A_203, %mul3A_204 : i32
      %swap3A_206 = arith.index_cast %mul3A_205 : i32 to index
      %swap3A_207 = tpu.vector_load %arg4[%swap3A_206] {strides = array<i32>} : memref<65536xf32, #tpu.memory_space<vmem>>, vector<16xf32>,
      tpu.vector_store %arg4[%swap3A_206], %broadcast_in_dim3A_1 {strides = array<i32>} : memref<65536xf32, #tpu.memory_space<vmem>>, vector<16xf32>,
      %scan3A_208 = arith.constant 2 : i32
      %scan3A_209 = arith.addi %scan3A_198, %scan3A_208 : i32
      %mul3A_210 = arith.constant 16 : i32
      %mul3A_211 = arith.muli %scan3A_209, %mul3A_210 : i32
      %swap3A_212 = arith.index_cast %mul3A_211 : i32 to index
      %swap3A_213 = tpu.vector_load %arg4[%swap3A_212] {strides = array<i32>} : memref<65536xf32, #tpu.memory_space<vmem>>, vector<16xf32>,
      tpu.vector_store %arg4[%swap3A_212], %broadcast_in_dim3A_1 {strides = array<i32>} : memref<65536xf32, #tpu.memory_space<vmem>>, vector<16xf32>,
      %scan3A_214 = arith.constant 3 : i32
      %scan3A_215 = arith.addi %scan3A_198, %scan3A_214 : i32
      %mul3A_216 = arith.constant 16 : i32
      %mul3A_217 = arith.muli %scan3A_215, %mul3A_216 : i32
      %swap3A_218 = arith.index_cast %mul3A_217 : i32 to index
      %swap3A_219 = tpu.vector_load %arg4[%swap3A_218] {strides = array<i32>} : memref<65536xf32, #tpu.memory_space<vmem>>, vector<16xf32>,
      tpu.vector_store %arg4[%swap3A_218], %broadcast_in_dim3A_1 {strides = array<i32>} : memref<65536xf32, #tpu.memory_space<vmem>>, vector<16xf32>,
      %scan3A_220 = arith.constant 4 : i32
      %scan3A_221 = arith.addi %scan3A_198, %scan3A_220 : i32
      %mul3A_222 = arith.constant 16 : i32
      %mul3A_223 = arith.muli %scan3A_221, %mul3A_222 : i32
      %swap3A_224 = arith.index_cast %mul3A_223 : i32 to index
      %swap3A_225 = tpu.vector_load %arg4[%swap3A_224] {strides = array<i32>} : memref<65536xf32, #tpu.memory_space<vmem>>, vector<16xf32>,
      tpu.vector_store %arg4[%swap3A_224], %broadcast_in_dim3A_1 {strides = array<i32>} : memref<65536xf32, #tpu.memory_space<vmem>>, vector<16xf32>,
      %scan3A_226 = arith.constant 5 : i32
      %scan3A_227 = arith.addi %scan3A_198, %scan3A_226 : i32
      %mul3A_228 = arith.constant 16 : i32
      %mul3A_229 = arith.muli %scan3A_227, %mul3A_228 : i32
      %swap3A_230 = arith.index_cast %mul3A_229 : i32 to index
      %swap3A_231 = tpu.vector_load %arg4[%swap3A_230] {strides = array<i32>} : memref<65536xf32, #tpu.memory_space<vmem>>, vector<16xf32>,
      tpu.vector_store %arg4[%swap3A_230], %broadcast_in_dim3A_1 {strides = array<i32>} : memref<65536xf32, #tpu.memory_space<vmem>>, vector<16xf32>,
      %scan3A_232 = arith.constant 6 : i32
      %scan3A_233 = arith.addi %scan3A_198, %scan3A_232 : i32
      %mul3A_234 = arith.constant 16 : i32
      %mul3A_235 = arith.muli %scan3A_233, %mul3A_234 : i32
      %swap3A_236 = arith.index_cast %mul3A_235 : i32 to index
      %swap3A_237 = tpu.vector_load %arg4[%swap3A_236] {strides = array<i32>} : memref<65536xf32, #tpu.memory_space<vmem>>, vector<16xf32>,
      tpu.vector_store %arg4[%swap3A_236], %broadcast_in_dim3A_1 {strides = array<i32>} : memref<65536xf32, #tpu.memory_space<vmem>>, vector<16xf32>,
      %scan3A_238 = arith.constant 7 : i32
      %scan3A_239 = arith.addi %scan3A_198, %scan3A_238 : i32
      %mul3A_240 = arith.constant 16 : i32
      %mul3A_241 = arith.muli %scan3A_239, %mul3A_240 : i32
      %swap3A_242 = arith.index_cast %mul3A_241 : i32 to index
      %swap3A_243 = tpu.vector_load %arg4[%swap3A_242] {strides = array<i32>} : memref<65536xf32, #tpu.memory_space<vmem>>, vector<16xf32>,
      tpu.vector_store %arg4[%swap3A_242], %broadcast_in_dim3A_1 {strides = array<i32>} : memref<65536xf32, #tpu.memory_space<vmem>>, vector<16xf32>,
    }
    %scan3A_23 = arith.constant 4096 : i32
    %dma_wait3A = arith.constant 0 : i32
    %dma_wait3A_24 = tpu.memref_slice %arg2[%dma_wait3A] : memref<9437184xi32, #tpu.memory_space<hbm>> -> memref<16384xi32, #tpu.memory_space<hbm>>
    %dma_wait3A_25 = arith.constant 0 : i32
    %dma_wait3A_26 = tpu.memref_slice %arg2[%dma_wait3A_25] : memref<9437184xi32, #tpu.memory_space<hbm>> -> memref<16384xi32, #tpu.memory_space<hbm>>
    tpu.wait_dma2 semaphore(%arg7 : memref<!tpu.dma_semaphore, #tpu.memory_space<semaphore_mem>>) src(%dma_wait3A_26 : memref<16384xi32, #tpu.memory_space<hbm>>) dst(%arg5 : memref<16384xi32, #tpu.memory_space<vmem>>)
    %scan3A_27 = arith.constant 0 : i32
    %scan3A_28 = arith.constant 0 : i32
    %scan3A_29 = arith.constant 128 : i32
    %scan3A_30 = arith.addi %scan3A_28, %scan3A_29 : i32
    %scan3A_31 = arith.constant 1 : i32
    scf.for %scan3A_198 = %scan3A_28 to %scan3A_30 step %scan3A_31  : i32 {
      %mul3A_199 = arith.constant 128 : i32
      %mul3A_200 = arith.muli %scan3A_198, %mul3A_199 : i32
      %add3A_201 = arith.constant 0 : i32
      %add3A_202 = arith.addi %mul3A_200, %add3A_201 : i32
      %get3A = arith.index_cast %add3A_202 : i32 to index
      %get3A_203 = tpu.vector_load %arg5[%get3A] {strides = array<i32>} : memref<16384xi32, #tpu.memory_space<vmem>>, vector<16xi32>,
      %mul3A_204 = arith.constant 128 : i32
      %mul3A_205 = arith.muli %scan3A_198, %mul3A_204 : i32
      %add3A_206 = arith.constant 64 : i32
      %add3A_207 = arith.addi %mul3A_205, %add3A_206 : i32
      %add3A_208 = arith.constant 0 : i32
      %add3A_209 = arith.addi %add3A_207, %add3A_208 : i32
      %get3A_210 = arith.index_cast %add3A_209 : i32 to index
      %get3A_211 = tpu.vector_load %arg5[%get3A_210] {strides = array<i32>} : memref<16384xi32, #tpu.memory_space<vmem>>, vector<16xi32>,
      %ne3A = arith.constant 0 : i32
      %ne3A_212 = vector.broadcast %ne3A : i32 to vector<16xi32>
      %ne3A_213 = arith.cmpi ne, %get3A_211, %ne3A_212 : vector<16xi32>
      %bitcast3A = vector.bitcast %get3A_211 : vector<16xi32> to vector<16xf32>
      tpu.vector_store_idx %arg4[%get3A_203], %bitcast3A masked %ne3A_213 {add = true} : memref<65536xf32, #tpu.memory_space<vmem>>[vector<16xi32>], vector<16xf32>, vector<16xi1>
      %mul3A_214 = arith.constant 128 : i32
      %mul3A_215 = arith.muli %scan3A_198, %mul3A_214 : i32
      %add3A_216 = arith.constant 16 : i32
      %add3A_217 = arith.addi %mul3A_215, %add3A_216 : i32
      %get3A_218 = arith.index_cast %add3A_217 : i32 to index
      %get3A_219 = tpu.vector_load %arg5[%get3A_218] {strides = array<i32>} : memref<16384xi32, #tpu.memory_space<vmem>>, vector<16xi32>,
      %mul3A_220 = arith.constant 128 : i32
      %mul3A_221 = arith.muli %scan3A_198, %mul3A_220 : i32
      %add3A_222 = arith.constant 64 : i32
      %add3A_223 = arith.addi %mul3A_221, %add3A_222 : i32
      %add3A_224 = arith.constant 16 : i32
      %add3A_225 = arith.addi %add3A_223, %add3A_224 : i32
      %get3A_226 = arith.index_cast %add3A_225 : i32 to index
      %get3A_227 = tpu.vector_load %arg5[%get3A_226] {strides = array<i32>} : memref<16384xi32, #tpu.memory_space<vmem>>, vector<16xi32>,
      %ne3A_228 = arith.constant 0 : i32
      %ne3A_229 = vector.broadcast %ne3A_228 : i32 to vector<16xi32>
      %ne3A_230 = arith.cmpi ne, %get3A_227, %ne3A_229 : vector<16xi32>
      %bitcast3A_231 = vector.bitcast %get3A_227 : vector<16xi32> to vector<16xf32>
      tpu.vector_store_idx %arg4[%get3A_219], %bitcast3A_231 masked %ne3A_230 {add = true} : memref<65536xf32, #tpu.memory_space<vmem>>[vector<16xi32>], vector<16xf32>, vector<16xi1>
      %mul3A_232 = arith.constant 128 : i32
      %mul3A_233 = arith.muli %scan3A_198, %mul3A_232 : i32
      %add3A_234 = arith.constant 32 : i32
      %add3A_235 = arith.addi %mul3A_233, %add3A_234 : i32
      %get3A_236 = arith.index_cast %add3A_235 : i32 to index
      %get3A_237 = tpu.vector_load %arg5[%get3A_236] {strides = array<i32>} : memref<16384xi32, #tpu.memory_space<vmem>>, vector<16xi32>,
      %mul3A_238 = arith.constant 128 : i32
      %mul3A_239 = arith.muli %scan3A_198, %mul3A_238 : i32
      %add3A_240 = arith.constant 64 : i32
      %add3A_241 = arith.addi %mul3A_239, %add3A_240 : i32
      %add3A_242 = arith.constant 32 : i32
      %add3A_243 = arith.addi %add3A_241, %add3A_242 : i32
      %get3A_244 = arith.index_cast %add3A_243 : i32 to index
      %get3A_245 = tpu.vector_load %arg5[%get3A_244] {strides = array<i32>} : memref<16384xi32, #tpu.memory_space<vmem>>, vector<16xi32>,
      %ne3A_246 = arith.constant 0 : i32
      %ne3A_247 = vector.broadcast %ne3A_246 : i32 to vector<16xi32>
      %ne3A_248 = arith.cmpi ne, %get3A_245, %ne3A_247 : vector<16xi32>
      %bitcast3A_249 = vector.bitcast %get3A_245 : vector<16xi32> to vector<16xf32>
      tpu.vector_store_idx %arg4[%get3A_237], %bitcast3A_249 masked %ne3A_248 {add = true} : memref<65536xf32, #tpu.memory_space<vmem>>[vector<16xi32>], vector<16xf32>, vector<16xi1>
      %mul3A_250 = arith.constant 128 : i32
      %mul3A_251 = arith.muli %scan3A_198, %mul3A_250 : i32
      %add3A_252 = arith.constant 48 : i32
      %add3A_253 = arith.addi %mul3A_251, %add3A_252 : i32
      %get3A_254 = arith.index_cast %add3A_253 : i32 to index
      %get3A_255 = tpu.vector_load %arg5[%get3A_254] {strides = array<i32>} : memref<16384xi32, #tpu.memory_space<vmem>>, vector<16xi32>,
      %mul3A_256 = arith.constant 128 : i32
      %mul3A_257 = arith.muli %scan3A_198, %mul3A_256 : i32
      %add3A_258 = arith.constant 64 : i32
      %add3A_259 = arith.addi %mul3A_257, %add3A_258 : i32
      %add3A_260 = arith.constant 48 : i32
      %add3A_261 = arith.addi %add3A_259, %add3A_260 : i32
      %get3A_262 = arith.index_cast %add3A_261 : i32 to index
      %get3A_263 = tpu.vector_load %arg5[%get3A_262] {strides = array<i32>} : memref<16384xi32, #tpu.memory_space<vmem>>, vector<16xi32>,
      %ne3A_264 = arith.constant 0 : i32
      %ne3A_265 = vector.broadcast %ne3A_264 : i32 to vector<16xi32>
      %ne3A_266 = arith.cmpi ne, %get3A_263, %ne3A_265 : vector<16xi32>
      %bitcast3A_267 = vector.bitcast %get3A_263 : vector<16xi32> to vector<16xf32>
      tpu.vector_store_idx %arg4[%get3A_255], %bitcast3A_267 masked %ne3A_266 {add = true} : memref<65536xf32, #tpu.memory_space<vmem>>[vector<16xi32>], vector<16xf32>, vector<16xi1>
    }
    %scan3A_32 = arith.constant 128 : i32
    %dma_wait3A_33 = arith.constant 0 : i32
    %dma_wait3A_34 = tpu.memref_slice %arg2[%dma_wait3A_33] : memref<9437184xi32, #tpu.memory_space<hbm>> -> memref<16384xi32, #tpu.memory_space<hbm>>
    %dma_wait3A_35 = arith.constant 0 : i32
    %dma_wait3A_36 = tpu.memref_slice %arg2[%dma_wait3A_35] : memref<9437184xi32, #tpu.memory_space<hbm>> -> memref<16384xi32, #tpu.memory_space<hbm>>
    tpu.wait_dma2 semaphore(%arg8 : memref<!tpu.dma_semaphore, #tpu.memory_space<semaphore_mem>>) src(%dma_wait3A_36 : memref<16384xi32, #tpu.memory_space<hbm>>) dst(%arg6 : memref<16384xi32, #tpu.memory_space<vmem>>)
    %scan3A_37 = arith.constant 0 : i32
    %scan3A_38 = arith.constant 0 : i32
    %scan3A_39 = arith.constant 128 : i32
    %scan3A_40 = arith.addi %scan3A_38, %scan3A_39 : i32
    %scan3A_41 = arith.constant 1 : i32
    scf.for %scan3A_198 = %scan3A_38 to %scan3A_40 step %scan3A_41  : i32 {
      %mul3A_199 = arith.constant 128 : i32
      %mul3A_200 = arith.muli %scan3A_198, %mul3A_199 : i32
      %add3A_201 = arith.constant 0 : i32
      %add3A_202 = arith.addi %mul3A_200, %add3A_201 : i32
      %get3A = arith.index_cast %add3A_202 : i32 to index
      %get3A_203 = tpu.vector_load %arg6[%get3A] {strides = array<i32>} : memref<16384xi32, #tpu.memory_space<vmem>>, vector<16xi32>,
      %mul3A_204 = arith.constant 128 : i32
      %mul3A_205 = arith.muli %scan3A_198, %mul3A_204 : i32
      %add3A_206 = arith.constant 64 : i32
      %add3A_207 = arith.addi %mul3A_205, %add3A_206 : i32
      %add3A_208 = arith.constant 0 : i32
      %add3A_209 = arith.addi %add3A_207, %add3A_208 : i32
      %get3A_210 = arith.index_cast %add3A_209 : i32 to index
      %get3A_211 = tpu.vector_load %arg6[%get3A_210] {strides = array<i32>} : memref<16384xi32, #tpu.memory_space<vmem>>, vector<16xi32>,
      %ne3A = arith.constant 0 : i32
      %ne3A_212 = vector.broadcast %ne3A : i32 to vector<16xi32>
      %ne3A_213 = arith.cmpi ne, %get3A_211, %ne3A_212 : vector<16xi32>
      %bitcast3A = vector.bitcast %get3A_211 : vector<16xi32> to vector<16xf32>
      tpu.vector_store_idx %arg4[%get3A_203], %bitcast3A masked %ne3A_213 {add = true} : memref<65536xf32, #tpu.memory_space<vmem>>[vector<16xi32>], vector<16xf32>, vector<16xi1>
      %mul3A_214 = arith.constant 128 : i32
      %mul3A_215 = arith.muli %scan3A_198, %mul3A_214 : i32
      %add3A_216 = arith.constant 16 : i32
      %add3A_217 = arith.addi %mul3A_215, %add3A_216 : i32
      %get3A_218 = arith.index_cast %add3A_217 : i32 to index
      %get3A_219 = tpu.vector_load %arg6[%get3A_218] {strides = array<i32>} : memref<16384xi32, #tpu.memory_space<vmem>>, vector<16xi32>,
      %mul3A_220 = arith.constant 128 : i32
      %mul3A_221 = arith.muli %scan3A_198, %mul3A_220 : i32
      %add3A_222 = arith.constant 64 : i32
      %add3A_223 = arith.addi %mul3A_221, %add3A_222 : i32
      %add3A_224 = arith.constant 16 : i32
      %add3A_225 = arith.addi %add3A_223, %add3A_224 : i32
      %get3A_226 = arith.index_cast %add3A_225 : i32 to index
      %get3A_227 = tpu.vector_load %arg6[%get3A_226] {strides = array<i32>} : memref<16384xi32, #tpu.memory_space<vmem>>, vector<16xi32>,
      %ne3A_228 = arith.constant 0 : i32
      %ne3A_229 = vector.broadcast %ne3A_228 : i32 to vector<16xi32>
      %ne3A_230 = arith.cmpi ne, %get3A_227, %ne3A_229 : vector<16xi32>
      %bitcast3A_231 = vector.bitcast %get3A_227 : vector<16xi32> to vector<16xf32>
      tpu.vector_store_idx %arg4[%get3A_219], %bitcast3A_231 masked %ne3A_230 {add = true} : memref<65536xf32, #tpu.memory_space<vmem>>[vector<16xi32>], vector<16xf32>, vector<16xi1>
      %mul3A_232 = arith.constant 128 : i32
      %mul3A_233 = arith.muli %scan3A_198, %mul3A_232 : i32
      %add3A_234 = arith.constant 32 : i32
      %add3A_235 = arith.addi %mul3A_233, %add3A_234 : i32
      %get3A_236 = arith.index_cast %add3A_235 : i32 to index
      %get3A_237 = tpu.vector_load %arg6[%get3A_236] {strides = array<i32>} : memref<16384xi32, #tpu.memory_space<vmem>>, vector<16xi32>,
      %mul3A_238 = arith.constant 128 : i32
      %mul3A_239 = arith.muli %scan3A_198, %mul3A_238 : i32
      %add3A_240 = arith.constant 64 : i32
      %add3A_241 = arith.addi %mul3A_239, %add3A_240 : i32
      %add3A_242 = arith.constant 32 : i32
      %add3A_243 = arith.addi %add3A_241, %add3A_242 : i32
      %get3A_244 = arith.index_cast %add3A_243 : i32 to index
      %get3A_245 = tpu.vector_load %arg6[%get3A_244] {strides = array<i32>} : memref<16384xi32, #tpu.memory_space<vmem>>, vector<16xi32>,
      %ne3A_246 = arith.constant 0 : i32
      %ne3A_247 = vector.broadcast %ne3A_246 : i32 to vector<16xi32>
      %ne3A_248 = arith.cmpi ne, %get3A_245, %ne3A_247 : vector<16xi32>
      %bitcast3A_249 = vector.bitcast %get3A_245 : vector<16xi32> to vector<16xf32>
      tpu.vector_store_idx %arg4[%get3A_237], %bitcast3A_249 masked %ne3A_248 {add = true} : memref<65536xf32, #tpu.memory_space<vmem>>[vector<16xi32>], vector<16xf32>, vector<16xi1>
      %mul3A_250 = arith.constant 128 : i32
      %mul3A_251 = arith.muli %scan3A_198, %mul3A_250 : i32
      %add3A_252 = arith.constant 48 : i32
      %add3A_253 = arith.addi %mul3A_251, %add3A_252 : i32
      %get3A_254 = arith.index_cast %add3A_253 : i32 to index
      %get3A_255 = tpu.vector_load %arg6[%get3A_254] {strides = array<i32>} : memref<16384xi32, #tpu.memory_space<vmem>>, vector<16xi32>,
      %mul3A_256 = arith.constant 128 : i32
      %mul3A_257 = arith.muli %scan3A_198, %mul3A_256 : i32
      %add3A_258 = arith.constant 64 : i32
      %add3A_259 = arith.addi %mul3A_257, %add3A_258 : i32
      %add3A_260 = arith.constant 48 : i32
      %add3A_261 = arith.addi %add3A_259, %add3A_260 : i32
      %get3A_262 = arith.index_cast %add3A_261 : i32 to index
      %get3A_263 = tpu.vector_load %arg6[%get3A_262] {strides = array<i32>} : memref<16384xi32, #tpu.memory_space<vmem>>, vector<16xi32>,
      %ne3A_264 = arith.constant 0 : i32
      %ne3A_265 = vector.broadcast %ne3A_264 : i32 to vector<16xi32>
      %ne3A_266 = arith.cmpi ne, %get3A_263, %ne3A_265 : vector<16xi32>
      %bitcast3A_267 = vector.bitcast %get3A_263 : vector<16xi32> to vector<16xf32>
      tpu.vector_store_idx %arg4[%get3A_255], %bitcast3A_267 masked %ne3A_266 {add = true} : memref<65536xf32, #tpu.memory_space<vmem>>[vector<16xi32>], vector<16xf32>, vector<16xi1>
    }
    %scan3A_42 = arith.constant 128 : i32
    %sub3A = arith.constant 160 : i32
    %sub3A_43 = arith.subi %add3A_7, %sub3A : i32
    %mul3A_44 = arith.constant 16 : i32
    %mul3A_45 = arith.muli %sub3A_43, %mul3A_44 : i32
    %mul3A_46 = arith.constant 4096 : i32
    %mul3A_47 = arith.muli %mul3A_45, %mul3A_46 : i32
    "tpu.region"() ({
      %run_scoped3A = tpu.sem_alloc : memref<!tpu.dma_semaphore, #tpu.memory_space<semaphore_mem>>
      %dma_start3A_198 = tpu.memref_slice %arg3[%mul3A_47] : memref<8388608xf32, #tpu.memory_space<hbm>> -> memref<65536xf32, #tpu.memory_space<hbm>>
      %dma_start3A_199 = tpu.memref_slice %arg3[%mul3A_47] : memref<8388608xf32, #tpu.memory_space<hbm>> -> memref<65536xf32, #tpu.memory_space<hbm>>
      tpu.enqueue_dma source(%arg4 : memref<65536xf32, #tpu.memory_space<vmem>>) target(%dma_start3A_199 : memref<65536xf32, #tpu.memory_space<hbm>>) target_semaphore(%run_scoped3A : memref<!tpu.dma_semaphore, #tpu.memory_space<semaphore_mem>>)
      %dma_wait3A_200 = tpu.memref_slice %arg3[%mul3A_47] : memref<8388608xf32, #tpu.memory_space<hbm>> -> memref<65536xf32, #tpu.memory_space<hbm>>
      %dma_wait3A_201 = tpu.memref_slice %arg3[%mul3A_47] : memref<8388608xf32, #tpu.memory_space<hbm>> -> memref<65536xf32, #tpu.memory_space<hbm>>
      tpu.wait_dma2 semaphore(%run_scoped3A : memref<!tpu.dma_semaphore, #tpu.memory_space<semaphore_mem>>) src(%arg4 : memref<65536xf32, #tpu.memory_space<vmem>>) dst(%dma_wait3A_201 : memref<65536xf32, #tpu.memory_space<hbm>>)
      tpu.yield
    }) : () -> ()
    %mul3A_48 = arith.constant 4 : i32
    %mul3A_49 = arith.muli %add3A, %mul3A_48 : i32
    %add3A_50 = arith.constant 160 : i32
    %add3A_51 = arith.addi %add3A_50, %mul3A_49 : i32
    %add3A_52 = arith.constant 1 : i32
    %add3A_53 = arith.addi %add3A_51, %add3A_52 : i32
    %mul3A_54 = arith.constant 2 : i32
    %mul3A_55 = arith.muli %add3A_53, %mul3A_54 : i32
    %mul3A_56 = arith.constant 16384 : i32
    %mul3A_57 = arith.muli %mul3A_55, %mul3A_56 : i32
    %add3A_58 = arith.constant 0 : i32
    %add3A_59 = arith.addi %mul3A_57, %add3A_58 : i32
    %dma_start3A_60 = tpu.memref_slice %arg2[%add3A_59] : memref<9437184xi32, #tpu.memory_space<hbm>> -> memref<16384xi32, #tpu.memory_space<hbm>>
    %dma_start3A_61 = tpu.memref_slice %arg2[%add3A_59] : memref<9437184xi32, #tpu.memory_space<hbm>> -> memref<16384xi32, #tpu.memory_space<hbm>>
    tpu.enqueue_dma source(%dma_start3A_61 : memref<16384xi32, #tpu.memory_space<hbm>>) target(%arg5 : memref<16384xi32, #tpu.memory_space<vmem>>) target_semaphore(%arg7 : memref<!tpu.dma_semaphore, #tpu.memory_space<semaphore_mem>>)
    %add3A_62 = arith.constant 16384 : i32
    %add3A_63 = arith.addi %mul3A_57, %add3A_62 : i32
    %dma_start3A_64 = tpu.memref_slice %arg2[%add3A_63] : memref<9437184xi32, #tpu.memory_space<hbm>> -> memref<16384xi32, #tpu.memory_space<hbm>>
    %dma_start3A_65 = tpu.memref_slice %arg2[%add3A_63] : memref<9437184xi32, #tpu.memory_space<hbm>> -> memref<16384xi32, #tpu.memory_space<hbm>>
    tpu.enqueue_dma source(%dma_start3A_65 : memref<16384xi32, #tpu.memory_space<hbm>>) target(%arg6 : memref<16384xi32, #tpu.memory_space<vmem>>) target_semaphore(%arg8 : memref<!tpu.dma_semaphore, #tpu.memory_space<semaphore_mem>>)
    %scan3A_66 = arith.constant 0 : i32
    %scan3A_67 = arith.constant 0 : i32
    %scan3A_68 = arith.constant 4096 : i32
    %scan3A_69 = arith.addi %scan3A_67, %scan3A_68 : i32
    %scan3A_70 = arith.constant 8 : i32
    scf.for %scan3A_198 = %scan3A_67 to %scan3A_69 step %scan3A_70  : i32 {
      %mul3A_199 = arith.constant 16 : i32
      %mul3A_200 = arith.muli %scan3A_198, %mul3A_199 : i32
      %swap3A = arith.index_cast %mul3A_200 : i32 to index
      %swap3A_201 = tpu.vector_load %arg4[%swap3A] {strides = array<i32>} : memref<65536xf32, #tpu.memory_space<vmem>>, vector<16xf32>,
      tpu.vector_store %arg4[%swap3A], %broadcast_in_dim3A_1 {strides = array<i32>} : memref<65536xf32, #tpu.memory_space<vmem>>, vector<16xf32>,
      %scan3A_202 = arith.constant 1 : i32
      %scan3A_203 = arith.addi %scan3A_198, %scan3A_202 : i32
      %mul3A_204 = arith.constant 16 : i32
      %mul3A_205 = arith.muli %scan3A_203, %mul3A_204 : i32
      %swap3A_206 = arith.index_cast %mul3A_205 : i32 to index
      %swap3A_207 = tpu.vector_load %arg4[%swap3A_206] {strides = array<i32>} : memref<65536xf32, #tpu.memory_space<vmem>>, vector<16xf32>,
      tpu.vector_store %arg4[%swap3A_206], %broadcast_in_dim3A_1 {strides = array<i32>} : memref<65536xf32, #tpu.memory_space<vmem>>, vector<16xf32>,
      %scan3A_208 = arith.constant 2 : i32
      %scan3A_209 = arith.addi %scan3A_198, %scan3A_208 : i32
      %mul3A_210 = arith.constant 16 : i32
      %mul3A_211 = arith.muli %scan3A_209, %mul3A_210 : i32
      %swap3A_212 = arith.index_cast %mul3A_211 : i32 to index
      %swap3A_213 = tpu.vector_load %arg4[%swap3A_212] {strides = array<i32>} : memref<65536xf32, #tpu.memory_space<vmem>>, vector<16xf32>,
      tpu.vector_store %arg4[%swap3A_212], %broadcast_in_dim3A_1 {strides = array<i32>} : memref<65536xf32, #tpu.memory_space<vmem>>, vector<16xf32>,
      %scan3A_214 = arith.constant 3 : i32
      %scan3A_215 = arith.addi %scan3A_198, %scan3A_214 : i32
      %mul3A_216 = arith.constant 16 : i32
      %mul3A_217 = arith.muli %scan3A_215, %mul3A_216 : i32
      %swap3A_218 = arith.index_cast %mul3A_217 : i32 to index
      %swap3A_219 = tpu.vector_load %arg4[%swap3A_218] {strides = array<i32>} : memref<65536xf32, #tpu.memory_space<vmem>>, vector<16xf32>,
      tpu.vector_store %arg4[%swap3A_218], %broadcast_in_dim3A_1 {strides = array<i32>} : memref<65536xf32, #tpu.memory_space<vmem>>, vector<16xf32>,
      %scan3A_220 = arith.constant 4 : i32
      %scan3A_221 = arith.addi %scan3A_198, %scan3A_220 : i32
      %mul3A_222 = arith.constant 16 : i32
      %mul3A_223 = arith.muli %scan3A_221, %mul3A_222 : i32
      %swap3A_224 = arith.index_cast %mul3A_223 : i32 to index
      %swap3A_225 = tpu.vector_load %arg4[%swap3A_224] {strides = array<i32>} : memref<65536xf32, #tpu.memory_space<vmem>>, vector<16xf32>,
      tpu.vector_store %arg4[%swap3A_224], %broadcast_in_dim3A_1 {strides = array<i32>} : memref<65536xf32, #tpu.memory_space<vmem>>, vector<16xf32>,
      %scan3A_226 = arith.constant 5 : i32
      %scan3A_227 = arith.addi %scan3A_198, %scan3A_226 : i32
      %mul3A_228 = arith.constant 16 : i32
      %mul3A_229 = arith.muli %scan3A_227, %mul3A_228 : i32
      %swap3A_230 = arith.index_cast %mul3A_229 : i32 to index
      %swap3A_231 = tpu.vector_load %arg4[%swap3A_230] {strides = array<i32>} : memref<65536xf32, #tpu.memory_space<vmem>>, vector<16xf32>,
      tpu.vector_store %arg4[%swap3A_230], %broadcast_in_dim3A_1 {strides = array<i32>} : memref<65536xf32, #tpu.memory_space<vmem>>, vector<16xf32>,
      %scan3A_232 = arith.constant 6 : i32
      %scan3A_233 = arith.addi %scan3A_198, %scan3A_232 : i32
      %mul3A_234 = arith.constant 16 : i32
      %mul3A_235 = arith.muli %scan3A_233, %mul3A_234 : i32
      %swap3A_236 = arith.index_cast %mul3A_235 : i32 to index
      %swap3A_237 = tpu.vector_load %arg4[%swap3A_236] {strides = array<i32>} : memref<65536xf32, #tpu.memory_space<vmem>>, vector<16xf32>,
      tpu.vector_store %arg4[%swap3A_236], %broadcast_in_dim3A_1 {strides = array<i32>} : memref<65536xf32, #tpu.memory_space<vmem>>, vector<16xf32>,
      %scan3A_238 = arith.constant 7 : i32
      %scan3A_239 = arith.addi %scan3A_198, %scan3A_238 : i32
      %mul3A_240 = arith.constant 16 : i32
      %mul3A_241 = arith.muli %scan3A_239, %mul3A_240 : i32
      %swap3A_242 = arith.index_cast %mul3A_241 : i32 to index
      %swap3A_243 = tpu.vector_load %arg4[%swap3A_242] {strides = array<i32>} : memref<65536xf32, #tpu.memory_space<vmem>>, vector<16xf32>,
      tpu.vector_store %arg4[%swap3A_242], %broadcast_in_dim3A_1 {strides = array<i32>} : memref<65536xf32, #tpu.memory_space<vmem>>, vector<16xf32>,
    }
    %scan3A_71 = arith.constant 4096 : i32
    %dma_wait3A_72 = arith.constant 0 : i32
    %dma_wait3A_73 = tpu.memref_slice %arg2[%dma_wait3A_72] : memref<9437184xi32, #tpu.memory_space<hbm>> -> memref<16384xi32, #tpu.memory_space<hbm>>
    %dma_wait3A_74 = arith.constant 0 : i32
    %dma_wait3A_75 = tpu.memref_slice %arg2[%dma_wait3A_74] : memref<9437184xi32, #tpu.memory_space<hbm>> -> memref<16384xi32, #tpu.memory_space<hbm>>
    tpu.wait_dma2 semaphore(%arg7 : memref<!tpu.dma_semaphore, #tpu.memory_space<semaphore_mem>>) src(%dma_wait3A_75 : memref<16384xi32, #tpu.memory_space<hbm>>) dst(%arg5 : memref<16384xi32, #tpu.memory_space<vmem>>)
    %scan3A_76 = arith.constant 0 : i32
    %scan3A_77 = arith.constant 0 : i32
    %scan3A_78 = arith.constant 128 : i32
    %scan3A_79 = arith.addi %scan3A_77, %scan3A_78 : i32
    %scan3A_80 = arith.constant 1 : i32
    scf.for %scan3A_198 = %scan3A_77 to %scan3A_79 step %scan3A_80  : i32 {
      %mul3A_199 = arith.constant 128 : i32
      %mul3A_200 = arith.muli %scan3A_198, %mul3A_199 : i32
      %add3A_201 = arith.constant 0 : i32
      %add3A_202 = arith.addi %mul3A_200, %add3A_201 : i32
      %get3A = arith.index_cast %add3A_202 : i32 to index
      %get3A_203 = tpu.vector_load %arg5[%get3A] {strides = array<i32>} : memref<16384xi32, #tpu.memory_space<vmem>>, vector<16xi32>,
      %mul3A_204 = arith.constant 128 : i32
      %mul3A_205 = arith.muli %scan3A_198, %mul3A_204 : i32
      %add3A_206 = arith.constant 64 : i32
      %add3A_207 = arith.addi %mul3A_205, %add3A_206 : i32
      %add3A_208 = arith.constant 0 : i32
      %add3A_209 = arith.addi %add3A_207, %add3A_208 : i32
      %get3A_210 = arith.index_cast %add3A_209 : i32 to index
      %get3A_211 = tpu.vector_load %arg5[%get3A_210] {strides = array<i32>} : memref<16384xi32, #tpu.memory_space<vmem>>, vector<16xi32>,
      %ne3A = arith.constant 0 : i32
      %ne3A_212 = vector.broadcast %ne3A : i32 to vector<16xi32>
      %ne3A_213 = arith.cmpi ne, %get3A_211, %ne3A_212 : vector<16xi32>
      %bitcast3A = vector.bitcast %get3A_211 : vector<16xi32> to vector<16xf32>
      tpu.vector_store_idx %arg4[%get3A_203], %bitcast3A masked %ne3A_213 {add = true} : memref<65536xf32, #tpu.memory_space<vmem>>[vector<16xi32>], vector<16xf32>, vector<16xi1>
      %mul3A_214 = arith.constant 128 : i32
      %mul3A_215 = arith.muli %scan3A_198, %mul3A_214 : i32
      %add3A_216 = arith.constant 16 : i32
      %add3A_217 = arith.addi %mul3A_215, %add3A_216 : i32
      %get3A_218 = arith.index_cast %add3A_217 : i32 to index
      %get3A_219 = tpu.vector_load %arg5[%get3A_218] {strides = array<i32>} : memref<16384xi32, #tpu.memory_space<vmem>>, vector<16xi32>,
      %mul3A_220 = arith.constant 128 : i32
      %mul3A_221 = arith.muli %scan3A_198, %mul3A_220 : i32
      %add3A_222 = arith.constant 64 : i32
      %add3A_223 = arith.addi %mul3A_221, %add3A_222 : i32
      %add3A_224 = arith.constant 16 : i32
      %add3A_225 = arith.addi %add3A_223, %add3A_224 : i32
      %get3A_226 = arith.index_cast %add3A_225 : i32 to index
      %get3A_227 = tpu.vector_load %arg5[%get3A_226] {strides = array<i32>} : memref<16384xi32, #tpu.memory_space<vmem>>, vector<16xi32>,
      %ne3A_228 = arith.constant 0 : i32
      %ne3A_229 = vector.broadcast %ne3A_228 : i32 to vector<16xi32>
      %ne3A_230 = arith.cmpi ne, %get3A_227, %ne3A_229 : vector<16xi32>
      %bitcast3A_231 = vector.bitcast %get3A_227 : vector<16xi32> to vector<16xf32>
      tpu.vector_store_idx %arg4[%get3A_219], %bitcast3A_231 masked %ne3A_230 {add = true} : memref<65536xf32, #tpu.memory_space<vmem>>[vector<16xi32>], vector<16xf32>, vector<16xi1>
      %mul3A_232 = arith.constant 128 : i32
      %mul3A_233 = arith.muli %scan3A_198, %mul3A_232 : i32
      %add3A_234 = arith.constant 32 : i32
      %add3A_235 = arith.addi %mul3A_233, %add3A_234 : i32
      %get3A_236 = arith.index_cast %add3A_235 : i32 to index
      %get3A_237 = tpu.vector_load %arg5[%get3A_236] {strides = array<i32>} : memref<16384xi32, #tpu.memory_space<vmem>>, vector<16xi32>,
      %mul3A_238 = arith.constant 128 : i32
      %mul3A_239 = arith.muli %scan3A_198, %mul3A_238 : i32
      %add3A_240 = arith.constant 64 : i32
      %add3A_241 = arith.addi %mul3A_239, %add3A_240 : i32
      %add3A_242 = arith.constant 32 : i32
      %add3A_243 = arith.addi %add3A_241, %add3A_242 : i32
      %get3A_244 = arith.index_cast %add3A_243 : i32 to index
      %get3A_245 = tpu.vector_load %arg5[%get3A_244] {strides = array<i32>} : memref<16384xi32, #tpu.memory_space<vmem>>, vector<16xi32>,
      %ne3A_246 = arith.constant 0 : i32
      %ne3A_247 = vector.broadcast %ne3A_246 : i32 to vector<16xi32>
      %ne3A_248 = arith.cmpi ne, %get3A_245, %ne3A_247 : vector<16xi32>
      %bitcast3A_249 = vector.bitcast %get3A_245 : vector<16xi32> to vector<16xf32>
      tpu.vector_store_idx %arg4[%get3A_237], %bitcast3A_249 masked %ne3A_248 {add = true} : memref<65536xf32, #tpu.memory_space<vmem>>[vector<16xi32>], vector<16xf32>, vector<16xi1>
      %mul3A_250 = arith.constant 128 : i32
      %mul3A_251 = arith.muli %scan3A_198, %mul3A_250 : i32
      %add3A_252 = arith.constant 48 : i32
      %add3A_253 = arith.addi %mul3A_251, %add3A_252 : i32
      %get3A_254 = arith.index_cast %add3A_253 : i32 to index
      %get3A_255 = tpu.vector_load %arg5[%get3A_254] {strides = array<i32>} : memref<16384xi32, #tpu.memory_space<vmem>>, vector<16xi32>,
      %mul3A_256 = arith.constant 128 : i32
      %mul3A_257 = arith.muli %scan3A_198, %mul3A_256 : i32
      %add3A_258 = arith.constant 64 : i32
      %add3A_259 = arith.addi %mul3A_257, %add3A_258 : i32
      %add3A_260 = arith.constant 48 : i32
      %add3A_261 = arith.addi %add3A_259, %add3A_260 : i32
      %get3A_262 = arith.index_cast %add3A_261 : i32 to index
      %get3A_263 = tpu.vector_load %arg5[%get3A_262] {strides = array<i32>} : memref<16384xi32, #tpu.memory_space<vmem>>, vector<16xi32>,
      %ne3A_264 = arith.constant 0 : i32
      %ne3A_265 = vector.broadcast %ne3A_264 : i32 to vector<16xi32>
      %ne3A_266 = arith.cmpi ne, %get3A_263, %ne3A_265 : vector<16xi32>
      %bitcast3A_267 = vector.bitcast %get3A_263 : vector<16xi32> to vector<16xf32>
      tpu.vector_store_idx %arg4[%get3A_255], %bitcast3A_267 masked %ne3A_266 {add = true} : memref<65536xf32, #tpu.memory_space<vmem>>[vector<16xi32>], vector<16xf32>, vector<16xi1>
    }
    %scan3A_81 = arith.constant 128 : i32
    %dma_wait3A_82 = arith.constant 0 : i32
    %dma_wait3A_83 = tpu.memref_slice %arg2[%dma_wait3A_82] : memref<9437184xi32, #tpu.memory_space<hbm>> -> memref<16384xi32, #tpu.memory_space<hbm>>
    %dma_wait3A_84 = arith.constant 0 : i32
    %dma_wait3A_85 = tpu.memref_slice %arg2[%dma_wait3A_84] : memref<9437184xi32, #tpu.memory_space<hbm>> -> memref<16384xi32, #tpu.memory_space<hbm>>
    tpu.wait_dma2 semaphore(%arg8 : memref<!tpu.dma_semaphore, #tpu.memory_space<semaphore_mem>>) src(%dma_wait3A_85 : memref<16384xi32, #tpu.memory_space<hbm>>) dst(%arg6 : memref<16384xi32, #tpu.memory_space<vmem>>)
    %scan3A_86 = arith.constant 0 : i32
    %scan3A_87 = arith.constant 0 : i32
    %scan3A_88 = arith.constant 128 : i32
    %scan3A_89 = arith.addi %scan3A_87, %scan3A_88 : i32
    %scan3A_90 = arith.constant 1 : i32
    scf.for %scan3A_198 = %scan3A_87 to %scan3A_89 step %scan3A_90  : i32 {
      %mul3A_199 = arith.constant 128 : i32
      %mul3A_200 = arith.muli %scan3A_198, %mul3A_199 : i32
      %add3A_201 = arith.constant 0 : i32
      %add3A_202 = arith.addi %mul3A_200, %add3A_201 : i32
      %get3A = arith.index_cast %add3A_202 : i32 to index
      %get3A_203 = tpu.vector_load %arg6[%get3A] {strides = array<i32>} : memref<16384xi32, #tpu.memory_space<vmem>>, vector<16xi32>,
      %mul3A_204 = arith.constant 128 : i32
      %mul3A_205 = arith.muli %scan3A_198, %mul3A_204 : i32
      %add3A_206 = arith.constant 64 : i32
      %add3A_207 = arith.addi %mul3A_205, %add3A_206 : i32
      %add3A_208 = arith.constant 0 : i32
      %add3A_209 = arith.addi %add3A_207, %add3A_208 : i32
      %get3A_210 = arith.index_cast %add3A_209 : i32 to index
      %get3A_211 = tpu.vector_load %arg6[%get3A_210] {strides = array<i32>} : memref<16384xi32, #tpu.memory_space<vmem>>, vector<16xi32>,
      %ne3A = arith.constant 0 : i32
      %ne3A_212 = vector.broadcast %ne3A : i32 to vector<16xi32>
      %ne3A_213 = arith.cmpi ne, %get3A_211, %ne3A_212 : vector<16xi32>
      %bitcast3A = vector.bitcast %get3A_211 : vector<16xi32> to vector<16xf32>
      tpu.vector_store_idx %arg4[%get3A_203], %bitcast3A masked %ne3A_213 {add = true} : memref<65536xf32, #tpu.memory_space<vmem>>[vector<16xi32>], vector<16xf32>, vector<16xi1>
      %mul3A_214 = arith.constant 128 : i32
      %mul3A_215 = arith.muli %scan3A_198, %mul3A_214 : i32
      %add3A_216 = arith.constant 16 : i32
      %add3A_217 = arith.addi %mul3A_215, %add3A_216 : i32
      %get3A_218 = arith.index_cast %add3A_217 : i32 to index
      %get3A_219 = tpu.vector_load %arg6[%get3A_218] {strides = array<i32>} : memref<16384xi32, #tpu.memory_space<vmem>>, vector<16xi32>,
      %mul3A_220 = arith.constant 128 : i32
      %mul3A_221 = arith.muli %scan3A_198, %mul3A_220 : i32
      %add3A_222 = arith.constant 64 : i32
      %add3A_223 = arith.addi %mul3A_221, %add3A_222 : i32
      %add3A_224 = arith.constant 16 : i32
      %add3A_225 = arith.addi %add3A_223, %add3A_224 : i32
      %get3A_226 = arith.index_cast %add3A_225 : i32 to index
      %get3A_227 = tpu.vector_load %arg6[%get3A_226] {strides = array<i32>} : memref<16384xi32, #tpu.memory_space<vmem>>, vector<16xi32>,
      %ne3A_228 = arith.constant 0 : i32
      %ne3A_229 = vector.broadcast %ne3A_228 : i32 to vector<16xi32>
      %ne3A_230 = arith.cmpi ne, %get3A_227, %ne3A_229 : vector<16xi32>
      %bitcast3A_231 = vector.bitcast %get3A_227 : vector<16xi32> to vector<16xf32>
      tpu.vector_store_idx %arg4[%get3A_219], %bitcast3A_231 masked %ne3A_230 {add = true} : memref<65536xf32, #tpu.memory_space<vmem>>[vector<16xi32>], vector<16xf32>, vector<16xi1>
      %mul3A_232 = arith.constant 128 : i32
      %mul3A_233 = arith.muli %scan3A_198, %mul3A_232 : i32
      %add3A_234 = arith.constant 32 : i32
      %add3A_235 = arith.addi %mul3A_233, %add3A_234 : i32
      %get3A_236 = arith.index_cast %add3A_235 : i32 to index
      %get3A_237 = tpu.vector_load %arg6[%get3A_236] {strides = array<i32>} : memref<16384xi32, #tpu.memory_space<vmem>>, vector<16xi32>,
      %mul3A_238 = arith.constant 128 : i32
      %mul3A_239 = arith.muli %scan3A_198, %mul3A_238 : i32
      %add3A_240 = arith.constant 64 : i32
      %add3A_241 = arith.addi %mul3A_239, %add3A_240 : i32
      %add3A_242 = arith.constant 32 : i32
      %add3A_243 = arith.addi %add3A_241, %add3A_242 : i32
      %get3A_244 = arith.index_cast %add3A_243 : i32 to index
      %get3A_245 = tpu.vector_load %arg6[%get3A_244] {strides = array<i32>} : memref<16384xi32, #tpu.memory_space<vmem>>, vector<16xi32>,
      %ne3A_246 = arith.constant 0 : i32
      %ne3A_247 = vector.broadcast %ne3A_246 : i32 to vector<16xi32>
      %ne3A_248 = arith.cmpi ne, %get3A_245, %ne3A_247 : vector<16xi32>
      %bitcast3A_249 = vector.bitcast %get3A_245 : vector<16xi32> to vector<16xf32>
      tpu.vector_store_idx %arg4[%get3A_237], %bitcast3A_249 masked %ne3A_248 {add = true} : memref<65536xf32, #tpu.memory_space<vmem>>[vector<16xi32>], vector<16xf32>, vector<16xi1>
      %mul3A_250 = arith.constant 128 : i32
      %mul3A_251 = arith.muli %scan3A_198, %mul3A_250 : i32
      %add3A_252 = arith.constant 48 : i32
      %add3A_253 = arith.addi %mul3A_251, %add3A_252 : i32
      %get3A_254 = arith.index_cast %add3A_253 : i32 to index
      %get3A_255 = tpu.vector_load %arg6[%get3A_254] {strides = array<i32>} : memref<16384xi32, #tpu.memory_space<vmem>>, vector<16xi32>,
      %mul3A_256 = arith.constant 128 : i32
      %mul3A_257 = arith.muli %scan3A_198, %mul3A_256 : i32
      %add3A_258 = arith.constant 64 : i32
      %add3A_259 = arith.addi %mul3A_257, %add3A_258 : i32
      %add3A_260 = arith.constant 48 : i32
      %add3A_261 = arith.addi %add3A_259, %add3A_260 : i32
      %get3A_262 = arith.index_cast %add3A_261 : i32 to index
      %get3A_263 = tpu.vector_load %arg6[%get3A_262] {strides = array<i32>} : memref<16384xi32, #tpu.memory_space<vmem>>, vector<16xi32>,
      %ne3A_264 = arith.constant 0 : i32
      %ne3A_265 = vector.broadcast %ne3A_264 : i32 to vector<16xi32>
      %ne3A_266 = arith.cmpi ne, %get3A_263, %ne3A_265 : vector<16xi32>
      %bitcast3A_267 = vector.bitcast %get3A_263 : vector<16xi32> to vector<16xf32>
      tpu.vector_store_idx %arg4[%get3A_255], %bitcast3A_267 masked %ne3A_266 {add = true} : memref<65536xf32, #tpu.memory_space<vmem>>[vector<16xi32>], vector<16xf32>, vector<16xi1>
    }
    %scan3A_91 = arith.constant 128 : i32
    %sub3A_92 = arith.constant 160 : i32
    %sub3A_93 = arith.subi %add3A_53, %sub3A_92 : i32
    %mul3A_94 = arith.constant 16 : i32
    %mul3A_95 = arith.muli %sub3A_93, %mul3A_94 : i32
    %mul3A_96 = arith.constant 4096 : i32
    %mul3A_97 = arith.muli %mul3A_95, %mul3A_96 : i32
    "tpu.region"() ({
      %run_scoped3A = tpu.sem_alloc : memref<!tpu.dma_semaphore, #tpu.memory_space<semaphore_mem>>
      %dma_start3A_198 = tpu.memref_slice %arg3[%mul3A_97] : memref<8388608xf32, #tpu.memory_space<hbm>> -> memref<65536xf32, #tpu.memory_space<hbm>>
      %dma_start3A_199 = tpu.memref_slice %arg3[%mul3A_97] : memref<8388608xf32, #tpu.memory_space<hbm>> -> memref<65536xf32, #tpu.memory_space<hbm>>
      tpu.enqueue_dma source(%arg4 : memref<65536xf32, #tpu.memory_space<vmem>>) target(%dma_start3A_199 : memref<65536xf32, #tpu.memory_space<hbm>>) target_semaphore(%run_scoped3A : memref<!tpu.dma_semaphore, #tpu.memory_space<semaphore_mem>>)
      %dma_wait3A_200 = tpu.memref_slice %arg3[%mul3A_97] : memref<8388608xf32, #tpu.memory_space<hbm>> -> memref<65536xf32, #tpu.memory_space<hbm>>
      %dma_wait3A_201 = tpu.memref_slice %arg3[%mul3A_97] : memref<8388608xf32, #tpu.memory_space<hbm>> -> memref<65536xf32, #tpu.memory_space<hbm>>
      tpu.wait_dma2 semaphore(%run_scoped3A : memref<!tpu.dma_semaphore, #tpu.memory_space<semaphore_mem>>) src(%arg4 : memref<65536xf32, #tpu.memory_space<vmem>>) dst(%dma_wait3A_201 : memref<65536xf32, #tpu.memory_space<hbm>>)
      tpu.yield
    }) : () -> ()
    %mul3A_98 = arith.constant 4 : i32
    %mul3A_99 = arith.muli %add3A, %mul3A_98 : i32
    %add3A_100 = arith.constant 160 : i32
    %add3A_101 = arith.addi %add3A_100, %mul3A_99 : i32
    %add3A_102 = arith.constant 2 : i32
    %add3A_103 = arith.addi %add3A_101, %add3A_102 : i32
    %mul3A_104 = arith.constant 2 : i32
    %mul3A_105 = arith.muli %add3A_103, %mul3A_104 : i32
    %mul3A_106 = arith.constant 16384 : i32
    %mul3A_107 = arith.muli %mul3A_105, %mul3A_106 : i32
    %add3A_108 = arith.constant 0 : i32
    %add3A_109 = arith.addi %mul3A_107, %add3A_108 : i32
    %dma_start3A_110 = tpu.memref_slice %arg2[%add3A_109] : memref<9437184xi32, #tpu.memory_space<hbm>> -> memref<16384xi32, #tpu.memory_space<hbm>>
    %dma_start3A_111 = tpu.memref_slice %arg2[%add3A_109] : memref<9437184xi32, #tpu.memory_space<hbm>> -> memref<16384xi32, #tpu.memory_space<hbm>>
    tpu.enqueue_dma source(%dma_start3A_111 : memref<16384xi32, #tpu.memory_space<hbm>>) target(%arg5 : memref<16384xi32, #tpu.memory_space<vmem>>) target_semaphore(%arg7 : memref<!tpu.dma_semaphore, #tpu.memory_space<semaphore_mem>>)
    %add3A_112 = arith.constant 16384 : i32
    %add3A_113 = arith.addi %mul3A_107, %add3A_112 : i32
    %dma_start3A_114 = tpu.memref_slice %arg2[%add3A_113] : memref<9437184xi32, #tpu.memory_space<hbm>> -> memref<16384xi32, #tpu.memory_space<hbm>>
    %dma_start3A_115 = tpu.memref_slice %arg2[%add3A_113] : memref<9437184xi32, #tpu.memory_space<hbm>> -> memref<16384xi32, #tpu.memory_space<hbm>>
    tpu.enqueue_dma source(%dma_start3A_115 : memref<16384xi32, #tpu.memory_space<hbm>>) target(%arg6 : memref<16384xi32, #tpu.memory_space<vmem>>) target_semaphore(%arg8 : memref<!tpu.dma_semaphore, #tpu.memory_space<semaphore_mem>>)
    %scan3A_116 = arith.constant 0 : i32
    %scan3A_117 = arith.constant 0 : i32
    %scan3A_118 = arith.constant 4096 : i32
    %scan3A_119 = arith.addi %scan3A_117, %scan3A_118 : i32
    %scan3A_120 = arith.constant 8 : i32
    scf.for %scan3A_198 = %scan3A_117 to %scan3A_119 step %scan3A_120  : i32 {
      %mul3A_199 = arith.constant 16 : i32
      %mul3A_200 = arith.muli %scan3A_198, %mul3A_199 : i32
      %swap3A = arith.index_cast %mul3A_200 : i32 to index
      %swap3A_201 = tpu.vector_load %arg4[%swap3A] {strides = array<i32>} : memref<65536xf32, #tpu.memory_space<vmem>>, vector<16xf32>,
      tpu.vector_store %arg4[%swap3A], %broadcast_in_dim3A_1 {strides = array<i32>} : memref<65536xf32, #tpu.memory_space<vmem>>, vector<16xf32>,
      %scan3A_202 = arith.constant 1 : i32
      %scan3A_203 = arith.addi %scan3A_198, %scan3A_202 : i32
      %mul3A_204 = arith.constant 16 : i32
      %mul3A_205 = arith.muli %scan3A_203, %mul3A_204 : i32
      %swap3A_206 = arith.index_cast %mul3A_205 : i32 to index
      %swap3A_207 = tpu.vector_load %arg4[%swap3A_206] {strides = array<i32>} : memref<65536xf32, #tpu.memory_space<vmem>>, vector<16xf32>,
      tpu.vector_store %arg4[%swap3A_206], %broadcast_in_dim3A_1 {strides = array<i32>} : memref<65536xf32, #tpu.memory_space<vmem>>, vector<16xf32>,
      %scan3A_208 = arith.constant 2 : i32
      %scan3A_209 = arith.addi %scan3A_198, %scan3A_208 : i32
      %mul3A_210 = arith.constant 16 : i32
      %mul3A_211 = arith.muli %scan3A_209, %mul3A_210 : i32
      %swap3A_212 = arith.index_cast %mul3A_211 : i32 to index
      %swap3A_213 = tpu.vector_load %arg4[%swap3A_212] {strides = array<i32>} : memref<65536xf32, #tpu.memory_space<vmem>>, vector<16xf32>,
      tpu.vector_store %arg4[%swap3A_212], %broadcast_in_dim3A_1 {strides = array<i32>} : memref<65536xf32, #tpu.memory_space<vmem>>, vector<16xf32>,
      %scan3A_214 = arith.constant 3 : i32
      %scan3A_215 = arith.addi %scan3A_198, %scan3A_214 : i32
      %mul3A_216 = arith.constant 16 : i32
      %mul3A_217 = arith.muli %scan3A_215, %mul3A_216 : i32
      %swap3A_218 = arith.index_cast %mul3A_217 : i32 to index
      %swap3A_219 = tpu.vector_load %arg4[%swap3A_218] {strides = array<i32>} : memref<65536xf32, #tpu.memory_space<vmem>>, vector<16xf32>,
      tpu.vector_store %arg4[%swap3A_218], %broadcast_in_dim3A_1 {strides = array<i32>} : memref<65536xf32, #tpu.memory_space<vmem>>, vector<16xf32>,
      %scan3A_220 = arith.constant 4 : i32
      %scan3A_221 = arith.addi %scan3A_198, %scan3A_220 : i32
      %mul3A_222 = arith.constant 16 : i32
      %mul3A_223 = arith.muli %scan3A_221, %mul3A_222 : i32
      %swap3A_224 = arith.index_cast %mul3A_223 : i32 to index
      %swap3A_225 = tpu.vector_load %arg4[%swap3A_224] {strides = array<i32>} : memref<65536xf32, #tpu.memory_space<vmem>>, vector<16xf32>,
      tpu.vector_store %arg4[%swap3A_224], %broadcast_in_dim3A_1 {strides = array<i32>} : memref<65536xf32, #tpu.memory_space<vmem>>, vector<16xf32>,
      %scan3A_226 = arith.constant 5 : i32
      %scan3A_227 = arith.addi %scan3A_198, %scan3A_226 : i32
      %mul3A_228 = arith.constant 16 : i32
      %mul3A_229 = arith.muli %scan3A_227, %mul3A_228 : i32
      %swap3A_230 = arith.index_cast %mul3A_229 : i32 to index
      %swap3A_231 = tpu.vector_load %arg4[%swap3A_230] {strides = array<i32>} : memref<65536xf32, #tpu.memory_space<vmem>>, vector<16xf32>,
      tpu.vector_store %arg4[%swap3A_230], %broadcast_in_dim3A_1 {strides = array<i32>} : memref<65536xf32, #tpu.memory_space<vmem>>, vector<16xf32>,
      %scan3A_232 = arith.constant 6 : i32
      %scan3A_233 = arith.addi %scan3A_198, %scan3A_232 : i32
      %mul3A_234 = arith.constant 16 : i32
      %mul3A_235 = arith.muli %scan3A_233, %mul3A_234 : i32
      %swap3A_236 = arith.index_cast %mul3A_235 : i32 to index
      %swap3A_237 = tpu.vector_load %arg4[%swap3A_236] {strides = array<i32>} : memref<65536xf32, #tpu.memory_space<vmem>>, vector<16xf32>,
      tpu.vector_store %arg4[%swap3A_236], %broadcast_in_dim3A_1 {strides = array<i32>} : memref<65536xf32, #tpu.memory_space<vmem>>, vector<16xf32>,
      %scan3A_238 = arith.constant 7 : i32
      %scan3A_239 = arith.addi %scan3A_198, %scan3A_238 : i32
      %mul3A_240 = arith.constant 16 : i32
      %mul3A_241 = arith.muli %scan3A_239, %mul3A_240 : i32
      %swap3A_242 = arith.index_cast %mul3A_241 : i32 to index
      %swap3A_243 = tpu.vector_load %arg4[%swap3A_242] {strides = array<i32>} : memref<65536xf32, #tpu.memory_space<vmem>>, vector<16xf32>,
      tpu.vector_store %arg4[%swap3A_242], %broadcast_in_dim3A_1 {strides = array<i32>} : memref<65536xf32, #tpu.memory_space<vmem>>, vector<16xf32>,
    }
    %scan3A_121 = arith.constant 4096 : i32
    %dma_wait3A_122 = arith.constant 0 : i32
    %dma_wait3A_123 = tpu.memref_slice %arg2[%dma_wait3A_122] : memref<9437184xi32, #tpu.memory_space<hbm>> -> memref<16384xi32, #tpu.memory_space<hbm>>
    %dma_wait3A_124 = arith.constant 0 : i32
    %dma_wait3A_125 = tpu.memref_slice %arg2[%dma_wait3A_124] : memref<9437184xi32, #tpu.memory_space<hbm>> -> memref<16384xi32, #tpu.memory_space<hbm>>
    tpu.wait_dma2 semaphore(%arg7 : memref<!tpu.dma_semaphore, #tpu.memory_space<semaphore_mem>>) src(%dma_wait3A_125 : memref<16384xi32, #tpu.memory_space<hbm>>) dst(%arg5 : memref<16384xi32, #tpu.memory_space<vmem>>)
    %scan3A_126 = arith.constant 0 : i32
    %scan3A_127 = arith.constant 0 : i32
    %scan3A_128 = arith.constant 128 : i32
    %scan3A_129 = arith.addi %scan3A_127, %scan3A_128 : i32
    %scan3A_130 = arith.constant 1 : i32
    scf.for %scan3A_198 = %scan3A_127 to %scan3A_129 step %scan3A_130  : i32 {
      %mul3A_199 = arith.constant 128 : i32
      %mul3A_200 = arith.muli %scan3A_198, %mul3A_199 : i32
      %add3A_201 = arith.constant 0 : i32
      %add3A_202 = arith.addi %mul3A_200, %add3A_201 : i32
      %get3A = arith.index_cast %add3A_202 : i32 to index
      %get3A_203 = tpu.vector_load %arg5[%get3A] {strides = array<i32>} : memref<16384xi32, #tpu.memory_space<vmem>>, vector<16xi32>,
      %mul3A_204 = arith.constant 128 : i32
      %mul3A_205 = arith.muli %scan3A_198, %mul3A_204 : i32
      %add3A_206 = arith.constant 64 : i32
      %add3A_207 = arith.addi %mul3A_205, %add3A_206 : i32
      %add3A_208 = arith.constant 0 : i32
      %add3A_209 = arith.addi %add3A_207, %add3A_208 : i32
      %get3A_210 = arith.index_cast %add3A_209 : i32 to index
      %get3A_211 = tpu.vector_load %arg5[%get3A_210] {strides = array<i32>} : memref<16384xi32, #tpu.memory_space<vmem>>, vector<16xi32>,
      %ne3A = arith.constant 0 : i32
      %ne3A_212 = vector.broadcast %ne3A : i32 to vector<16xi32>
      %ne3A_213 = arith.cmpi ne, %get3A_211, %ne3A_212 : vector<16xi32>
      %bitcast3A = vector.bitcast %get3A_211 : vector<16xi32> to vector<16xf32>
      tpu.vector_store_idx %arg4[%get3A_203], %bitcast3A masked %ne3A_213 {add = true} : memref<65536xf32, #tpu.memory_space<vmem>>[vector<16xi32>], vector<16xf32>, vector<16xi1>
      %mul3A_214 = arith.constant 128 : i32
      %mul3A_215 = arith.muli %scan3A_198, %mul3A_214 : i32
      %add3A_216 = arith.constant 16 : i32
      %add3A_217 = arith.addi %mul3A_215, %add3A_216 : i32
      %get3A_218 = arith.index_cast %add3A_217 : i32 to index
      %get3A_219 = tpu.vector_load %arg5[%get3A_218] {strides = array<i32>} : memref<16384xi32, #tpu.memory_space<vmem>>, vector<16xi32>,
      %mul3A_220 = arith.constant 128 : i32
      %mul3A_221 = arith.muli %scan3A_198, %mul3A_220 : i32
      %add3A_222 = arith.constant 64 : i32
      %add3A_223 = arith.addi %mul3A_221, %add3A_222 : i32
      %add3A_224 = arith.constant 16 : i32
      %add3A_225 = arith.addi %add3A_223, %add3A_224 : i32
      %get3A_226 = arith.index_cast %add3A_225 : i32 to index
      %get3A_227 = tpu.vector_load %arg5[%get3A_226] {strides = array<i32>} : memref<16384xi32, #tpu.memory_space<vmem>>, vector<16xi32>,
      %ne3A_228 = arith.constant 0 : i32
      %ne3A_229 = vector.broadcast %ne3A_228 : i32 to vector<16xi32>
      %ne3A_230 = arith.cmpi ne, %get3A_227, %ne3A_229 : vector<16xi32>
      %bitcast3A_231 = vector.bitcast %get3A_227 : vector<16xi32> to vector<16xf32>
      tpu.vector_store_idx %arg4[%get3A_219], %bitcast3A_231 masked %ne3A_230 {add = true} : memref<65536xf32, #tpu.memory_space<vmem>>[vector<16xi32>], vector<16xf32>, vector<16xi1>
      %mul3A_232 = arith.constant 128 : i32
      %mul3A_233 = arith.muli %scan3A_198, %mul3A_232 : i32
      %add3A_234 = arith.constant 32 : i32
      %add3A_235 = arith.addi %mul3A_233, %add3A_234 : i32
      %get3A_236 = arith.index_cast %add3A_235 : i32 to index
      %get3A_237 = tpu.vector_load %arg5[%get3A_236] {strides = array<i32>} : memref<16384xi32, #tpu.memory_space<vmem>>, vector<16xi32>,
      %mul3A_238 = arith.constant 128 : i32
      %mul3A_239 = arith.muli %scan3A_198, %mul3A_238 : i32
      %add3A_240 = arith.constant 64 : i32
      %add3A_241 = arith.addi %mul3A_239, %add3A_240 : i32
      %add3A_242 = arith.constant 32 : i32
      %add3A_243 = arith.addi %add3A_241, %add3A_242 : i32
      %get3A_244 = arith.index_cast %add3A_243 : i32 to index
      %get3A_245 = tpu.vector_load %arg5[%get3A_244] {strides = array<i32>} : memref<16384xi32, #tpu.memory_space<vmem>>, vector<16xi32>,
      %ne3A_246 = arith.constant 0 : i32
      %ne3A_247 = vector.broadcast %ne3A_246 : i32 to vector<16xi32>
      %ne3A_248 = arith.cmpi ne, %get3A_245, %ne3A_247 : vector<16xi32>
      %bitcast3A_249 = vector.bitcast %get3A_245 : vector<16xi32> to vector<16xf32>
      tpu.vector_store_idx %arg4[%get3A_237], %bitcast3A_249 masked %ne3A_248 {add = true} : memref<65536xf32, #tpu.memory_space<vmem>>[vector<16xi32>], vector<16xf32>, vector<16xi1>
      %mul3A_250 = arith.constant 128 : i32
      %mul3A_251 = arith.muli %scan3A_198, %mul3A_250 : i32
      %add3A_252 = arith.constant 48 : i32
      %add3A_253 = arith.addi %mul3A_251, %add3A_252 : i32
      %get3A_254 = arith.index_cast %add3A_253 : i32 to index
      %get3A_255 = tpu.vector_load %arg5[%get3A_254] {strides = array<i32>} : memref<16384xi32, #tpu.memory_space<vmem>>, vector<16xi32>,
      %mul3A_256 = arith.constant 128 : i32
      %mul3A_257 = arith.muli %scan3A_198, %mul3A_256 : i32
      %add3A_258 = arith.constant 64 : i32
      %add3A_259 = arith.addi %mul3A_257, %add3A_258 : i32
      %add3A_260 = arith.constant 48 : i32
      %add3A_261 = arith.addi %add3A_259, %add3A_260 : i32
      %get3A_262 = arith.index_cast %add3A_261 : i32 to index
      %get3A_263 = tpu.vector_load %arg5[%get3A_262] {strides = array<i32>} : memref<16384xi32, #tpu.memory_space<vmem>>, vector<16xi32>,
      %ne3A_264 = arith.constant 0 : i32
      %ne3A_265 = vector.broadcast %ne3A_264 : i32 to vector<16xi32>
      %ne3A_266 = arith.cmpi ne, %get3A_263, %ne3A_265 : vector<16xi32>
      %bitcast3A_267 = vector.bitcast %get3A_263 : vector<16xi32> to vector<16xf32>
      tpu.vector_store_idx %arg4[%get3A_255], %bitcast3A_267 masked %ne3A_266 {add = true} : memref<65536xf32, #tpu.memory_space<vmem>>[vector<16xi32>], vector<16xf32>, vector<16xi1>
    }
    %scan3A_131 = arith.constant 128 : i32
    %dma_wait3A_132 = arith.constant 0 : i32
    %dma_wait3A_133 = tpu.memref_slice %arg2[%dma_wait3A_132] : memref<9437184xi32, #tpu.memory_space<hbm>> -> memref<16384xi32, #tpu.memory_space<hbm>>
    %dma_wait3A_134 = arith.constant 0 : i32
    %dma_wait3A_135 = tpu.memref_slice %arg2[%dma_wait3A_134] : memref<9437184xi32, #tpu.memory_space<hbm>> -> memref<16384xi32, #tpu.memory_space<hbm>>
    tpu.wait_dma2 semaphore(%arg8 : memref<!tpu.dma_semaphore, #tpu.memory_space<semaphore_mem>>) src(%dma_wait3A_135 : memref<16384xi32, #tpu.memory_space<hbm>>) dst(%arg6 : memref<16384xi32, #tpu.memory_space<vmem>>)
    %scan3A_136 = arith.constant 0 : i32
    %scan3A_137 = arith.constant 0 : i32
    %scan3A_138 = arith.constant 128 : i32
    %scan3A_139 = arith.addi %scan3A_137, %scan3A_138 : i32
    %scan3A_140 = arith.constant 1 : i32
    scf.for %scan3A_198 = %scan3A_137 to %scan3A_139 step %scan3A_140  : i32 {
      %mul3A_199 = arith.constant 128 : i32
      %mul3A_200 = arith.muli %scan3A_198, %mul3A_199 : i32
      %add3A_201 = arith.constant 0 : i32
      %add3A_202 = arith.addi %mul3A_200, %add3A_201 : i32
      %get3A = arith.index_cast %add3A_202 : i32 to index
      %get3A_203 = tpu.vector_load %arg6[%get3A] {strides = array<i32>} : memref<16384xi32, #tpu.memory_space<vmem>>, vector<16xi32>,
      %mul3A_204 = arith.constant 128 : i32
      %mul3A_205 = arith.muli %scan3A_198, %mul3A_204 : i32
      %add3A_206 = arith.constant 64 : i32
      %add3A_207 = arith.addi %mul3A_205, %add3A_206 : i32
      %add3A_208 = arith.constant 0 : i32
      %add3A_209 = arith.addi %add3A_207, %add3A_208 : i32
      %get3A_210 = arith.index_cast %add3A_209 : i32 to index
      %get3A_211 = tpu.vector_load %arg6[%get3A_210] {strides = array<i32>} : memref<16384xi32, #tpu.memory_space<vmem>>, vector<16xi32>,
      %ne3A = arith.constant 0 : i32
      %ne3A_212 = vector.broadcast %ne3A : i32 to vector<16xi32>
      %ne3A_213 = arith.cmpi ne, %get3A_211, %ne3A_212 : vector<16xi32>
      %bitcast3A = vector.bitcast %get3A_211 : vector<16xi32> to vector<16xf32>
      tpu.vector_store_idx %arg4[%get3A_203], %bitcast3A masked %ne3A_213 {add = true} : memref<65536xf32, #tpu.memory_space<vmem>>[vector<16xi32>], vector<16xf32>, vector<16xi1>
      %mul3A_214 = arith.constant 128 : i32
      %mul3A_215 = arith.muli %scan3A_198, %mul3A_214 : i32
      %add3A_216 = arith.constant 16 : i32
      %add3A_217 = arith.addi %mul3A_215, %add3A_216 : i32
      %get3A_218 = arith.index_cast %add3A_217 : i32 to index
      %get3A_219 = tpu.vector_load %arg6[%get3A_218] {strides = array<i32>} : memref<16384xi32, #tpu.memory_space<vmem>>, vector<16xi32>,
      %mul3A_220 = arith.constant 128 : i32
      %mul3A_221 = arith.muli %scan3A_198, %mul3A_220 : i32
      %add3A_222 = arith.constant 64 : i32
      %add3A_223 = arith.addi %mul3A_221, %add3A_222 : i32
      %add3A_224 = arith.constant 16 : i32
      %add3A_225 = arith.addi %add3A_223, %add3A_224 : i32
      %get3A_226 = arith.index_cast %add3A_225 : i32 to index
      %get3A_227 = tpu.vector_load %arg6[%get3A_226] {strides = array<i32>} : memref<16384xi32, #tpu.memory_space<vmem>>, vector<16xi32>,
      %ne3A_228 = arith.constant 0 : i32
      %ne3A_229 = vector.broadcast %ne3A_228 : i32 to vector<16xi32>
      %ne3A_230 = arith.cmpi ne, %get3A_227, %ne3A_229 : vector<16xi32>
      %bitcast3A_231 = vector.bitcast %get3A_227 : vector<16xi32> to vector<16xf32>
      tpu.vector_store_idx %arg4[%get3A_219], %bitcast3A_231 masked %ne3A_230 {add = true} : memref<65536xf32, #tpu.memory_space<vmem>>[vector<16xi32>], vector<16xf32>, vector<16xi1>
      %mul3A_232 = arith.constant 128 : i32
      %mul3A_233 = arith.muli %scan3A_198, %mul3A_232 : i32
      %add3A_234 = arith.constant 32 : i32
      %add3A_235 = arith.addi %mul3A_233, %add3A_234 : i32
      %get3A_236 = arith.index_cast %add3A_235 : i32 to index
      %get3A_237 = tpu.vector_load %arg6[%get3A_236] {strides = array<i32>} : memref<16384xi32, #tpu.memory_space<vmem>>, vector<16xi32>,
      %mul3A_238 = arith.constant 128 : i32
      %mul3A_239 = arith.muli %scan3A_198, %mul3A_238 : i32
      %add3A_240 = arith.constant 64 : i32
      %add3A_241 = arith.addi %mul3A_239, %add3A_240 : i32
      %add3A_242 = arith.constant 32 : i32
      %add3A_243 = arith.addi %add3A_241, %add3A_242 : i32
      %get3A_244 = arith.index_cast %add3A_243 : i32 to index
      %get3A_245 = tpu.vector_load %arg6[%get3A_244] {strides = array<i32>} : memref<16384xi32, #tpu.memory_space<vmem>>, vector<16xi32>,
      %ne3A_246 = arith.constant 0 : i32
      %ne3A_247 = vector.broadcast %ne3A_246 : i32 to vector<16xi32>
      %ne3A_248 = arith.cmpi ne, %get3A_245, %ne3A_247 : vector<16xi32>
      %bitcast3A_249 = vector.bitcast %get3A_245 : vector<16xi32> to vector<16xf32>
      tpu.vector_store_idx %arg4[%get3A_237], %bitcast3A_249 masked %ne3A_248 {add = true} : memref<65536xf32, #tpu.memory_space<vmem>>[vector<16xi32>], vector<16xf32>, vector<16xi1>
      %mul3A_250 = arith.constant 128 : i32
      %mul3A_251 = arith.muli %scan3A_198, %mul3A_250 : i32
      %add3A_252 = arith.constant 48 : i32
      %add3A_253 = arith.addi %mul3A_251, %add3A_252 : i32
      %get3A_254 = arith.index_cast %add3A_253 : i32 to index
      %get3A_255 = tpu.vector_load %arg6[%get3A_254] {strides = array<i32>} : memref<16384xi32, #tpu.memory_space<vmem>>, vector<16xi32>,
      %mul3A_256 = arith.constant 128 : i32
      %mul3A_257 = arith.muli %scan3A_198, %mul3A_256 : i32
      %add3A_258 = arith.constant 64 : i32
      %add3A_259 = arith.addi %mul3A_257, %add3A_258 : i32
      %add3A_260 = arith.constant 48 : i32
      %add3A_261 = arith.addi %add3A_259, %add3A_260 : i32
      %get3A_262 = arith.index_cast %add3A_261 : i32 to index
      %get3A_263 = tpu.vector_load %arg6[%get3A_262] {strides = array<i32>} : memref<16384xi32, #tpu.memory_space<vmem>>, vector<16xi32>,
      %ne3A_264 = arith.constant 0 : i32
      %ne3A_265 = vector.broadcast %ne3A_264 : i32 to vector<16xi32>
      %ne3A_266 = arith.cmpi ne, %get3A_263, %ne3A_265 : vector<16xi32>
      %bitcast3A_267 = vector.bitcast %get3A_263 : vector<16xi32> to vector<16xf32>
      tpu.vector_store_idx %arg4[%get3A_255], %bitcast3A_267 masked %ne3A_266 {add = true} : memref<65536xf32, #tpu.memory_space<vmem>>[vector<16xi32>], vector<16xf32>, vector<16xi1>
    }
    %scan3A_141 = arith.constant 128 : i32
    %sub3A_142 = arith.constant 160 : i32
    %sub3A_143 = arith.subi %add3A_103, %sub3A_142 : i32
    %mul3A_144 = arith.constant 16 : i32
    %mul3A_145 = arith.muli %sub3A_143, %mul3A_144 : i32
    %mul3A_146 = arith.constant 4096 : i32
    %mul3A_147 = arith.muli %mul3A_145, %mul3A_146 : i32
    "tpu.region"() ({
      %run_scoped3A = tpu.sem_alloc : memref<!tpu.dma_semaphore, #tpu.memory_space<semaphore_mem>>
      %dma_start3A_198 = tpu.memref_slice %arg3[%mul3A_147] : memref<8388608xf32, #tpu.memory_space<hbm>> -> memref<65536xf32, #tpu.memory_space<hbm>>
      %dma_start3A_199 = tpu.memref_slice %arg3[%mul3A_147] : memref<8388608xf32, #tpu.memory_space<hbm>> -> memref<65536xf32, #tpu.memory_space<hbm>>
      tpu.enqueue_dma source(%arg4 : memref<65536xf32, #tpu.memory_space<vmem>>) target(%dma_start3A_199 : memref<65536xf32, #tpu.memory_space<hbm>>) target_semaphore(%run_scoped3A : memref<!tpu.dma_semaphore, #tpu.memory_space<semaphore_mem>>)
      %dma_wait3A_200 = tpu.memref_slice %arg3[%mul3A_147] : memref<8388608xf32, #tpu.memory_space<hbm>> -> memref<65536xf32, #tpu.memory_space<hbm>>
      %dma_wait3A_201 = tpu.memref_slice %arg3[%mul3A_147] : memref<8388608xf32, #tpu.memory_space<hbm>> -> memref<65536xf32, #tpu.memory_space<hbm>>
      tpu.wait_dma2 semaphore(%run_scoped3A : memref<!tpu.dma_semaphore, #tpu.memory_space<semaphore_mem>>) src(%arg4 : memref<65536xf32, #tpu.memory_space<vmem>>) dst(%dma_wait3A_201 : memref<65536xf32, #tpu.memory_space<hbm>>)
      tpu.yield
    }) : () -> ()
    %mul3A_148 = arith.constant 4 : i32
    %mul3A_149 = arith.muli %add3A, %mul3A_148 : i32
    %add3A_150 = arith.constant 160 : i32
    %add3A_151 = arith.addi %add3A_150, %mul3A_149 : i32
    %add3A_152 = arith.constant 3 : i32
    %add3A_153 = arith.addi %add3A_151, %add3A_152 : i32
    %mul3A_154 = arith.constant 2 : i32
    %mul3A_155 = arith.muli %add3A_153, %mul3A_154 : i32
    %mul3A_156 = arith.constant 16384 : i32
    %mul3A_157 = arith.muli %mul3A_155, %mul3A_156 : i32
    %add3A_158 = arith.constant 0 : i32
    %add3A_159 = arith.addi %mul3A_157, %add3A_158 : i32
    %dma_start3A_160 = tpu.memref_slice %arg2[%add3A_159] : memref<9437184xi32, #tpu.memory_space<hbm>> -> memref<16384xi32, #tpu.memory_space<hbm>>
    %dma_start3A_161 = tpu.memref_slice %arg2[%add3A_159] : memref<9437184xi32, #tpu.memory_space<hbm>> -> memref<16384xi32, #tpu.memory_space<hbm>>
    tpu.enqueue_dma source(%dma_start3A_161 : memref<16384xi32, #tpu.memory_space<hbm>>) target(%arg5 : memref<16384xi32, #tpu.memory_space<vmem>>) target_semaphore(%arg7 : memref<!tpu.dma_semaphore, #tpu.memory_space<semaphore_mem>>)
    %add3A_162 = arith.constant 16384 : i32
    %add3A_163 = arith.addi %mul3A_157, %add3A_162 : i32
    %dma_start3A_164 = tpu.memref_slice %arg2[%add3A_163] : memref<9437184xi32, #tpu.memory_space<hbm>> -> memref<16384xi32, #tpu.memory_space<hbm>>
    %dma_start3A_165 = tpu.memref_slice %arg2[%add3A_163] : memref<9437184xi32, #tpu.memory_space<hbm>> -> memref<16384xi32, #tpu.memory_space<hbm>>
    tpu.enqueue_dma source(%dma_start3A_165 : memref<16384xi32, #tpu.memory_space<hbm>>) target(%arg6 : memref<16384xi32, #tpu.memory_space<vmem>>) target_semaphore(%arg8 : memref<!tpu.dma_semaphore, #tpu.memory_space<semaphore_mem>>)
    %scan3A_166 = arith.constant 0 : i32
    %scan3A_167 = arith.constant 0 : i32
    %scan3A_168 = arith.constant 4096 : i32
    %scan3A_169 = arith.addi %scan3A_167, %scan3A_168 : i32
    %scan3A_170 = arith.constant 8 : i32
    scf.for %scan3A_198 = %scan3A_167 to %scan3A_169 step %scan3A_170  : i32 {
      %mul3A_199 = arith.constant 16 : i32
      %mul3A_200 = arith.muli %scan3A_198, %mul3A_199 : i32
      %swap3A = arith.index_cast %mul3A_200 : i32 to index
      %swap3A_201 = tpu.vector_load %arg4[%swap3A] {strides = array<i32>} : memref<65536xf32, #tpu.memory_space<vmem>>, vector<16xf32>,
      tpu.vector_store %arg4[%swap3A], %broadcast_in_dim3A_1 {strides = array<i32>} : memref<65536xf32, #tpu.memory_space<vmem>>, vector<16xf32>,
      %scan3A_202 = arith.constant 1 : i32
      %scan3A_203 = arith.addi %scan3A_198, %scan3A_202 : i32
      %mul3A_204 = arith.constant 16 : i32
      %mul3A_205 = arith.muli %scan3A_203, %mul3A_204 : i32
      %swap3A_206 = arith.index_cast %mul3A_205 : i32 to index
      %swap3A_207 = tpu.vector_load %arg4[%swap3A_206] {strides = array<i32>} : memref<65536xf32, #tpu.memory_space<vmem>>, vector<16xf32>,
      tpu.vector_store %arg4[%swap3A_206], %broadcast_in_dim3A_1 {strides = array<i32>} : memref<65536xf32, #tpu.memory_space<vmem>>, vector<16xf32>,
      %scan3A_208 = arith.constant 2 : i32
      %scan3A_209 = arith.addi %scan3A_198, %scan3A_208 : i32
      %mul3A_210 = arith.constant 16 : i32
      %mul3A_211 = arith.muli %scan3A_209, %mul3A_210 : i32
      %swap3A_212 = arith.index_cast %mul3A_211 : i32 to index
      %swap3A_213 = tpu.vector_load %arg4[%swap3A_212] {strides = array<i32>} : memref<65536xf32, #tpu.memory_space<vmem>>, vector<16xf32>,
      tpu.vector_store %arg4[%swap3A_212], %broadcast_in_dim3A_1 {strides = array<i32>} : memref<65536xf32, #tpu.memory_space<vmem>>, vector<16xf32>,
      %scan3A_214 = arith.constant 3 : i32
      %scan3A_215 = arith.addi %scan3A_198, %scan3A_214 : i32
      %mul3A_216 = arith.constant 16 : i32
      %mul3A_217 = arith.muli %scan3A_215, %mul3A_216 : i32
      %swap3A_218 = arith.index_cast %mul3A_217 : i32 to index
      %swap3A_219 = tpu.vector_load %arg4[%swap3A_218] {strides = array<i32>} : memref<65536xf32, #tpu.memory_space<vmem>>, vector<16xf32>,
      tpu.vector_store %arg4[%swap3A_218], %broadcast_in_dim3A_1 {strides = array<i32>} : memref<65536xf32, #tpu.memory_space<vmem>>, vector<16xf32>,
      %scan3A_220 = arith.constant 4 : i32
      %scan3A_221 = arith.addi %scan3A_198, %scan3A_220 : i32
      %mul3A_222 = arith.constant 16 : i32
      %mul3A_223 = arith.muli %scan3A_221, %mul3A_222 : i32
      %swap3A_224 = arith.index_cast %mul3A_223 : i32 to index
      %swap3A_225 = tpu.vector_load %arg4[%swap3A_224] {strides = array<i32>} : memref<65536xf32, #tpu.memory_space<vmem>>, vector<16xf32>,
      tpu.vector_store %arg4[%swap3A_224], %broadcast_in_dim3A_1 {strides = array<i32>} : memref<65536xf32, #tpu.memory_space<vmem>>, vector<16xf32>,
      %scan3A_226 = arith.constant 5 : i32
      %scan3A_227 = arith.addi %scan3A_198, %scan3A_226 : i32
      %mul3A_228 = arith.constant 16 : i32
      %mul3A_229 = arith.muli %scan3A_227, %mul3A_228 : i32
      %swap3A_230 = arith.index_cast %mul3A_229 : i32 to index
      %swap3A_231 = tpu.vector_load %arg4[%swap3A_230] {strides = array<i32>} : memref<65536xf32, #tpu.memory_space<vmem>>, vector<16xf32>,
      tpu.vector_store %arg4[%swap3A_230], %broadcast_in_dim3A_1 {strides = array<i32>} : memref<65536xf32, #tpu.memory_space<vmem>>, vector<16xf32>,
      %scan3A_232 = arith.constant 6 : i32
      %scan3A_233 = arith.addi %scan3A_198, %scan3A_232 : i32
      %mul3A_234 = arith.constant 16 : i32
      %mul3A_235 = arith.muli %scan3A_233, %mul3A_234 : i32
      %swap3A_236 = arith.index_cast %mul3A_235 : i32 to index
      %swap3A_237 = tpu.vector_load %arg4[%swap3A_236] {strides = array<i32>} : memref<65536xf32, #tpu.memory_space<vmem>>, vector<16xf32>,
      tpu.vector_store %arg4[%swap3A_236], %broadcast_in_dim3A_1 {strides = array<i32>} : memref<65536xf32, #tpu.memory_space<vmem>>, vector<16xf32>,
      %scan3A_238 = arith.constant 7 : i32
      %scan3A_239 = arith.addi %scan3A_198, %scan3A_238 : i32
      %mul3A_240 = arith.constant 16 : i32
      %mul3A_241 = arith.muli %scan3A_239, %mul3A_240 : i32
      %swap3A_242 = arith.index_cast %mul3A_241 : i32 to index
      %swap3A_243 = tpu.vector_load %arg4[%swap3A_242] {strides = array<i32>} : memref<65536xf32, #tpu.memory_space<vmem>>, vector<16xf32>,
      tpu.vector_store %arg4[%swap3A_242], %broadcast_in_dim3A_1 {strides = array<i32>} : memref<65536xf32, #tpu.memory_space<vmem>>, vector<16xf32>,
    }
    %scan3A_171 = arith.constant 4096 : i32
    %dma_wait3A_172 = arith.constant 0 : i32
    %dma_wait3A_173 = tpu.memref_slice %arg2[%dma_wait3A_172] : memref<9437184xi32, #tpu.memory_space<hbm>> -> memref<16384xi32, #tpu.memory_space<hbm>>
    %dma_wait3A_174 = arith.constant 0 : i32
    %dma_wait3A_175 = tpu.memref_slice %arg2[%dma_wait3A_174] : memref<9437184xi32, #tpu.memory_space<hbm>> -> memref<16384xi32, #tpu.memory_space<hbm>>
    tpu.wait_dma2 semaphore(%arg7 : memref<!tpu.dma_semaphore, #tpu.memory_space<semaphore_mem>>) src(%dma_wait3A_175 : memref<16384xi32, #tpu.memory_space<hbm>>) dst(%arg5 : memref<16384xi32, #tpu.memory_space<vmem>>)
    %scan3A_176 = arith.constant 0 : i32
    %scan3A_177 = arith.constant 0 : i32
    %scan3A_178 = arith.constant 128 : i32
    %scan3A_179 = arith.addi %scan3A_177, %scan3A_178 : i32
    %scan3A_180 = arith.constant 1 : i32
    scf.for %scan3A_198 = %scan3A_177 to %scan3A_179 step %scan3A_180  : i32 {
      %mul3A_199 = arith.constant 128 : i32
      %mul3A_200 = arith.muli %scan3A_198, %mul3A_199 : i32
      %add3A_201 = arith.constant 0 : i32
      %add3A_202 = arith.addi %mul3A_200, %add3A_201 : i32
      %get3A = arith.index_cast %add3A_202 : i32 to index
      %get3A_203 = tpu.vector_load %arg5[%get3A] {strides = array<i32>} : memref<16384xi32, #tpu.memory_space<vmem>>, vector<16xi32>,
      %mul3A_204 = arith.constant 128 : i32
      %mul3A_205 = arith.muli %scan3A_198, %mul3A_204 : i32
      %add3A_206 = arith.constant 64 : i32
      %add3A_207 = arith.addi %mul3A_205, %add3A_206 : i32
      %add3A_208 = arith.constant 0 : i32
      %add3A_209 = arith.addi %add3A_207, %add3A_208 : i32
      %get3A_210 = arith.index_cast %add3A_209 : i32 to index
      %get3A_211 = tpu.vector_load %arg5[%get3A_210] {strides = array<i32>} : memref<16384xi32, #tpu.memory_space<vmem>>, vector<16xi32>,
      %ne3A = arith.constant 0 : i32
      %ne3A_212 = vector.broadcast %ne3A : i32 to vector<16xi32>
      %ne3A_213 = arith.cmpi ne, %get3A_211, %ne3A_212 : vector<16xi32>
      %bitcast3A = vector.bitcast %get3A_211 : vector<16xi32> to vector<16xf32>
      tpu.vector_store_idx %arg4[%get3A_203], %bitcast3A masked %ne3A_213 {add = true} : memref<65536xf32, #tpu.memory_space<vmem>>[vector<16xi32>], vector<16xf32>, vector<16xi1>
      %mul3A_214 = arith.constant 128 : i32
      %mul3A_215 = arith.muli %scan3A_198, %mul3A_214 : i32
      %add3A_216 = arith.constant 16 : i32
      %add3A_217 = arith.addi %mul3A_215, %add3A_216 : i32
      %get3A_218 = arith.index_cast %add3A_217 : i32 to index
      %get3A_219 = tpu.vector_load %arg5[%get3A_218] {strides = array<i32>} : memref<16384xi32, #tpu.memory_space<vmem>>, vector<16xi32>,
      %mul3A_220 = arith.constant 128 : i32
      %mul3A_221 = arith.muli %scan3A_198, %mul3A_220 : i32
      %add3A_222 = arith.constant 64 : i32
      %add3A_223 = arith.addi %mul3A_221, %add3A_222 : i32
      %add3A_224 = arith.constant 16 : i32
      %add3A_225 = arith.addi %add3A_223, %add3A_224 : i32
      %get3A_226 = arith.index_cast %add3A_225 : i32 to index
      %get3A_227 = tpu.vector_load %arg5[%get3A_226] {strides = array<i32>} : memref<16384xi32, #tpu.memory_space<vmem>>, vector<16xi32>,
      %ne3A_228 = arith.constant 0 : i32
      %ne3A_229 = vector.broadcast %ne3A_228 : i32 to vector<16xi32>
      %ne3A_230 = arith.cmpi ne, %get3A_227, %ne3A_229 : vector<16xi32>
      %bitcast3A_231 = vector.bitcast %get3A_227 : vector<16xi32> to vector<16xf32>
      tpu.vector_store_idx %arg4[%get3A_219], %bitcast3A_231 masked %ne3A_230 {add = true} : memref<65536xf32, #tpu.memory_space<vmem>>[vector<16xi32>], vector<16xf32>, vector<16xi1>
      %mul3A_232 = arith.constant 128 : i32
      %mul3A_233 = arith.muli %scan3A_198, %mul3A_232 : i32
      %add3A_234 = arith.constant 32 : i32
      %add3A_235 = arith.addi %mul3A_233, %add3A_234 : i32
      %get3A_236 = arith.index_cast %add3A_235 : i32 to index
      %get3A_237 = tpu.vector_load %arg5[%get3A_236] {strides = array<i32>} : memref<16384xi32, #tpu.memory_space<vmem>>, vector<16xi32>,
      %mul3A_238 = arith.constant 128 : i32
      %mul3A_239 = arith.muli %scan3A_198, %mul3A_238 : i32
      %add3A_240 = arith.constant 64 : i32
      %add3A_241 = arith.addi %mul3A_239, %add3A_240 : i32
      %add3A_242 = arith.constant 32 : i32
      %add3A_243 = arith.addi %add3A_241, %add3A_242 : i32
      %get3A_244 = arith.index_cast %add3A_243 : i32 to index
      %get3A_245 = tpu.vector_load %arg5[%get3A_244] {strides = array<i32>} : memref<16384xi32, #tpu.memory_space<vmem>>, vector<16xi32>,
      %ne3A_246 = arith.constant 0 : i32
      %ne3A_247 = vector.broadcast %ne3A_246 : i32 to vector<16xi32>
      %ne3A_248 = arith.cmpi ne, %get3A_245, %ne3A_247 : vector<16xi32>
      %bitcast3A_249 = vector.bitcast %get3A_245 : vector<16xi32> to vector<16xf32>
      tpu.vector_store_idx %arg4[%get3A_237], %bitcast3A_249 masked %ne3A_248 {add = true} : memref<65536xf32, #tpu.memory_space<vmem>>[vector<16xi32>], vector<16xf32>, vector<16xi1>
      %mul3A_250 = arith.constant 128 : i32
      %mul3A_251 = arith.muli %scan3A_198, %mul3A_250 : i32
      %add3A_252 = arith.constant 48 : i32
      %add3A_253 = arith.addi %mul3A_251, %add3A_252 : i32
      %get3A_254 = arith.index_cast %add3A_253 : i32 to index
      %get3A_255 = tpu.vector_load %arg5[%get3A_254] {strides = array<i32>} : memref<16384xi32, #tpu.memory_space<vmem>>, vector<16xi32>,
      %mul3A_256 = arith.constant 128 : i32
      %mul3A_257 = arith.muli %scan3A_198, %mul3A_256 : i32
      %add3A_258 = arith.constant 64 : i32
      %add3A_259 = arith.addi %mul3A_257, %add3A_258 : i32
      %add3A_260 = arith.constant 48 : i32
      %add3A_261 = arith.addi %add3A_259, %add3A_260 : i32
      %get3A_262 = arith.index_cast %add3A_261 : i32 to index
      %get3A_263 = tpu.vector_load %arg5[%get3A_262] {strides = array<i32>} : memref<16384xi32, #tpu.memory_space<vmem>>, vector<16xi32>,
      %ne3A_264 = arith.constant 0 : i32
      %ne3A_265 = vector.broadcast %ne3A_264 : i32 to vector<16xi32>
      %ne3A_266 = arith.cmpi ne, %get3A_263, %ne3A_265 : vector<16xi32>
      %bitcast3A_267 = vector.bitcast %get3A_263 : vector<16xi32> to vector<16xf32>
      tpu.vector_store_idx %arg4[%get3A_255], %bitcast3A_267 masked %ne3A_266 {add = true} : memref<65536xf32, #tpu.memory_space<vmem>>[vector<16xi32>], vector<16xf32>, vector<16xi1>
    }
    %scan3A_181 = arith.constant 128 : i32
    %dma_wait3A_182 = arith.constant 0 : i32
    %dma_wait3A_183 = tpu.memref_slice %arg2[%dma_wait3A_182] : memref<9437184xi32, #tpu.memory_space<hbm>> -> memref<16384xi32, #tpu.memory_space<hbm>>
    %dma_wait3A_184 = arith.constant 0 : i32
    %dma_wait3A_185 = tpu.memref_slice %arg2[%dma_wait3A_184] : memref<9437184xi32, #tpu.memory_space<hbm>> -> memref<16384xi32, #tpu.memory_space<hbm>>
    tpu.wait_dma2 semaphore(%arg8 : memref<!tpu.dma_semaphore, #tpu.memory_space<semaphore_mem>>) src(%dma_wait3A_185 : memref<16384xi32, #tpu.memory_space<hbm>>) dst(%arg6 : memref<16384xi32, #tpu.memory_space<vmem>>)
    %scan3A_186 = arith.constant 0 : i32
    %scan3A_187 = arith.constant 0 : i32
    %scan3A_188 = arith.constant 128 : i32
    %scan3A_189 = arith.addi %scan3A_187, %scan3A_188 : i32
    %scan3A_190 = arith.constant 1 : i32
    scf.for %scan3A_198 = %scan3A_187 to %scan3A_189 step %scan3A_190  : i32 {
      %mul3A_199 = arith.constant 128 : i32
      %mul3A_200 = arith.muli %scan3A_198, %mul3A_199 : i32
      %add3A_201 = arith.constant 0 : i32
      %add3A_202 = arith.addi %mul3A_200, %add3A_201 : i32
      %get3A = arith.index_cast %add3A_202 : i32 to index
      %get3A_203 = tpu.vector_load %arg6[%get3A] {strides = array<i32>} : memref<16384xi32, #tpu.memory_space<vmem>>, vector<16xi32>,
      %mul3A_204 = arith.constant 128 : i32
      %mul3A_205 = arith.muli %scan3A_198, %mul3A_204 : i32
      %add3A_206 = arith.constant 64 : i32
      %add3A_207 = arith.addi %mul3A_205, %add3A_206 : i32
      %add3A_208 = arith.constant 0 : i32
      %add3A_209 = arith.addi %add3A_207, %add3A_208 : i32
      %get3A_210 = arith.index_cast %add3A_209 : i32 to index
      %get3A_211 = tpu.vector_load %arg6[%get3A_210] {strides = array<i32>} : memref<16384xi32, #tpu.memory_space<vmem>>, vector<16xi32>,
      %ne3A = arith.constant 0 : i32
      %ne3A_212 = vector.broadcast %ne3A : i32 to vector<16xi32>
      %ne3A_213 = arith.cmpi ne, %get3A_211, %ne3A_212 : vector<16xi32>
      %bitcast3A = vector.bitcast %get3A_211 : vector<16xi32> to vector<16xf32>
      tpu.vector_store_idx %arg4[%get3A_203], %bitcast3A masked %ne3A_213 {add = true} : memref<65536xf32, #tpu.memory_space<vmem>>[vector<16xi32>], vector<16xf32>, vector<16xi1>
      %mul3A_214 = arith.constant 128 : i32
      %mul3A_215 = arith.muli %scan3A_198, %mul3A_214 : i32
      %add3A_216 = arith.constant 16 : i32
      %add3A_217 = arith.addi %mul3A_215, %add3A_216 : i32
      %get3A_218 = arith.index_cast %add3A_217 : i32 to index
      %get3A_219 = tpu.vector_load %arg6[%get3A_218] {strides = array<i32>} : memref<16384xi32, #tpu.memory_space<vmem>>, vector<16xi32>,
      %mul3A_220 = arith.constant 128 : i32
      %mul3A_221 = arith.muli %scan3A_198, %mul3A_220 : i32
      %add3A_222 = arith.constant 64 : i32
      %add3A_223 = arith.addi %mul3A_221, %add3A_222 : i32
      %add3A_224 = arith.constant 16 : i32
      %add3A_225 = arith.addi %add3A_223, %add3A_224 : i32
      %get3A_226 = arith.index_cast %add3A_225 : i32 to index
      %get3A_227 = tpu.vector_load %arg6[%get3A_226] {strides = array<i32>} : memref<16384xi32, #tpu.memory_space<vmem>>, vector<16xi32>,
      %ne3A_228 = arith.constant 0 : i32
      %ne3A_229 = vector.broadcast %ne3A_228 : i32 to vector<16xi32>
      %ne3A_230 = arith.cmpi ne, %get3A_227, %ne3A_229 : vector<16xi32>
      %bitcast3A_231 = vector.bitcast %get3A_227 : vector<16xi32> to vector<16xf32>
      tpu.vector_store_idx %arg4[%get3A_219], %bitcast3A_231 masked %ne3A_230 {add = true} : memref<65536xf32, #tpu.memory_space<vmem>>[vector<16xi32>], vector<16xf32>, vector<16xi1>
      %mul3A_232 = arith.constant 128 : i32
      %mul3A_233 = arith.muli %scan3A_198, %mul3A_232 : i32
      %add3A_234 = arith.constant 32 : i32
      %add3A_235 = arith.addi %mul3A_233, %add3A_234 : i32
      %get3A_236 = arith.index_cast %add3A_235 : i32 to index
      %get3A_237 = tpu.vector_load %arg6[%get3A_236] {strides = array<i32>} : memref<16384xi32, #tpu.memory_space<vmem>>, vector<16xi32>,
      %mul3A_238 = arith.constant 128 : i32
      %mul3A_239 = arith.muli %scan3A_198, %mul3A_238 : i32
      %add3A_240 = arith.constant 64 : i32
      %add3A_241 = arith.addi %mul3A_239, %add3A_240 : i32
      %add3A_242 = arith.constant 32 : i32
      %add3A_243 = arith.addi %add3A_241, %add3A_242 : i32
      %get3A_244 = arith.index_cast %add3A_243 : i32 to index
      %get3A_245 = tpu.vector_load %arg6[%get3A_244] {strides = array<i32>} : memref<16384xi32, #tpu.memory_space<vmem>>, vector<16xi32>,
      %ne3A_246 = arith.constant 0 : i32
      %ne3A_247 = vector.broadcast %ne3A_246 : i32 to vector<16xi32>
      %ne3A_248 = arith.cmpi ne, %get3A_245, %ne3A_247 : vector<16xi32>
      %bitcast3A_249 = vector.bitcast %get3A_245 : vector<16xi32> to vector<16xf32>
      tpu.vector_store_idx %arg4[%get3A_237], %bitcast3A_249 masked %ne3A_248 {add = true} : memref<65536xf32, #tpu.memory_space<vmem>>[vector<16xi32>], vector<16xf32>, vector<16xi1>
      %mul3A_250 = arith.constant 128 : i32
      %mul3A_251 = arith.muli %scan3A_198, %mul3A_250 : i32
      %add3A_252 = arith.constant 48 : i32
      %add3A_253 = arith.addi %mul3A_251, %add3A_252 : i32
      %get3A_254 = arith.index_cast %add3A_253 : i32 to index
      %get3A_255 = tpu.vector_load %arg6[%get3A_254] {strides = array<i32>} : memref<16384xi32, #tpu.memory_space<vmem>>, vector<16xi32>,
      %mul3A_256 = arith.constant 128 : i32
      %mul3A_257 = arith.muli %scan3A_198, %mul3A_256 : i32
      %add3A_258 = arith.constant 64 : i32
      %add3A_259 = arith.addi %mul3A_257, %add3A_258 : i32
      %add3A_260 = arith.constant 48 : i32
      %add3A_261 = arith.addi %add3A_259, %add3A_260 : i32
      %get3A_262 = arith.index_cast %add3A_261 : i32 to index
      %get3A_263 = tpu.vector_load %arg6[%get3A_262] {strides = array<i32>} : memref<16384xi32, #tpu.memory_space<vmem>>, vector<16xi32>,
      %ne3A_264 = arith.constant 0 : i32
      %ne3A_265 = vector.broadcast %ne3A_264 : i32 to vector<16xi32>
      %ne3A_266 = arith.cmpi ne, %get3A_263, %ne3A_265 : vector<16xi32>
      %bitcast3A_267 = vector.bitcast %get3A_263 : vector<16xi32> to vector<16xf32>
      tpu.vector_store_idx %arg4[%get3A_255], %bitcast3A_267 masked %ne3A_266 {add = true} : memref<65536xf32, #tpu.memory_space<vmem>>[vector<16xi32>], vector<16xf32>, vector<16xi1>
    }
    %scan3A_191 = arith.constant 128 : i32
    %sub3A_192 = arith.constant 160 : i32
    %sub3A_193 = arith.subi %add3A_153, %sub3A_192 : i32
    %mul3A_194 = arith.constant 16 : i32
    %mul3A_195 = arith.muli %sub3A_193, %mul3A_194 : i32
    %mul3A_196 = arith.constant 4096 : i32
    %mul3A_197 = arith.muli %mul3A_195, %mul3A_196 : i32
    "tpu.region"() ({
      %run_scoped3A = tpu.sem_alloc : memref<!tpu.dma_semaphore, #tpu.memory_space<semaphore_mem>>
      %dma_start3A_198 = tpu.memref_slice %arg3[%mul3A_197] : memref<8388608xf32, #tpu.memory_space<hbm>> -> memref<65536xf32, #tpu.memory_space<hbm>>
      %dma_start3A_199 = tpu.memref_slice %arg3[%mul3A_197] : memref<8388608xf32, #tpu.memory_space<hbm>> -> memref<65536xf32, #tpu.memory_space<hbm>>
      tpu.enqueue_dma source(%arg4 : memref<65536xf32, #tpu.memory_space<vmem>>) target(%dma_start3A_199 : memref<65536xf32, #tpu.memory_space<hbm>>) target_semaphore(%run_scoped3A : memref<!tpu.dma_semaphore, #tpu.memory_space<semaphore_mem>>)
      %dma_wait3A_200 = tpu.memref_slice %arg3[%mul3A_197] : memref<8388608xf32, #tpu.memory_space<hbm>> -> memref<65536xf32, #tpu.memory_space<hbm>>
      %dma_wait3A_201 = tpu.memref_slice %arg3[%mul3A_197] : memref<8388608xf32, #tpu.memory_space<hbm>> -> memref<65536xf32, #tpu.memory_space<hbm>>
      tpu.wait_dma2 semaphore(%run_scoped3A : memref<!tpu.dma_semaphore, #tpu.memory_space<semaphore_mem>>) src(%arg4 : memref<65536xf32, #tpu.memory_space<vmem>>) dst(%dma_wait3A_201 : memref<65536xf32, #tpu.memory_space<hbm>>)
      tpu.yield
    }) : () -> ()
    return
  }
}

#map = affine_map<(d0, d1) -> (0)>
module attributes {stable_mosaic.version = 14 : i64} {
  func.func @k(%arg0: i32, %arg1: i32, %arg2: memref<9437184xi32, #tpu.memory_space<hbm>>, %arg3: memref<10485760xf32, #tpu.memory_space<hbm>>, %arg4: memref<65536xf32, #tpu.memory_space<vmem>>, %arg5: memref<16384xi32, #tpu.memory_space<vmem>>, %arg6: memref<16384xi32, #tpu.memory_space<vmem>>, %arg7: memref<!tpu.dma_semaphore, #tpu.memory_space<semaphore_mem>>, %arg8: memref<!tpu.dma_semaphore, #tpu.memory_space<semaphore_mem>>) attributes {dimension_semantics = [#tpu.dimension_semantics<core_parallel>, #tpu.dimension_semantics<subcore_parallel>], iteration_bounds = array<i64: 2, 16>, scalar_prefetch = 0 : i64, scratch_operands = 5 : i64, tpu.core_type = #tpu.core_type<sc_vector_subcore>, window_params = [{transform_indices = #map}, {transform_indices = #map}]} {
    %mul3A = arith.constant 2 : i32
    %mul3A_0 = arith.muli %arg1, %mul3A : i32
    %add3A = arith.addi %mul3A_0, %arg0 : i32
    %broadcast_in_dim3A = arith.constant 0.000000e+00 : f32
    %broadcast_in_dim3A_1 = vector.broadcast %broadcast_in_dim3A : f32 to vector<16xf32>
    %mul3A_2 = arith.constant 5 : i32
    %mul3A_3 = arith.muli %add3A, %mul3A_2 : i32
    %add3A_4 = arith.constant 0 : i32
    %add3A_5 = arith.addi %add3A_4, %mul3A_3 : i32
    %add3A_6 = arith.constant 0 : i32
    %add3A_7 = arith.addi %add3A_5, %add3A_6 : i32
    %mul3A_8 = arith.constant 2 : i32
    %mul3A_9 = arith.muli %add3A_7, %mul3A_8 : i32
    %mul3A_10 = arith.constant 16384 : i32
    %mul3A_11 = arith.muli %mul3A_9, %mul3A_10 : i32
    %add3A_12 = arith.constant 0 : i32
    %add3A_13 = arith.addi %mul3A_11, %add3A_12 : i32
    %dma_start3A = tpu.memref_slice %arg2[%add3A_13] : memref<9437184xi32, #tpu.memory_space<hbm>> -> memref<16384xi32, #tpu.memory_space<hbm>>
    %dma_start3A_14 = tpu.memref_slice %arg2[%add3A_13] : memref<9437184xi32, #tpu.memory_space<hbm>> -> memref<16384xi32, #tpu.memory_space<hbm>>
    tpu.enqueue_dma source(%dma_start3A_14 : memref<16384xi32, #tpu.memory_space<hbm>>) target(%arg5 : memref<16384xi32, #tpu.memory_space<vmem>>) target_semaphore(%arg7 : memref<!tpu.dma_semaphore, #tpu.memory_space<semaphore_mem>>)
    %add3A_15 = arith.constant 16384 : i32
    %add3A_16 = arith.addi %mul3A_11, %add3A_15 : i32
    %dma_start3A_17 = tpu.memref_slice %arg2[%add3A_16] : memref<9437184xi32, #tpu.memory_space<hbm>> -> memref<16384xi32, #tpu.memory_space<hbm>>
    %dma_start3A_18 = tpu.memref_slice %arg2[%add3A_16] : memref<9437184xi32, #tpu.memory_space<hbm>> -> memref<16384xi32, #tpu.memory_space<hbm>>
    tpu.enqueue_dma source(%dma_start3A_18 : memref<16384xi32, #tpu.memory_space<hbm>>) target(%arg6 : memref<16384xi32, #tpu.memory_space<vmem>>) target_semaphore(%arg8 : memref<!tpu.dma_semaphore, #tpu.memory_space<semaphore_mem>>)
    %scan3A = arith.constant 0 : i32
    %scan3A_19 = arith.constant 0 : i32
    %scan3A_20 = arith.constant 4096 : i32
    %scan3A_21 = arith.addi %scan3A_19, %scan3A_20 : i32
    %scan3A_22 = arith.constant 8 : i32
    scf.for %scan3A_248 = %scan3A_19 to %scan3A_21 step %scan3A_22  : i32 {
      %mul3A_249 = arith.constant 16 : i32
      %mul3A_250 = arith.muli %scan3A_248, %mul3A_249 : i32
      %swap3A = arith.index_cast %mul3A_250 : i32 to index
      %swap3A_251 = tpu.vector_load %arg4[%swap3A] {strides = array<i32>} : memref<65536xf32, #tpu.memory_space<vmem>>, vector<16xf32>,
      tpu.vector_store %arg4[%swap3A], %broadcast_in_dim3A_1 {strides = array<i32>} : memref<65536xf32, #tpu.memory_space<vmem>>, vector<16xf32>,
      %scan3A_252 = arith.constant 1 : i32
      %scan3A_253 = arith.addi %scan3A_248, %scan3A_252 : i32
      %mul3A_254 = arith.constant 16 : i32
      %mul3A_255 = arith.muli %scan3A_253, %mul3A_254 : i32
      %swap3A_256 = arith.index_cast %mul3A_255 : i32 to index
      %swap3A_257 = tpu.vector_load %arg4[%swap3A_256] {strides = array<i32>} : memref<65536xf32, #tpu.memory_space<vmem>>, vector<16xf32>,
      tpu.vector_store %arg4[%swap3A_256], %broadcast_in_dim3A_1 {strides = array<i32>} : memref<65536xf32, #tpu.memory_space<vmem>>, vector<16xf32>,
      %scan3A_258 = arith.constant 2 : i32
      %scan3A_259 = arith.addi %scan3A_248, %scan3A_258 : i32
      %mul3A_260 = arith.constant 16 : i32
      %mul3A_261 = arith.muli %scan3A_259, %mul3A_260 : i32
      %swap3A_262 = arith.index_cast %mul3A_261 : i32 to index
      %swap3A_263 = tpu.vector_load %arg4[%swap3A_262] {strides = array<i32>} : memref<65536xf32, #tpu.memory_space<vmem>>, vector<16xf32>,
      tpu.vector_store %arg4[%swap3A_262], %broadcast_in_dim3A_1 {strides = array<i32>} : memref<65536xf32, #tpu.memory_space<vmem>>, vector<16xf32>,
      %scan3A_264 = arith.constant 3 : i32
      %scan3A_265 = arith.addi %scan3A_248, %scan3A_264 : i32
      %mul3A_266 = arith.constant 16 : i32
      %mul3A_267 = arith.muli %scan3A_265, %mul3A_266 : i32
      %swap3A_268 = arith.index_cast %mul3A_267 : i32 to index
      %swap3A_269 = tpu.vector_load %arg4[%swap3A_268] {strides = array<i32>} : memref<65536xf32, #tpu.memory_space<vmem>>, vector<16xf32>,
      tpu.vector_store %arg4[%swap3A_268], %broadcast_in_dim3A_1 {strides = array<i32>} : memref<65536xf32, #tpu.memory_space<vmem>>, vector<16xf32>,
      %scan3A_270 = arith.constant 4 : i32
      %scan3A_271 = arith.addi %scan3A_248, %scan3A_270 : i32
      %mul3A_272 = arith.constant 16 : i32
      %mul3A_273 = arith.muli %scan3A_271, %mul3A_272 : i32
      %swap3A_274 = arith.index_cast %mul3A_273 : i32 to index
      %swap3A_275 = tpu.vector_load %arg4[%swap3A_274] {strides = array<i32>} : memref<65536xf32, #tpu.memory_space<vmem>>, vector<16xf32>,
      tpu.vector_store %arg4[%swap3A_274], %broadcast_in_dim3A_1 {strides = array<i32>} : memref<65536xf32, #tpu.memory_space<vmem>>, vector<16xf32>,
      %scan3A_276 = arith.constant 5 : i32
      %scan3A_277 = arith.addi %scan3A_248, %scan3A_276 : i32
      %mul3A_278 = arith.constant 16 : i32
      %mul3A_279 = arith.muli %scan3A_277, %mul3A_278 : i32
      %swap3A_280 = arith.index_cast %mul3A_279 : i32 to index
      %swap3A_281 = tpu.vector_load %arg4[%swap3A_280] {strides = array<i32>} : memref<65536xf32, #tpu.memory_space<vmem>>, vector<16xf32>,
      tpu.vector_store %arg4[%swap3A_280], %broadcast_in_dim3A_1 {strides = array<i32>} : memref<65536xf32, #tpu.memory_space<vmem>>, vector<16xf32>,
      %scan3A_282 = arith.constant 6 : i32
      %scan3A_283 = arith.addi %scan3A_248, %scan3A_282 : i32
      %mul3A_284 = arith.constant 16 : i32
      %mul3A_285 = arith.muli %scan3A_283, %mul3A_284 : i32
      %swap3A_286 = arith.index_cast %mul3A_285 : i32 to index
      %swap3A_287 = tpu.vector_load %arg4[%swap3A_286] {strides = array<i32>} : memref<65536xf32, #tpu.memory_space<vmem>>, vector<16xf32>,
      tpu.vector_store %arg4[%swap3A_286], %broadcast_in_dim3A_1 {strides = array<i32>} : memref<65536xf32, #tpu.memory_space<vmem>>, vector<16xf32>,
      %scan3A_288 = arith.constant 7 : i32
      %scan3A_289 = arith.addi %scan3A_248, %scan3A_288 : i32
      %mul3A_290 = arith.constant 16 : i32
      %mul3A_291 = arith.muli %scan3A_289, %mul3A_290 : i32
      %swap3A_292 = arith.index_cast %mul3A_291 : i32 to index
      %swap3A_293 = tpu.vector_load %arg4[%swap3A_292] {strides = array<i32>} : memref<65536xf32, #tpu.memory_space<vmem>>, vector<16xf32>,
      tpu.vector_store %arg4[%swap3A_292], %broadcast_in_dim3A_1 {strides = array<i32>} : memref<65536xf32, #tpu.memory_space<vmem>>, vector<16xf32>,
    }
    %scan3A_23 = arith.constant 4096 : i32
    %dma_wait3A = arith.constant 0 : i32
    %dma_wait3A_24 = tpu.memref_slice %arg2[%dma_wait3A] : memref<9437184xi32, #tpu.memory_space<hbm>> -> memref<16384xi32, #tpu.memory_space<hbm>>
    %dma_wait3A_25 = arith.constant 0 : i32
    %dma_wait3A_26 = tpu.memref_slice %arg2[%dma_wait3A_25] : memref<9437184xi32, #tpu.memory_space<hbm>> -> memref<16384xi32, #tpu.memory_space<hbm>>
    tpu.wait_dma2 semaphore(%arg7 : memref<!tpu.dma_semaphore, #tpu.memory_space<semaphore_mem>>) src(%dma_wait3A_26 : memref<16384xi32, #tpu.memory_space<hbm>>) dst(%arg5 : memref<16384xi32, #tpu.memory_space<vmem>>)
    %scan3A_27 = arith.constant 0 : i32
    %scan3A_28 = arith.constant 0 : i32
    %scan3A_29 = arith.constant 128 : i32
    %scan3A_30 = arith.addi %scan3A_28, %scan3A_29 : i32
    %scan3A_31 = arith.constant 1 : i32
    scf.for %scan3A_248 = %scan3A_28 to %scan3A_30 step %scan3A_31  : i32 {
      %mul3A_249 = arith.constant 128 : i32
      %mul3A_250 = arith.muli %scan3A_248, %mul3A_249 : i32
      %add3A_251 = arith.constant 0 : i32
      %add3A_252 = arith.addi %mul3A_250, %add3A_251 : i32
      %get3A = arith.index_cast %add3A_252 : i32 to index
      %get3A_253 = tpu.vector_load %arg5[%get3A] {strides = array<i32>} : memref<16384xi32, #tpu.memory_space<vmem>>, vector<16xi32>,
      %mul3A_254 = arith.constant 128 : i32
      %mul3A_255 = arith.muli %scan3A_248, %mul3A_254 : i32
      %add3A_256 = arith.constant 64 : i32
      %add3A_257 = arith.addi %mul3A_255, %add3A_256 : i32
      %add3A_258 = arith.constant 0 : i32
      %add3A_259 = arith.addi %add3A_257, %add3A_258 : i32
      %get3A_260 = arith.index_cast %add3A_259 : i32 to index
      %get3A_261 = tpu.vector_load %arg5[%get3A_260] {strides = array<i32>} : memref<16384xi32, #tpu.memory_space<vmem>>, vector<16xi32>,
      %ne3A = arith.constant 0 : i32
      %ne3A_262 = vector.broadcast %ne3A : i32 to vector<16xi32>
      %ne3A_263 = arith.cmpi ne, %get3A_261, %ne3A_262 : vector<16xi32>
      %bitcast3A = vector.bitcast %get3A_261 : vector<16xi32> to vector<16xf32>
      tpu.vector_store_idx %arg4[%get3A_253], %bitcast3A masked %ne3A_263 {add = true} : memref<65536xf32, #tpu.memory_space<vmem>>[vector<16xi32>], vector<16xf32>, vector<16xi1>
      %mul3A_264 = arith.constant 128 : i32
      %mul3A_265 = arith.muli %scan3A_248, %mul3A_264 : i32
      %add3A_266 = arith.constant 16 : i32
      %add3A_267 = arith.addi %mul3A_265, %add3A_266 : i32
      %get3A_268 = arith.index_cast %add3A_267 : i32 to index
      %get3A_269 = tpu.vector_load %arg5[%get3A_268] {strides = array<i32>} : memref<16384xi32, #tpu.memory_space<vmem>>, vector<16xi32>,
      %mul3A_270 = arith.constant 128 : i32
      %mul3A_271 = arith.muli %scan3A_248, %mul3A_270 : i32
      %add3A_272 = arith.constant 64 : i32
      %add3A_273 = arith.addi %mul3A_271, %add3A_272 : i32
      %add3A_274 = arith.constant 16 : i32
      %add3A_275 = arith.addi %add3A_273, %add3A_274 : i32
      %get3A_276 = arith.index_cast %add3A_275 : i32 to index
      %get3A_277 = tpu.vector_load %arg5[%get3A_276] {strides = array<i32>} : memref<16384xi32, #tpu.memory_space<vmem>>, vector<16xi32>,
      %ne3A_278 = arith.constant 0 : i32
      %ne3A_279 = vector.broadcast %ne3A_278 : i32 to vector<16xi32>
      %ne3A_280 = arith.cmpi ne, %get3A_277, %ne3A_279 : vector<16xi32>
      %bitcast3A_281 = vector.bitcast %get3A_277 : vector<16xi32> to vector<16xf32>
      tpu.vector_store_idx %arg4[%get3A_269], %bitcast3A_281 masked %ne3A_280 {add = true} : memref<65536xf32, #tpu.memory_space<vmem>>[vector<16xi32>], vector<16xf32>, vector<16xi1>
      %mul3A_282 = arith.constant 128 : i32
      %mul3A_283 = arith.muli %scan3A_248, %mul3A_282 : i32
      %add3A_284 = arith.constant 32 : i32
      %add3A_285 = arith.addi %mul3A_283, %add3A_284 : i32
      %get3A_286 = arith.index_cast %add3A_285 : i32 to index
      %get3A_287 = tpu.vector_load %arg5[%get3A_286] {strides = array<i32>} : memref<16384xi32, #tpu.memory_space<vmem>>, vector<16xi32>,
      %mul3A_288 = arith.constant 128 : i32
      %mul3A_289 = arith.muli %scan3A_248, %mul3A_288 : i32
      %add3A_290 = arith.constant 64 : i32
      %add3A_291 = arith.addi %mul3A_289, %add3A_290 : i32
      %add3A_292 = arith.constant 32 : i32
      %add3A_293 = arith.addi %add3A_291, %add3A_292 : i32
      %get3A_294 = arith.index_cast %add3A_293 : i32 to index
      %get3A_295 = tpu.vector_load %arg5[%get3A_294] {strides = array<i32>} : memref<16384xi32, #tpu.memory_space<vmem>>, vector<16xi32>,
      %ne3A_296 = arith.constant 0 : i32
      %ne3A_297 = vector.broadcast %ne3A_296 : i32 to vector<16xi32>
      %ne3A_298 = arith.cmpi ne, %get3A_295, %ne3A_297 : vector<16xi32>
      %bitcast3A_299 = vector.bitcast %get3A_295 : vector<16xi32> to vector<16xf32>
      tpu.vector_store_idx %arg4[%get3A_287], %bitcast3A_299 masked %ne3A_298 {add = true} : memref<65536xf32, #tpu.memory_space<vmem>>[vector<16xi32>], vector<16xf32>, vector<16xi1>
      %mul3A_300 = arith.constant 128 : i32
      %mul3A_301 = arith.muli %scan3A_248, %mul3A_300 : i32
      %add3A_302 = arith.constant 48 : i32
      %add3A_303 = arith.addi %mul3A_301, %add3A_302 : i32
      %get3A_304 = arith.index_cast %add3A_303 : i32 to index
      %get3A_305 = tpu.vector_load %arg5[%get3A_304] {strides = array<i32>} : memref<16384xi32, #tpu.memory_space<vmem>>, vector<16xi32>,
      %mul3A_306 = arith.constant 128 : i32
      %mul3A_307 = arith.muli %scan3A_248, %mul3A_306 : i32
      %add3A_308 = arith.constant 64 : i32
      %add3A_309 = arith.addi %mul3A_307, %add3A_308 : i32
      %add3A_310 = arith.constant 48 : i32
      %add3A_311 = arith.addi %add3A_309, %add3A_310 : i32
      %get3A_312 = arith.index_cast %add3A_311 : i32 to index
      %get3A_313 = tpu.vector_load %arg5[%get3A_312] {strides = array<i32>} : memref<16384xi32, #tpu.memory_space<vmem>>, vector<16xi32>,
      %ne3A_314 = arith.constant 0 : i32
      %ne3A_315 = vector.broadcast %ne3A_314 : i32 to vector<16xi32>
      %ne3A_316 = arith.cmpi ne, %get3A_313, %ne3A_315 : vector<16xi32>
      %bitcast3A_317 = vector.bitcast %get3A_313 : vector<16xi32> to vector<16xf32>
      tpu.vector_store_idx %arg4[%get3A_305], %bitcast3A_317 masked %ne3A_316 {add = true} : memref<65536xf32, #tpu.memory_space<vmem>>[vector<16xi32>], vector<16xf32>, vector<16xi1>
    }
    %scan3A_32 = arith.constant 128 : i32
    %dma_wait3A_33 = arith.constant 0 : i32
    %dma_wait3A_34 = tpu.memref_slice %arg2[%dma_wait3A_33] : memref<9437184xi32, #tpu.memory_space<hbm>> -> memref<16384xi32, #tpu.memory_space<hbm>>
    %dma_wait3A_35 = arith.constant 0 : i32
    %dma_wait3A_36 = tpu.memref_slice %arg2[%dma_wait3A_35] : memref<9437184xi32, #tpu.memory_space<hbm>> -> memref<16384xi32, #tpu.memory_space<hbm>>
    tpu.wait_dma2 semaphore(%arg8 : memref<!tpu.dma_semaphore, #tpu.memory_space<semaphore_mem>>) src(%dma_wait3A_36 : memref<16384xi32, #tpu.memory_space<hbm>>) dst(%arg6 : memref<16384xi32, #tpu.memory_space<vmem>>)
    %scan3A_37 = arith.constant 0 : i32
    %scan3A_38 = arith.constant 0 : i32
    %scan3A_39 = arith.constant 128 : i32
    %scan3A_40 = arith.addi %scan3A_38, %scan3A_39 : i32
    %scan3A_41 = arith.constant 1 : i32
    scf.for %scan3A_248 = %scan3A_38 to %scan3A_40 step %scan3A_41  : i32 {
      %mul3A_249 = arith.constant 128 : i32
      %mul3A_250 = arith.muli %scan3A_248, %mul3A_249 : i32
      %add3A_251 = arith.constant 0 : i32
      %add3A_252 = arith.addi %mul3A_250, %add3A_251 : i32
      %get3A = arith.index_cast %add3A_252 : i32 to index
      %get3A_253 = tpu.vector_load %arg6[%get3A] {strides = array<i32>} : memref<16384xi32, #tpu.memory_space<vmem>>, vector<16xi32>,
      %mul3A_254 = arith.constant 128 : i32
      %mul3A_255 = arith.muli %scan3A_248, %mul3A_254 : i32
      %add3A_256 = arith.constant 64 : i32
      %add3A_257 = arith.addi %mul3A_255, %add3A_256 : i32
      %add3A_258 = arith.constant 0 : i32
      %add3A_259 = arith.addi %add3A_257, %add3A_258 : i32
      %get3A_260 = arith.index_cast %add3A_259 : i32 to index
      %get3A_261 = tpu.vector_load %arg6[%get3A_260] {strides = array<i32>} : memref<16384xi32, #tpu.memory_space<vmem>>, vector<16xi32>,
      %ne3A = arith.constant 0 : i32
      %ne3A_262 = vector.broadcast %ne3A : i32 to vector<16xi32>
      %ne3A_263 = arith.cmpi ne, %get3A_261, %ne3A_262 : vector<16xi32>
      %bitcast3A = vector.bitcast %get3A_261 : vector<16xi32> to vector<16xf32>
      tpu.vector_store_idx %arg4[%get3A_253], %bitcast3A masked %ne3A_263 {add = true} : memref<65536xf32, #tpu.memory_space<vmem>>[vector<16xi32>], vector<16xf32>, vector<16xi1>
      %mul3A_264 = arith.constant 128 : i32
      %mul3A_265 = arith.muli %scan3A_248, %mul3A_264 : i32
      %add3A_266 = arith.constant 16 : i32
      %add3A_267 = arith.addi %mul3A_265, %add3A_266 : i32
      %get3A_268 = arith.index_cast %add3A_267 : i32 to index
      %get3A_269 = tpu.vector_load %arg6[%get3A_268] {strides = array<i32>} : memref<16384xi32, #tpu.memory_space<vmem>>, vector<16xi32>,
      %mul3A_270 = arith.constant 128 : i32
      %mul3A_271 = arith.muli %scan3A_248, %mul3A_270 : i32
      %add3A_272 = arith.constant 64 : i32
      %add3A_273 = arith.addi %mul3A_271, %add3A_272 : i32
      %add3A_274 = arith.constant 16 : i32
      %add3A_275 = arith.addi %add3A_273, %add3A_274 : i32
      %get3A_276 = arith.index_cast %add3A_275 : i32 to index
      %get3A_277 = tpu.vector_load %arg6[%get3A_276] {strides = array<i32>} : memref<16384xi32, #tpu.memory_space<vmem>>, vector<16xi32>,
      %ne3A_278 = arith.constant 0 : i32
      %ne3A_279 = vector.broadcast %ne3A_278 : i32 to vector<16xi32>
      %ne3A_280 = arith.cmpi ne, %get3A_277, %ne3A_279 : vector<16xi32>
      %bitcast3A_281 = vector.bitcast %get3A_277 : vector<16xi32> to vector<16xf32>
      tpu.vector_store_idx %arg4[%get3A_269], %bitcast3A_281 masked %ne3A_280 {add = true} : memref<65536xf32, #tpu.memory_space<vmem>>[vector<16xi32>], vector<16xf32>, vector<16xi1>
      %mul3A_282 = arith.constant 128 : i32
      %mul3A_283 = arith.muli %scan3A_248, %mul3A_282 : i32
      %add3A_284 = arith.constant 32 : i32
      %add3A_285 = arith.addi %mul3A_283, %add3A_284 : i32
      %get3A_286 = arith.index_cast %add3A_285 : i32 to index
      %get3A_287 = tpu.vector_load %arg6[%get3A_286] {strides = array<i32>} : memref<16384xi32, #tpu.memory_space<vmem>>, vector<16xi32>,
      %mul3A_288 = arith.constant 128 : i32
      %mul3A_289 = arith.muli %scan3A_248, %mul3A_288 : i32
      %add3A_290 = arith.constant 64 : i32
      %add3A_291 = arith.addi %mul3A_289, %add3A_290 : i32
      %add3A_292 = arith.constant 32 : i32
      %add3A_293 = arith.addi %add3A_291, %add3A_292 : i32
      %get3A_294 = arith.index_cast %add3A_293 : i32 to index
      %get3A_295 = tpu.vector_load %arg6[%get3A_294] {strides = array<i32>} : memref<16384xi32, #tpu.memory_space<vmem>>, vector<16xi32>,
      %ne3A_296 = arith.constant 0 : i32
      %ne3A_297 = vector.broadcast %ne3A_296 : i32 to vector<16xi32>
      %ne3A_298 = arith.cmpi ne, %get3A_295, %ne3A_297 : vector<16xi32>
      %bitcast3A_299 = vector.bitcast %get3A_295 : vector<16xi32> to vector<16xf32>
      tpu.vector_store_idx %arg4[%get3A_287], %bitcast3A_299 masked %ne3A_298 {add = true} : memref<65536xf32, #tpu.memory_space<vmem>>[vector<16xi32>], vector<16xf32>, vector<16xi1>
      %mul3A_300 = arith.constant 128 : i32
      %mul3A_301 = arith.muli %scan3A_248, %mul3A_300 : i32
      %add3A_302 = arith.constant 48 : i32
      %add3A_303 = arith.addi %mul3A_301, %add3A_302 : i32
      %get3A_304 = arith.index_cast %add3A_303 : i32 to index
      %get3A_305 = tpu.vector_load %arg6[%get3A_304] {strides = array<i32>} : memref<16384xi32, #tpu.memory_space<vmem>>, vector<16xi32>,
      %mul3A_306 = arith.constant 128 : i32
      %mul3A_307 = arith.muli %scan3A_248, %mul3A_306 : i32
      %add3A_308 = arith.constant 64 : i32
      %add3A_309 = arith.addi %mul3A_307, %add3A_308 : i32
      %add3A_310 = arith.constant 48 : i32
      %add3A_311 = arith.addi %add3A_309, %add3A_310 : i32
      %get3A_312 = arith.index_cast %add3A_311 : i32 to index
      %get3A_313 = tpu.vector_load %arg6[%get3A_312] {strides = array<i32>} : memref<16384xi32, #tpu.memory_space<vmem>>, vector<16xi32>,
      %ne3A_314 = arith.constant 0 : i32
      %ne3A_315 = vector.broadcast %ne3A_314 : i32 to vector<16xi32>
      %ne3A_316 = arith.cmpi ne, %get3A_313, %ne3A_315 : vector<16xi32>
      %bitcast3A_317 = vector.bitcast %get3A_313 : vector<16xi32> to vector<16xf32>
      tpu.vector_store_idx %arg4[%get3A_305], %bitcast3A_317 masked %ne3A_316 {add = true} : memref<65536xf32, #tpu.memory_space<vmem>>[vector<16xi32>], vector<16xf32>, vector<16xi1>
    }
    %scan3A_42 = arith.constant 128 : i32
    %sub3A = arith.constant 0 : i32
    %sub3A_43 = arith.subi %add3A_7, %sub3A : i32
    %mul3A_44 = arith.constant 16 : i32
    %mul3A_45 = arith.muli %sub3A_43, %mul3A_44 : i32
    %mul3A_46 = arith.constant 4096 : i32
    %mul3A_47 = arith.muli %mul3A_45, %mul3A_46 : i32
    "tpu.region"() ({
      %run_scoped3A = tpu.sem_alloc : memref<!tpu.dma_semaphore, #tpu.memory_space<semaphore_mem>>
      %dma_start3A_248 = tpu.memref_slice %arg3[%mul3A_47] : memref<10485760xf32, #tpu.memory_space<hbm>> -> memref<65536xf32, #tpu.memory_space<hbm>>
      %dma_start3A_249 = tpu.memref_slice %arg3[%mul3A_47] : memref<10485760xf32, #tpu.memory_space<hbm>> -> memref<65536xf32, #tpu.memory_space<hbm>>
      tpu.enqueue_dma source(%arg4 : memref<65536xf32, #tpu.memory_space<vmem>>) target(%dma_start3A_249 : memref<65536xf32, #tpu.memory_space<hbm>>) target_semaphore(%run_scoped3A : memref<!tpu.dma_semaphore, #tpu.memory_space<semaphore_mem>>)
      %dma_wait3A_250 = tpu.memref_slice %arg3[%mul3A_47] : memref<10485760xf32, #tpu.memory_space<hbm>> -> memref<65536xf32, #tpu.memory_space<hbm>>
      %dma_wait3A_251 = tpu.memref_slice %arg3[%mul3A_47] : memref<10485760xf32, #tpu.memory_space<hbm>> -> memref<65536xf32, #tpu.memory_space<hbm>>
      tpu.wait_dma2 semaphore(%run_scoped3A : memref<!tpu.dma_semaphore, #tpu.memory_space<semaphore_mem>>) src(%arg4 : memref<65536xf32, #tpu.memory_space<vmem>>) dst(%dma_wait3A_251 : memref<65536xf32, #tpu.memory_space<hbm>>)
      tpu.yield
    }) : () -> ()
    %mul3A_48 = arith.constant 5 : i32
    %mul3A_49 = arith.muli %add3A, %mul3A_48 : i32
    %add3A_50 = arith.constant 0 : i32
    %add3A_51 = arith.addi %add3A_50, %mul3A_49 : i32
    %add3A_52 = arith.constant 1 : i32
    %add3A_53 = arith.addi %add3A_51, %add3A_52 : i32
    %mul3A_54 = arith.constant 2 : i32
    %mul3A_55 = arith.muli %add3A_53, %mul3A_54 : i32
    %mul3A_56 = arith.constant 16384 : i32
    %mul3A_57 = arith.muli %mul3A_55, %mul3A_56 : i32
    %add3A_58 = arith.constant 0 : i32
    %add3A_59 = arith.addi %mul3A_57, %add3A_58 : i32
    %dma_start3A_60 = tpu.memref_slice %arg2[%add3A_59] : memref<9437184xi32, #tpu.memory_space<hbm>> -> memref<16384xi32, #tpu.memory_space<hbm>>
    %dma_start3A_61 = tpu.memref_slice %arg2[%add3A_59] : memref<9437184xi32, #tpu.memory_space<hbm>> -> memref<16384xi32, #tpu.memory_space<hbm>>
    tpu.enqueue_dma source(%dma_start3A_61 : memref<16384xi32, #tpu.memory_space<hbm>>) target(%arg5 : memref<16384xi32, #tpu.memory_space<vmem>>) target_semaphore(%arg7 : memref<!tpu.dma_semaphore, #tpu.memory_space<semaphore_mem>>)
    %add3A_62 = arith.constant 16384 : i32
    %add3A_63 = arith.addi %mul3A_57, %add3A_62 : i32
    %dma_start3A_64 = tpu.memref_slice %arg2[%add3A_63] : memref<9437184xi32, #tpu.memory_space<hbm>> -> memref<16384xi32, #tpu.memory_space<hbm>>
    %dma_start3A_65 = tpu.memref_slice %arg2[%add3A_63] : memref<9437184xi32, #tpu.memory_space<hbm>> -> memref<16384xi32, #tpu.memory_space<hbm>>
    tpu.enqueue_dma source(%dma_start3A_65 : memref<16384xi32, #tpu.memory_space<hbm>>) target(%arg6 : memref<16384xi32, #tpu.memory_space<vmem>>) target_semaphore(%arg8 : memref<!tpu.dma_semaphore, #tpu.memory_space<semaphore_mem>>)
    %scan3A_66 = arith.constant 0 : i32
    %scan3A_67 = arith.constant 0 : i32
    %scan3A_68 = arith.constant 4096 : i32
    %scan3A_69 = arith.addi %scan3A_67, %scan3A_68 : i32
    %scan3A_70 = arith.constant 8 : i32
    scf.for %scan3A_248 = %scan3A_67 to %scan3A_69 step %scan3A_70  : i32 {
      %mul3A_249 = arith.constant 16 : i32
      %mul3A_250 = arith.muli %scan3A_248, %mul3A_249 : i32
      %swap3A = arith.index_cast %mul3A_250 : i32 to index
      %swap3A_251 = tpu.vector_load %arg4[%swap3A] {strides = array<i32>} : memref<65536xf32, #tpu.memory_space<vmem>>, vector<16xf32>,
      tpu.vector_store %arg4[%swap3A], %broadcast_in_dim3A_1 {strides = array<i32>} : memref<65536xf32, #tpu.memory_space<vmem>>, vector<16xf32>,
      %scan3A_252 = arith.constant 1 : i32
      %scan3A_253 = arith.addi %scan3A_248, %scan3A_252 : i32
      %mul3A_254 = arith.constant 16 : i32
      %mul3A_255 = arith.muli %scan3A_253, %mul3A_254 : i32
      %swap3A_256 = arith.index_cast %mul3A_255 : i32 to index
      %swap3A_257 = tpu.vector_load %arg4[%swap3A_256] {strides = array<i32>} : memref<65536xf32, #tpu.memory_space<vmem>>, vector<16xf32>,
      tpu.vector_store %arg4[%swap3A_256], %broadcast_in_dim3A_1 {strides = array<i32>} : memref<65536xf32, #tpu.memory_space<vmem>>, vector<16xf32>,
      %scan3A_258 = arith.constant 2 : i32
      %scan3A_259 = arith.addi %scan3A_248, %scan3A_258 : i32
      %mul3A_260 = arith.constant 16 : i32
      %mul3A_261 = arith.muli %scan3A_259, %mul3A_260 : i32
      %swap3A_262 = arith.index_cast %mul3A_261 : i32 to index
      %swap3A_263 = tpu.vector_load %arg4[%swap3A_262] {strides = array<i32>} : memref<65536xf32, #tpu.memory_space<vmem>>, vector<16xf32>,
      tpu.vector_store %arg4[%swap3A_262], %broadcast_in_dim3A_1 {strides = array<i32>} : memref<65536xf32, #tpu.memory_space<vmem>>, vector<16xf32>,
      %scan3A_264 = arith.constant 3 : i32
      %scan3A_265 = arith.addi %scan3A_248, %scan3A_264 : i32
      %mul3A_266 = arith.constant 16 : i32
      %mul3A_267 = arith.muli %scan3A_265, %mul3A_266 : i32
      %swap3A_268 = arith.index_cast %mul3A_267 : i32 to index
      %swap3A_269 = tpu.vector_load %arg4[%swap3A_268] {strides = array<i32>} : memref<65536xf32, #tpu.memory_space<vmem>>, vector<16xf32>,
      tpu.vector_store %arg4[%swap3A_268], %broadcast_in_dim3A_1 {strides = array<i32>} : memref<65536xf32, #tpu.memory_space<vmem>>, vector<16xf32>,
      %scan3A_270 = arith.constant 4 : i32
      %scan3A_271 = arith.addi %scan3A_248, %scan3A_270 : i32
      %mul3A_272 = arith.constant 16 : i32
      %mul3A_273 = arith.muli %scan3A_271, %mul3A_272 : i32
      %swap3A_274 = arith.index_cast %mul3A_273 : i32 to index
      %swap3A_275 = tpu.vector_load %arg4[%swap3A_274] {strides = array<i32>} : memref<65536xf32, #tpu.memory_space<vmem>>, vector<16xf32>,
      tpu.vector_store %arg4[%swap3A_274], %broadcast_in_dim3A_1 {strides = array<i32>} : memref<65536xf32, #tpu.memory_space<vmem>>, vector<16xf32>,
      %scan3A_276 = arith.constant 5 : i32
      %scan3A_277 = arith.addi %scan3A_248, %scan3A_276 : i32
      %mul3A_278 = arith.constant 16 : i32
      %mul3A_279 = arith.muli %scan3A_277, %mul3A_278 : i32
      %swap3A_280 = arith.index_cast %mul3A_279 : i32 to index
      %swap3A_281 = tpu.vector_load %arg4[%swap3A_280] {strides = array<i32>} : memref<65536xf32, #tpu.memory_space<vmem>>, vector<16xf32>,
      tpu.vector_store %arg4[%swap3A_280], %broadcast_in_dim3A_1 {strides = array<i32>} : memref<65536xf32, #tpu.memory_space<vmem>>, vector<16xf32>,
      %scan3A_282 = arith.constant 6 : i32
      %scan3A_283 = arith.addi %scan3A_248, %scan3A_282 : i32
      %mul3A_284 = arith.constant 16 : i32
      %mul3A_285 = arith.muli %scan3A_283, %mul3A_284 : i32
      %swap3A_286 = arith.index_cast %mul3A_285 : i32 to index
      %swap3A_287 = tpu.vector_load %arg4[%swap3A_286] {strides = array<i32>} : memref<65536xf32, #tpu.memory_space<vmem>>, vector<16xf32>,
      tpu.vector_store %arg4[%swap3A_286], %broadcast_in_dim3A_1 {strides = array<i32>} : memref<65536xf32, #tpu.memory_space<vmem>>, vector<16xf32>,
      %scan3A_288 = arith.constant 7 : i32
      %scan3A_289 = arith.addi %scan3A_248, %scan3A_288 : i32
      %mul3A_290 = arith.constant 16 : i32
      %mul3A_291 = arith.muli %scan3A_289, %mul3A_290 : i32
      %swap3A_292 = arith.index_cast %mul3A_291 : i32 to index
      %swap3A_293 = tpu.vector_load %arg4[%swap3A_292] {strides = array<i32>} : memref<65536xf32, #tpu.memory_space<vmem>>, vector<16xf32>,
      tpu.vector_store %arg4[%swap3A_292], %broadcast_in_dim3A_1 {strides = array<i32>} : memref<65536xf32, #tpu.memory_space<vmem>>, vector<16xf32>,
    }
    %scan3A_71 = arith.constant 4096 : i32
    %dma_wait3A_72 = arith.constant 0 : i32
    %dma_wait3A_73 = tpu.memref_slice %arg2[%dma_wait3A_72] : memref<9437184xi32, #tpu.memory_space<hbm>> -> memref<16384xi32, #tpu.memory_space<hbm>>
    %dma_wait3A_74 = arith.constant 0 : i32
    %dma_wait3A_75 = tpu.memref_slice %arg2[%dma_wait3A_74] : memref<9437184xi32, #tpu.memory_space<hbm>> -> memref<16384xi32, #tpu.memory_space<hbm>>
    tpu.wait_dma2 semaphore(%arg7 : memref<!tpu.dma_semaphore, #tpu.memory_space<semaphore_mem>>) src(%dma_wait3A_75 : memref<16384xi32, #tpu.memory_space<hbm>>) dst(%arg5 : memref<16384xi32, #tpu.memory_space<vmem>>)
    %scan3A_76 = arith.constant 0 : i32
    %scan3A_77 = arith.constant 0 : i32
    %scan3A_78 = arith.constant 128 : i32
    %scan3A_79 = arith.addi %scan3A_77, %scan3A_78 : i32
    %scan3A_80 = arith.constant 1 : i32
    scf.for %scan3A_248 = %scan3A_77 to %scan3A_79 step %scan3A_80  : i32 {
      %mul3A_249 = arith.constant 128 : i32
      %mul3A_250 = arith.muli %scan3A_248, %mul3A_249 : i32
      %add3A_251 = arith.constant 0 : i32
      %add3A_252 = arith.addi %mul3A_250, %add3A_251 : i32
      %get3A = arith.index_cast %add3A_252 : i32 to index
      %get3A_253 = tpu.vector_load %arg5[%get3A] {strides = array<i32>} : memref<16384xi32, #tpu.memory_space<vmem>>, vector<16xi32>,
      %mul3A_254 = arith.constant 128 : i32
      %mul3A_255 = arith.muli %scan3A_248, %mul3A_254 : i32
      %add3A_256 = arith.constant 64 : i32
      %add3A_257 = arith.addi %mul3A_255, %add3A_256 : i32
      %add3A_258 = arith.constant 0 : i32
      %add3A_259 = arith.addi %add3A_257, %add3A_258 : i32
      %get3A_260 = arith.index_cast %add3A_259 : i32 to index
      %get3A_261 = tpu.vector_load %arg5[%get3A_260] {strides = array<i32>} : memref<16384xi32, #tpu.memory_space<vmem>>, vector<16xi32>,
      %ne3A = arith.constant 0 : i32
      %ne3A_262 = vector.broadcast %ne3A : i32 to vector<16xi32>
      %ne3A_263 = arith.cmpi ne, %get3A_261, %ne3A_262 : vector<16xi32>
      %bitcast3A = vector.bitcast %get3A_261 : vector<16xi32> to vector<16xf32>
      tpu.vector_store_idx %arg4[%get3A_253], %bitcast3A masked %ne3A_263 {add = true} : memref<65536xf32, #tpu.memory_space<vmem>>[vector<16xi32>], vector<16xf32>, vector<16xi1>
      %mul3A_264 = arith.constant 128 : i32
      %mul3A_265 = arith.muli %scan3A_248, %mul3A_264 : i32
      %add3A_266 = arith.constant 16 : i32
      %add3A_267 = arith.addi %mul3A_265, %add3A_266 : i32
      %get3A_268 = arith.index_cast %add3A_267 : i32 to index
      %get3A_269 = tpu.vector_load %arg5[%get3A_268] {strides = array<i32>} : memref<16384xi32, #tpu.memory_space<vmem>>, vector<16xi32>,
      %mul3A_270 = arith.constant 128 : i32
      %mul3A_271 = arith.muli %scan3A_248, %mul3A_270 : i32
      %add3A_272 = arith.constant 64 : i32
      %add3A_273 = arith.addi %mul3A_271, %add3A_272 : i32
      %add3A_274 = arith.constant 16 : i32
      %add3A_275 = arith.addi %add3A_273, %add3A_274 : i32
      %get3A_276 = arith.index_cast %add3A_275 : i32 to index
      %get3A_277 = tpu.vector_load %arg5[%get3A_276] {strides = array<i32>} : memref<16384xi32, #tpu.memory_space<vmem>>, vector<16xi32>,
      %ne3A_278 = arith.constant 0 : i32
      %ne3A_279 = vector.broadcast %ne3A_278 : i32 to vector<16xi32>
      %ne3A_280 = arith.cmpi ne, %get3A_277, %ne3A_279 : vector<16xi32>
      %bitcast3A_281 = vector.bitcast %get3A_277 : vector<16xi32> to vector<16xf32>
      tpu.vector_store_idx %arg4[%get3A_269], %bitcast3A_281 masked %ne3A_280 {add = true} : memref<65536xf32, #tpu.memory_space<vmem>>[vector<16xi32>], vector<16xf32>, vector<16xi1>
      %mul3A_282 = arith.constant 128 : i32
      %mul3A_283 = arith.muli %scan3A_248, %mul3A_282 : i32
      %add3A_284 = arith.constant 32 : i32
      %add3A_285 = arith.addi %mul3A_283, %add3A_284 : i32
      %get3A_286 = arith.index_cast %add3A_285 : i32 to index
      %get3A_287 = tpu.vector_load %arg5[%get3A_286] {strides = array<i32>} : memref<16384xi32, #tpu.memory_space<vmem>>, vector<16xi32>,
      %mul3A_288 = arith.constant 128 : i32
      %mul3A_289 = arith.muli %scan3A_248, %mul3A_288 : i32
      %add3A_290 = arith.constant 64 : i32
      %add3A_291 = arith.addi %mul3A_289, %add3A_290 : i32
      %add3A_292 = arith.constant 32 : i32
      %add3A_293 = arith.addi %add3A_291, %add3A_292 : i32
      %get3A_294 = arith.index_cast %add3A_293 : i32 to index
      %get3A_295 = tpu.vector_load %arg5[%get3A_294] {strides = array<i32>} : memref<16384xi32, #tpu.memory_space<vmem>>, vector<16xi32>,
      %ne3A_296 = arith.constant 0 : i32
      %ne3A_297 = vector.broadcast %ne3A_296 : i32 to vector<16xi32>
      %ne3A_298 = arith.cmpi ne, %get3A_295, %ne3A_297 : vector<16xi32>
      %bitcast3A_299 = vector.bitcast %get3A_295 : vector<16xi32> to vector<16xf32>
      tpu.vector_store_idx %arg4[%get3A_287], %bitcast3A_299 masked %ne3A_298 {add = true} : memref<65536xf32, #tpu.memory_space<vmem>>[vector<16xi32>], vector<16xf32>, vector<16xi1>
      %mul3A_300 = arith.constant 128 : i32
      %mul3A_301 = arith.muli %scan3A_248, %mul3A_300 : i32
      %add3A_302 = arith.constant 48 : i32
      %add3A_303 = arith.addi %mul3A_301, %add3A_302 : i32
      %get3A_304 = arith.index_cast %add3A_303 : i32 to index
      %get3A_305 = tpu.vector_load %arg5[%get3A_304] {strides = array<i32>} : memref<16384xi32, #tpu.memory_space<vmem>>, vector<16xi32>,
      %mul3A_306 = arith.constant 128 : i32
      %mul3A_307 = arith.muli %scan3A_248, %mul3A_306 : i32
      %add3A_308 = arith.constant 64 : i32
      %add3A_309 = arith.addi %mul3A_307, %add3A_308 : i32
      %add3A_310 = arith.constant 48 : i32
      %add3A_311 = arith.addi %add3A_309, %add3A_310 : i32
      %get3A_312 = arith.index_cast %add3A_311 : i32 to index
      %get3A_313 = tpu.vector_load %arg5[%get3A_312] {strides = array<i32>} : memref<16384xi32, #tpu.memory_space<vmem>>, vector<16xi32>,
      %ne3A_314 = arith.constant 0 : i32
      %ne3A_315 = vector.broadcast %ne3A_314 : i32 to vector<16xi32>
      %ne3A_316 = arith.cmpi ne, %get3A_313, %ne3A_315 : vector<16xi32>
      %bitcast3A_317 = vector.bitcast %get3A_313 : vector<16xi32> to vector<16xf32>
      tpu.vector_store_idx %arg4[%get3A_305], %bitcast3A_317 masked %ne3A_316 {add = true} : memref<65536xf32, #tpu.memory_space<vmem>>[vector<16xi32>], vector<16xf32>, vector<16xi1>
    }
    %scan3A_81 = arith.constant 128 : i32
    %dma_wait3A_82 = arith.constant 0 : i32
    %dma_wait3A_83 = tpu.memref_slice %arg2[%dma_wait3A_82] : memref<9437184xi32, #tpu.memory_space<hbm>> -> memref<16384xi32, #tpu.memory_space<hbm>>
    %dma_wait3A_84 = arith.constant 0 : i32
    %dma_wait3A_85 = tpu.memref_slice %arg2[%dma_wait3A_84] : memref<9437184xi32, #tpu.memory_space<hbm>> -> memref<16384xi32, #tpu.memory_space<hbm>>
    tpu.wait_dma2 semaphore(%arg8 : memref<!tpu.dma_semaphore, #tpu.memory_space<semaphore_mem>>) src(%dma_wait3A_85 : memref<16384xi32, #tpu.memory_space<hbm>>) dst(%arg6 : memref<16384xi32, #tpu.memory_space<vmem>>)
    %scan3A_86 = arith.constant 0 : i32
    %scan3A_87 = arith.constant 0 : i32
    %scan3A_88 = arith.constant 128 : i32
    %scan3A_89 = arith.addi %scan3A_87, %scan3A_88 : i32
    %scan3A_90 = arith.constant 1 : i32
    scf.for %scan3A_248 = %scan3A_87 to %scan3A_89 step %scan3A_90  : i32 {
      %mul3A_249 = arith.constant 128 : i32
      %mul3A_250 = arith.muli %scan3A_248, %mul3A_249 : i32
      %add3A_251 = arith.constant 0 : i32
      %add3A_252 = arith.addi %mul3A_250, %add3A_251 : i32
      %get3A = arith.index_cast %add3A_252 : i32 to index
      %get3A_253 = tpu.vector_load %arg6[%get3A] {strides = array<i32>} : memref<16384xi32, #tpu.memory_space<vmem>>, vector<16xi32>,
      %mul3A_254 = arith.constant 128 : i32
      %mul3A_255 = arith.muli %scan3A_248, %mul3A_254 : i32
      %add3A_256 = arith.constant 64 : i32
      %add3A_257 = arith.addi %mul3A_255, %add3A_256 : i32
      %add3A_258 = arith.constant 0 : i32
      %add3A_259 = arith.addi %add3A_257, %add3A_258 : i32
      %get3A_260 = arith.index_cast %add3A_259 : i32 to index
      %get3A_261 = tpu.vector_load %arg6[%get3A_260] {strides = array<i32>} : memref<16384xi32, #tpu.memory_space<vmem>>, vector<16xi32>,
      %ne3A = arith.constant 0 : i32
      %ne3A_262 = vector.broadcast %ne3A : i32 to vector<16xi32>
      %ne3A_263 = arith.cmpi ne, %get3A_261, %ne3A_262 : vector<16xi32>
      %bitcast3A = vector.bitcast %get3A_261 : vector<16xi32> to vector<16xf32>
      tpu.vector_store_idx %arg4[%get3A_253], %bitcast3A masked %ne3A_263 {add = true} : memref<65536xf32, #tpu.memory_space<vmem>>[vector<16xi32>], vector<16xf32>, vector<16xi1>
      %mul3A_264 = arith.constant 128 : i32
      %mul3A_265 = arith.muli %scan3A_248, %mul3A_264 : i32
      %add3A_266 = arith.constant 16 : i32
      %add3A_267 = arith.addi %mul3A_265, %add3A_266 : i32
      %get3A_268 = arith.index_cast %add3A_267 : i32 to index
      %get3A_269 = tpu.vector_load %arg6[%get3A_268] {strides = array<i32>} : memref<16384xi32, #tpu.memory_space<vmem>>, vector<16xi32>,
      %mul3A_270 = arith.constant 128 : i32
      %mul3A_271 = arith.muli %scan3A_248, %mul3A_270 : i32
      %add3A_272 = arith.constant 64 : i32
      %add3A_273 = arith.addi %mul3A_271, %add3A_272 : i32
      %add3A_274 = arith.constant 16 : i32
      %add3A_275 = arith.addi %add3A_273, %add3A_274 : i32
      %get3A_276 = arith.index_cast %add3A_275 : i32 to index
      %get3A_277 = tpu.vector_load %arg6[%get3A_276] {strides = array<i32>} : memref<16384xi32, #tpu.memory_space<vmem>>, vector<16xi32>,
      %ne3A_278 = arith.constant 0 : i32
      %ne3A_279 = vector.broadcast %ne3A_278 : i32 to vector<16xi32>
      %ne3A_280 = arith.cmpi ne, %get3A_277, %ne3A_279 : vector<16xi32>
      %bitcast3A_281 = vector.bitcast %get3A_277 : vector<16xi32> to vector<16xf32>
      tpu.vector_store_idx %arg4[%get3A_269], %bitcast3A_281 masked %ne3A_280 {add = true} : memref<65536xf32, #tpu.memory_space<vmem>>[vector<16xi32>], vector<16xf32>, vector<16xi1>
      %mul3A_282 = arith.constant 128 : i32
      %mul3A_283 = arith.muli %scan3A_248, %mul3A_282 : i32
      %add3A_284 = arith.constant 32 : i32
      %add3A_285 = arith.addi %mul3A_283, %add3A_284 : i32
      %get3A_286 = arith.index_cast %add3A_285 : i32 to index
      %get3A_287 = tpu.vector_load %arg6[%get3A_286] {strides = array<i32>} : memref<16384xi32, #tpu.memory_space<vmem>>, vector<16xi32>,
      %mul3A_288 = arith.constant 128 : i32
      %mul3A_289 = arith.muli %scan3A_248, %mul3A_288 : i32
      %add3A_290 = arith.constant 64 : i32
      %add3A_291 = arith.addi %mul3A_289, %add3A_290 : i32
      %add3A_292 = arith.constant 32 : i32
      %add3A_293 = arith.addi %add3A_291, %add3A_292 : i32
      %get3A_294 = arith.index_cast %add3A_293 : i32 to index
      %get3A_295 = tpu.vector_load %arg6[%get3A_294] {strides = array<i32>} : memref<16384xi32, #tpu.memory_space<vmem>>, vector<16xi32>,
      %ne3A_296 = arith.constant 0 : i32
      %ne3A_297 = vector.broadcast %ne3A_296 : i32 to vector<16xi32>
      %ne3A_298 = arith.cmpi ne, %get3A_295, %ne3A_297 : vector<16xi32>
      %bitcast3A_299 = vector.bitcast %get3A_295 : vector<16xi32> to vector<16xf32>
      tpu.vector_store_idx %arg4[%get3A_287], %bitcast3A_299 masked %ne3A_298 {add = true} : memref<65536xf32, #tpu.memory_space<vmem>>[vector<16xi32>], vector<16xf32>, vector<16xi1>
      %mul3A_300 = arith.constant 128 : i32
      %mul3A_301 = arith.muli %scan3A_248, %mul3A_300 : i32
      %add3A_302 = arith.constant 48 : i32
      %add3A_303 = arith.addi %mul3A_301, %add3A_302 : i32
      %get3A_304 = arith.index_cast %add3A_303 : i32 to index
      %get3A_305 = tpu.vector_load %arg6[%get3A_304] {strides = array<i32>} : memref<16384xi32, #tpu.memory_space<vmem>>, vector<16xi32>,
      %mul3A_306 = arith.constant 128 : i32
      %mul3A_307 = arith.muli %scan3A_248, %mul3A_306 : i32
      %add3A_308 = arith.constant 64 : i32
      %add3A_309 = arith.addi %mul3A_307, %add3A_308 : i32
      %add3A_310 = arith.constant 48 : i32
      %add3A_311 = arith.addi %add3A_309, %add3A_310 : i32
      %get3A_312 = arith.index_cast %add3A_311 : i32 to index
      %get3A_313 = tpu.vector_load %arg6[%get3A_312] {strides = array<i32>} : memref<16384xi32, #tpu.memory_space<vmem>>, vector<16xi32>,
      %ne3A_314 = arith.constant 0 : i32
      %ne3A_315 = vector.broadcast %ne3A_314 : i32 to vector<16xi32>
      %ne3A_316 = arith.cmpi ne, %get3A_313, %ne3A_315 : vector<16xi32>
      %bitcast3A_317 = vector.bitcast %get3A_313 : vector<16xi32> to vector<16xf32>
      tpu.vector_store_idx %arg4[%get3A_305], %bitcast3A_317 masked %ne3A_316 {add = true} : memref<65536xf32, #tpu.memory_space<vmem>>[vector<16xi32>], vector<16xf32>, vector<16xi1>
    }
    %scan3A_91 = arith.constant 128 : i32
    %sub3A_92 = arith.constant 0 : i32
    %sub3A_93 = arith.subi %add3A_53, %sub3A_92 : i32
    %mul3A_94 = arith.constant 16 : i32
    %mul3A_95 = arith.muli %sub3A_93, %mul3A_94 : i32
    %mul3A_96 = arith.constant 4096 : i32
    %mul3A_97 = arith.muli %mul3A_95, %mul3A_96 : i32
    "tpu.region"() ({
      %run_scoped3A = tpu.sem_alloc : memref<!tpu.dma_semaphore, #tpu.memory_space<semaphore_mem>>
      %dma_start3A_248 = tpu.memref_slice %arg3[%mul3A_97] : memref<10485760xf32, #tpu.memory_space<hbm>> -> memref<65536xf32, #tpu.memory_space<hbm>>
      %dma_start3A_249 = tpu.memref_slice %arg3[%mul3A_97] : memref<10485760xf32, #tpu.memory_space<hbm>> -> memref<65536xf32, #tpu.memory_space<hbm>>
      tpu.enqueue_dma source(%arg4 : memref<65536xf32, #tpu.memory_space<vmem>>) target(%dma_start3A_249 : memref<65536xf32, #tpu.memory_space<hbm>>) target_semaphore(%run_scoped3A : memref<!tpu.dma_semaphore, #tpu.memory_space<semaphore_mem>>)
      %dma_wait3A_250 = tpu.memref_slice %arg3[%mul3A_97] : memref<10485760xf32, #tpu.memory_space<hbm>> -> memref<65536xf32, #tpu.memory_space<hbm>>
      %dma_wait3A_251 = tpu.memref_slice %arg3[%mul3A_97] : memref<10485760xf32, #tpu.memory_space<hbm>> -> memref<65536xf32, #tpu.memory_space<hbm>>
      tpu.wait_dma2 semaphore(%run_scoped3A : memref<!tpu.dma_semaphore, #tpu.memory_space<semaphore_mem>>) src(%arg4 : memref<65536xf32, #tpu.memory_space<vmem>>) dst(%dma_wait3A_251 : memref<65536xf32, #tpu.memory_space<hbm>>)
      tpu.yield
    }) : () -> ()
    %mul3A_98 = arith.constant 5 : i32
    %mul3A_99 = arith.muli %add3A, %mul3A_98 : i32
    %add3A_100 = arith.constant 0 : i32
    %add3A_101 = arith.addi %add3A_100, %mul3A_99 : i32
    %add3A_102 = arith.constant 2 : i32
    %add3A_103 = arith.addi %add3A_101, %add3A_102 : i32
    %mul3A_104 = arith.constant 2 : i32
    %mul3A_105 = arith.muli %add3A_103, %mul3A_104 : i32
    %mul3A_106 = arith.constant 16384 : i32
    %mul3A_107 = arith.muli %mul3A_105, %mul3A_106 : i32
    %add3A_108 = arith.constant 0 : i32
    %add3A_109 = arith.addi %mul3A_107, %add3A_108 : i32
    %dma_start3A_110 = tpu.memref_slice %arg2[%add3A_109] : memref<9437184xi32, #tpu.memory_space<hbm>> -> memref<16384xi32, #tpu.memory_space<hbm>>
    %dma_start3A_111 = tpu.memref_slice %arg2[%add3A_109] : memref<9437184xi32, #tpu.memory_space<hbm>> -> memref<16384xi32, #tpu.memory_space<hbm>>
    tpu.enqueue_dma source(%dma_start3A_111 : memref<16384xi32, #tpu.memory_space<hbm>>) target(%arg5 : memref<16384xi32, #tpu.memory_space<vmem>>) target_semaphore(%arg7 : memref<!tpu.dma_semaphore, #tpu.memory_space<semaphore_mem>>)
    %add3A_112 = arith.constant 16384 : i32
    %add3A_113 = arith.addi %mul3A_107, %add3A_112 : i32
    %dma_start3A_114 = tpu.memref_slice %arg2[%add3A_113] : memref<9437184xi32, #tpu.memory_space<hbm>> -> memref<16384xi32, #tpu.memory_space<hbm>>
    %dma_start3A_115 = tpu.memref_slice %arg2[%add3A_113] : memref<9437184xi32, #tpu.memory_space<hbm>> -> memref<16384xi32, #tpu.memory_space<hbm>>
    tpu.enqueue_dma source(%dma_start3A_115 : memref<16384xi32, #tpu.memory_space<hbm>>) target(%arg6 : memref<16384xi32, #tpu.memory_space<vmem>>) target_semaphore(%arg8 : memref<!tpu.dma_semaphore, #tpu.memory_space<semaphore_mem>>)
    %scan3A_116 = arith.constant 0 : i32
    %scan3A_117 = arith.constant 0 : i32
    %scan3A_118 = arith.constant 4096 : i32
    %scan3A_119 = arith.addi %scan3A_117, %scan3A_118 : i32
    %scan3A_120 = arith.constant 8 : i32
    scf.for %scan3A_248 = %scan3A_117 to %scan3A_119 step %scan3A_120  : i32 {
      %mul3A_249 = arith.constant 16 : i32
      %mul3A_250 = arith.muli %scan3A_248, %mul3A_249 : i32
      %swap3A = arith.index_cast %mul3A_250 : i32 to index
      %swap3A_251 = tpu.vector_load %arg4[%swap3A] {strides = array<i32>} : memref<65536xf32, #tpu.memory_space<vmem>>, vector<16xf32>,
      tpu.vector_store %arg4[%swap3A], %broadcast_in_dim3A_1 {strides = array<i32>} : memref<65536xf32, #tpu.memory_space<vmem>>, vector<16xf32>,
      %scan3A_252 = arith.constant 1 : i32
      %scan3A_253 = arith.addi %scan3A_248, %scan3A_252 : i32
      %mul3A_254 = arith.constant 16 : i32
      %mul3A_255 = arith.muli %scan3A_253, %mul3A_254 : i32
      %swap3A_256 = arith.index_cast %mul3A_255 : i32 to index
      %swap3A_257 = tpu.vector_load %arg4[%swap3A_256] {strides = array<i32>} : memref<65536xf32, #tpu.memory_space<vmem>>, vector<16xf32>,
      tpu.vector_store %arg4[%swap3A_256], %broadcast_in_dim3A_1 {strides = array<i32>} : memref<65536xf32, #tpu.memory_space<vmem>>, vector<16xf32>,
      %scan3A_258 = arith.constant 2 : i32
      %scan3A_259 = arith.addi %scan3A_248, %scan3A_258 : i32
      %mul3A_260 = arith.constant 16 : i32
      %mul3A_261 = arith.muli %scan3A_259, %mul3A_260 : i32
      %swap3A_262 = arith.index_cast %mul3A_261 : i32 to index
      %swap3A_263 = tpu.vector_load %arg4[%swap3A_262] {strides = array<i32>} : memref<65536xf32, #tpu.memory_space<vmem>>, vector<16xf32>,
      tpu.vector_store %arg4[%swap3A_262], %broadcast_in_dim3A_1 {strides = array<i32>} : memref<65536xf32, #tpu.memory_space<vmem>>, vector<16xf32>,
      %scan3A_264 = arith.constant 3 : i32
      %scan3A_265 = arith.addi %scan3A_248, %scan3A_264 : i32
      %mul3A_266 = arith.constant 16 : i32
      %mul3A_267 = arith.muli %scan3A_265, %mul3A_266 : i32
      %swap3A_268 = arith.index_cast %mul3A_267 : i32 to index
      %swap3A_269 = tpu.vector_load %arg4[%swap3A_268] {strides = array<i32>} : memref<65536xf32, #tpu.memory_space<vmem>>, vector<16xf32>,
      tpu.vector_store %arg4[%swap3A_268], %broadcast_in_dim3A_1 {strides = array<i32>} : memref<65536xf32, #tpu.memory_space<vmem>>, vector<16xf32>,
      %scan3A_270 = arith.constant 4 : i32
      %scan3A_271 = arith.addi %scan3A_248, %scan3A_270 : i32
      %mul3A_272 = arith.constant 16 : i32
      %mul3A_273 = arith.muli %scan3A_271, %mul3A_272 : i32
      %swap3A_274 = arith.index_cast %mul3A_273 : i32 to index
      %swap3A_275 = tpu.vector_load %arg4[%swap3A_274] {strides = array<i32>} : memref<65536xf32, #tpu.memory_space<vmem>>, vector<16xf32>,
      tpu.vector_store %arg4[%swap3A_274], %broadcast_in_dim3A_1 {strides = array<i32>} : memref<65536xf32, #tpu.memory_space<vmem>>, vector<16xf32>,
      %scan3A_276 = arith.constant 5 : i32
      %scan3A_277 = arith.addi %scan3A_248, %scan3A_276 : i32
      %mul3A_278 = arith.constant 16 : i32
      %mul3A_279 = arith.muli %scan3A_277, %mul3A_278 : i32
      %swap3A_280 = arith.index_cast %mul3A_279 : i32 to index
      %swap3A_281 = tpu.vector_load %arg4[%swap3A_280] {strides = array<i32>} : memref<65536xf32, #tpu.memory_space<vmem>>, vector<16xf32>,
      tpu.vector_store %arg4[%swap3A_280], %broadcast_in_dim3A_1 {strides = array<i32>} : memref<65536xf32, #tpu.memory_space<vmem>>, vector<16xf32>,
      %scan3A_282 = arith.constant 6 : i32
      %scan3A_283 = arith.addi %scan3A_248, %scan3A_282 : i32
      %mul3A_284 = arith.constant 16 : i32
      %mul3A_285 = arith.muli %scan3A_283, %mul3A_284 : i32
      %swap3A_286 = arith.index_cast %mul3A_285 : i32 to index
      %swap3A_287 = tpu.vector_load %arg4[%swap3A_286] {strides = array<i32>} : memref<65536xf32, #tpu.memory_space<vmem>>, vector<16xf32>,
      tpu.vector_store %arg4[%swap3A_286], %broadcast_in_dim3A_1 {strides = array<i32>} : memref<65536xf32, #tpu.memory_space<vmem>>, vector<16xf32>,
      %scan3A_288 = arith.constant 7 : i32
      %scan3A_289 = arith.addi %scan3A_248, %scan3A_288 : i32
      %mul3A_290 = arith.constant 16 : i32
      %mul3A_291 = arith.muli %scan3A_289, %mul3A_290 : i32
      %swap3A_292 = arith.index_cast %mul3A_291 : i32 to index
      %swap3A_293 = tpu.vector_load %arg4[%swap3A_292] {strides = array<i32>} : memref<65536xf32, #tpu.memory_space<vmem>>, vector<16xf32>,
      tpu.vector_store %arg4[%swap3A_292], %broadcast_in_dim3A_1 {strides = array<i32>} : memref<65536xf32, #tpu.memory_space<vmem>>, vector<16xf32>,
    }
    %scan3A_121 = arith.constant 4096 : i32
    %dma_wait3A_122 = arith.constant 0 : i32
    %dma_wait3A_123 = tpu.memref_slice %arg2[%dma_wait3A_122] : memref<9437184xi32, #tpu.memory_space<hbm>> -> memref<16384xi32, #tpu.memory_space<hbm>>
    %dma_wait3A_124 = arith.constant 0 : i32
    %dma_wait3A_125 = tpu.memref_slice %arg2[%dma_wait3A_124] : memref<9437184xi32, #tpu.memory_space<hbm>> -> memref<16384xi32, #tpu.memory_space<hbm>>
    tpu.wait_dma2 semaphore(%arg7 : memref<!tpu.dma_semaphore, #tpu.memory_space<semaphore_mem>>) src(%dma_wait3A_125 : memref<16384xi32, #tpu.memory_space<hbm>>) dst(%arg5 : memref<16384xi32, #tpu.memory_space<vmem>>)
    %scan3A_126 = arith.constant 0 : i32
    %scan3A_127 = arith.constant 0 : i32
    %scan3A_128 = arith.constant 128 : i32
    %scan3A_129 = arith.addi %scan3A_127, %scan3A_128 : i32
    %scan3A_130 = arith.constant 1 : i32
    scf.for %scan3A_248 = %scan3A_127 to %scan3A_129 step %scan3A_130  : i32 {
      %mul3A_249 = arith.constant 128 : i32
      %mul3A_250 = arith.muli %scan3A_248, %mul3A_249 : i32
      %add3A_251 = arith.constant 0 : i32
      %add3A_252 = arith.addi %mul3A_250, %add3A_251 : i32
      %get3A = arith.index_cast %add3A_252 : i32 to index
      %get3A_253 = tpu.vector_load %arg5[%get3A] {strides = array<i32>} : memref<16384xi32, #tpu.memory_space<vmem>>, vector<16xi32>,
      %mul3A_254 = arith.constant 128 : i32
      %mul3A_255 = arith.muli %scan3A_248, %mul3A_254 : i32
      %add3A_256 = arith.constant 64 : i32
      %add3A_257 = arith.addi %mul3A_255, %add3A_256 : i32
      %add3A_258 = arith.constant 0 : i32
      %add3A_259 = arith.addi %add3A_257, %add3A_258 : i32
      %get3A_260 = arith.index_cast %add3A_259 : i32 to index
      %get3A_261 = tpu.vector_load %arg5[%get3A_260] {strides = array<i32>} : memref<16384xi32, #tpu.memory_space<vmem>>, vector<16xi32>,
      %ne3A = arith.constant 0 : i32
      %ne3A_262 = vector.broadcast %ne3A : i32 to vector<16xi32>
      %ne3A_263 = arith.cmpi ne, %get3A_261, %ne3A_262 : vector<16xi32>
      %bitcast3A = vector.bitcast %get3A_261 : vector<16xi32> to vector<16xf32>
      tpu.vector_store_idx %arg4[%get3A_253], %bitcast3A masked %ne3A_263 {add = true} : memref<65536xf32, #tpu.memory_space<vmem>>[vector<16xi32>], vector<16xf32>, vector<16xi1>
      %mul3A_264 = arith.constant 128 : i32
      %mul3A_265 = arith.muli %scan3A_248, %mul3A_264 : i32
      %add3A_266 = arith.constant 16 : i32
      %add3A_267 = arith.addi %mul3A_265, %add3A_266 : i32
      %get3A_268 = arith.index_cast %add3A_267 : i32 to index
      %get3A_269 = tpu.vector_load %arg5[%get3A_268] {strides = array<i32>} : memref<16384xi32, #tpu.memory_space<vmem>>, vector<16xi32>,
      %mul3A_270 = arith.constant 128 : i32
      %mul3A_271 = arith.muli %scan3A_248, %mul3A_270 : i32
      %add3A_272 = arith.constant 64 : i32
      %add3A_273 = arith.addi %mul3A_271, %add3A_272 : i32
      %add3A_274 = arith.constant 16 : i32
      %add3A_275 = arith.addi %add3A_273, %add3A_274 : i32
      %get3A_276 = arith.index_cast %add3A_275 : i32 to index
      %get3A_277 = tpu.vector_load %arg5[%get3A_276] {strides = array<i32>} : memref<16384xi32, #tpu.memory_space<vmem>>, vector<16xi32>,
      %ne3A_278 = arith.constant 0 : i32
      %ne3A_279 = vector.broadcast %ne3A_278 : i32 to vector<16xi32>
      %ne3A_280 = arith.cmpi ne, %get3A_277, %ne3A_279 : vector<16xi32>
      %bitcast3A_281 = vector.bitcast %get3A_277 : vector<16xi32> to vector<16xf32>
      tpu.vector_store_idx %arg4[%get3A_269], %bitcast3A_281 masked %ne3A_280 {add = true} : memref<65536xf32, #tpu.memory_space<vmem>>[vector<16xi32>], vector<16xf32>, vector<16xi1>
      %mul3A_282 = arith.constant 128 : i32
      %mul3A_283 = arith.muli %scan3A_248, %mul3A_282 : i32
      %add3A_284 = arith.constant 32 : i32
      %add3A_285 = arith.addi %mul3A_283, %add3A_284 : i32
      %get3A_286 = arith.index_cast %add3A_285 : i32 to index
      %get3A_287 = tpu.vector_load %arg5[%get3A_286] {strides = array<i32>} : memref<16384xi32, #tpu.memory_space<vmem>>, vector<16xi32>,
      %mul3A_288 = arith.constant 128 : i32
      %mul3A_289 = arith.muli %scan3A_248, %mul3A_288 : i32
      %add3A_290 = arith.constant 64 : i32
      %add3A_291 = arith.addi %mul3A_289, %add3A_290 : i32
      %add3A_292 = arith.constant 32 : i32
      %add3A_293 = arith.addi %add3A_291, %add3A_292 : i32
      %get3A_294 = arith.index_cast %add3A_293 : i32 to index
      %get3A_295 = tpu.vector_load %arg5[%get3A_294] {strides = array<i32>} : memref<16384xi32, #tpu.memory_space<vmem>>, vector<16xi32>,
      %ne3A_296 = arith.constant 0 : i32
      %ne3A_297 = vector.broadcast %ne3A_296 : i32 to vector<16xi32>
      %ne3A_298 = arith.cmpi ne, %get3A_295, %ne3A_297 : vector<16xi32>
      %bitcast3A_299 = vector.bitcast %get3A_295 : vector<16xi32> to vector<16xf32>
      tpu.vector_store_idx %arg4[%get3A_287], %bitcast3A_299 masked %ne3A_298 {add = true} : memref<65536xf32, #tpu.memory_space<vmem>>[vector<16xi32>], vector<16xf32>, vector<16xi1>
      %mul3A_300 = arith.constant 128 : i32
      %mul3A_301 = arith.muli %scan3A_248, %mul3A_300 : i32
      %add3A_302 = arith.constant 48 : i32
      %add3A_303 = arith.addi %mul3A_301, %add3A_302 : i32
      %get3A_304 = arith.index_cast %add3A_303 : i32 to index
      %get3A_305 = tpu.vector_load %arg5[%get3A_304] {strides = array<i32>} : memref<16384xi32, #tpu.memory_space<vmem>>, vector<16xi32>,
      %mul3A_306 = arith.constant 128 : i32
      %mul3A_307 = arith.muli %scan3A_248, %mul3A_306 : i32
      %add3A_308 = arith.constant 64 : i32
      %add3A_309 = arith.addi %mul3A_307, %add3A_308 : i32
      %add3A_310 = arith.constant 48 : i32
      %add3A_311 = arith.addi %add3A_309, %add3A_310 : i32
      %get3A_312 = arith.index_cast %add3A_311 : i32 to index
      %get3A_313 = tpu.vector_load %arg5[%get3A_312] {strides = array<i32>} : memref<16384xi32, #tpu.memory_space<vmem>>, vector<16xi32>,
      %ne3A_314 = arith.constant 0 : i32
      %ne3A_315 = vector.broadcast %ne3A_314 : i32 to vector<16xi32>
      %ne3A_316 = arith.cmpi ne, %get3A_313, %ne3A_315 : vector<16xi32>
      %bitcast3A_317 = vector.bitcast %get3A_313 : vector<16xi32> to vector<16xf32>
      tpu.vector_store_idx %arg4[%get3A_305], %bitcast3A_317 masked %ne3A_316 {add = true} : memref<65536xf32, #tpu.memory_space<vmem>>[vector<16xi32>], vector<16xf32>, vector<16xi1>
    }
    %scan3A_131 = arith.constant 128 : i32
    %dma_wait3A_132 = arith.constant 0 : i32
    %dma_wait3A_133 = tpu.memref_slice %arg2[%dma_wait3A_132] : memref<9437184xi32, #tpu.memory_space<hbm>> -> memref<16384xi32, #tpu.memory_space<hbm>>
    %dma_wait3A_134 = arith.constant 0 : i32
    %dma_wait3A_135 = tpu.memref_slice %arg2[%dma_wait3A_134] : memref<9437184xi32, #tpu.memory_space<hbm>> -> memref<16384xi32, #tpu.memory_space<hbm>>
    tpu.wait_dma2 semaphore(%arg8 : memref<!tpu.dma_semaphore, #tpu.memory_space<semaphore_mem>>) src(%dma_wait3A_135 : memref<16384xi32, #tpu.memory_space<hbm>>) dst(%arg6 : memref<16384xi32, #tpu.memory_space<vmem>>)
    %scan3A_136 = arith.constant 0 : i32
    %scan3A_137 = arith.constant 0 : i32
    %scan3A_138 = arith.constant 128 : i32
    %scan3A_139 = arith.addi %scan3A_137, %scan3A_138 : i32
    %scan3A_140 = arith.constant 1 : i32
    scf.for %scan3A_248 = %scan3A_137 to %scan3A_139 step %scan3A_140  : i32 {
      %mul3A_249 = arith.constant 128 : i32
      %mul3A_250 = arith.muli %scan3A_248, %mul3A_249 : i32
      %add3A_251 = arith.constant 0 : i32
      %add3A_252 = arith.addi %mul3A_250, %add3A_251 : i32
      %get3A = arith.index_cast %add3A_252 : i32 to index
      %get3A_253 = tpu.vector_load %arg6[%get3A] {strides = array<i32>} : memref<16384xi32, #tpu.memory_space<vmem>>, vector<16xi32>,
      %mul3A_254 = arith.constant 128 : i32
      %mul3A_255 = arith.muli %scan3A_248, %mul3A_254 : i32
      %add3A_256 = arith.constant 64 : i32
      %add3A_257 = arith.addi %mul3A_255, %add3A_256 : i32
      %add3A_258 = arith.constant 0 : i32
      %add3A_259 = arith.addi %add3A_257, %add3A_258 : i32
      %get3A_260 = arith.index_cast %add3A_259 : i32 to index
      %get3A_261 = tpu.vector_load %arg6[%get3A_260] {strides = array<i32>} : memref<16384xi32, #tpu.memory_space<vmem>>, vector<16xi32>,
      %ne3A = arith.constant 0 : i32
      %ne3A_262 = vector.broadcast %ne3A : i32 to vector<16xi32>
      %ne3A_263 = arith.cmpi ne, %get3A_261, %ne3A_262 : vector<16xi32>
      %bitcast3A = vector.bitcast %get3A_261 : vector<16xi32> to vector<16xf32>
      tpu.vector_store_idx %arg4[%get3A_253], %bitcast3A masked %ne3A_263 {add = true} : memref<65536xf32, #tpu.memory_space<vmem>>[vector<16xi32>], vector<16xf32>, vector<16xi1>
      %mul3A_264 = arith.constant 128 : i32
      %mul3A_265 = arith.muli %scan3A_248, %mul3A_264 : i32
      %add3A_266 = arith.constant 16 : i32
      %add3A_267 = arith.addi %mul3A_265, %add3A_266 : i32
      %get3A_268 = arith.index_cast %add3A_267 : i32 to index
      %get3A_269 = tpu.vector_load %arg6[%get3A_268] {strides = array<i32>} : memref<16384xi32, #tpu.memory_space<vmem>>, vector<16xi32>,
      %mul3A_270 = arith.constant 128 : i32
      %mul3A_271 = arith.muli %scan3A_248, %mul3A_270 : i32
      %add3A_272 = arith.constant 64 : i32
      %add3A_273 = arith.addi %mul3A_271, %add3A_272 : i32
      %add3A_274 = arith.constant 16 : i32
      %add3A_275 = arith.addi %add3A_273, %add3A_274 : i32
      %get3A_276 = arith.index_cast %add3A_275 : i32 to index
      %get3A_277 = tpu.vector_load %arg6[%get3A_276] {strides = array<i32>} : memref<16384xi32, #tpu.memory_space<vmem>>, vector<16xi32>,
      %ne3A_278 = arith.constant 0 : i32
      %ne3A_279 = vector.broadcast %ne3A_278 : i32 to vector<16xi32>
      %ne3A_280 = arith.cmpi ne, %get3A_277, %ne3A_279 : vector<16xi32>
      %bitcast3A_281 = vector.bitcast %get3A_277 : vector<16xi32> to vector<16xf32>
      tpu.vector_store_idx %arg4[%get3A_269], %bitcast3A_281 masked %ne3A_280 {add = true} : memref<65536xf32, #tpu.memory_space<vmem>>[vector<16xi32>], vector<16xf32>, vector<16xi1>
      %mul3A_282 = arith.constant 128 : i32
      %mul3A_283 = arith.muli %scan3A_248, %mul3A_282 : i32
      %add3A_284 = arith.constant 32 : i32
      %add3A_285 = arith.addi %mul3A_283, %add3A_284 : i32
      %get3A_286 = arith.index_cast %add3A_285 : i32 to index
      %get3A_287 = tpu.vector_load %arg6[%get3A_286] {strides = array<i32>} : memref<16384xi32, #tpu.memory_space<vmem>>, vector<16xi32>,
      %mul3A_288 = arith.constant 128 : i32
      %mul3A_289 = arith.muli %scan3A_248, %mul3A_288 : i32
      %add3A_290 = arith.constant 64 : i32
      %add3A_291 = arith.addi %mul3A_289, %add3A_290 : i32
      %add3A_292 = arith.constant 32 : i32
      %add3A_293 = arith.addi %add3A_291, %add3A_292 : i32
      %get3A_294 = arith.index_cast %add3A_293 : i32 to index
      %get3A_295 = tpu.vector_load %arg6[%get3A_294] {strides = array<i32>} : memref<16384xi32, #tpu.memory_space<vmem>>, vector<16xi32>,
      %ne3A_296 = arith.constant 0 : i32
      %ne3A_297 = vector.broadcast %ne3A_296 : i32 to vector<16xi32>
      %ne3A_298 = arith.cmpi ne, %get3A_295, %ne3A_297 : vector<16xi32>
      %bitcast3A_299 = vector.bitcast %get3A_295 : vector<16xi32> to vector<16xf32>
      tpu.vector_store_idx %arg4[%get3A_287], %bitcast3A_299 masked %ne3A_298 {add = true} : memref<65536xf32, #tpu.memory_space<vmem>>[vector<16xi32>], vector<16xf32>, vector<16xi1>
      %mul3A_300 = arith.constant 128 : i32
      %mul3A_301 = arith.muli %scan3A_248, %mul3A_300 : i32
      %add3A_302 = arith.constant 48 : i32
      %add3A_303 = arith.addi %mul3A_301, %add3A_302 : i32
      %get3A_304 = arith.index_cast %add3A_303 : i32 to index
      %get3A_305 = tpu.vector_load %arg6[%get3A_304] {strides = array<i32>} : memref<16384xi32, #tpu.memory_space<vmem>>, vector<16xi32>,
      %mul3A_306 = arith.constant 128 : i32
      %mul3A_307 = arith.muli %scan3A_248, %mul3A_306 : i32
      %add3A_308 = arith.constant 64 : i32
      %add3A_309 = arith.addi %mul3A_307, %add3A_308 : i32
      %add3A_310 = arith.constant 48 : i32
      %add3A_311 = arith.addi %add3A_309, %add3A_310 : i32
      %get3A_312 = arith.index_cast %add3A_311 : i32 to index
      %get3A_313 = tpu.vector_load %arg6[%get3A_312] {strides = array<i32>} : memref<16384xi32, #tpu.memory_space<vmem>>, vector<16xi32>,
      %ne3A_314 = arith.constant 0 : i32
      %ne3A_315 = vector.broadcast %ne3A_314 : i32 to vector<16xi32>
      %ne3A_316 = arith.cmpi ne, %get3A_313, %ne3A_315 : vector<16xi32>
      %bitcast3A_317 = vector.bitcast %get3A_313 : vector<16xi32> to vector<16xf32>
      tpu.vector_store_idx %arg4[%get3A_305], %bitcast3A_317 masked %ne3A_316 {add = true} : memref<65536xf32, #tpu.memory_space<vmem>>[vector<16xi32>], vector<16xf32>, vector<16xi1>
    }
    %scan3A_141 = arith.constant 128 : i32
    %sub3A_142 = arith.constant 0 : i32
    %sub3A_143 = arith.subi %add3A_103, %sub3A_142 : i32
    %mul3A_144 = arith.constant 16 : i32
    %mul3A_145 = arith.muli %sub3A_143, %mul3A_144 : i32
    %mul3A_146 = arith.constant 4096 : i32
    %mul3A_147 = arith.muli %mul3A_145, %mul3A_146 : i32
    "tpu.region"() ({
      %run_scoped3A = tpu.sem_alloc : memref<!tpu.dma_semaphore, #tpu.memory_space<semaphore_mem>>
      %dma_start3A_248 = tpu.memref_slice %arg3[%mul3A_147] : memref<10485760xf32, #tpu.memory_space<hbm>> -> memref<65536xf32, #tpu.memory_space<hbm>>
      %dma_start3A_249 = tpu.memref_slice %arg3[%mul3A_147] : memref<10485760xf32, #tpu.memory_space<hbm>> -> memref<65536xf32, #tpu.memory_space<hbm>>
      tpu.enqueue_dma source(%arg4 : memref<65536xf32, #tpu.memory_space<vmem>>) target(%dma_start3A_249 : memref<65536xf32, #tpu.memory_space<hbm>>) target_semaphore(%run_scoped3A : memref<!tpu.dma_semaphore, #tpu.memory_space<semaphore_mem>>)
      %dma_wait3A_250 = tpu.memref_slice %arg3[%mul3A_147] : memref<10485760xf32, #tpu.memory_space<hbm>> -> memref<65536xf32, #tpu.memory_space<hbm>>
      %dma_wait3A_251 = tpu.memref_slice %arg3[%mul3A_147] : memref<10485760xf32, #tpu.memory_space<hbm>> -> memref<65536xf32, #tpu.memory_space<hbm>>
      tpu.wait_dma2 semaphore(%run_scoped3A : memref<!tpu.dma_semaphore, #tpu.memory_space<semaphore_mem>>) src(%arg4 : memref<65536xf32, #tpu.memory_space<vmem>>) dst(%dma_wait3A_251 : memref<65536xf32, #tpu.memory_space<hbm>>)
      tpu.yield
    }) : () -> ()
    %mul3A_148 = arith.constant 5 : i32
    %mul3A_149 = arith.muli %add3A, %mul3A_148 : i32
    %add3A_150 = arith.constant 0 : i32
    %add3A_151 = arith.addi %add3A_150, %mul3A_149 : i32
    %add3A_152 = arith.constant 3 : i32
    %add3A_153 = arith.addi %add3A_151, %add3A_152 : i32
    %mul3A_154 = arith.constant 2 : i32
    %mul3A_155 = arith.muli %add3A_153, %mul3A_154 : i32
    %mul3A_156 = arith.constant 16384 : i32
    %mul3A_157 = arith.muli %mul3A_155, %mul3A_156 : i32
    %add3A_158 = arith.constant 0 : i32
    %add3A_159 = arith.addi %mul3A_157, %add3A_158 : i32
    %dma_start3A_160 = tpu.memref_slice %arg2[%add3A_159] : memref<9437184xi32, #tpu.memory_space<hbm>> -> memref<16384xi32, #tpu.memory_space<hbm>>
    %dma_start3A_161 = tpu.memref_slice %arg2[%add3A_159] : memref<9437184xi32, #tpu.memory_space<hbm>> -> memref<16384xi32, #tpu.memory_space<hbm>>
    tpu.enqueue_dma source(%dma_start3A_161 : memref<16384xi32, #tpu.memory_space<hbm>>) target(%arg5 : memref<16384xi32, #tpu.memory_space<vmem>>) target_semaphore(%arg7 : memref<!tpu.dma_semaphore, #tpu.memory_space<semaphore_mem>>)
    %add3A_162 = arith.constant 16384 : i32
    %add3A_163 = arith.addi %mul3A_157, %add3A_162 : i32
    %dma_start3A_164 = tpu.memref_slice %arg2[%add3A_163] : memref<9437184xi32, #tpu.memory_space<hbm>> -> memref<16384xi32, #tpu.memory_space<hbm>>
    %dma_start3A_165 = tpu.memref_slice %arg2[%add3A_163] : memref<9437184xi32, #tpu.memory_space<hbm>> -> memref<16384xi32, #tpu.memory_space<hbm>>
    tpu.enqueue_dma source(%dma_start3A_165 : memref<16384xi32, #tpu.memory_space<hbm>>) target(%arg6 : memref<16384xi32, #tpu.memory_space<vmem>>) target_semaphore(%arg8 : memref<!tpu.dma_semaphore, #tpu.memory_space<semaphore_mem>>)
    %scan3A_166 = arith.constant 0 : i32
    %scan3A_167 = arith.constant 0 : i32
    %scan3A_168 = arith.constant 4096 : i32
    %scan3A_169 = arith.addi %scan3A_167, %scan3A_168 : i32
    %scan3A_170 = arith.constant 8 : i32
    scf.for %scan3A_248 = %scan3A_167 to %scan3A_169 step %scan3A_170  : i32 {
      %mul3A_249 = arith.constant 16 : i32
      %mul3A_250 = arith.muli %scan3A_248, %mul3A_249 : i32
      %swap3A = arith.index_cast %mul3A_250 : i32 to index
      %swap3A_251 = tpu.vector_load %arg4[%swap3A] {strides = array<i32>} : memref<65536xf32, #tpu.memory_space<vmem>>, vector<16xf32>,
      tpu.vector_store %arg4[%swap3A], %broadcast_in_dim3A_1 {strides = array<i32>} : memref<65536xf32, #tpu.memory_space<vmem>>, vector<16xf32>,
      %scan3A_252 = arith.constant 1 : i32
      %scan3A_253 = arith.addi %scan3A_248, %scan3A_252 : i32
      %mul3A_254 = arith.constant 16 : i32
      %mul3A_255 = arith.muli %scan3A_253, %mul3A_254 : i32
      %swap3A_256 = arith.index_cast %mul3A_255 : i32 to index
      %swap3A_257 = tpu.vector_load %arg4[%swap3A_256] {strides = array<i32>} : memref<65536xf32, #tpu.memory_space<vmem>>, vector<16xf32>,
      tpu.vector_store %arg4[%swap3A_256], %broadcast_in_dim3A_1 {strides = array<i32>} : memref<65536xf32, #tpu.memory_space<vmem>>, vector<16xf32>,
      %scan3A_258 = arith.constant 2 : i32
      %scan3A_259 = arith.addi %scan3A_248, %scan3A_258 : i32
      %mul3A_260 = arith.constant 16 : i32
      %mul3A_261 = arith.muli %scan3A_259, %mul3A_260 : i32
      %swap3A_262 = arith.index_cast %mul3A_261 : i32 to index
      %swap3A_263 = tpu.vector_load %arg4[%swap3A_262] {strides = array<i32>} : memref<65536xf32, #tpu.memory_space<vmem>>, vector<16xf32>,
      tpu.vector_store %arg4[%swap3A_262], %broadcast_in_dim3A_1 {strides = array<i32>} : memref<65536xf32, #tpu.memory_space<vmem>>, vector<16xf32>,
      %scan3A_264 = arith.constant 3 : i32
      %scan3A_265 = arith.addi %scan3A_248, %scan3A_264 : i32
      %mul3A_266 = arith.constant 16 : i32
      %mul3A_267 = arith.muli %scan3A_265, %mul3A_266 : i32
      %swap3A_268 = arith.index_cast %mul3A_267 : i32 to index
      %swap3A_269 = tpu.vector_load %arg4[%swap3A_268] {strides = array<i32>} : memref<65536xf32, #tpu.memory_space<vmem>>, vector<16xf32>,
      tpu.vector_store %arg4[%swap3A_268], %broadcast_in_dim3A_1 {strides = array<i32>} : memref<65536xf32, #tpu.memory_space<vmem>>, vector<16xf32>,
      %scan3A_270 = arith.constant 4 : i32
      %scan3A_271 = arith.addi %scan3A_248, %scan3A_270 : i32
      %mul3A_272 = arith.constant 16 : i32
      %mul3A_273 = arith.muli %scan3A_271, %mul3A_272 : i32
      %swap3A_274 = arith.index_cast %mul3A_273 : i32 to index
      %swap3A_275 = tpu.vector_load %arg4[%swap3A_274] {strides = array<i32>} : memref<65536xf32, #tpu.memory_space<vmem>>, vector<16xf32>,
      tpu.vector_store %arg4[%swap3A_274], %broadcast_in_dim3A_1 {strides = array<i32>} : memref<65536xf32, #tpu.memory_space<vmem>>, vector<16xf32>,
      %scan3A_276 = arith.constant 5 : i32
      %scan3A_277 = arith.addi %scan3A_248, %scan3A_276 : i32
      %mul3A_278 = arith.constant 16 : i32
      %mul3A_279 = arith.muli %scan3A_277, %mul3A_278 : i32
      %swap3A_280 = arith.index_cast %mul3A_279 : i32 to index
      %swap3A_281 = tpu.vector_load %arg4[%swap3A_280] {strides = array<i32>} : memref<65536xf32, #tpu.memory_space<vmem>>, vector<16xf32>,
      tpu.vector_store %arg4[%swap3A_280], %broadcast_in_dim3A_1 {strides = array<i32>} : memref<65536xf32, #tpu.memory_space<vmem>>, vector<16xf32>,
      %scan3A_282 = arith.constant 6 : i32
      %scan3A_283 = arith.addi %scan3A_248, %scan3A_282 : i32
      %mul3A_284 = arith.constant 16 : i32
      %mul3A_285 = arith.muli %scan3A_283, %mul3A_284 : i32
      %swap3A_286 = arith.index_cast %mul3A_285 : i32 to index
      %swap3A_287 = tpu.vector_load %arg4[%swap3A_286] {strides = array<i32>} : memref<65536xf32, #tpu.memory_space<vmem>>, vector<16xf32>,
      tpu.vector_store %arg4[%swap3A_286], %broadcast_in_dim3A_1 {strides = array<i32>} : memref<65536xf32, #tpu.memory_space<vmem>>, vector<16xf32>,
      %scan3A_288 = arith.constant 7 : i32
      %scan3A_289 = arith.addi %scan3A_248, %scan3A_288 : i32
      %mul3A_290 = arith.constant 16 : i32
      %mul3A_291 = arith.muli %scan3A_289, %mul3A_290 : i32
      %swap3A_292 = arith.index_cast %mul3A_291 : i32 to index
      %swap3A_293 = tpu.vector_load %arg4[%swap3A_292] {strides = array<i32>} : memref<65536xf32, #tpu.memory_space<vmem>>, vector<16xf32>,
      tpu.vector_store %arg4[%swap3A_292], %broadcast_in_dim3A_1 {strides = array<i32>} : memref<65536xf32, #tpu.memory_space<vmem>>, vector<16xf32>,
    }
    %scan3A_171 = arith.constant 4096 : i32
    %dma_wait3A_172 = arith.constant 0 : i32
    %dma_wait3A_173 = tpu.memref_slice %arg2[%dma_wait3A_172] : memref<9437184xi32, #tpu.memory_space<hbm>> -> memref<16384xi32, #tpu.memory_space<hbm>>
    %dma_wait3A_174 = arith.constant 0 : i32
    %dma_wait3A_175 = tpu.memref_slice %arg2[%dma_wait3A_174] : memref<9437184xi32, #tpu.memory_space<hbm>> -> memref<16384xi32, #tpu.memory_space<hbm>>
    tpu.wait_dma2 semaphore(%arg7 : memref<!tpu.dma_semaphore, #tpu.memory_space<semaphore_mem>>) src(%dma_wait3A_175 : memref<16384xi32, #tpu.memory_space<hbm>>) dst(%arg5 : memref<16384xi32, #tpu.memory_space<vmem>>)
    %scan3A_176 = arith.constant 0 : i32
    %scan3A_177 = arith.constant 0 : i32
    %scan3A_178 = arith.constant 128 : i32
    %scan3A_179 = arith.addi %scan3A_177, %scan3A_178 : i32
    %scan3A_180 = arith.constant 1 : i32
    scf.for %scan3A_248 = %scan3A_177 to %scan3A_179 step %scan3A_180  : i32 {
      %mul3A_249 = arith.constant 128 : i32
      %mul3A_250 = arith.muli %scan3A_248, %mul3A_249 : i32
      %add3A_251 = arith.constant 0 : i32
      %add3A_252 = arith.addi %mul3A_250, %add3A_251 : i32
      %get3A = arith.index_cast %add3A_252 : i32 to index
      %get3A_253 = tpu.vector_load %arg5[%get3A] {strides = array<i32>} : memref<16384xi32, #tpu.memory_space<vmem>>, vector<16xi32>,
      %mul3A_254 = arith.constant 128 : i32
      %mul3A_255 = arith.muli %scan3A_248, %mul3A_254 : i32
      %add3A_256 = arith.constant 64 : i32
      %add3A_257 = arith.addi %mul3A_255, %add3A_256 : i32
      %add3A_258 = arith.constant 0 : i32
      %add3A_259 = arith.addi %add3A_257, %add3A_258 : i32
      %get3A_260 = arith.index_cast %add3A_259 : i32 to index
      %get3A_261 = tpu.vector_load %arg5[%get3A_260] {strides = array<i32>} : memref<16384xi32, #tpu.memory_space<vmem>>, vector<16xi32>,
      %ne3A = arith.constant 0 : i32
      %ne3A_262 = vector.broadcast %ne3A : i32 to vector<16xi32>
      %ne3A_263 = arith.cmpi ne, %get3A_261, %ne3A_262 : vector<16xi32>
      %bitcast3A = vector.bitcast %get3A_261 : vector<16xi32> to vector<16xf32>
      tpu.vector_store_idx %arg4[%get3A_253], %bitcast3A masked %ne3A_263 {add = true} : memref<65536xf32, #tpu.memory_space<vmem>>[vector<16xi32>], vector<16xf32>, vector<16xi1>
      %mul3A_264 = arith.constant 128 : i32
      %mul3A_265 = arith.muli %scan3A_248, %mul3A_264 : i32
      %add3A_266 = arith.constant 16 : i32
      %add3A_267 = arith.addi %mul3A_265, %add3A_266 : i32
      %get3A_268 = arith.index_cast %add3A_267 : i32 to index
      %get3A_269 = tpu.vector_load %arg5[%get3A_268] {strides = array<i32>} : memref<16384xi32, #tpu.memory_space<vmem>>, vector<16xi32>,
      %mul3A_270 = arith.constant 128 : i32
      %mul3A_271 = arith.muli %scan3A_248, %mul3A_270 : i32
      %add3A_272 = arith.constant 64 : i32
      %add3A_273 = arith.addi %mul3A_271, %add3A_272 : i32
      %add3A_274 = arith.constant 16 : i32
      %add3A_275 = arith.addi %add3A_273, %add3A_274 : i32
      %get3A_276 = arith.index_cast %add3A_275 : i32 to index
      %get3A_277 = tpu.vector_load %arg5[%get3A_276] {strides = array<i32>} : memref<16384xi32, #tpu.memory_space<vmem>>, vector<16xi32>,
      %ne3A_278 = arith.constant 0 : i32
      %ne3A_279 = vector.broadcast %ne3A_278 : i32 to vector<16xi32>
      %ne3A_280 = arith.cmpi ne, %get3A_277, %ne3A_279 : vector<16xi32>
      %bitcast3A_281 = vector.bitcast %get3A_277 : vector<16xi32> to vector<16xf32>
      tpu.vector_store_idx %arg4[%get3A_269], %bitcast3A_281 masked %ne3A_280 {add = true} : memref<65536xf32, #tpu.memory_space<vmem>>[vector<16xi32>], vector<16xf32>, vector<16xi1>
      %mul3A_282 = arith.constant 128 : i32
      %mul3A_283 = arith.muli %scan3A_248, %mul3A_282 : i32
      %add3A_284 = arith.constant 32 : i32
      %add3A_285 = arith.addi %mul3A_283, %add3A_284 : i32
      %get3A_286 = arith.index_cast %add3A_285 : i32 to index
      %get3A_287 = tpu.vector_load %arg5[%get3A_286] {strides = array<i32>} : memref<16384xi32, #tpu.memory_space<vmem>>, vector<16xi32>,
      %mul3A_288 = arith.constant 128 : i32
      %mul3A_289 = arith.muli %scan3A_248, %mul3A_288 : i32
      %add3A_290 = arith.constant 64 : i32
      %add3A_291 = arith.addi %mul3A_289, %add3A_290 : i32
      %add3A_292 = arith.constant 32 : i32
      %add3A_293 = arith.addi %add3A_291, %add3A_292 : i32
      %get3A_294 = arith.index_cast %add3A_293 : i32 to index
      %get3A_295 = tpu.vector_load %arg5[%get3A_294] {strides = array<i32>} : memref<16384xi32, #tpu.memory_space<vmem>>, vector<16xi32>,
      %ne3A_296 = arith.constant 0 : i32
      %ne3A_297 = vector.broadcast %ne3A_296 : i32 to vector<16xi32>
      %ne3A_298 = arith.cmpi ne, %get3A_295, %ne3A_297 : vector<16xi32>
      %bitcast3A_299 = vector.bitcast %get3A_295 : vector<16xi32> to vector<16xf32>
      tpu.vector_store_idx %arg4[%get3A_287], %bitcast3A_299 masked %ne3A_298 {add = true} : memref<65536xf32, #tpu.memory_space<vmem>>[vector<16xi32>], vector<16xf32>, vector<16xi1>
      %mul3A_300 = arith.constant 128 : i32
      %mul3A_301 = arith.muli %scan3A_248, %mul3A_300 : i32
      %add3A_302 = arith.constant 48 : i32
      %add3A_303 = arith.addi %mul3A_301, %add3A_302 : i32
      %get3A_304 = arith.index_cast %add3A_303 : i32 to index
      %get3A_305 = tpu.vector_load %arg5[%get3A_304] {strides = array<i32>} : memref<16384xi32, #tpu.memory_space<vmem>>, vector<16xi32>,
      %mul3A_306 = arith.constant 128 : i32
      %mul3A_307 = arith.muli %scan3A_248, %mul3A_306 : i32
      %add3A_308 = arith.constant 64 : i32
      %add3A_309 = arith.addi %mul3A_307, %add3A_308 : i32
      %add3A_310 = arith.constant 48 : i32
      %add3A_311 = arith.addi %add3A_309, %add3A_310 : i32
      %get3A_312 = arith.index_cast %add3A_311 : i32 to index
      %get3A_313 = tpu.vector_load %arg5[%get3A_312] {strides = array<i32>} : memref<16384xi32, #tpu.memory_space<vmem>>, vector<16xi32>,
      %ne3A_314 = arith.constant 0 : i32
      %ne3A_315 = vector.broadcast %ne3A_314 : i32 to vector<16xi32>
      %ne3A_316 = arith.cmpi ne, %get3A_313, %ne3A_315 : vector<16xi32>
      %bitcast3A_317 = vector.bitcast %get3A_313 : vector<16xi32> to vector<16xf32>
      tpu.vector_store_idx %arg4[%get3A_305], %bitcast3A_317 masked %ne3A_316 {add = true} : memref<65536xf32, #tpu.memory_space<vmem>>[vector<16xi32>], vector<16xf32>, vector<16xi1>
    }
    %scan3A_181 = arith.constant 128 : i32
    %dma_wait3A_182 = arith.constant 0 : i32
    %dma_wait3A_183 = tpu.memref_slice %arg2[%dma_wait3A_182] : memref<9437184xi32, #tpu.memory_space<hbm>> -> memref<16384xi32, #tpu.memory_space<hbm>>
    %dma_wait3A_184 = arith.constant 0 : i32
    %dma_wait3A_185 = tpu.memref_slice %arg2[%dma_wait3A_184] : memref<9437184xi32, #tpu.memory_space<hbm>> -> memref<16384xi32, #tpu.memory_space<hbm>>
    tpu.wait_dma2 semaphore(%arg8 : memref<!tpu.dma_semaphore, #tpu.memory_space<semaphore_mem>>) src(%dma_wait3A_185 : memref<16384xi32, #tpu.memory_space<hbm>>) dst(%arg6 : memref<16384xi32, #tpu.memory_space<vmem>>)
    %scan3A_186 = arith.constant 0 : i32
    %scan3A_187 = arith.constant 0 : i32
    %scan3A_188 = arith.constant 128 : i32
    %scan3A_189 = arith.addi %scan3A_187, %scan3A_188 : i32
    %scan3A_190 = arith.constant 1 : i32
    scf.for %scan3A_248 = %scan3A_187 to %scan3A_189 step %scan3A_190  : i32 {
      %mul3A_249 = arith.constant 128 : i32
      %mul3A_250 = arith.muli %scan3A_248, %mul3A_249 : i32
      %add3A_251 = arith.constant 0 : i32
      %add3A_252 = arith.addi %mul3A_250, %add3A_251 : i32
      %get3A = arith.index_cast %add3A_252 : i32 to index
      %get3A_253 = tpu.vector_load %arg6[%get3A] {strides = array<i32>} : memref<16384xi32, #tpu.memory_space<vmem>>, vector<16xi32>,
      %mul3A_254 = arith.constant 128 : i32
      %mul3A_255 = arith.muli %scan3A_248, %mul3A_254 : i32
      %add3A_256 = arith.constant 64 : i32
      %add3A_257 = arith.addi %mul3A_255, %add3A_256 : i32
      %add3A_258 = arith.constant 0 : i32
      %add3A_259 = arith.addi %add3A_257, %add3A_258 : i32
      %get3A_260 = arith.index_cast %add3A_259 : i32 to index
      %get3A_261 = tpu.vector_load %arg6[%get3A_260] {strides = array<i32>} : memref<16384xi32, #tpu.memory_space<vmem>>, vector<16xi32>,
      %ne3A = arith.constant 0 : i32
      %ne3A_262 = vector.broadcast %ne3A : i32 to vector<16xi32>
      %ne3A_263 = arith.cmpi ne, %get3A_261, %ne3A_262 : vector<16xi32>
      %bitcast3A = vector.bitcast %get3A_261 : vector<16xi32> to vector<16xf32>
      tpu.vector_store_idx %arg4[%get3A_253], %bitcast3A masked %ne3A_263 {add = true} : memref<65536xf32, #tpu.memory_space<vmem>>[vector<16xi32>], vector<16xf32>, vector<16xi1>
      %mul3A_264 = arith.constant 128 : i32
      %mul3A_265 = arith.muli %scan3A_248, %mul3A_264 : i32
      %add3A_266 = arith.constant 16 : i32
      %add3A_267 = arith.addi %mul3A_265, %add3A_266 : i32
      %get3A_268 = arith.index_cast %add3A_267 : i32 to index
      %get3A_269 = tpu.vector_load %arg6[%get3A_268] {strides = array<i32>} : memref<16384xi32, #tpu.memory_space<vmem>>, vector<16xi32>,
      %mul3A_270 = arith.constant 128 : i32
      %mul3A_271 = arith.muli %scan3A_248, %mul3A_270 : i32
      %add3A_272 = arith.constant 64 : i32
      %add3A_273 = arith.addi %mul3A_271, %add3A_272 : i32
      %add3A_274 = arith.constant 16 : i32
      %add3A_275 = arith.addi %add3A_273, %add3A_274 : i32
      %get3A_276 = arith.index_cast %add3A_275 : i32 to index
      %get3A_277 = tpu.vector_load %arg6[%get3A_276] {strides = array<i32>} : memref<16384xi32, #tpu.memory_space<vmem>>, vector<16xi32>,
      %ne3A_278 = arith.constant 0 : i32
      %ne3A_279 = vector.broadcast %ne3A_278 : i32 to vector<16xi32>
      %ne3A_280 = arith.cmpi ne, %get3A_277, %ne3A_279 : vector<16xi32>
      %bitcast3A_281 = vector.bitcast %get3A_277 : vector<16xi32> to vector<16xf32>
      tpu.vector_store_idx %arg4[%get3A_269], %bitcast3A_281 masked %ne3A_280 {add = true} : memref<65536xf32, #tpu.memory_space<vmem>>[vector<16xi32>], vector<16xf32>, vector<16xi1>
      %mul3A_282 = arith.constant 128 : i32
      %mul3A_283 = arith.muli %scan3A_248, %mul3A_282 : i32
      %add3A_284 = arith.constant 32 : i32
      %add3A_285 = arith.addi %mul3A_283, %add3A_284 : i32
      %get3A_286 = arith.index_cast %add3A_285 : i32 to index
      %get3A_287 = tpu.vector_load %arg6[%get3A_286] {strides = array<i32>} : memref<16384xi32, #tpu.memory_space<vmem>>, vector<16xi32>,
      %mul3A_288 = arith.constant 128 : i32
      %mul3A_289 = arith.muli %scan3A_248, %mul3A_288 : i32
      %add3A_290 = arith.constant 64 : i32
      %add3A_291 = arith.addi %mul3A_289, %add3A_290 : i32
      %add3A_292 = arith.constant 32 : i32
      %add3A_293 = arith.addi %add3A_291, %add3A_292 : i32
      %get3A_294 = arith.index_cast %add3A_293 : i32 to index
      %get3A_295 = tpu.vector_load %arg6[%get3A_294] {strides = array<i32>} : memref<16384xi32, #tpu.memory_space<vmem>>, vector<16xi32>,
      %ne3A_296 = arith.constant 0 : i32
      %ne3A_297 = vector.broadcast %ne3A_296 : i32 to vector<16xi32>
      %ne3A_298 = arith.cmpi ne, %get3A_295, %ne3A_297 : vector<16xi32>
      %bitcast3A_299 = vector.bitcast %get3A_295 : vector<16xi32> to vector<16xf32>
      tpu.vector_store_idx %arg4[%get3A_287], %bitcast3A_299 masked %ne3A_298 {add = true} : memref<65536xf32, #tpu.memory_space<vmem>>[vector<16xi32>], vector<16xf32>, vector<16xi1>
      %mul3A_300 = arith.constant 128 : i32
      %mul3A_301 = arith.muli %scan3A_248, %mul3A_300 : i32
      %add3A_302 = arith.constant 48 : i32
      %add3A_303 = arith.addi %mul3A_301, %add3A_302 : i32
      %get3A_304 = arith.index_cast %add3A_303 : i32 to index
      %get3A_305 = tpu.vector_load %arg6[%get3A_304] {strides = array<i32>} : memref<16384xi32, #tpu.memory_space<vmem>>, vector<16xi32>,
      %mul3A_306 = arith.constant 128 : i32
      %mul3A_307 = arith.muli %scan3A_248, %mul3A_306 : i32
      %add3A_308 = arith.constant 64 : i32
      %add3A_309 = arith.addi %mul3A_307, %add3A_308 : i32
      %add3A_310 = arith.constant 48 : i32
      %add3A_311 = arith.addi %add3A_309, %add3A_310 : i32
      %get3A_312 = arith.index_cast %add3A_311 : i32 to index
      %get3A_313 = tpu.vector_load %arg6[%get3A_312] {strides = array<i32>} : memref<16384xi32, #tpu.memory_space<vmem>>, vector<16xi32>,
      %ne3A_314 = arith.constant 0 : i32
      %ne3A_315 = vector.broadcast %ne3A_314 : i32 to vector<16xi32>
      %ne3A_316 = arith.cmpi ne, %get3A_313, %ne3A_315 : vector<16xi32>
      %bitcast3A_317 = vector.bitcast %get3A_313 : vector<16xi32> to vector<16xf32>
      tpu.vector_store_idx %arg4[%get3A_305], %bitcast3A_317 masked %ne3A_316 {add = true} : memref<65536xf32, #tpu.memory_space<vmem>>[vector<16xi32>], vector<16xf32>, vector<16xi1>
    }
    %scan3A_191 = arith.constant 128 : i32
    %sub3A_192 = arith.constant 0 : i32
    %sub3A_193 = arith.subi %add3A_153, %sub3A_192 : i32
    %mul3A_194 = arith.constant 16 : i32
    %mul3A_195 = arith.muli %sub3A_193, %mul3A_194 : i32
    %mul3A_196 = arith.constant 4096 : i32
    %mul3A_197 = arith.muli %mul3A_195, %mul3A_196 : i32
    "tpu.region"() ({
      %run_scoped3A = tpu.sem_alloc : memref<!tpu.dma_semaphore, #tpu.memory_space<semaphore_mem>>
      %dma_start3A_248 = tpu.memref_slice %arg3[%mul3A_197] : memref<10485760xf32, #tpu.memory_space<hbm>> -> memref<65536xf32, #tpu.memory_space<hbm>>
      %dma_start3A_249 = tpu.memref_slice %arg3[%mul3A_197] : memref<10485760xf32, #tpu.memory_space<hbm>> -> memref<65536xf32, #tpu.memory_space<hbm>>
      tpu.enqueue_dma source(%arg4 : memref<65536xf32, #tpu.memory_space<vmem>>) target(%dma_start3A_249 : memref<65536xf32, #tpu.memory_space<hbm>>) target_semaphore(%run_scoped3A : memref<!tpu.dma_semaphore, #tpu.memory_space<semaphore_mem>>)
      %dma_wait3A_250 = tpu.memref_slice %arg3[%mul3A_197] : memref<10485760xf32, #tpu.memory_space<hbm>> -> memref<65536xf32, #tpu.memory_space<hbm>>
      %dma_wait3A_251 = tpu.memref_slice %arg3[%mul3A_197] : memref<10485760xf32, #tpu.memory_space<hbm>> -> memref<65536xf32, #tpu.memory_space<hbm>>
      tpu.wait_dma2 semaphore(%run_scoped3A : memref<!tpu.dma_semaphore, #tpu.memory_space<semaphore_mem>>) src(%arg4 : memref<65536xf32, #tpu.memory_space<vmem>>) dst(%dma_wait3A_251 : memref<65536xf32, #tpu.memory_space<hbm>>)
      tpu.yield
    }) : () -> ()
    %mul3A_198 = arith.constant 5 : i32
    %mul3A_199 = arith.muli %add3A, %mul3A_198 : i32
    %add3A_200 = arith.constant 0 : i32
    %add3A_201 = arith.addi %add3A_200, %mul3A_199 : i32
    %add3A_202 = arith.constant 4 : i32
    %add3A_203 = arith.addi %add3A_201, %add3A_202 : i32
    %mul3A_204 = arith.constant 2 : i32
    %mul3A_205 = arith.muli %add3A_203, %mul3A_204 : i32
    %mul3A_206 = arith.constant 16384 : i32
    %mul3A_207 = arith.muli %mul3A_205, %mul3A_206 : i32
    %add3A_208 = arith.constant 0 : i32
    %add3A_209 = arith.addi %mul3A_207, %add3A_208 : i32
    %dma_start3A_210 = tpu.memref_slice %arg2[%add3A_209] : memref<9437184xi32, #tpu.memory_space<hbm>> -> memref<16384xi32, #tpu.memory_space<hbm>>
    %dma_start3A_211 = tpu.memref_slice %arg2[%add3A_209] : memref<9437184xi32, #tpu.memory_space<hbm>> -> memref<16384xi32, #tpu.memory_space<hbm>>
    tpu.enqueue_dma source(%dma_start3A_211 : memref<16384xi32, #tpu.memory_space<hbm>>) target(%arg5 : memref<16384xi32, #tpu.memory_space<vmem>>) target_semaphore(%arg7 : memref<!tpu.dma_semaphore, #tpu.memory_space<semaphore_mem>>)
    %add3A_212 = arith.constant 16384 : i32
    %add3A_213 = arith.addi %mul3A_207, %add3A_212 : i32
    %dma_start3A_214 = tpu.memref_slice %arg2[%add3A_213] : memref<9437184xi32, #tpu.memory_space<hbm>> -> memref<16384xi32, #tpu.memory_space<hbm>>
    %dma_start3A_215 = tpu.memref_slice %arg2[%add3A_213] : memref<9437184xi32, #tpu.memory_space<hbm>> -> memref<16384xi32, #tpu.memory_space<hbm>>
    tpu.enqueue_dma source(%dma_start3A_215 : memref<16384xi32, #tpu.memory_space<hbm>>) target(%arg6 : memref<16384xi32, #tpu.memory_space<vmem>>) target_semaphore(%arg8 : memref<!tpu.dma_semaphore, #tpu.memory_space<semaphore_mem>>)
    %scan3A_216 = arith.constant 0 : i32
    %scan3A_217 = arith.constant 0 : i32
    %scan3A_218 = arith.constant 4096 : i32
    %scan3A_219 = arith.addi %scan3A_217, %scan3A_218 : i32
    %scan3A_220 = arith.constant 8 : i32
    scf.for %scan3A_248 = %scan3A_217 to %scan3A_219 step %scan3A_220  : i32 {
      %mul3A_249 = arith.constant 16 : i32
      %mul3A_250 = arith.muli %scan3A_248, %mul3A_249 : i32
      %swap3A = arith.index_cast %mul3A_250 : i32 to index
      %swap3A_251 = tpu.vector_load %arg4[%swap3A] {strides = array<i32>} : memref<65536xf32, #tpu.memory_space<vmem>>, vector<16xf32>,
      tpu.vector_store %arg4[%swap3A], %broadcast_in_dim3A_1 {strides = array<i32>} : memref<65536xf32, #tpu.memory_space<vmem>>, vector<16xf32>,
      %scan3A_252 = arith.constant 1 : i32
      %scan3A_253 = arith.addi %scan3A_248, %scan3A_252 : i32
      %mul3A_254 = arith.constant 16 : i32
      %mul3A_255 = arith.muli %scan3A_253, %mul3A_254 : i32
      %swap3A_256 = arith.index_cast %mul3A_255 : i32 to index
      %swap3A_257 = tpu.vector_load %arg4[%swap3A_256] {strides = array<i32>} : memref<65536xf32, #tpu.memory_space<vmem>>, vector<16xf32>,
      tpu.vector_store %arg4[%swap3A_256], %broadcast_in_dim3A_1 {strides = array<i32>} : memref<65536xf32, #tpu.memory_space<vmem>>, vector<16xf32>,
      %scan3A_258 = arith.constant 2 : i32
      %scan3A_259 = arith.addi %scan3A_248, %scan3A_258 : i32
      %mul3A_260 = arith.constant 16 : i32
      %mul3A_261 = arith.muli %scan3A_259, %mul3A_260 : i32
      %swap3A_262 = arith.index_cast %mul3A_261 : i32 to index
      %swap3A_263 = tpu.vector_load %arg4[%swap3A_262] {strides = array<i32>} : memref<65536xf32, #tpu.memory_space<vmem>>, vector<16xf32>,
      tpu.vector_store %arg4[%swap3A_262], %broadcast_in_dim3A_1 {strides = array<i32>} : memref<65536xf32, #tpu.memory_space<vmem>>, vector<16xf32>,
      %scan3A_264 = arith.constant 3 : i32
      %scan3A_265 = arith.addi %scan3A_248, %scan3A_264 : i32
      %mul3A_266 = arith.constant 16 : i32
      %mul3A_267 = arith.muli %scan3A_265, %mul3A_266 : i32
      %swap3A_268 = arith.index_cast %mul3A_267 : i32 to index
      %swap3A_269 = tpu.vector_load %arg4[%swap3A_268] {strides = array<i32>} : memref<65536xf32, #tpu.memory_space<vmem>>, vector<16xf32>,
      tpu.vector_store %arg4[%swap3A_268], %broadcast_in_dim3A_1 {strides = array<i32>} : memref<65536xf32, #tpu.memory_space<vmem>>, vector<16xf32>,
      %scan3A_270 = arith.constant 4 : i32
      %scan3A_271 = arith.addi %scan3A_248, %scan3A_270 : i32
      %mul3A_272 = arith.constant 16 : i32
      %mul3A_273 = arith.muli %scan3A_271, %mul3A_272 : i32
      %swap3A_274 = arith.index_cast %mul3A_273 : i32 to index
      %swap3A_275 = tpu.vector_load %arg4[%swap3A_274] {strides = array<i32>} : memref<65536xf32, #tpu.memory_space<vmem>>, vector<16xf32>,
      tpu.vector_store %arg4[%swap3A_274], %broadcast_in_dim3A_1 {strides = array<i32>} : memref<65536xf32, #tpu.memory_space<vmem>>, vector<16xf32>,
      %scan3A_276 = arith.constant 5 : i32
      %scan3A_277 = arith.addi %scan3A_248, %scan3A_276 : i32
      %mul3A_278 = arith.constant 16 : i32
      %mul3A_279 = arith.muli %scan3A_277, %mul3A_278 : i32
      %swap3A_280 = arith.index_cast %mul3A_279 : i32 to index
      %swap3A_281 = tpu.vector_load %arg4[%swap3A_280] {strides = array<i32>} : memref<65536xf32, #tpu.memory_space<vmem>>, vector<16xf32>,
      tpu.vector_store %arg4[%swap3A_280], %broadcast_in_dim3A_1 {strides = array<i32>} : memref<65536xf32, #tpu.memory_space<vmem>>, vector<16xf32>,
      %scan3A_282 = arith.constant 6 : i32
      %scan3A_283 = arith.addi %scan3A_248, %scan3A_282 : i32
      %mul3A_284 = arith.constant 16 : i32
      %mul3A_285 = arith.muli %scan3A_283, %mul3A_284 : i32
      %swap3A_286 = arith.index_cast %mul3A_285 : i32 to index
      %swap3A_287 = tpu.vector_load %arg4[%swap3A_286] {strides = array<i32>} : memref<65536xf32, #tpu.memory_space<vmem>>, vector<16xf32>,
      tpu.vector_store %arg4[%swap3A_286], %broadcast_in_dim3A_1 {strides = array<i32>} : memref<65536xf32, #tpu.memory_space<vmem>>, vector<16xf32>,
      %scan3A_288 = arith.constant 7 : i32
      %scan3A_289 = arith.addi %scan3A_248, %scan3A_288 : i32
      %mul3A_290 = arith.constant 16 : i32
      %mul3A_291 = arith.muli %scan3A_289, %mul3A_290 : i32
      %swap3A_292 = arith.index_cast %mul3A_291 : i32 to index
      %swap3A_293 = tpu.vector_load %arg4[%swap3A_292] {strides = array<i32>} : memref<65536xf32, #tpu.memory_space<vmem>>, vector<16xf32>,
      tpu.vector_store %arg4[%swap3A_292], %broadcast_in_dim3A_1 {strides = array<i32>} : memref<65536xf32, #tpu.memory_space<vmem>>, vector<16xf32>,
    }
    %scan3A_221 = arith.constant 4096 : i32
    %dma_wait3A_222 = arith.constant 0 : i32
    %dma_wait3A_223 = tpu.memref_slice %arg2[%dma_wait3A_222] : memref<9437184xi32, #tpu.memory_space<hbm>> -> memref<16384xi32, #tpu.memory_space<hbm>>
    %dma_wait3A_224 = arith.constant 0 : i32
    %dma_wait3A_225 = tpu.memref_slice %arg2[%dma_wait3A_224] : memref<9437184xi32, #tpu.memory_space<hbm>> -> memref<16384xi32, #tpu.memory_space<hbm>>
    tpu.wait_dma2 semaphore(%arg7 : memref<!tpu.dma_semaphore, #tpu.memory_space<semaphore_mem>>) src(%dma_wait3A_225 : memref<16384xi32, #tpu.memory_space<hbm>>) dst(%arg5 : memref<16384xi32, #tpu.memory_space<vmem>>)
    %scan3A_226 = arith.constant 0 : i32
    %scan3A_227 = arith.constant 0 : i32
    %scan3A_228 = arith.constant 128 : i32
    %scan3A_229 = arith.addi %scan3A_227, %scan3A_228 : i32
    %scan3A_230 = arith.constant 1 : i32
    scf.for %scan3A_248 = %scan3A_227 to %scan3A_229 step %scan3A_230  : i32 {
      %mul3A_249 = arith.constant 128 : i32
      %mul3A_250 = arith.muli %scan3A_248, %mul3A_249 : i32
      %add3A_251 = arith.constant 0 : i32
      %add3A_252 = arith.addi %mul3A_250, %add3A_251 : i32
      %get3A = arith.index_cast %add3A_252 : i32 to index
      %get3A_253 = tpu.vector_load %arg5[%get3A] {strides = array<i32>} : memref<16384xi32, #tpu.memory_space<vmem>>, vector<16xi32>,
      %mul3A_254 = arith.constant 128 : i32
      %mul3A_255 = arith.muli %scan3A_248, %mul3A_254 : i32
      %add3A_256 = arith.constant 64 : i32
      %add3A_257 = arith.addi %mul3A_255, %add3A_256 : i32
      %add3A_258 = arith.constant 0 : i32
      %add3A_259 = arith.addi %add3A_257, %add3A_258 : i32
      %get3A_260 = arith.index_cast %add3A_259 : i32 to index
      %get3A_261 = tpu.vector_load %arg5[%get3A_260] {strides = array<i32>} : memref<16384xi32, #tpu.memory_space<vmem>>, vector<16xi32>,
      %ne3A = arith.constant 0 : i32
      %ne3A_262 = vector.broadcast %ne3A : i32 to vector<16xi32>
      %ne3A_263 = arith.cmpi ne, %get3A_261, %ne3A_262 : vector<16xi32>
      %bitcast3A = vector.bitcast %get3A_261 : vector<16xi32> to vector<16xf32>
      tpu.vector_store_idx %arg4[%get3A_253], %bitcast3A masked %ne3A_263 {add = true} : memref<65536xf32, #tpu.memory_space<vmem>>[vector<16xi32>], vector<16xf32>, vector<16xi1>
      %mul3A_264 = arith.constant 128 : i32
      %mul3A_265 = arith.muli %scan3A_248, %mul3A_264 : i32
      %add3A_266 = arith.constant 16 : i32
      %add3A_267 = arith.addi %mul3A_265, %add3A_266 : i32
      %get3A_268 = arith.index_cast %add3A_267 : i32 to index
      %get3A_269 = tpu.vector_load %arg5[%get3A_268] {strides = array<i32>} : memref<16384xi32, #tpu.memory_space<vmem>>, vector<16xi32>,
      %mul3A_270 = arith.constant 128 : i32
      %mul3A_271 = arith.muli %scan3A_248, %mul3A_270 : i32
      %add3A_272 = arith.constant 64 : i32
      %add3A_273 = arith.addi %mul3A_271, %add3A_272 : i32
      %add3A_274 = arith.constant 16 : i32
      %add3A_275 = arith.addi %add3A_273, %add3A_274 : i32
      %get3A_276 = arith.index_cast %add3A_275 : i32 to index
      %get3A_277 = tpu.vector_load %arg5[%get3A_276] {strides = array<i32>} : memref<16384xi32, #tpu.memory_space<vmem>>, vector<16xi32>,
      %ne3A_278 = arith.constant 0 : i32
      %ne3A_279 = vector.broadcast %ne3A_278 : i32 to vector<16xi32>
      %ne3A_280 = arith.cmpi ne, %get3A_277, %ne3A_279 : vector<16xi32>
      %bitcast3A_281 = vector.bitcast %get3A_277 : vector<16xi32> to vector<16xf32>
      tpu.vector_store_idx %arg4[%get3A_269], %bitcast3A_281 masked %ne3A_280 {add = true} : memref<65536xf32, #tpu.memory_space<vmem>>[vector<16xi32>], vector<16xf32>, vector<16xi1>
      %mul3A_282 = arith.constant 128 : i32
      %mul3A_283 = arith.muli %scan3A_248, %mul3A_282 : i32
      %add3A_284 = arith.constant 32 : i32
      %add3A_285 = arith.addi %mul3A_283, %add3A_284 : i32
      %get3A_286 = arith.index_cast %add3A_285 : i32 to index
      %get3A_287 = tpu.vector_load %arg5[%get3A_286] {strides = array<i32>} : memref<16384xi32, #tpu.memory_space<vmem>>, vector<16xi32>,
      %mul3A_288 = arith.constant 128 : i32
      %mul3A_289 = arith.muli %scan3A_248, %mul3A_288 : i32
      %add3A_290 = arith.constant 64 : i32
      %add3A_291 = arith.addi %mul3A_289, %add3A_290 : i32
      %add3A_292 = arith.constant 32 : i32
      %add3A_293 = arith.addi %add3A_291, %add3A_292 : i32
      %get3A_294 = arith.index_cast %add3A_293 : i32 to index
      %get3A_295 = tpu.vector_load %arg5[%get3A_294] {strides = array<i32>} : memref<16384xi32, #tpu.memory_space<vmem>>, vector<16xi32>,
      %ne3A_296 = arith.constant 0 : i32
      %ne3A_297 = vector.broadcast %ne3A_296 : i32 to vector<16xi32>
      %ne3A_298 = arith.cmpi ne, %get3A_295, %ne3A_297 : vector<16xi32>
      %bitcast3A_299 = vector.bitcast %get3A_295 : vector<16xi32> to vector<16xf32>
      tpu.vector_store_idx %arg4[%get3A_287], %bitcast3A_299 masked %ne3A_298 {add = true} : memref<65536xf32, #tpu.memory_space<vmem>>[vector<16xi32>], vector<16xf32>, vector<16xi1>
      %mul3A_300 = arith.constant 128 : i32
      %mul3A_301 = arith.muli %scan3A_248, %mul3A_300 : i32
      %add3A_302 = arith.constant 48 : i32
      %add3A_303 = arith.addi %mul3A_301, %add3A_302 : i32
      %get3A_304 = arith.index_cast %add3A_303 : i32 to index
      %get3A_305 = tpu.vector_load %arg5[%get3A_304] {strides = array<i32>} : memref<16384xi32, #tpu.memory_space<vmem>>, vector<16xi32>,
      %mul3A_306 = arith.constant 128 : i32
      %mul3A_307 = arith.muli %scan3A_248, %mul3A_306 : i32
      %add3A_308 = arith.constant 64 : i32
      %add3A_309 = arith.addi %mul3A_307, %add3A_308 : i32
      %add3A_310 = arith.constant 48 : i32
      %add3A_311 = arith.addi %add3A_309, %add3A_310 : i32
      %get3A_312 = arith.index_cast %add3A_311 : i32 to index
      %get3A_313 = tpu.vector_load %arg5[%get3A_312] {strides = array<i32>} : memref<16384xi32, #tpu.memory_space<vmem>>, vector<16xi32>,
      %ne3A_314 = arith.constant 0 : i32
      %ne3A_315 = vector.broadcast %ne3A_314 : i32 to vector<16xi32>
      %ne3A_316 = arith.cmpi ne, %get3A_313, %ne3A_315 : vector<16xi32>
      %bitcast3A_317 = vector.bitcast %get3A_313 : vector<16xi32> to vector<16xf32>
      tpu.vector_store_idx %arg4[%get3A_305], %bitcast3A_317 masked %ne3A_316 {add = true} : memref<65536xf32, #tpu.memory_space<vmem>>[vector<16xi32>], vector<16xf32>, vector<16xi1>
    }
    %scan3A_231 = arith.constant 128 : i32
    %dma_wait3A_232 = arith.constant 0 : i32
    %dma_wait3A_233 = tpu.memref_slice %arg2[%dma_wait3A_232] : memref<9437184xi32, #tpu.memory_space<hbm>> -> memref<16384xi32, #tpu.memory_space<hbm>>
    %dma_wait3A_234 = arith.constant 0 : i32
    %dma_wait3A_235 = tpu.memref_slice %arg2[%dma_wait3A_234] : memref<9437184xi32, #tpu.memory_space<hbm>> -> memref<16384xi32, #tpu.memory_space<hbm>>
    tpu.wait_dma2 semaphore(%arg8 : memref<!tpu.dma_semaphore, #tpu.memory_space<semaphore_mem>>) src(%dma_wait3A_235 : memref<16384xi32, #tpu.memory_space<hbm>>) dst(%arg6 : memref<16384xi32, #tpu.memory_space<vmem>>)
    %scan3A_236 = arith.constant 0 : i32
    %scan3A_237 = arith.constant 0 : i32
    %scan3A_238 = arith.constant 128 : i32
    %scan3A_239 = arith.addi %scan3A_237, %scan3A_238 : i32
    %scan3A_240 = arith.constant 1 : i32
    scf.for %scan3A_248 = %scan3A_237 to %scan3A_239 step %scan3A_240  : i32 {
      %mul3A_249 = arith.constant 128 : i32
      %mul3A_250 = arith.muli %scan3A_248, %mul3A_249 : i32
      %add3A_251 = arith.constant 0 : i32
      %add3A_252 = arith.addi %mul3A_250, %add3A_251 : i32
      %get3A = arith.index_cast %add3A_252 : i32 to index
      %get3A_253 = tpu.vector_load %arg6[%get3A] {strides = array<i32>} : memref<16384xi32, #tpu.memory_space<vmem>>, vector<16xi32>,
      %mul3A_254 = arith.constant 128 : i32
      %mul3A_255 = arith.muli %scan3A_248, %mul3A_254 : i32
      %add3A_256 = arith.constant 64 : i32
      %add3A_257 = arith.addi %mul3A_255, %add3A_256 : i32
      %add3A_258 = arith.constant 0 : i32
      %add3A_259 = arith.addi %add3A_257, %add3A_258 : i32
      %get3A_260 = arith.index_cast %add3A_259 : i32 to index
      %get3A_261 = tpu.vector_load %arg6[%get3A_260] {strides = array<i32>} : memref<16384xi32, #tpu.memory_space<vmem>>, vector<16xi32>,
      %ne3A = arith.constant 0 : i32
      %ne3A_262 = vector.broadcast %ne3A : i32 to vector<16xi32>
      %ne3A_263 = arith.cmpi ne, %get3A_261, %ne3A_262 : vector<16xi32>
      %bitcast3A = vector.bitcast %get3A_261 : vector<16xi32> to vector<16xf32>
      tpu.vector_store_idx %arg4[%get3A_253], %bitcast3A masked %ne3A_263 {add = true} : memref<65536xf32, #tpu.memory_space<vmem>>[vector<16xi32>], vector<16xf32>, vector<16xi1>
      %mul3A_264 = arith.constant 128 : i32
      %mul3A_265 = arith.muli %scan3A_248, %mul3A_264 : i32
      %add3A_266 = arith.constant 16 : i32
      %add3A_267 = arith.addi %mul3A_265, %add3A_266 : i32
      %get3A_268 = arith.index_cast %add3A_267 : i32 to index
      %get3A_269 = tpu.vector_load %arg6[%get3A_268] {strides = array<i32>} : memref<16384xi32, #tpu.memory_space<vmem>>, vector<16xi32>,
      %mul3A_270 = arith.constant 128 : i32
      %mul3A_271 = arith.muli %scan3A_248, %mul3A_270 : i32
      %add3A_272 = arith.constant 64 : i32
      %add3A_273 = arith.addi %mul3A_271, %add3A_272 : i32
      %add3A_274 = arith.constant 16 : i32
      %add3A_275 = arith.addi %add3A_273, %add3A_274 : i32
      %get3A_276 = arith.index_cast %add3A_275 : i32 to index
      %get3A_277 = tpu.vector_load %arg6[%get3A_276] {strides = array<i32>} : memref<16384xi32, #tpu.memory_space<vmem>>, vector<16xi32>,
      %ne3A_278 = arith.constant 0 : i32
      %ne3A_279 = vector.broadcast %ne3A_278 : i32 to vector<16xi32>
      %ne3A_280 = arith.cmpi ne, %get3A_277, %ne3A_279 : vector<16xi32>
      %bitcast3A_281 = vector.bitcast %get3A_277 : vector<16xi32> to vector<16xf32>
      tpu.vector_store_idx %arg4[%get3A_269], %bitcast3A_281 masked %ne3A_280 {add = true} : memref<65536xf32, #tpu.memory_space<vmem>>[vector<16xi32>], vector<16xf32>, vector<16xi1>
      %mul3A_282 = arith.constant 128 : i32
      %mul3A_283 = arith.muli %scan3A_248, %mul3A_282 : i32
      %add3A_284 = arith.constant 32 : i32
      %add3A_285 = arith.addi %mul3A_283, %add3A_284 : i32
      %get3A_286 = arith.index_cast %add3A_285 : i32 to index
      %get3A_287 = tpu.vector_load %arg6[%get3A_286] {strides = array<i32>} : memref<16384xi32, #tpu.memory_space<vmem>>, vector<16xi32>,
      %mul3A_288 = arith.constant 128 : i32
      %mul3A_289 = arith.muli %scan3A_248, %mul3A_288 : i32
      %add3A_290 = arith.constant 64 : i32
      %add3A_291 = arith.addi %mul3A_289, %add3A_290 : i32
      %add3A_292 = arith.constant 32 : i32
      %add3A_293 = arith.addi %add3A_291, %add3A_292 : i32
      %get3A_294 = arith.index_cast %add3A_293 : i32 to index
      %get3A_295 = tpu.vector_load %arg6[%get3A_294] {strides = array<i32>} : memref<16384xi32, #tpu.memory_space<vmem>>, vector<16xi32>,
      %ne3A_296 = arith.constant 0 : i32
      %ne3A_297 = vector.broadcast %ne3A_296 : i32 to vector<16xi32>
      %ne3A_298 = arith.cmpi ne, %get3A_295, %ne3A_297 : vector<16xi32>
      %bitcast3A_299 = vector.bitcast %get3A_295 : vector<16xi32> to vector<16xf32>
      tpu.vector_store_idx %arg4[%get3A_287], %bitcast3A_299 masked %ne3A_298 {add = true} : memref<65536xf32, #tpu.memory_space<vmem>>[vector<16xi32>], vector<16xf32>, vector<16xi1>
      %mul3A_300 = arith.constant 128 : i32
      %mul3A_301 = arith.muli %scan3A_248, %mul3A_300 : i32
      %add3A_302 = arith.constant 48 : i32
      %add3A_303 = arith.addi %mul3A_301, %add3A_302 : i32
      %get3A_304 = arith.index_cast %add3A_303 : i32 to index
      %get3A_305 = tpu.vector_load %arg6[%get3A_304] {strides = array<i32>} : memref<16384xi32, #tpu.memory_space<vmem>>, vector<16xi32>,
      %mul3A_306 = arith.constant 128 : i32
      %mul3A_307 = arith.muli %scan3A_248, %mul3A_306 : i32
      %add3A_308 = arith.constant 64 : i32
      %add3A_309 = arith.addi %mul3A_307, %add3A_308 : i32
      %add3A_310 = arith.constant 48 : i32
      %add3A_311 = arith.addi %add3A_309, %add3A_310 : i32
      %get3A_312 = arith.index_cast %add3A_311 : i32 to index
      %get3A_313 = tpu.vector_load %arg6[%get3A_312] {strides = array<i32>} : memref<16384xi32, #tpu.memory_space<vmem>>, vector<16xi32>,
      %ne3A_314 = arith.constant 0 : i32
      %ne3A_315 = vector.broadcast %ne3A_314 : i32 to vector<16xi32>
      %ne3A_316 = arith.cmpi ne, %get3A_313, %ne3A_315 : vector<16xi32>
      %bitcast3A_317 = vector.bitcast %get3A_313 : vector<16xi32> to vector<16xf32>
      tpu.vector_store_idx %arg4[%get3A_305], %bitcast3A_317 masked %ne3A_316 {add = true} : memref<65536xf32, #tpu.memory_space<vmem>>[vector<16xi32>], vector<16xf32>, vector<16xi1>
    }
    %scan3A_241 = arith.constant 128 : i32
    %sub3A_242 = arith.constant 0 : i32
    %sub3A_243 = arith.subi %add3A_203, %sub3A_242 : i32
    %mul3A_244 = arith.constant 16 : i32
    %mul3A_245 = arith.muli %sub3A_243, %mul3A_244 : i32
    %mul3A_246 = arith.constant 4096 : i32
    %mul3A_247 = arith.muli %mul3A_245, %mul3A_246 : i32
    "tpu.region"() ({
      %run_scoped3A = tpu.sem_alloc : memref<!tpu.dma_semaphore, #tpu.memory_space<semaphore_mem>>
      %dma_start3A_248 = tpu.memref_slice %arg3[%mul3A_247] : memref<10485760xf32, #tpu.memory_space<hbm>> -> memref<65536xf32, #tpu.memory_space<hbm>>
      %dma_start3A_249 = tpu.memref_slice %arg3[%mul3A_247] : memref<10485760xf32, #tpu.memory_space<hbm>> -> memref<65536xf32, #tpu.memory_space<hbm>>
      tpu.enqueue_dma source(%arg4 : memref<65536xf32, #tpu.memory_space<vmem>>) target(%dma_start3A_249 : memref<65536xf32, #tpu.memory_space<hbm>>) target_semaphore(%run_scoped3A : memref<!tpu.dma_semaphore, #tpu.memory_space<semaphore_mem>>)
      %dma_wait3A_250 = tpu.memref_slice %arg3[%mul3A_247] : memref<10485760xf32, #tpu.memory_space<hbm>> -> memref<65536xf32, #tpu.memory_space<hbm>>
      %dma_wait3A_251 = tpu.memref_slice %arg3[%mul3A_247] : memref<10485760xf32, #tpu.memory_space<hbm>> -> memref<65536xf32, #tpu.memory_space<hbm>>
      tpu.wait_dma2 semaphore(%run_scoped3A : memref<!tpu.dma_semaphore, #tpu.memory_space<semaphore_mem>>) src(%arg4 : memref<65536xf32, #tpu.memory_space<vmem>>) dst(%dma_wait3A_251 : memref<65536xf32, #tpu.memory_space<hbm>>)
      tpu.yield
    }) : () -> ()
    return
  }
}

module attributes {stable_mosaic.version = 14 : i64} {
  func.func @_mm_partial_kernel(%arg0: i32, %arg1: i32, %arg2: memref<512x2560xf32, #tpu.memory_space<vmem>>, %arg3: memref<2560x512xf32, #tpu.memory_space<vmem>>, %arg4: memref<512x512xf32, #tpu.memory_space<vmem>>) attributes {dimension_semantics = [#tpu.dimension_semantics<parallel>, #tpu.dimension_semantics<parallel>], iteration_bounds = array<i64: 2, 8>, scalar_prefetch = 0 : i64, scratch_operands = 0 : i64, tpu.core_type = #tpu.core_type<tc>, window_params = [{transform_indices = @transform_0, window_bounds = array<i64: 512, 2560>}, {transform_indices = @transform_1, window_bounds = array<i64: 2560, 512>}, {transform_indices = @transform_2, window_bounds = array<i64: 512, 512>}]} {
    %get3A = arith.constant 0 : index
    %get3A_0 = arith.constant 0 : index
    %get3A_1 = vector.load %arg2[%get3A, %get3A_0] : memref<512x2560xf32, #tpu.memory_space<vmem>>, vector<512x2560xf32>
    %get3A_2 = arith.constant 0 : index
    %get3A_3 = arith.constant 0 : index
    %get3A_4 = vector.load %arg3[%get3A_2, %get3A_3] : memref<2560x512xf32, #tpu.memory_space<vmem>>, vector<2560x512xf32>
    %dot_general3A = arith.constant dense<0.000000e+00> : vector<512x512xf32>
    %dot_general3A_5 = tpu.matmul %get3A_1, %get3A_4, %dot_general3A {dimension_numbers = #tpu.dot_dimension_numbers<[1], [0], [0], [1], [0, 0, 1, 1], [], []>, precision = #tpu.contract_precision<fp32>, transpose_lhs_hint = false} : vector<512x2560xf32>, vector<2560x512xf32>, vector<512x512xf32> -> vector<512x512xf32>
    %swap3A = arith.constant 0 : index
    %swap3A_6 = arith.constant 0 : index
    %swap3A_7 = vector.load %arg4[%swap3A, %swap3A_6] : memref<512x512xf32, #tpu.memory_space<vmem>>, vector<512x512xf32>
    tpu.vector_store %arg4[%swap3A, %swap3A_6], %dot_general3A_5 {strides = array<i32>} : memref<512x512xf32, #tpu.memory_space<vmem>>, vector<512x512xf32>,
    return
  }
  func.func @transform_0(%arg0: i32, %arg1: i32) -> (i32, i32) {
    %c0_i32 = arith.constant 0 : i32
    %c0_i32_0 = arith.constant 0 : i32
    return %arg0, %c0_i32 : i32, i32
  }
  func.func @transform_1(%arg0: i32, %arg1: i32) -> (i32, i32) {
    %c0_i32 = arith.constant 0 : i32
    %c0_i32_0 = arith.constant 0 : i32
    return %c0_i32, %arg1 : i32, i32
  }
  func.func @transform_2(%arg0: i32, %arg1: i32) -> (i32, i32) {
    %c0_i32 = arith.constant 0 : i32
    return %arg0, %arg1 : i32, i32
  }
}

module attributes {stable_mosaic.version = 14 : i64} {
  func.func @_mm_final_kernel(%arg0: i32, %arg1: i32, %arg2: memref<512x2048xf32, #tpu.memory_space<vmem>>, %arg3: memref<2048x512xf32, #tpu.memory_space<vmem>>, %arg4: memref<512x512xf32, #tpu.memory_space<vmem>>, %arg5: memref<1x512xf32, #tpu.memory_space<vmem>>, %arg6: memref<512x512xf32, #tpu.memory_space<vmem>>) attributes {dimension_semantics = [#tpu.dimension_semantics<parallel>, #tpu.dimension_semantics<parallel>], iteration_bounds = array<i64: 2, 8>, scalar_prefetch = 0 : i64, scratch_operands = 0 : i64, tpu.core_type = #tpu.core_type<tc>, window_params = [{transform_indices = @transform_0, window_bounds = array<i64: 512, 2048>}, {transform_indices = @transform_1, window_bounds = array<i64: 2048, 512>}, {transform_indices = @transform_2, window_bounds = array<i64: 512, 512>}, {transform_indices = @transform_3, window_bounds = array<i64: 1, 512>}, {transform_indices = @transform_4, window_bounds = array<i64: 512, 512>}]} {
    %get3A = arith.constant 0 : index
    %get3A_0 = arith.constant 0 : index
    %get3A_1 = vector.load %arg2[%get3A, %get3A_0] : memref<512x2048xf32, #tpu.memory_space<vmem>>, vector<512x2048xf32>
    %get3A_2 = arith.constant 0 : index
    %get3A_3 = arith.constant 0 : index
    %get3A_4 = vector.load %arg3[%get3A_2, %get3A_3] : memref<2048x512xf32, #tpu.memory_space<vmem>>, vector<2048x512xf32>
    %dot_general3A = arith.constant dense<0.000000e+00> : vector<512x512xf32>
    %dot_general3A_5 = tpu.matmul %get3A_1, %get3A_4, %dot_general3A {dimension_numbers = #tpu.dot_dimension_numbers<[1], [0], [0], [1], [0, 0, 1, 1], [], []>, precision = #tpu.contract_precision<fp32>, transpose_lhs_hint = false} : vector<512x2048xf32>, vector<2048x512xf32>, vector<512x512xf32> -> vector<512x512xf32>
    %get3A_6 = arith.constant 0 : index
    %get3A_7 = arith.constant 0 : index
    %get3A_8 = vector.load %arg4[%get3A_6, %get3A_7] : memref<512x512xf32, #tpu.memory_space<vmem>>, vector<512x512xf32>
    %add3A = arith.addf %dot_general3A_5, %get3A_8 : vector<512x512xf32>
    %get3A_9 = arith.constant 0 : index
    %get3A_10 = arith.constant 0 : index
    %get3A_11 = vector.load %arg5[%get3A_9, %get3A_10] : memref<1x512xf32, #tpu.memory_space<vmem>>, vector<1x512xf32>
    %add3A_12 = vector.broadcast %get3A_11 : vector<1x512xf32> to vector<512x512xf32>
    %add3A_13 = arith.addf %add3A, %add3A_12 : vector<512x512xf32>
    %abs3A = math.absf %add3A_13 : vector<512x512xf32>
    %mul3A = arith.constant 0.327591091 : f32
    %mul3A_14 = vector.broadcast %mul3A : f32 to vector<512x512xf32>
    %mul3A_15 = arith.mulf %mul3A_14, %abs3A : vector<512x512xf32>
    %add3A_16 = arith.constant 1.000000e+00 : f32
    %add3A_17 = vector.broadcast %add3A_16 : f32 to vector<512x512xf32>
    %add3A_18 = arith.addf %add3A_17, %mul3A_15 : vector<512x512xf32>
    %div3A = arith.constant 1.000000e+00 : f32
    %div3A_19 = vector.broadcast %div3A : f32 to vector<512x512xf32>
    %div3A_20 = arith.divf %div3A_19, %add3A_18 : vector<512x512xf32>
    %mul3A_21 = arith.constant 1.06140542 : f32
    %mul3A_22 = vector.broadcast %mul3A_21 : f32 to vector<512x512xf32>
    %mul3A_23 = arith.mulf %div3A_20, %mul3A_22 : vector<512x512xf32>
    %add3A_24 = arith.constant -1.45315206 : f32
    %add3A_25 = vector.broadcast %add3A_24 : f32 to vector<512x512xf32>
    %add3A_26 = arith.addf %add3A_25, %mul3A_23 : vector<512x512xf32>
    %mul3A_27 = arith.mulf %div3A_20, %add3A_26 : vector<512x512xf32>
    %add3A_28 = arith.constant 1.42141378 : f32
    %add3A_29 = vector.broadcast %add3A_28 : f32 to vector<512x512xf32>
    %add3A_30 = arith.addf %add3A_29, %mul3A_27 : vector<512x512xf32>
    %mul3A_31 = arith.mulf %div3A_20, %add3A_30 : vector<512x512xf32>
    %add3A_32 = arith.constant -0.284496725 : f32
    %add3A_33 = vector.broadcast %add3A_32 : f32 to vector<512x512xf32>
    %add3A_34 = arith.addf %add3A_33, %mul3A_31 : vector<512x512xf32>
    %mul3A_35 = arith.mulf %div3A_20, %add3A_34 : vector<512x512xf32>
    %add3A_36 = arith.constant 0.254829586 : f32
    %add3A_37 = vector.broadcast %add3A_36 : f32 to vector<512x512xf32>
    %add3A_38 = arith.addf %add3A_37, %mul3A_35 : vector<512x512xf32>
    %mul3A_39 = arith.mulf %div3A_20, %add3A_38 : vector<512x512xf32>
    %neg3A = arith.constant 0.000000e+00 : f32
    %neg3A_40 = vector.broadcast %neg3A : f32 to vector<512x512xf32>
    %neg3A_41 = arith.subf %neg3A_40, %abs3A : vector<512x512xf32>
    %mul3A_42 = arith.mulf %neg3A_41, %abs3A : vector<512x512xf32>
    %exp3A = math.exp %mul3A_42 : vector<512x512xf32>
    %mul3A_43 = arith.mulf %mul3A_39, %exp3A : vector<512x512xf32>
    %sub3A = arith.constant 1.000000e+00 : f32
    %sub3A_44 = vector.broadcast %sub3A : f32 to vector<512x512xf32>
    %sub3A_45 = arith.subf %sub3A_44, %mul3A_43 : vector<512x512xf32>
    %lt3A = arith.constant 0.000000e+00 : f32
    %lt3A_46 = vector.broadcast %lt3A : f32 to vector<512x512xf32>
    %lt3A_47 = arith.cmpf olt, %add3A_13, %lt3A_46 : vector<512x512xf32>
    %neg3A_48 = arith.constant 0.000000e+00 : f32
    %neg3A_49 = vector.broadcast %neg3A_48 : f32 to vector<512x512xf32>
    %neg3A_50 = arith.subf %neg3A_49, %sub3A_45 : vector<512x512xf32>
    %select_n3A = arith.select %lt3A_47, %neg3A_50, %sub3A_45 : vector<512x512xi1>, vector<512x512xf32>
    %swap3A = arith.constant 0 : index
    %swap3A_51 = arith.constant 0 : index
    %swap3A_52 = vector.load %arg6[%swap3A, %swap3A_51] : memref<512x512xf32, #tpu.memory_space<vmem>>, vector<512x512xf32>
    tpu.vector_store %arg6[%swap3A, %swap3A_51], %select_n3A {strides = array<i32>} : memref<512x512xf32, #tpu.memory_space<vmem>>, vector<512x512xf32>,
    return
  }
  func.func @transform_0(%arg0: i32, %arg1: i32) -> (i32, i32) {
    %c0_i32 = arith.constant 0 : i32
    %c0_i32_0 = arith.constant 0 : i32
    return %arg0, %c0_i32 : i32, i32
  }
  func.func @transform_1(%arg0: i32, %arg1: i32) -> (i32, i32) {
    %c0_i32 = arith.constant 0 : i32
    %c0_i32_0 = arith.constant 0 : i32
    return %c0_i32, %arg1 : i32, i32
  }
  func.func @transform_2(%arg0: i32, %arg1: i32) -> (i32, i32) {
    %c0_i32 = arith.constant 0 : i32
    return %arg0, %arg1 : i32, i32
  }
  func.func @transform_3(%arg0: i32, %arg1: i32) -> (i32, i32) {
    %c0_i32 = arith.constant 0 : i32
    %c0_i32_0 = arith.constant 0 : i32
    return %c0_i32, %arg1 : i32, i32
  }
  func.func @transform_4(%arg0: i32, %arg1: i32) -> (i32, i32) {
    %c0_i32 = arith.constant 0 : i32
    return %arg0, %arg1 : i32, i32
  }
}

</mosaic_0001>

<sc_bundles>
// kernel: kernel.10.cloned.1.call-start
scs
__scs_entry_jumppad:
0x0: {  	(pc) =	sbr.rel $0x88, $3  }
0x1: {  	(tag) =	ssettag $0x0;
	lr =	simm.s32 $0x1  }
0x2: {  	[smem:$0x3F98] =	sst lr;
	_ =	strace $0xD0000000  }
0x3: {  	_ = 	snop  }
0x4: {  	_ = 	snop  }
0x5: {  	_ = 	snop  }
0x6: {  	_ = 	snop  }
0x7: {  	_ = 	snop  }
__scs_overlays_trampoline_lowered:
0x8: {  	[smem:$0x3FA7] =	sst s0  }
0x9: {  	[smem:$0x3FA8] =	sst s1  }
0xa: {  	[smem:$0x3FA9] =	sst s2  }
0xb: {  	[smem:$0x3FAA] =	sst s3  }
0xc: {  	[smem:$0x3FAB] =	sst s4  }
0xd: {  	[smem:$0x3FAC] =	sst s5  }
0xe: {  	[smem:$0x3FAD] =	sst s6  }
0xf: {  	[smem:$0x3FAE] =	sst s7  }
0x10: {  	[smem:$0x3FAF] =	sst s8  }
0x11: {  	[smem:$0x3FB0] =	sst s9;
	s0 =	simm.s32 @!p0 $0x0  }
0x12: {  	s1 =	sld [smem:$0x3F96];
	s0 =	simm.s32 @p0 $0x1  }
0x13: {  	[smem:$0x3FB1] =	sst s0;
	s0 =	simm.s32 @!p1 $0x0  }
0x14: {  	s2 =	sld [smem:$0x3F95];
	s0 =	simm.s32 @p1 $0x1  }
0x15: {  	[smem:$0x3FB2] =	sst s0;
	s0 =	simm.s32 @!p2 $0x0  }
0x16: {  	s3 =	sld [smem:$0x3FDB];
	s0 =	simm.s32 @p2 $0x1  }
0x17: {  	s4 =	simm.s32 $0x1BF5;
	[smem:$0x3FB4] =	sst s0  }
0x18: {  	s0 =	sld [smem:$0x3F97];
	_ =	swait.ge [sflag:s4], $0x0  }
0x19: {  	s7 =	sld [smem:$0x3F98]  }
0x1a: {  	s8 =	sadd.s32 $0xFFFFE003, lr  }
0x1b: {  	s9 =	sadd.s32 $0xFFFFFEF7, lr;
	s5 =	simm.s32 $0xFFFFFFFF;
	p2 =	slt.u32 s8, $0xFFFFF086  }
0x1c: {  	p1 =	slt.u32 s9, $0xF7A;
	s5 =	simm.s32 @!p2 $0x0  }
0x1d: {  	s5 =	simm.s32 @p1 $0x1;
	p0 =	seq.s32 s7, s2  }
0x1e: {  	s7 =	smul.u32 @!p0 $0xF7A, s2;
	p2 =	seq.s32 @!p0 s5, $0x0  }
0x1f: {  	s9 =	smul.u32 $0xF7A, s1;
	s8 =	simm.s32 @!p0 $0x1BF5;
	p2 =	por !p2, p0  }
0x20: {  	[sflag:s8] =	ssyncset.s32 @!p0 $0xFFFFF086;
	s6 =	sadd.s32 @!p0 s3, s7;
	s7 =	simm.s32 @!p0 $0x108  }
0x21: {  	s3 =	sadd.s32 s3, s9;
	s6 =	sadd.s32 @!p0 $0x88, s6;
	s7 =	simm.s32 @p2 $0x1082  }
0x22: {  	[simem:s7], [sflag:s8] =	dma.local @!p0 [hbm:s6], $0xF7A  }
0x23: {  	s9 =	sor.u32 $0xD0000000, s2;
	s6 =	simm.s32 $0x108;
	_ =	swait.ge @!p0 [sflag:s8], $0x0  }
0x24: {  	s3 =	sadd.s32 $0x88, s3;
	s6 =	simm.s32 @!p1 $0x1082;
	[sflag:s4] =	ssyncset.s32 $0xFFFFF086  }
0x25: {  	[simem:s6], [sflag:s4] =	dma.local [hbm:s3], $0xF7A  }
0x26: {  	[smem:$0x3F98] =	sst s1;
	(tag) =	ssettag s2;
	_ =	strace s9  }
0x27: {  	s1 =	sld [smem:$0x3FA8]  }
0x28: {  	s2 =	sld [smem:$0x3FA9]  }
0x29: {  	s4 =	sld [smem:$0x3FAB]  }
0x2a: {  	p0 =	seq.s32 s5, $0x0;
	s5 =	sld [smem:$0x3FAC]  }
0x2b: {  	s6 =	sld [smem:$0x3FAD]  }
0x2c: {  	s7 =	sld [smem:$0x3FAE]  }
0x2d: {  	s3 =	simm.s32 $0x108;
	s8 =	sld [smem:$0x3FAF]  }
0x2e: {  	s3 =	simm.s32 @!p0 $0x1082;
	s9 =	sld [smem:$0x3FB0]  }
0x2f: {  	lr =	sadd.s32 s0, s3;
	s0 =	sld [smem:$0x3FA7]  }
0x30: {  	s3 =	sld [smem:$0x3FAA]  }
0x31: {  	[smem:$0x3FB3] =	sst s10  }
0x32: {  	s10 =	sld [smem:$0x3FB1];
	_ =	sdelay $0x3  }
0x33: {  	p0 =	seq.s32 s10, $0x1;
	s10 =	sld [smem:$0x3FB3];
	_ =	sdelay $0x3  }
0x34: {  	[smem:$0x3FB3] =	sst s10  }
0x35: {  	s10 =	sld [smem:$0x3FB2];
	_ =	sdelay $0x3  }
0x36: {  	p1 =	seq.s32 s10, $0x1;
	s10 =	sld [smem:$0x3FB3];
	_ =	sdelay $0x3  }
0x37: {  	[smem:$0x3FB3] =	sst s10  }
0x38: {  	s10 =	sld [smem:$0x3FB4]  }
0x39: {  	_ = 	snop;
	(pc) =	sbr.ind lr, $3  }
0x3a: {  	_ = 	snop  }
0x3b: {  	_ = 	snop  }
0x3c: {  	p2 =	seq.s32 s10, $0x1;
	s10 =	sld [smem:$0x3FB3]  }
0x3d: {  	_ =	shalt  }
0x3e: {  	_ =	shalt  }
0x3f: {  	_ =	shalt  }
0x40: {  	_ =	shalt  }
0x41: {  	_ =	shalt  }
0x42: {  	_ =	shalt  }
0x43: {  	_ =	shalt  }
0x44: {  	_ =	shalt  }
0x45: {  	_ =	shalt  }
0x46: {  	_ =	shalt  }
0x47: {  	_ =	shalt  }
0x48: {  	_ =	shalt  }
0x49: {  	_ =	shalt  }
0x4a: {  	_ =	shalt  }
0x4b: {  	_ =	shalt  }
0x4c: {  	_ =	shalt  }
0x4d: {  	_ =	shalt  }
0x4e: {  	_ =	shalt  }
0x4f: {  	_ =	shalt  }
0x50: {  	_ =	shalt  }
0x51: {  	_ =	shalt  }
0x52: {  	_ =	shalt  }
0x53: {  	_ =	shalt  }
0x54: {  	_ =	shalt  }
0x55: {  	_ =	shalt  }
0x56: {  	_ =	shalt  }
0x57: {  	_ =	shalt  }
0x58: {  	_ =	shalt  }
0x59: {  	_ =	shalt  }
0x5a: {  	_ =	shalt  }
0x5b: {  	_ =	shalt  }
0x5c: {  	_ =	shalt  }
0x5d: {  	_ =	shalt  }
0x5e: {  	_ =	shalt  }
0x5f: {  	_ =	shalt  }
0x60: {  	_ =	shalt  }
0x61: {  	_ =	shalt  }
0x62: {  	_ =	shalt  }
0x63: {  	_ =	shalt  }
0x64: {  	_ =	shalt  }
0x65: {  	_ =	shalt  }
0x66: {  	_ =	shalt  }
0x67: {  	_ =	shalt  }
0x68: {  	_ =	shalt  }
0x69: {  	_ =	shalt  }
0x6a: {  	_ =	shalt  }
0x6b: {  	_ =	shalt  }
0x6c: {  	_ =	shalt  }
0x6d: {  	_ =	shalt  }
0x6e: {  	_ =	shalt  }
0x6f: {  	_ =	shalt  }
0x70: {  	_ =	shalt  }
0x71: {  	_ =	shalt  }
0x72: {  	_ =	shalt  }
0x73: {  	_ =	shalt  }
0x74: {  	_ =	shalt  }
0x75: {  	_ =	shalt  }
0x76: {  	_ =	shalt  }
0x77: {  	_ =	shalt  }
0x78: {  	_ =	shalt  }
0x79: {  	_ =	shalt  }
0x7a: {  	_ =	shalt  }
0x7b: {  	_ =	shalt  }
0x7c: {  	_ =	shalt  }
0x7d: {  	_ =	shalt  }
0x7e: {  	_ =	shalt  }
0x7f: {  	_ =	shalt  }
0x80: {  	_ =	shalt  }
0x81: {  	_ =	shalt  }
0x82: {  	_ =	shalt  }
0x83: {  	_ =	shalt  }
0x84: {  	_ =	shalt  }
0x85: {  	_ =	shalt  }
0x86: {  	_ =	shalt  }
0x87: {  	_ =	shalt  }
.Lfunc_end0:
.L_simem_size_0:
called_computation.1_lowered:
.L_overlay_start_0:
0x88: {  	s2 =	sld [smem:$0x3FD9]  }
0x89: {  	s3 =	sld [smem:$0x3FFE];
	_ =	sdelay $0x1  }
0x8a: {  	s1 =	srdreg.scid  }
0x8b: {  	s0 =	sand.u32 $0x1, s1  }
0x8c: {  	s16 =	sshll.u32 s0, $0xA;
	s2 =	sadd.s32 s3, s2  }
0x8d: {  	s2 =	sadd.s32 s2, s16  }
0x8e: {  	[smem:$0x3FBF] =	sst s2  }
0x8f: {  	_ = 	snop  }
0x90: {  	(tm) =	ssettm $0x1  }
0x91: {  	s17 =	sld [smem:$0x3FFB];
	_ =	sdelay $0x3  }
0x92: {  	_ =	strace s17  }
0x93: {  	s2 =	sld [smem:$0x3FFC];
	_ =	sdelay $0x3  }
0x94: {  	_ =	strace s2  }
0x95: {  	s2 =	sld [smem:$0x3FFD];
	_ =	sdelay $0x3  }
0x96: {  	_ =	strace s2  }
0x97: {  	_ =	strace $0x8FFFFFFF  }
0x98: {  	s18 =	sld [smem:$0x3FDB];
	_ =	sdelay $0x1  }
0x99: {  	s19 =	simm.s32 $_scs_section_size  }
0x9a: {  	s4 =	simm.s32 $_size__tile_overlayer_lowered;
	s5 =	simm.s32 $_tile_overlayer_lowered  }
0x9b: {  	s22 =	simm.s32 $0x1BFF;
	s21 =	sshll.u32 s5, $0x1;
	s2 =	sadd.s32 s19, s18  }
0x9c: {  	s6 =	simm.s32 $0x0;
	s20 =	sshll.u32 s4, $0x1;
	s4 =	sadd.s32 s21, s2  }
0x9d: {  	[timem:s6], [sflag:s22] =	dma.local [hbm:s4], s20  }
0x9e: {  	_ =	swait.ge [sflag:s22], s20  }
0x9f: {  	s3 =	ssub.s32 $0x0, s20;
	[sflag:s22] =	ssyncset.done $0x0  }
0xa0: {  	[sflag:s22] =	ssyncadd.s32 s3;
	_ =	sdelay $0x1  }
0xa1: {  	s23 =	simm.s32 $0x1B8B  }
0xa2: {  	_ =	swait.ge [sflag:s23], $0x1  }
0xa3: {  	[sflag:s23] =	ssyncset.done $0x0  }
0xa4: {  	s25 =	simm.s32 $0x1B8E;
	s24 =	sld [smem:$0x3FFE];
	[sflag:s23] =	ssyncadd.s32 $0xFFFFFFFF  }
0xa5: {  	s26 =	simm.s32 $execute0_lowered;
	[smem:$0x3FD2] =	sst s25  }
0xa6: {  	s4 =	sshll.u32 s26, $0x1;
	_ =	strace $0x80000049;
	[dreg:$0x1] =	wrdreg $0xFFFFFFFF  }
0xa7: {  	s28 =	simm.s32 $_size_execute0_lowered;
	s2 =	sadd.s32 s2, s4;
	[dreg:$0x0] =	wrdreg $0x0  }
0xa8: {  	s4 =	sshll.u32 s28, $0x1;
	[dreg:$0x2] =	wrdreg s2  }
0xa9: {  	[dreg:$0x3] =	wrdreg s4  }
0xaa: {  	[dreg:$0x4] =	wrdreg $0xC0  }
0xab: {  	_ =	task [dreg:s6], $0x5FFFF  }
0xac: {  	[dreg:$0x1] =	wrdreg $0xFFFFFFFF  }
0xad: {  	[dreg:$0x0] =	wrdreg $0x60  }
0xae: {  	[dreg:$0x2] =	wrdreg s24  }
0xaf: {  	[dreg:$0x3] =	wrdreg $0x9  }
0xb0: {  	_ =	task.clear_ibuf [dreg:s6], $0x4FFFF;
	_ =	strace $0x90000049  }
0xb1: {  	s29 =	simm.s32 $0x9;
	_ =	strace $0x8000004B  }
0xb2: {  	_ =	swait.ge [sflag:s29], $0x1  }
0xb3: {  	[sflag:s29] =	ssyncadd.s32 $0xFFFFFFFF  }
0xb4: {  	_ =	strace $0x9000004B  }
0xb5: {  	_ =	sfence  }
0xb6: {  	s30 =	sld [smem:$0x0];
	_ =	sdelay $0x2  }
0xb7: {  	s31 =	sshll.u32 s1, $0xD;
	s1 =	sshrl.u32 s1, $0x2  }
0xb8: {  	s3 =	sand.u32 $0x4000, s31;
	s1 =	sadd.s32 s1, s30  }
0xb9: {  	s0 =	sor.u32 s3, s0;
	s1 =	sshll.u32 s1, $0x11  }
0xba: {  	s0 =	sor.u32 s1, s0  }
0xbb: {  	s0 =	sadd.s32 $0x8F2B, s0  }
0xbc: {  	[sflag:s0] =	ssyncadd.remote.s32 $0x1  }
0xbd: {  	_ =	sfence.sel $0xFFFF  }
0xbe: {  	[dreg:$0x0] =	wrdreg $0xFFFFFFFF;
	(pc) =	sbr.abs _section_cstart, $3  }
0xbf: {  	[dreg:$0x1] =	wrdreg $0xFFFFFFFF  }
0xc0: {  	_ =	task.clear_ibuf [dreg:s6], $0x2FFFF;
	_ =	strace $0x9FFFFFFF  }
0xc1: {  	(tm) =	ssettm $0x7FFFFFFF  }
tec
execute0_lowered:
.L_overlay_start_1:
0x0: {  	(tag) =	ssettag $0x1  }
0x1: {  	s3 =	rddreg [dreg:$0x0]  }
0x2: {  	s0 =	rddreg [dreg:$0x1]  }
0x3: {  	s2 =	simm.s32 $0x0;
	s4 =	srdreg.scid;
	s1 =	stileid.u32  }
0x4: {  	s21 =	simm.s32 $0x1;
	s22 =	simm.s32 $0x2;
	s23 =	simm.s32 $0x3  }
0x5: {  	s24 =	simm.s32 $0x0;
	s4 =	sand.u32 $0x1, s4;
	s5 =	sshll.u32 s1, $0x1  }
0x6: {  	[smem:$0x7FF] =	sst s2;
	s6 =	ssub.s32 $0x2, s4;
	s4 =	sor.u32 s4, s5  }
0x7: {  	s15 =	sadd.s32 $0x82E00, s3;
	s17 =	sadd.s32 $0x1A2E00, s3;
	s13 =	smul.u32 $0x5, s4  }
0x8: {  	s16 =	sadd.s32 $0x83600, s3;
	s28 =	sshrl.u32 s6, $0x1;
	s29 =	smul.u32 $0x5000, s4  }
0x9: {  	_ =	strace $0x8000004A;
	s30 =	smul.u32 $0xA000, s4;
	s18 =	ssub.s32 s6, s28  }
0xa: {  	s8 =	sadd.s32 $0x1, s13;
	s3 =	sadd.s32 s15, s29;
	s4 =	sadd.s32 s29, s16  }
0xb: {  	s5 =	sadd.s32 s17, s30;
	s11 =	sadd.s32 $0x2, s13;
	s14 =	sadd.s32 $0x3, s13  }
0xc: {  	s20 =	sadd.s32 $0x4, s13;
	s18 =	smax.u32 s18, $0x1;
	s7 =	sshll.u32 s8, $0xC  }
0xd: {  	s8 =	sshll.u32 s8, $0xD;
	s10 =	sshll.u32 s11, $0xC;
	s11 =	sshll.u32 s11, $0xD  }
0xe: {  	s19 =	sshll.u32 s14, $0xC;
	s14 =	sshll.u32 s14, $0xD;
	s31 =	sshll.u32 s20, $0xC  }
0xf: {  	s20 =	sshll.u32 s20, $0xD;
	s6 =	sadd.s32 s15, s7;
	s7 =	sadd.s32 s7, s16  }
0x10: {  	s8 =	sadd.s32 s17, s8;
	s9 =	sadd.s32 s15, s10;
	s10 =	sadd.s32 s10, s16  }
0x11: {  	s11 =	sadd.s32 s17, s11;
	s12 =	sadd.s32 s15, s19;
	s13 =	sadd.s32 s19, s16  }
0x12: {  	s14 =	sadd.s32 s17, s14;
	s15 =	sadd.s32 s15, s31;
	s16 =	sadd.s32 s31, s16  }
0x13: {  	v0 =	vimm.f32 $0.0e+00;
	s17 =	sadd.s32 s17, s20;
	s19 =	simm.s32 $0x10000;
	s20 =	simm.s32 $0x14000  }
.LBB2_1:
0x14: {  	[tilespmem:s19], [sflag:$0x1] =	stream.linear.gather [hbm4b:s3+s2], $0x4000, $0x38;
	[tilespmem:$0x18000] =	vst v63  }
0x15: {  	s25 =	simm.s32 $0x40  }
0x16: {  	[tilespmem:s20], [sflag:$0x2] =	stream.linear.gather [hbm4b:s4+s2], $0x4000, $0x38;
	[tilespmem:$0x18000] =	vst v63  }
0x17: {  	[tilespmem:s25+$0xFFFFFFC0] =	vst v0  }
0x18: {  	[tilespmem:s25+$0x30] =	vst v0  }
0x19: {  	[tilespmem:s25+$0x20] =	vst v0  }
0x1a: {  	[tilespmem:s25+$0x10] =	vst v0  }
0x1b: {  	[tilespmem:s25+$0x0] =	vst v0  }
0x1c: {  	[tilespmem:s25+$0xFFFFFFF0] =	vst v0  }
0x1d: {  	s26 =	simm.s32 $0x0;
	[tilespmem:s25+$0xFFFFFFE0] =	vst v0  }
.LBB2_2:
0x1e: {  	s26 =	sadd.s32 $0x8, s26;
	[tilespmem:s25+$0xFFFFFFD0] =	vst v0;
	s25 =	sadd.s32 $0x80, s25  }
0x1f: {  	[tilespmem:s25+$0xFFFFFFC0] =	vst v0;
	p0 =	slt.u32 s26, $0xFF8  }
0x20: {  	[tilespmem:s25+$0x30] =	vst v0  }
.Ltmp0:
0x21: {  	[tilespmem:s25+$0x20] =	vst v0;
	(pc) =	sbr.rel @p0 .LBB2_2-.Ltmp0, $4  }
0x22: {  	[tilespmem:s25+$0x10] =	vst v0  }
0x23: {  	[tilespmem:s25+$0x0] =	vst v0  }
0x24: {  	[tilespmem:s25+$0xFFFFFFF0] =	vst v0  }
0x25: {  	[tilespmem:s25+$0xFFFFFFE0] =	vst v0  }
0x26: {  	[tilespmem:s25+$0xFFFFFFD0] =	vst v0  }
0x27: {  	_ =	swait.ge [sflag:s21], $0x4000  }
0x28: {  	[sflag:s21] =	ssyncset.done $0x0  }
0x29: {  	s25 =	simm.s32 $0x0;
	[sflag:s21] =	ssyncadd.s32 $0xFFFFC000  }
.LBB2_4:
0x2a: {  	s26 =	sshra.s32 s25, $0x2  }
0x2b: {  	v1 =	vld [tilespmem:s26+$0x10040];
	_ =	sdelay $0x2  }
0x2c: {  	v2 =	vld [tilespmem:s26+$0x10000];
	_ =	sdelay $0x1  }
0x2d: {  	vm0 =	vne.s32 v1, $0x0;
	_ =	sdelay $0x5  }
0x2e: {  	[tilespmem:v2+s2+$0x0] =	vst.idx.add.f32.msk vm0, v1  }
0x2f: {  	v1 =	vld [tilespmem:s26+$0x10050];
	_ =	sdelay $0x2  }
0x30: {  	v2 =	vld [tilespmem:s26+$0x10010];
	_ =	sdelay $0x1  }
0x31: {  	vm13 =	vne.s32 v1, $0x0;
	_ =	sdelay $0x5  }
0x32: {  	[tilespmem:v2+s2+$0x0] =	vst.idx.add.f32.msk vm13, v1  }
0x33: {  	v1 =	vld [tilespmem:s26+$0x10060];
	_ =	sdelay $0x2  }
0x34: {  	v2 =	vld [tilespmem:s26+$0x10020];
	_ =	sdelay $0x1  }
0x35: {  	vm14 =	vne.s32 v1, $0x0;
	_ =	sdelay $0x5  }
0x36: {  	[tilespmem:v2+s2+$0x0] =	vst.idx.add.f32.msk vm14, v1  }
0x37: {  	v1 =	vld [tilespmem:s26+$0x10070];
	_ =	sdelay $0x2  }
0x38: {  	v2 =	vld [tilespmem:s26+$0x10030];
	_ =	sdelay $0x1  }
0x39: {  	vm15 =	vne.s32 v1, $0x0  }
0x3a: {  	p0 =	sne.s32 s25, $0xFE00  }
.Ltmp1:
0x3b: {  	_ = 	snop;
	(pc) =	sbr.rel @p0 .LBB2_4-.Ltmp1, $2  }
0x3c: {  	_ =	sdelay $0x2  }
0x3d: {  	s25 =	sadd.s32 $0x200, s25;
	[tilespmem:v2+s2+$0x0] =	vst.idx.add.f32.msk vm15, v1  }
0x3e: {  	_ =	swait.ge [sflag:s22], $0x4000  }
0x3f: {  	[sflag:s22] =	ssyncset.done $0x0  }
0x40: {  	s25 =	simm.s32 $0x0;
	[sflag:s22] =	ssyncadd.s32 $0xFFFFC000  }
.LBB2_6:
0x41: {  	s26 =	sshra.s32 s25, $0x2  }
0x42: {  	v1 =	vld [tilespmem:s26+$0x14040];
	_ =	sdelay $0x2  }
0x43: {  	v2 =	vld [tilespmem:s26+$0x14000];
	_ =	sdelay $0x1  }
0x44: {  	vm0 =	vne.s32 v1, $0x0;
	_ =	sdelay $0x5  }
0x45: {  	[tilespmem:v2+s2+$0x0] =	vst.idx.add.f32.msk vm0, v1  }
0x46: {  	v1 =	vld [tilespmem:s26+$0x14050];
	_ =	sdelay $0x2  }
0x47: {  	v2 =	vld [tilespmem:s26+$0x14010];
	_ =	sdelay $0x1  }
0x48: {  	vm13 =	vne.s32 v1, $0x0;
	_ =	sdelay $0x5  }
0x49: {  	[tilespmem:v2+s2+$0x0] =	vst.idx.add.f32.msk vm13, v1  }
0x4a: {  	v1 =	vld [tilespmem:s26+$0x14060];
	_ =	sdelay $0x2  }
0x4b: {  	v2 =	vld [tilespmem:s26+$0x14020];
	_ =	sdelay $0x1  }
0x4c: {  	vm14 =	vne.s32 v1, $0x0;
	_ =	sdelay $0x5  }
0x4d: {  	[tilespmem:v2+s2+$0x0] =	vst.idx.add.f32.msk vm14, v1  }
0x4e: {  	v1 =	vld [tilespmem:s26+$0x14070];
	_ =	sdelay $0x2  }
0x4f: {  	v2 =	vld [tilespmem:s26+$0x14030];
	_ =	sdelay $0x1  }
0x50: {  	vm15 =	vne.s32 v1, $0x0  }
0x51: {  	p0 =	sne.s32 s25, $0xFE00  }
.Ltmp2:
0x52: {  	_ = 	snop;
	(pc) =	sbr.rel @p0 .LBB2_6-.Ltmp2, $2  }
0x53: {  	_ =	sdelay $0x2  }
0x54: {  	s25 =	sadd.s32 $0x200, s25;
	[tilespmem:v2+s2+$0x0] =	vst.idx.add.f32.msk vm15, v1  }
0x55: {  	[hbm4b:s5+s2] =	stream.linear.scatter [tilespmem:s2], [sflag:$0x3], $0x10000, $0x38;
	[tilespmem:$0x18000] =	vst v63  }
0x56: {  	_ =	swait.ge [sflag:s23], $0x10000  }
0x57: {  	[sflag:s23] =	ssyncset.done $0x0  }
0x58: {  	[sflag:s23] =	ssyncadd.s32 $0xFFFF0000  }
0x59: {  	[tilespmem:s19], [sflag:$0x1] =	stream.linear.gather [hbm4b:s6+s2], $0x4000, $0x38;
	[tilespmem:$0x18000] =	vst v63  }
0x5a: {  	s25 =	simm.s32 $0x40  }
0x5b: {  	[tilespmem:s20], [sflag:$0x2] =	stream.linear.gather [hbm4b:s7+s2], $0x4000, $0x38;
	[tilespmem:$0x18000] =	vst v63  }
0x5c: {  	[tilespmem:s25+$0xFFFFFFC0] =	vst v0  }
0x5d: {  	[tilespmem:s25+$0x30] =	vst v0  }
0x5e: {  	[tilespmem:s25+$0x20] =	vst v0  }
0x5f: {  	[tilespmem:s25+$0x10] =	vst v0  }
0x60: {  	[tilespmem:s25+$0x0] =	vst v0  }
0x61: {  	[tilespmem:s25+$0xFFFFFFF0] =	vst v0  }
0x62: {  	s26 =	simm.s32 $0x0;
	[tilespmem:s25+$0xFFFFFFE0] =	vst v0  }
.LBB2_8:
0x63: {  	s26 =	sadd.s32 $0x8, s26;
	[tilespmem:s25+$0xFFFFFFD0] =	vst v0;
	s25 =	sadd.s32 $0x80, s25  }
0x64: {  	[tilespmem:s25+$0xFFFFFFC0] =	vst v0;
	p0 =	slt.u32 s26, $0xFF8  }
0x65: {  	[tilespmem:s25+$0x30] =	vst v0  }
.Ltmp3:
0x66: {  	[tilespmem:s25+$0x20] =	vst v0;
	(pc) =	sbr.rel @p0 .LBB2_8-.Ltmp3, $4  }
0x67: {  	[tilespmem:s25+$0x10] =	vst v0  }
0x68: {  	[tilespmem:s25+$0x0] =	vst v0  }
0x69: {  	[tilespmem:s25+$0xFFFFFFF0] =	vst v0  }
0x6a: {  	[tilespmem:s25+$0xFFFFFFE0] =	vst v0  }
0x6b: {  	[tilespmem:s25+$0xFFFFFFD0] =	vst v0  }
0x6c: {  	_ =	swait.ge [sflag:s21], $0x4000  }
0x6d: {  	[sflag:s21] =	ssyncset.done $0x0  }
0x6e: {  	s25 =	simm.s32 $0x0;
	[sflag:s21] =	ssyncadd.s32 $0xFFFFC000  }
.LBB2_10:
0x6f: {  	s26 =	sshra.s32 s25, $0x2  }
0x70: {  	v1 =	vld [tilespmem:s26+$0x10040];
	_ =	sdelay $0x2  }
0x71: {  	v2 =	vld [tilespmem:s26+$0x10000];
	_ =	sdelay $0x1  }
0x72: {  	vm0 =	vne.s32 v1, $0x0;
	_ =	sdelay $0x5  }
0x73: {  	[tilespmem:v2+s2+$0x0] =	vst.idx.add.f32.msk vm0, v1  }
0x74: {  	v1 =	vld [tilespmem:s26+$0x10050];
	_ =	sdelay $0x2  }
0x75: {  	v2 =	vld [tilespmem:s26+$0x10010];
	_ =	sdelay $0x1  }
0x76: {  	vm13 =	vne.s32 v1, $0x0;
	_ =	sdelay $0x5  }
0x77: {  	[tilespmem:v2+s2+$0x0] =	vst.idx.add.f32.msk vm13, v1  }
0x78: {  	v1 =	vld [tilespmem:s26+$0x10060];
	_ =	sdelay $0x2  }
0x79: {  	v2 =	vld [tilespmem:s26+$0x10020];
	_ =	sdelay $0x1  }
0x7a: {  	vm14 =	vne.s32 v1, $0x0;
	_ =	sdelay $0x5  }
0x7b: {  	[tilespmem:v2+s2+$0x0] =	vst.idx.add.f32.msk vm14, v1  }
0x7c: {  	v1 =	vld [tilespmem:s26+$0x10070];
	_ =	sdelay $0x2  }
0x7d: {  	v2 =	vld [tilespmem:s26+$0x10030];
	_ =	sdelay $0x1  }
0x7e: {  	vm15 =	vne.s32 v1, $0x0  }
0x7f: {  	p0 =	sne.s32 s25, $0xFE00  }
.Ltmp4:
0x80: {  	_ = 	snop;
	(pc) =	sbr.rel @p0 .LBB2_10-.Ltmp4, $2  }
0x81: {  	_ =	sdelay $0x2  }
0x82: {  	s25 =	sadd.s32 $0x200, s25;
	[tilespmem:v2+s2+$0x0] =	vst.idx.add.f32.msk vm15, v1  }
0x83: {  	_ =	swait.ge [sflag:s22], $0x4000  }
0x84: {  	[sflag:s22] =	ssyncset.done $0x0  }
0x85: {  	s25 =	simm.s32 $0x0;
	[sflag:s22] =	ssyncadd.s32 $0xFFFFC000  }
.LBB2_12:
0x86: {  	s26 =	sshra.s32 s25, $0x2  }
0x87: {  	v1 =	vld [tilespmem:s26+$0x14040];
	_ =	sdelay $0x2  }
0x88: {  	v2 =	vld [tilespmem:s26+$0x14000];
	_ =	sdelay $0x1  }
0x89: {  	vm0 =	vne.s32 v1, $0x0;
	_ =	sdelay $0x5  }
0x8a: {  	[tilespmem:v2+s2+$0x0] =	vst.idx.add.f32.msk vm0, v1  }
0x8b: {  	v1 =	vld [tilespmem:s26+$0x14050];
	_ =	sdelay $0x2  }
0x8c: {  	v2 =	vld [tilespmem:s26+$0x14010];
	_ =	sdelay $0x1  }
0x8d: {  	vm13 =	vne.s32 v1, $0x0;
	_ =	sdelay $0x5  }
0x8e: {  	[tilespmem:v2+s2+$0x0] =	vst.idx.add.f32.msk vm13, v1  }
0x8f: {  	v1 =	vld [tilespmem:s26+$0x14060];
	_ =	sdelay $0x2  }
0x90: {  	v2 =	vld [tilespmem:s26+$0x14020];
	_ =	sdelay $0x1  }
0x91: {  	vm14 =	vne.s32 v1, $0x0;
	_ =	sdelay $0x5  }
0x92: {  	[tilespmem:v2+s2+$0x0] =	vst.idx.add.f32.msk vm14, v1  }
0x93: {  	v1 =	vld [tilespmem:s26+$0x14070];
	_ =	sdelay $0x2  }
0x94: {  	v2 =	vld [tilespmem:s26+$0x14030];
	_ =	sdelay $0x1  }
0x95: {  	vm15 =	vne.s32 v1, $0x0  }
0x96: {  	p0 =	sne.s32 s25, $0xFE00  }
.Ltmp5:
0x97: {  	_ = 	snop;
	(pc) =	sbr.rel @p0 .LBB2_12-.Ltmp5, $2  }
0x98: {  	_ =	sdelay $0x2  }
0x99: {  	s25 =	sadd.s32 $0x200, s25;
	[tilespmem:v2+s2+$0x0] =	vst.idx.add.f32.msk vm15, v1  }
0x9a: {  	[hbm4b:s8+s2] =	stream.linear.scatter [tilespmem:s2], [sflag:$0x3], $0x10000, $0x38;
	[tilespmem:$0x18000] =	vst v63  }
0x9b: {  	_ =	swait.ge [sflag:s23], $0x10000  }
0x9c: {  	[sflag:s23] =	ssyncset.done $0x0  }
0x9d: {  	[sflag:s23] =	ssyncadd.s32 $0xFFFF0000  }
0x9e: {  	[tilespmem:s19], [sflag:$0x1] =	stream.linear.gather [hbm4b:s9+s2], $0x4000, $0x38;
	[tilespmem:$0x18000] =	vst v63  }
0x9f: {  	s25 =	simm.s32 $0x40  }
0xa0: {  	[tilespmem:s20], [sflag:$0x2] =	stream.linear.gather [hbm4b:s10+s2], $0x4000, $0x38;
	[tilespmem:$0x18000] =	vst v63  }
0xa1: {  	[tilespmem:s25+$0xFFFFFFC0] =	vst v0  }
0xa2: {  	[tilespmem:s25+$0x30] =	vst v0  }
0xa3: {  	[tilespmem:s25+$0x20] =	vst v0  }
0xa4: {  	[tilespmem:s25+$0x10] =	vst v0  }
0xa5: {  	[tilespmem:s25+$0x0] =	vst v0  }
0xa6: {  	[tilespmem:s25+$0xFFFFFFF0] =	vst v0  }
0xa7: {  	s26 =	simm.s32 $0x0;
	[tilespmem:s25+$0xFFFFFFE0] =	vst v0  }
.LBB2_14:
0xa8: {  	s26 =	sadd.s32 $0x8, s26;
	[tilespmem:s25+$0xFFFFFFD0] =	vst v0;
	s25 =	sadd.s32 $0x80, s25  }
0xa9: {  	[tilespmem:s25+$0xFFFFFFC0] =	vst v0;
	p0 =	slt.u32 s26, $0xFF8  }
0xaa: {  	[tilespmem:s25+$0x30] =	vst v0  }
.Ltmp6:
0xab: {  	[tilespmem:s25+$0x20] =	vst v0;
	(pc) =	sbr.rel @p0 .LBB2_14-.Ltmp6, $4  }
0xac: {  	[tilespmem:s25+$0x10] =	vst v0  }
0xad: {  	[tilespmem:s25+$0x0] =	vst v0  }
0xae: {  	[tilespmem:s25+$0xFFFFFFF0] =	vst v0  }
0xaf: {  	[tilespmem:s25+$0xFFFFFFE0] =	vst v0  }
0xb0: {  	[tilespmem:s25+$0xFFFFFFD0] =	vst v0  }
0xb1: {  	_ =	swait.ge [sflag:s21], $0x4000  }
0xb2: {  	[sflag:s21] =	ssyncset.done $0x0  }
0xb3: {  	s25 =	simm.s32 $0x0;
	[sflag:s21] =	ssyncadd.s32 $0xFFFFC000  }
.LBB2_16:
0xb4: {  	s26 =	sshra.s32 s25, $0x2  }
0xb5: {  	v1 =	vld [tilespmem:s26+$0x10040];
	_ =	sdelay $0x2  }
0xb6: {  	v2 =	vld [tilespmem:s26+$0x10000];
	_ =	sdelay $0x1  }
0xb7: {  	vm0 =	vne.s32 v1, $0x0;
	_ =	sdelay $0x5  }
0xb8: {  	[tilespmem:v2+s2+$0x0] =	vst.idx.add.f32.msk vm0, v1  }
0xb9: {  	v1 =	vld [tilespmem:s26+$0x10050];
	_ =	sdelay $0x2  }
0xba: {  	v2 =	vld [tilespmem:s26+$0x10010];
	_ =	sdelay $0x1  }
0xbb: {  	vm13 =	vne.s32 v1, $0x0;
	_ =	sdelay $0x5  }
0xbc: {  	[tilespmem:v2+s2+$0x0] =	vst.idx.add.f32.msk vm13, v1  }
0xbd: {  	v1 =	vld [tilespmem:s26+$0x10060];
	_ =	sdelay $0x2  }
0xbe: {  	v2 =	vld [tilespmem:s26+$0x10020];
	_ =	sdelay $0x1  }
0xbf: {  	vm14 =	vne.s32 v1, $0x0;
	_ =	sdelay $0x5  }
0xc0: {  	[tilespmem:v2+s2+$0x0] =	vst.idx.add.f32.msk vm14, v1  }
0xc1: {  	v1 =	vld [tilespmem:s26+$0x10070];
	_ =	sdelay $0x2  }
0xc2: {  	v2 =	vld [tilespmem:s26+$0x10030];
	_ =	sdelay $0x1  }
0xc3: {  	vm15 =	vne.s32 v1, $0x0  }
0xc4: {  	p0 =	sne.s32 s25, $0xFE00  }
.Ltmp7:
0xc5: {  	_ = 	snop;
	(pc) =	sbr.rel @p0 .LBB2_16-.Ltmp7, $2  }
0xc6: {  	_ =	sdelay $0x2  }
0xc7: {  	s25 =	sadd.s32 $0x200, s25;
	[tilespmem:v2+s2+$0x0] =	vst.idx.add.f32.msk vm15, v1  }
0xc8: {  	_ =	swait.ge [sflag:s22], $0x4000  }
0xc9: {  	[sflag:s22] =	ssyncset.done $0x0  }
0xca: {  	s25 =	simm.s32 $0x0;
	[sflag:s22] =	ssyncadd.s32 $0xFFFFC000  }
.LBB2_18:
0xcb: {  	s26 =	sshra.s32 s25, $0x2  }
0xcc: {  	v1 =	vld [tilespmem:s26+$0x14040];
	_ =	sdelay $0x2  }
0xcd: {  	v2 =	vld [tilespmem:s26+$0x14000];
	_ =	sdelay $0x1  }
0xce: {  	vm0 =	vne.s32 v1, $0x0;
	_ =	sdelay $0x5  }
0xcf: {  	[tilespmem:v2+s2+$0x0] =	vst.idx.add.f32.msk vm0, v1  }
0xd0: {  	v1 =	vld [tilespmem:s26+$0x14050];
	_ =	sdelay $0x2  }
0xd1: {  	v2 =	vld [tilespmem:s26+$0x14010];
	_ =	sdelay $0x1  }
0xd2: {  	vm13 =	vne.s32 v1, $0x0;
	_ =	sdelay $0x5  }
0xd3: {  	[tilespmem:v2+s2+$0x0] =	vst.idx.add.f32.msk vm13, v1  }
0xd4: {  	v1 =	vld [tilespmem:s26+$0x14060];
	_ =	sdelay $0x2  }
0xd5: {  	v2 =	vld [tilespmem:s26+$0x14020];
	_ =	sdelay $0x1  }
0xd6: {  	vm14 =	vne.s32 v1, $0x0;
	_ =	sdelay $0x5  }
0xd7: {  	[tilespmem:v2+s2+$0x0] =	vst.idx.add.f32.msk vm14, v1  }
0xd8: {  	v1 =	vld [tilespmem:s26+$0x14070];
	_ =	sdelay $0x2  }
0xd9: {  	v2 =	vld [tilespmem:s26+$0x14030];
	_ =	sdelay $0x1  }
0xda: {  	vm15 =	vne.s32 v1, $0x0  }
0xdb: {  	p0 =	sne.s32 s25, $0xFE00  }
.Ltmp8:
0xdc: {  	_ = 	snop;
	(pc) =	sbr.rel @p0 .LBB2_18-.Ltmp8, $2  }
0xdd: {  	_ =	sdelay $0x2  }
0xde: {  	s25 =	sadd.s32 $0x200, s25;
	[tilespmem:v2+s2+$0x0] =	vst.idx.add.f32.msk vm15, v1  }
0xdf: {  	[hbm4b:s11+s2] =	stream.linear.scatter [tilespmem:s2], [sflag:$0x3], $0x10000, $0x38;
	[tilespmem:$0x18000] =	vst v63  }
0xe0: {  	_ =	swait.ge [sflag:s23], $0x10000  }
0xe1: {  	[sflag:s23] =	ssyncset.done $0x0  }
0xe2: {  	[sflag:s23] =	ssyncadd.s32 $0xFFFF0000  }
0xe3: {  	[tilespmem:s19], [sflag:$0x1] =	stream.linear.gather [hbm4b:s12+s2], $0x4000, $0x38;
	[tilespmem:$0x18000] =	vst v63  }
0xe4: {  	s25 =	simm.s32 $0x40  }
0xe5: {  	[tilespmem:s20], [sflag:$0x2] =	stream.linear.gather [hbm4b:s13+s2], $0x4000, $0x38;
	[tilespmem:$0x18000] =	vst v63  }
0xe6: {  	[tilespmem:s25+$0xFFFFFFC0] =	vst v0  }
0xe7: {  	[tilespmem:s25+$0x30] =	vst v0  }
0xe8: {  	[tilespmem:s25+$0x20] =	vst v0  }
0xe9: {  	[tilespmem:s25+$0x10] =	vst v0  }
0xea: {  	[tilespmem:s25+$0x0] =	vst v0  }
0xeb: {  	[tilespmem:s25+$0xFFFFFFF0] =	vst v0  }
0xec: {  	s26 =	simm.s32 $0x0;
	[tilespmem:s25+$0xFFFFFFE0] =	vst v0  }
.LBB2_20:
0xed: {  	s26 =	sadd.s32 $0x8, s26;
	[tilespmem:s25+$0xFFFFFFD0] =	vst v0;
	s25 =	sadd.s32 $0x80, s25  }
0xee: {  	[tilespmem:s25+$0xFFFFFFC0] =	vst v0;
	p0 =	slt.u32 s26, $0xFF8  }
0xef: {  	[tilespmem:s25+$0x30] =	vst v0  }
.Ltmp9:
0xf0: {  	[tilespmem:s25+$0x20] =	vst v0;
	(pc) =	sbr.rel @p0 .LBB2_20-.Ltmp9, $4  }
0xf1: {  	[tilespmem:s25+$0x10] =	vst v0  }
0xf2: {  	[tilespmem:s25+$0x0] =	vst v0  }
0xf3: {  	[tilespmem:s25+$0xFFFFFFF0] =	vst v0  }
0xf4: {  	[tilespmem:s25+$0xFFFFFFE0] =	vst v0  }
0xf5: {  	[tilespmem:s25+$0xFFFFFFD0] =	vst v0  }
0xf6: {  	_ =	swait.ge [sflag:s21], $0x4000  }
0xf7: {  	[sflag:s21] =	ssyncset.done $0x0  }
0xf8: {  	s25 =	simm.s32 $0x0;
	[sflag:s21] =	ssyncadd.s32 $0xFFFFC000  }
.LBB2_22:
0xf9: {  	s26 =	sshra.s32 s25, $0x2  }
0xfa: {  	v1 =	vld [tilespmem:s26+$0x10040];
	_ =	sdelay $0x2  }
0xfb: {  	v2 =	vld [tilespmem:s26+$0x10000];
	_ =	sdelay $0x1  }
0xfc: {  	vm0 =	vne.s32 v1, $0x0;
	_ =	sdelay $0x5  }
0xfd: {  	[tilespmem:v2+s2+$0x0] =	vst.idx.add.f32.msk vm0, v1  }
0xfe: {  	v1 =	vld [tilespmem:s26+$0x10050];
	_ =	sdelay $0x2  }
0xff: {  	v2 =	vld [tilespmem:s26+$0x10010];
	_ =	sdelay $0x1  }
0x100: {  	vm13 =	vne.s32 v1, $0x0;
	_ =	sdelay $0x5  }
0x101: {  	[tilespmem:v2+s2+$0x0] =	vst.idx.add.f32.msk vm13, v1  }
0x102: {  	v1 =	vld [tilespmem:s26+$0x10060];
	_ =	sdelay $0x2  }
0x103: {  	v2 =	vld [tilespmem:s26+$0x10020];
	_ =	sdelay $0x1  }
0x104: {  	vm14 =	vne.s32 v1, $0x0;
	_ =	sdelay $0x5  }
0x105: {  	[tilespmem:v2+s2+$0x0] =	vst.idx.add.f32.msk vm14, v1  }
0x106: {  	v1 =	vld [tilespmem:s26+$0x10070];
	_ =	sdelay $0x2  }
0x107: {  	v2 =	vld [tilespmem:s26+$0x10030];
	_ =	sdelay $0x1  }
0x108: {  	vm15 =	vne.s32 v1, $0x0  }
0x109: {  	p0 =	sne.s32 s25, $0xFE00  }
.Ltmp10:
0x10a: {  	_ = 	snop;
	(pc) =	sbr.rel @p0 .LBB2_22-.Ltmp10, $2  }
0x10b: {  	_ =	sdelay $0x2  }
0x10c: {  	s25 =	sadd.s32 $0x200, s25;
	[tilespmem:v2+s2+$0x0] =	vst.idx.add.f32.msk vm15, v1  }
0x10d: {  	_ =	swait.ge [sflag:s22], $0x4000  }
0x10e: {  	[sflag:s22] =	ssyncset.done $0x0  }
0x10f: {  	s25 =	simm.s32 $0x0;
	[sflag:s22] =	ssyncadd.s32 $0xFFFFC000  }
.LBB2_24:
0x110: {  	s26 =	sshra.s32 s25, $0x2  }
0x111: {  	v1 =	vld [tilespmem:s26+$0x14040];
	_ =	sdelay $0x2  }
0x112: {  	v2 =	vld [tilespmem:s26+$0x14000];
	_ =	sdelay $0x1  }
0x113: {  	vm0 =	vne.s32 v1, $0x0;
	_ =	sdelay $0x5  }
0x114: {  	[tilespmem:v2+s2+$0x0] =	vst.idx.add.f32.msk vm0, v1  }
0x115: {  	v1 =	vld [tilespmem:s26+$0x14050];
	_ =	sdelay $0x2  }
0x116: {  	v2 =	vld [tilespmem:s26+$0x14010];
	_ =	sdelay $0x1  }
0x117: {  	vm13 =	vne.s32 v1, $0x0;
	_ =	sdelay $0x5  }
0x118: {  	[tilespmem:v2+s2+$0x0] =	vst.idx.add.f32.msk vm13, v1  }
0x119: {  	v1 =	vld [tilespmem:s26+$0x14060];
	_ =	sdelay $0x2  }
0x11a: {  	v2 =	vld [tilespmem:s26+$0x14020];
	_ =	sdelay $0x1  }
0x11b: {  	vm14 =	vne.s32 v1, $0x0;
	_ =	sdelay $0x5  }
0x11c: {  	[tilespmem:v2+s2+$0x0] =	vst.idx.add.f32.msk vm14, v1  }
0x11d: {  	v1 =	vld [tilespmem:s26+$0x14070];
	_ =	sdelay $0x2  }
0x11e: {  	v2 =	vld [tilespmem:s26+$0x14030];
	_ =	sdelay $0x1  }
0x11f: {  	vm15 =	vne.s32 v1, $0x0  }
0x120: {  	p0 =	sne.s32 s25, $0xFE00  }
.Ltmp11:
0x121: {  	_ = 	snop;
	(pc) =	sbr.rel @p0 .LBB2_24-.Ltmp11, $2  }
0x122: {  	_ =	sdelay $0x2  }
0x123: {  	s25 =	sadd.s32 $0x200, s25;
	[tilespmem:v2+s2+$0x0] =	vst.idx.add.f32.msk vm15, v1  }
0x124: {  	[hbm4b:s14+s2] =	stream.linear.scatter [tilespmem:s2], [sflag:$0x3], $0x10000, $0x38;
	[tilespmem:$0x18000] =	vst v63  }
0x125: {  	_ =	swait.ge [sflag:s23], $0x10000  }
0x126: {  	[sflag:s23] =	ssyncset.done $0x0  }
0x127: {  	[sflag:s23] =	ssyncadd.s32 $0xFFFF0000  }
0x128: {  	[tilespmem:s19], [sflag:$0x1] =	stream.linear.gather [hbm4b:s15+s2], $0x4000, $0x38;
	[tilespmem:$0x18000] =	vst v63  }
0x129: {  	s25 =	simm.s32 $0x40  }
0x12a: {  	[tilespmem:s20], [sflag:$0x2] =	stream.linear.gather [hbm4b:s16+s2], $0x4000, $0x38;
	[tilespmem:$0x18000] =	vst v63  }
0x12b: {  	[tilespmem:s25+$0xFFFFFFC0] =	vst v0  }
0x12c: {  	[tilespmem:s25+$0x30] =	vst v0  }
0x12d: {  	[tilespmem:s25+$0x20] =	vst v0  }
0x12e: {  	[tilespmem:s25+$0x10] =	vst v0  }
0x12f: {  	[tilespmem:s25+$0x0] =	vst v0  }
0x130: {  	[tilespmem:s25+$0xFFFFFFF0] =	vst v0  }
0x131: {  	s26 =	simm.s32 $0x0;
	[tilespmem:s25+$0xFFFFFFE0] =	vst v0  }
.LBB2_26:
0x132: {  	s26 =	sadd.s32 $0x8, s26;
	[tilespmem:s25+$0xFFFFFFD0] =	vst v0;
	s25 =	sadd.s32 $0x80, s25  }
0x133: {  	[tilespmem:s25+$0xFFFFFFC0] =	vst v0;
	p0 =	slt.u32 s26, $0xFF8  }
0x134: {  	[tilespmem:s25+$0x30] =	vst v0  }
.Ltmp12:
0x135: {  	[tilespmem:s25+$0x20] =	vst v0;
	(pc) =	sbr.rel @p0 .LBB2_26-.Ltmp12, $4  }
0x136: {  	[tilespmem:s25+$0x10] =	vst v0  }
0x137: {  	[tilespmem:s25+$0x0] =	vst v0  }
0x138: {  	[tilespmem:s25+$0xFFFFFFF0] =	vst v0  }
0x139: {  	[tilespmem:s25+$0xFFFFFFE0] =	vst v0  }
0x13a: {  	[tilespmem:s25+$0xFFFFFFD0] =	vst v0  }
0x13b: {  	_ =	swait.ge [sflag:s21], $0x4000  }
0x13c: {  	[sflag:s21] =	ssyncset.done $0x0  }
0x13d: {  	s25 =	simm.s32 $0x0;
	[sflag:s21] =	ssyncadd.s32 $0xFFFFC000  }
.LBB2_28:
0x13e: {  	s26 =	sshra.s32 s25, $0x2  }
0x13f: {  	v1 =	vld [tilespmem:s26+$0x10040];
	_ =	sdelay $0x2  }
0x140: {  	v2 =	vld [tilespmem:s26+$0x10000];
	_ =	sdelay $0x1  }
0x141: {  	vm0 =	vne.s32 v1, $0x0;
	_ =	sdelay $0x5  }
0x142: {  	[tilespmem:v2+s2+$0x0] =	vst.idx.add.f32.msk vm0, v1  }
0x143: {  	v1 =	vld [tilespmem:s26+$0x10050];
	_ =	sdelay $0x2  }
0x144: {  	v2 =	vld [tilespmem:s26+$0x10010];
	_ =	sdelay $0x1  }
0x145: {  	vm13 =	vne.s32 v1, $0x0;
	_ =	sdelay $0x5  }
0x146: {  	[tilespmem:v2+s2+$0x0] =	vst.idx.add.f32.msk vm13, v1  }
0x147: {  	v1 =	vld [tilespmem:s26+$0x10060];
	_ =	sdelay $0x2  }
0x148: {  	v2 =	vld [tilespmem:s26+$0x10020];
	_ =	sdelay $0x1  }
0x149: {  	vm14 =	vne.s32 v1, $0x0;
	_ =	sdelay $0x5  }
0x14a: {  	[tilespmem:v2+s2+$0x0] =	vst.idx.add.f32.msk vm14, v1  }
0x14b: {  	v1 =	vld [tilespmem:s26+$0x10070];
	_ =	sdelay $0x2  }
0x14c: {  	v2 =	vld [tilespmem:s26+$0x10030];
	_ =	sdelay $0x1  }
0x14d: {  	vm15 =	vne.s32 v1, $0x0  }
0x14e: {  	p0 =	sne.s32 s25, $0xFE00  }
.Ltmp13:
0x14f: {  	_ = 	snop;
	(pc) =	sbr.rel @p0 .LBB2_28-.Ltmp13, $2  }
0x150: {  	_ =	sdelay $0x2  }
0x151: {  	s25 =	sadd.s32 $0x200, s25;
	[tilespmem:v2+s2+$0x0] =	vst.idx.add.f32.msk vm15, v1  }
0x152: {  	_ =	swait.ge [sflag:s22], $0x4000  }
0x153: {  	[sflag:s22] =	ssyncset.done $0x0  }
0x154: {  	s25 =	simm.s32 $0x0;
	[sflag:s22] =	ssyncadd.s32 $0xFFFFC000  }
.LBB2_30:
0x155: {  	s26 =	sshra.s32 s25, $0x2  }
0x156: {  	v1 =	vld [tilespmem:s26+$0x14040];
	_ =	sdelay $0x2  }
0x157: {  	v2 =	vld [tilespmem:s26+$0x14000];
	_ =	sdelay $0x1  }
0x158: {  	vm0 =	vne.s32 v1, $0x0;
	_ =	sdelay $0x5  }
0x159: {  	[tilespmem:v2+s2+$0x0] =	vst.idx.add.f32.msk vm0, v1  }
0x15a: {  	v1 =	vld [tilespmem:s26+$0x14050];
	_ =	sdelay $0x2  }
0x15b: {  	v2 =	vld [tilespmem:s26+$0x14010];
	_ =	sdelay $0x1  }
0x15c: {  	vm13 =	vne.s32 v1, $0x0;
	_ =	sdelay $0x5  }
0x15d: {  	[tilespmem:v2+s2+$0x0] =	vst.idx.add.f32.msk vm13, v1  }
0x15e: {  	v1 =	vld [tilespmem:s26+$0x14060];
	_ =	sdelay $0x2  }
0x15f: {  	v2 =	vld [tilespmem:s26+$0x14020];
	_ =	sdelay $0x1  }
0x160: {  	vm14 =	vne.s32 v1, $0x0;
	_ =	sdelay $0x5  }
0x161: {  	[tilespmem:v2+s2+$0x0] =	vst.idx.add.f32.msk vm14, v1  }
0x162: {  	v1 =	vld [tilespmem:s26+$0x14070];
	_ =	sdelay $0x2  }
0x163: {  	v2 =	vld [tilespmem:s26+$0x14030];
	_ =	sdelay $0x1  }
0x164: {  	vm15 =	vne.s32 v1, $0x0  }
0x165: {  	p0 =	sne.s32 s25, $0xFE00  }
.Ltmp14:
0x166: {  	_ = 	snop;
	(pc) =	sbr.rel @p0 .LBB2_30-.Ltmp14, $2  }
0x167: {  	_ =	sdelay $0x2  }
0x168: {  	s25 =	sadd.s32 $0x200, s25;
	[tilespmem:v2+s2+$0x0] =	vst.idx.add.f32.msk vm15, v1  }
0x169: {  	s24 =	sadd.s32 $0x1, s24  }
0x16a: {  	p0 =	sne.s32 s24, s18  }
.Ltmp15:
0x16b: {  	_ = 	snop;
	(pc) =	sbr.rel @p0 .LBB2_1-.Ltmp15, $4  }
0x16c: {  	[hbm4b:s17+s2] =	stream.linear.scatter [tilespmem:s2], [sflag:$0x3], $0x10000, $0x38;
	[tilespmem:$0x18000] =	vst v63  }
0x16d: {  	_ =	swait.ge [sflag:s23], $0x10000  }
0x16e: {  	[sflag:s23] =	ssyncset.done $0x0  }
0x16f: {  	[sflag:s23] =	ssyncadd.s32 $0xFFFF0000  }
0x170: {  	_ =	sfence.sel $0x180000  }
0x171: {  	[bflag:$0x0] =	sbarrier.arrive $0xFFFF  }
0x172: {  	p0 =	sne.s32 s1, $0x0;
	_ =	strace $0x9000004A  }
0x173: {  	s0 =	sadd.s32 @!p0 $0x100000, s0;
	[bflag:$0x2] =	sbarrier.arrive $0xFFFF  }
0x174: {  	[sflag:s0] =	ssyncadd.tile.s32 @!p0 $0x1;
	_ =	shalt  }
.Lfunc_end2:
_tile_overlayer_lowered:
.L_overlay_start_2:
0x175: {  	(tag) =	ssettag $0x2  }
0x176: {  	s0 =	rddreg [dreg:$0x0];
	s2 =	stileid.u32  }
0x177: {  	s1 =	rddreg [dreg:$0x1];
	p0 =	sne.s32 s2, $0x0  }
0x178: {  	s3 =	rddreg [dreg:$0x2];
	[bflag:$0x3] =	sbarrier.arrive $0xFFFF;
	s2 =	simm.s32 @!p0 $0x1C03  }
0x179: {  	[timem:s3], [sflag:s2] =	dma.local @!p0 [hbm:s0], s1  }
0x17a: {  	s0 =	simm.s32 @!p0 $0x3  }
0x17b: {  	_ =	swait.ge @!p0 [sflag:s0], s1  }
0x17c: {  	s1 =	ssub.s32 @!p0 $0x0, s1;
	[sflag:s0] =	ssyncset.done @!p0 $0x0  }
0x17d: {  	[sflag:s0] =	ssyncadd.s32 @!p0 s1  }
0x17e: {  	[bflag:$0x3] =	sbarrier.arrive $0xFFFF  }
0x17f: {  	_ =	shalt  }

// kernel: kernel.13.cloned.1.call-start
scs
__scs_entry_jumppad:
0x0: {  	(pc) =	sbr.rel $0x88, $3  }
0x1: {  	(tag) =	ssettag $0x0;
	lr =	simm.s32 $0x1  }
0x2: {  	[smem:$0x3F98] =	sst lr;
	_ =	strace $0xD0000000  }
0x3: {  	_ = 	snop  }
0x4: {  	_ = 	snop  }
0x5: {  	_ = 	snop  }
0x6: {  	_ = 	snop  }
0x7: {  	_ = 	snop  }
__scs_overlays_trampoline_lowered:
0x8: {  	[smem:$0x3FA7] =	sst s0  }
0x9: {  	[smem:$0x3FA8] =	sst s1  }
0xa: {  	[smem:$0x3FA9] =	sst s2  }
0xb: {  	[smem:$0x3FAA] =	sst s3  }
0xc: {  	[smem:$0x3FAB] =	sst s4  }
0xd: {  	[smem:$0x3FAC] =	sst s5  }
0xe: {  	[smem:$0x3FAD] =	sst s6  }
0xf: {  	[smem:$0x3FAE] =	sst s7  }
0x10: {  	[smem:$0x3FAF] =	sst s8  }
0x11: {  	[smem:$0x3FB0] =	sst s9;
	s0 =	simm.s32 @!p0 $0x0  }
0x12: {  	s1 =	sld [smem:$0x3F96];
	s0 =	simm.s32 @p0 $0x1  }
0x13: {  	[smem:$0x3FB1] =	sst s0;
	s0 =	simm.s32 @!p1 $0x0  }
0x14: {  	s2 =	sld [smem:$0x3F95];
	s0 =	simm.s32 @p1 $0x1  }
0x15: {  	[smem:$0x3FB2] =	sst s0;
	s0 =	simm.s32 @!p2 $0x0  }
0x16: {  	s3 =	sld [smem:$0x3FDB];
	s0 =	simm.s32 @p2 $0x1  }
0x17: {  	s4 =	simm.s32 $0x1BF5;
	[smem:$0x3FB4] =	sst s0  }
0x18: {  	s0 =	sld [smem:$0x3F97];
	_ =	swait.ge [sflag:s4], $0x0  }
0x19: {  	s7 =	sld [smem:$0x3F98]  }
0x1a: {  	s8 =	sadd.s32 $0xFFFFE003, lr  }
0x1b: {  	s9 =	sadd.s32 $0xFFFFFEF7, lr;
	s5 =	simm.s32 $0xFFFFFFFF;
	p2 =	slt.u32 s8, $0xFFFFF086  }
0x1c: {  	p1 =	slt.u32 s9, $0xF7A;
	s5 =	simm.s32 @!p2 $0x0  }
0x1d: {  	s5 =	simm.s32 @p1 $0x1;
	p0 =	seq.s32 s7, s2  }
0x1e: {  	s7 =	smul.u32 @!p0 $0xF7A, s2;
	p2 =	seq.s32 @!p0 s5, $0x0  }
0x1f: {  	s9 =	smul.u32 $0xF7A, s1;
	s8 =	simm.s32 @!p0 $0x1BF5;
	p2 =	por !p2, p0  }
0x20: {  	[sflag:s8] =	ssyncset.s32 @!p0 $0xFFFFF086;
	s6 =	sadd.s32 @!p0 s3, s7;
	s7 =	simm.s32 @!p0 $0x108  }
0x21: {  	s3 =	sadd.s32 s3, s9;
	s6 =	sadd.s32 @!p0 $0x88, s6;
	s7 =	simm.s32 @p2 $0x1082  }
0x22: {  	[simem:s7], [sflag:s8] =	dma.local @!p0 [hbm:s6], $0xF7A  }
0x23: {  	s9 =	sor.u32 $0xD0000000, s2;
	s6 =	simm.s32 $0x108;
	_ =	swait.ge @!p0 [sflag:s8], $0x0  }
0x24: {  	s3 =	sadd.s32 $0x88, s3;
	s6 =	simm.s32 @!p1 $0x1082;
	[sflag:s4] =	ssyncset.s32 $0xFFFFF086  }
0x25: {  	[simem:s6], [sflag:s4] =	dma.local [hbm:s3], $0xF7A  }
0x26: {  	[smem:$0x3F98] =	sst s1;
	(tag) =	ssettag s2;
	_ =	strace s9  }
0x27: {  	s1 =	sld [smem:$0x3FA8]  }
0x28: {  	s2 =	sld [smem:$0x3FA9]  }
0x29: {  	s4 =	sld [smem:$0x3FAB]  }
0x2a: {  	p0 =	seq.s32 s5, $0x0;
	s5 =	sld [smem:$0x3FAC]  }
0x2b: {  	s6 =	sld [smem:$0x3FAD]  }
0x2c: {  	s7 =	sld [smem:$0x3FAE]  }
0x2d: {  	s3 =	simm.s32 $0x108;
	s8 =	sld [smem:$0x3FAF]  }
0x2e: {  	s3 =	simm.s32 @!p0 $0x1082;
	s9 =	sld [smem:$0x3FB0]  }
0x2f: {  	lr =	sadd.s32 s0, s3;
	s0 =	sld [smem:$0x3FA7]  }
0x30: {  	s3 =	sld [smem:$0x3FAA]  }
0x31: {  	[smem:$0x3FB3] =	sst s10  }
0x32: {  	s10 =	sld [smem:$0x3FB1];
	_ =	sdelay $0x3  }
0x33: {  	p0 =	seq.s32 s10, $0x1;
	s10 =	sld [smem:$0x3FB3];
	_ =	sdelay $0x3  }
0x34: {  	[smem:$0x3FB3] =	sst s10  }
0x35: {  	s10 =	sld [smem:$0x3FB2];
	_ =	sdelay $0x3  }
0x36: {  	p1 =	seq.s32 s10, $0x1;
	s10 =	sld [smem:$0x3FB3];
	_ =	sdelay $0x3  }
0x37: {  	[smem:$0x3FB3] =	sst s10  }
0x38: {  	s10 =	sld [smem:$0x3FB4]  }
0x39: {  	_ = 	snop;
	(pc) =	sbr.ind lr, $3  }
0x3a: {  	_ = 	snop  }
0x3b: {  	_ = 	snop  }
0x3c: {  	p2 =	seq.s32 s10, $0x1;
	s10 =	sld [smem:$0x3FB3]  }
0x3d: {  	_ =	shalt  }
0x3e: {  	_ =	shalt  }
0x3f: {  	_ =	shalt  }
0x40: {  	_ =	shalt  }
0x41: {  	_ =	shalt  }
0x42: {  	_ =	shalt  }
0x43: {  	_ =	shalt  }
0x44: {  	_ =	shalt  }
0x45: {  	_ =	shalt  }
0x46: {  	_ =	shalt  }
0x47: {  	_ =	shalt  }
0x48: {  	_ =	shalt  }
0x49: {  	_ =	shalt  }
0x4a: {  	_ =	shalt  }
0x4b: {  	_ =	shalt  }
0x4c: {  	_ =	shalt  }
0x4d: {  	_ =	shalt  }
0x4e: {  	_ =	shalt  }
0x4f: {  	_ =	shalt  }
0x50: {  	_ =	shalt  }
0x51: {  	_ =	shalt  }
0x52: {  	_ =	shalt  }
0x53: {  	_ =	shalt  }
0x54: {  	_ =	shalt  }
0x55: {  	_ =	shalt  }
0x56: {  	_ =	shalt  }
0x57: {  	_ =	shalt  }
0x58: {  	_ =	shalt  }
0x59: {  	_ =	shalt  }
0x5a: {  	_ =	shalt  }
0x5b: {  	_ =	shalt  }
0x5c: {  	_ =	shalt  }
0x5d: {  	_ =	shalt  }
0x5e: {  	_ =	shalt  }
0x5f: {  	_ =	shalt  }
0x60: {  	_ =	shalt  }
0x61: {  	_ =	shalt  }
0x62: {  	_ =	shalt  }
0x63: {  	_ =	shalt  }
0x64: {  	_ =	shalt  }
0x65: {  	_ =	shalt  }
0x66: {  	_ =	shalt  }
0x67: {  	_ =	shalt  }
0x68: {  	_ =	shalt  }
0x69: {  	_ =	shalt  }
0x6a: {  	_ =	shalt  }
0x6b: {  	_ =	shalt  }
0x6c: {  	_ =	shalt  }
0x6d: {  	_ =	shalt  }
0x6e: {  	_ =	shalt  }
0x6f: {  	_ =	shalt  }
0x70: {  	_ =	shalt  }
0x71: {  	_ =	shalt  }
0x72: {  	_ =	shalt  }
0x73: {  	_ =	shalt  }
0x74: {  	_ =	shalt  }
0x75: {  	_ =	shalt  }
0x76: {  	_ =	shalt  }
0x77: {  	_ =	shalt  }
0x78: {  	_ =	shalt  }
0x79: {  	_ =	shalt  }
0x7a: {  	_ =	shalt  }
0x7b: {  	_ =	shalt  }
0x7c: {  	_ =	shalt  }
0x7d: {  	_ =	shalt  }
0x7e: {  	_ =	shalt  }
0x7f: {  	_ =	shalt  }
0x80: {  	_ =	shalt  }
0x81: {  	_ =	shalt  }
0x82: {  	_ =	shalt  }
0x83: {  	_ =	shalt  }
0x84: {  	_ =	shalt  }
0x85: {  	_ =	shalt  }
0x86: {  	_ =	shalt  }
0x87: {  	_ =	shalt  }
.Lfunc_end0:
.L_simem_size_0:
called_computation.2_lowered:
.L_overlay_start_0:
0x88: {  	s2 =	sld [smem:$0x3FD9]  }
0x89: {  	s3 =	sld [smem:$0x3FFE];
	_ =	sdelay $0x1  }
0x8a: {  	s1 =	srdreg.scid  }
0x8b: {  	s0 =	sand.u32 $0x1, s1  }
0x8c: {  	s17 =	sshll.u32 s0, $0xA;
	s2 =	sadd.s32 s3, s2  }
0x8d: {  	s2 =	sadd.s32 s2, s17  }
0x8e: {  	[smem:$0x3FBF] =	sst s2  }
0x8f: {  	_ = 	snop  }
0x90: {  	(tm) =	ssettm $0x1  }
0x91: {  	s18 =	sld [smem:$0x3FFB];
	_ =	sdelay $0x3  }
0x92: {  	_ =	strace s18  }
0x93: {  	s2 =	sld [smem:$0x3FFC];
	_ =	sdelay $0x3  }
0x94: {  	_ =	strace s2  }
0x95: {  	s2 =	sld [smem:$0x3FFD];
	_ =	sdelay $0x3  }
0x96: {  	_ =	strace s2  }
0x97: {  	_ =	strace $0x8FFFFFFF  }
0x98: {  	s19 =	sld [smem:$0x3FDB];
	_ =	sdelay $0x1  }
0x99: {  	s20 =	simm.s32 $_scs_section_size  }
0x9a: {  	s4 =	simm.s32 $_size__tile_overlayer_lowered;
	s5 =	simm.s32 $_tile_overlayer_lowered  }
0x9b: {  	s6 =	simm.s32 $0x1BFF;
	s21 =	sshll.u32 s5, $0x1;
	s3 =	sadd.s32 s20, s19  }
0x9c: {  	s22 =	simm.s32 $0x0;
	s4 =	sshll.u32 s4, $0x1;
	s5 =	sadd.s32 s21, s3  }
0x9d: {  	[timem:s22], [sflag:s6] =	dma.local [hbm:s5], s4  }
0x9e: {  	_ =	swait.ge [sflag:s6], s4  }
0x9f: {  	s4 =	ssub.s32 $0x0, s4;
	[sflag:s6] =	ssyncset.done $0x0  }
0xa0: {  	[sflag:s6] =	ssyncadd.s32 s4;
	_ =	sdelay $0x1  }
0xa1: {  	s23 =	simm.s32 $0x1B8B  }
0xa2: {  	_ =	swait.ge [sflag:s23], $0x1  }
0xa3: {  	[sflag:s23] =	ssyncset.done $0x0  }
0xa4: {  	[sflag:s23] =	ssyncadd.s32 $0xFFFFFFFF  }
0xa5: {  	s4 =	sld [smem:$0x0]  }
0xa6: {  	s5 =	sand.u32 $0xFFFFFFFE, s1  }
0xa7: {  	p0 =	sne.s32 s1, s5  }
0xa8: {  	s5 =	sshll.u32 @p0 s5, $0xE  }
0xa9: {  	s5 =	sadd.s32 @p0 $0x11B8D, s5;
	s6 =	sshll.u32 @p0 s4, $0x11  }
0xaa: {  	s5 =	sor.u32 @p0 s6, s5  }
0xab: {  	[sflag:s5] =	ssyncadd.remote.s32 @p0 $0x1;
	_ =	sdelay $0x1  }
0xac: {  	s5 =	simm.s32 @p0 $0x1B8D  }
0xad: {  	_ =	swait.eq @p0 [sflag:s5], $0x1  }
0xae: {  	[sflag:s5] =	ssyncadd.s32 @p0 $0xFFFFFFFF  }
0xaf: {  	s6 =	sshll.u32 @!p0 s1, $0xE  }
0xb0: {  	s6 =	sor.u32 @!p0 $0x4000, s6;
	s5 =	simm.s32 @!p0 $0x1B8D  }
0xb1: {  	s4 =	sshll.u32 @!p0 s4, $0x11;
	s6 =	sadd.s32 @!p0 $0x11B8D, s6;
	_ =	swait.eq @!p0 [sflag:s5], $0x1  }
0xb2: {  	s4 =	sor.u32 @!p0 s4, s6;
	[sflag:s5] =	ssyncadd.s32 @!p0 $0xFFFFFFFF  }
0xb3: {  	s25 =	simm.s32 $0x1B8E;
	s24 =	sld [smem:$0x3FFE];
	[sflag:s4] =	ssyncadd.remote.s32 @!p0 $0x1  }
0xb4: {  	s26 =	simm.s32 $execute0_lowered;
	[smem:$0x3FD2] =	sst s25  }
0xb5: {  	s5 =	sshll.u32 s26, $0x1;
	_ =	strace $0x8000004C;
	[dreg:$0x1] =	wrdreg $0xFFFFFFFF  }
0xb6: {  	s28 =	simm.s32 $_size_execute0_lowered;
	s3 =	sadd.s32 s3, s5;
	[dreg:$0x0] =	wrdreg $0x0  }
0xb7: {  	s5 =	sshll.u32 s28, $0x1;
	[dreg:$0x2] =	wrdreg s3  }
0xb8: {  	[dreg:$0x3] =	wrdreg s5  }
0xb9: {  	[dreg:$0x4] =	wrdreg $0xC0  }
0xba: {  	_ =	task [dreg:s22], $0x5FFFF  }
0xbb: {  	[dreg:$0x1] =	wrdreg $0xFFFFFFFF  }
0xbc: {  	[dreg:$0x0] =	wrdreg $0x60  }
0xbd: {  	[dreg:$0x2] =	wrdreg s24  }
0xbe: {  	[dreg:$0x3] =	wrdreg $0xA  }
0xbf: {  	_ =	task.clear_ibuf [dreg:s22], $0x4FFFF;
	_ =	strace $0x9000004C  }
0xc0: {  	s29 =	simm.s32 $0xA;
	_ =	strace $0x8000004E  }
0xc1: {  	_ =	swait.ge [sflag:s29], $0x1  }
0xc2: {  	[sflag:s29] =	ssyncadd.s32 $0xFFFFFFFF  }
0xc3: {  	_ =	strace $0x9000004E  }
0xc4: {  	_ =	sfence  }
0xc5: {  	s30 =	sld [smem:$0x0];
	_ =	sdelay $0x2  }
0xc6: {  	s31 =	sshll.u32 s1, $0xD;
	s1 =	sshrl.u32 s1, $0x2  }
0xc7: {  	s4 =	sand.u32 $0x4000, s31;
	s1 =	sadd.s32 s1, s30  }
0xc8: {  	s0 =	sor.u32 s4, s0;
	s1 =	sshll.u32 s1, $0x11  }
0xc9: {  	s0 =	sor.u32 s1, s0  }
0xca: {  	s0 =	sadd.s32 $0x8F2B, s0  }
0xcb: {  	[sflag:s0] =	ssyncadd.remote.s32 $0x1  }
0xcc: {  	_ =	sfence.sel $0xFFFF  }
0xcd: {  	[dreg:$0x0] =	wrdreg $0xFFFFFFFF;
	(pc) =	sbr.abs _section_cstart, $3  }
0xce: {  	[dreg:$0x1] =	wrdreg $0xFFFFFFFF  }
0xcf: {  	_ =	task.clear_ibuf [dreg:s22], $0x2FFFF;
	_ =	strace $0x9FFFFFFF  }
0xd0: {  	(tm) =	ssettm $0x7FFFFFFF  }
0xd1: {  	_ =	shalt  }
tec
execute0_lowered:
.L_overlay_start_1:
0x0: {  	(tag) =	ssettag $0x1  }
0x1: {  	s1 =	srdreg.scid  }
0x2: {  	s0 =	stileid.u32;
	s3 =	rddreg [dreg:$0x0]  }
0x3: {  	s2 =	simm.s32 $0x0;
	s16 =	simm.s32 $0x10000;
	s17 =	simm.s32 $0x14000  }
0x4: {  	s18 =	simm.s32 $0x1;
	s7 =	sand.u32 $0x1, s1;
	s4 =	sshll.u32 s0, $0x1  }
0x5: {  	s19 =	simm.s32 $0x2;
	s1 =	rddreg [dreg:$0x1];
	s4 =	sor.u32 s7, s4  }
0x6: {  	s20 =	simm.s32 $0x3;
	[smem:$0x7FF] =	sst s2;
	s5 =	sshll.u32 s4, $0xE  }
0x7: {  	_ =	strace $0x8000004D;
	s4 =	sshll.u32 s4, $0xF;
	s13 =	sadd.s32 s5, s3  }
0x8: {  	s14 =	sadd.s32 s4, s3;
	s3 =	sadd.s32 $0x122E00, s13;
	s4 =	sadd.s32 $0x123600, s13  }
0x9: {  	s21 =	simm.s32 $0x0;
	s5 =	sadd.s32 $0x2E2E00, s14;
	s6 =	sadd.s32 $0x123E00, s13  }
0xa: {  	s11 =	ssub.s32 $0x2, s7;
	s7 =	sadd.s32 $0x124600, s13;
	s8 =	sadd.s32 $0x2E4E00, s14  }
0xb: {  	s12 =	sshrl.u32 s11, $0x1;
	s9 =	sadd.s32 $0x124E00, s13;
	s10 =	sadd.s32 $0x125600, s13  }
0xc: {  	s15 =	ssub.s32 s11, s12;
	s11 =	sadd.s32 $0x2E6E00, s14;
	s12 =	sadd.s32 $0x125E00, s13  }
0xd: {  	v0 =	vimm.f32 $0.0e+00;
	s13 =	sadd.s32 $0x126600, s13;
	s14 =	sadd.s32 $0x2E8E00, s14;
	s15 =	smax.u32 s15, $0x1  }
.LBB2_1:
0xe: {  	[tilespmem:s16], [sflag:$0x1] =	stream.linear.gather [hbm4b:s3+s2], $0x4000, $0x38;
	[tilespmem:$0x18000] =	vst v63  }
0xf: {  	s22 =	simm.s32 $0x40  }
0x10: {  	[tilespmem:s17], [sflag:$0x2] =	stream.linear.gather [hbm4b:s4+s2], $0x4000, $0x38;
	[tilespmem:$0x18000] =	vst v63  }
0x11: {  	[tilespmem:s22+$0xFFFFFFC0] =	vst v0  }
0x12: {  	[tilespmem:s22+$0x30] =	vst v0  }
0x13: {  	[tilespmem:s22+$0x20] =	vst v0  }
0x14: {  	[tilespmem:s22+$0x10] =	vst v0  }
0x15: {  	[tilespmem:s22+$0x0] =	vst v0  }
0x16: {  	[tilespmem:s22+$0xFFFFFFF0] =	vst v0  }
0x17: {  	s23 =	simm.s32 $0x0;
	[tilespmem:s22+$0xFFFFFFE0] =	vst v0  }
.LBB2_2:
0x18: {  	s23 =	sadd.s32 $0x8, s23;
	[tilespmem:s22+$0xFFFFFFD0] =	vst v0;
	s22 =	sadd.s32 $0x80, s22  }
0x19: {  	[tilespmem:s22+$0xFFFFFFC0] =	vst v0;
	p0 =	slt.u32 s23, $0xFF8  }
0x1a: {  	[tilespmem:s22+$0x30] =	vst v0  }
.Ltmp0:
0x1b: {  	[tilespmem:s22+$0x20] =	vst v0;
	(pc) =	sbr.rel @p0 .LBB2_2-.Ltmp0, $4  }
0x1c: {  	[tilespmem:s22+$0x10] =	vst v0  }
0x1d: {  	[tilespmem:s22+$0x0] =	vst v0  }
0x1e: {  	[tilespmem:s22+$0xFFFFFFF0] =	vst v0  }
0x1f: {  	[tilespmem:s22+$0xFFFFFFE0] =	vst v0  }
0x20: {  	[tilespmem:s22+$0xFFFFFFD0] =	vst v0  }
0x21: {  	_ =	swait.ge [sflag:s18], $0x4000  }
0x22: {  	[sflag:s18] =	ssyncset.done $0x0  }
0x23: {  	s22 =	simm.s32 $0x0;
	[sflag:s18] =	ssyncadd.s32 $0xFFFFC000  }
.LBB2_4:
0x24: {  	s23 =	sshra.s32 s22, $0x2  }
0x25: {  	v1 =	vld [tilespmem:s23+$0x10040];
	_ =	sdelay $0x2  }
0x26: {  	v2 =	vld [tilespmem:s23+$0x10000];
	_ =	sdelay $0x1  }
0x27: {  	vm0 =	vne.s32 v1, $0x0;
	_ =	sdelay $0x5  }
0x28: {  	[tilespmem:v2+s2+$0x0] =	vst.idx.add.f32.msk vm0, v1  }
0x29: {  	v1 =	vld [tilespmem:s23+$0x10050];
	_ =	sdelay $0x2  }
0x2a: {  	v2 =	vld [tilespmem:s23+$0x10010];
	_ =	sdelay $0x1  }
0x2b: {  	vm13 =	vne.s32 v1, $0x0;
	_ =	sdelay $0x5  }
0x2c: {  	[tilespmem:v2+s2+$0x0] =	vst.idx.add.f32.msk vm13, v1  }
0x2d: {  	v1 =	vld [tilespmem:s23+$0x10060];
	_ =	sdelay $0x2  }
0x2e: {  	v2 =	vld [tilespmem:s23+$0x10020];
	_ =	sdelay $0x1  }
0x2f: {  	vm14 =	vne.s32 v1, $0x0;
	_ =	sdelay $0x5  }
0x30: {  	[tilespmem:v2+s2+$0x0] =	vst.idx.add.f32.msk vm14, v1  }
0x31: {  	v1 =	vld [tilespmem:s23+$0x10070];
	_ =	sdelay $0x2  }
0x32: {  	v2 =	vld [tilespmem:s23+$0x10030];
	_ =	sdelay $0x1  }
0x33: {  	vm15 =	vne.s32 v1, $0x0  }
0x34: {  	p0 =	sne.s32 s22, $0xFE00  }
.Ltmp1:
0x35: {  	_ = 	snop;
	(pc) =	sbr.rel @p0 .LBB2_4-.Ltmp1, $2  }
0x36: {  	_ =	sdelay $0x2  }
0x37: {  	s22 =	sadd.s32 $0x200, s22;
	[tilespmem:v2+s2+$0x0] =	vst.idx.add.f32.msk vm15, v1  }
0x38: {  	_ =	swait.ge [sflag:s19], $0x4000  }
0x39: {  	[sflag:s19] =	ssyncset.done $0x0  }
0x3a: {  	s22 =	simm.s32 $0x0;
	[sflag:s19] =	ssyncadd.s32 $0xFFFFC000  }
.LBB2_6:
0x3b: {  	s23 =	sshra.s32 s22, $0x2  }
0x3c: {  	v1 =	vld [tilespmem:s23+$0x14040];
	_ =	sdelay $0x2  }
0x3d: {  	v2 =	vld [tilespmem:s23+$0x14000];
	_ =	sdelay $0x1  }
0x3e: {  	vm0 =	vne.s32 v1, $0x0;
	_ =	sdelay $0x5  }
0x3f: {  	[tilespmem:v2+s2+$0x0] =	vst.idx.add.f32.msk vm0, v1  }
0x40: {  	v1 =	vld [tilespmem:s23+$0x14050];
	_ =	sdelay $0x2  }
0x41: {  	v2 =	vld [tilespmem:s23+$0x14010];
	_ =	sdelay $0x1  }
0x42: {  	vm13 =	vne.s32 v1, $0x0;
	_ =	sdelay $0x5  }
0x43: {  	[tilespmem:v2+s2+$0x0] =	vst.idx.add.f32.msk vm13, v1  }
0x44: {  	v1 =	vld [tilespmem:s23+$0x14060];
	_ =	sdelay $0x2  }
0x45: {  	v2 =	vld [tilespmem:s23+$0x14020];
	_ =	sdelay $0x1  }
0x46: {  	vm14 =	vne.s32 v1, $0x0;
	_ =	sdelay $0x5  }
0x47: {  	[tilespmem:v2+s2+$0x0] =	vst.idx.add.f32.msk vm14, v1  }
0x48: {  	v1 =	vld [tilespmem:s23+$0x14070];
	_ =	sdelay $0x2  }
0x49: {  	v2 =	vld [tilespmem:s23+$0x14030];
	_ =	sdelay $0x1  }
0x4a: {  	vm15 =	vne.s32 v1, $0x0  }
0x4b: {  	p0 =	sne.s32 s22, $0xFE00  }
.Ltmp2:
0x4c: {  	_ = 	snop;
	(pc) =	sbr.rel @p0 .LBB2_6-.Ltmp2, $2  }
0x4d: {  	_ =	sdelay $0x2  }
0x4e: {  	s22 =	sadd.s32 $0x200, s22;
	[tilespmem:v2+s2+$0x0] =	vst.idx.add.f32.msk vm15, v1  }
0x4f: {  	[hbm4b:s5+s2] =	stream.linear.scatter [tilespmem:s2], [sflag:$0x3], $0x10000, $0x38;
	[tilespmem:$0x18000] =	vst v63  }
0x50: {  	_ =	swait.ge [sflag:s20], $0x10000  }
0x51: {  	[sflag:s20] =	ssyncset.done $0x0  }
0x52: {  	[sflag:s20] =	ssyncadd.s32 $0xFFFF0000  }
0x53: {  	[tilespmem:s16], [sflag:$0x1] =	stream.linear.gather [hbm4b:s6+s2], $0x4000, $0x38;
	[tilespmem:$0x18000] =	vst v63  }
0x54: {  	s22 =	simm.s32 $0x40  }
0x55: {  	[tilespmem:s17], [sflag:$0x2] =	stream.linear.gather [hbm4b:s7+s2], $0x4000, $0x38;
	[tilespmem:$0x18000] =	vst v63  }
0x56: {  	[tilespmem:s22+$0xFFFFFFC0] =	vst v0  }
0x57: {  	[tilespmem:s22+$0x30] =	vst v0  }
0x58: {  	[tilespmem:s22+$0x20] =	vst v0  }
0x59: {  	[tilespmem:s22+$0x10] =	vst v0  }
0x5a: {  	[tilespmem:s22+$0x0] =	vst v0  }
0x5b: {  	[tilespmem:s22+$0xFFFFFFF0] =	vst v0  }
0x5c: {  	s23 =	simm.s32 $0x0;
	[tilespmem:s22+$0xFFFFFFE0] =	vst v0  }
.LBB2_8:
0x5d: {  	s23 =	sadd.s32 $0x8, s23;
	[tilespmem:s22+$0xFFFFFFD0] =	vst v0;
	s22 =	sadd.s32 $0x80, s22  }
0x5e: {  	[tilespmem:s22+$0xFFFFFFC0] =	vst v0;
	p0 =	slt.u32 s23, $0xFF8  }
0x5f: {  	[tilespmem:s22+$0x30] =	vst v0  }
.Ltmp3:
0x60: {  	[tilespmem:s22+$0x20] =	vst v0;
	(pc) =	sbr.rel @p0 .LBB2_8-.Ltmp3, $4  }
0x61: {  	[tilespmem:s22+$0x10] =	vst v0  }
0x62: {  	[tilespmem:s22+$0x0] =	vst v0  }
0x63: {  	[tilespmem:s22+$0xFFFFFFF0] =	vst v0  }
0x64: {  	[tilespmem:s22+$0xFFFFFFE0] =	vst v0  }
0x65: {  	[tilespmem:s22+$0xFFFFFFD0] =	vst v0  }
0x66: {  	_ =	swait.ge [sflag:s18], $0x4000  }
0x67: {  	[sflag:s18] =	ssyncset.done $0x0  }
0x68: {  	s22 =	simm.s32 $0x0;
	[sflag:s18] =	ssyncadd.s32 $0xFFFFC000  }
.LBB2_10:
0x69: {  	s23 =	sshra.s32 s22, $0x2  }
0x6a: {  	v1 =	vld [tilespmem:s23+$0x10040];
	_ =	sdelay $0x2  }
0x6b: {  	v2 =	vld [tilespmem:s23+$0x10000];
	_ =	sdelay $0x1  }
0x6c: {  	vm0 =	vne.s32 v1, $0x0;
	_ =	sdelay $0x5  }
0x6d: {  	[tilespmem:v2+s2+$0x0] =	vst.idx.add.f32.msk vm0, v1  }
0x6e: {  	v1 =	vld [tilespmem:s23+$0x10050];
	_ =	sdelay $0x2  }
0x6f: {  	v2 =	vld [tilespmem:s23+$0x10010];
	_ =	sdelay $0x1  }
0x70: {  	vm13 =	vne.s32 v1, $0x0;
	_ =	sdelay $0x5  }
0x71: {  	[tilespmem:v2+s2+$0x0] =	vst.idx.add.f32.msk vm13, v1  }
0x72: {  	v1 =	vld [tilespmem:s23+$0x10060];
	_ =	sdelay $0x2  }
0x73: {  	v2 =	vld [tilespmem:s23+$0x10020];
	_ =	sdelay $0x1  }
0x74: {  	vm14 =	vne.s32 v1, $0x0;
	_ =	sdelay $0x5  }
0x75: {  	[tilespmem:v2+s2+$0x0] =	vst.idx.add.f32.msk vm14, v1  }
0x76: {  	v1 =	vld [tilespmem:s23+$0x10070];
	_ =	sdelay $0x2  }
0x77: {  	v2 =	vld [tilespmem:s23+$0x10030];
	_ =	sdelay $0x1  }
0x78: {  	vm15 =	vne.s32 v1, $0x0  }
0x79: {  	p0 =	sne.s32 s22, $0xFE00  }
.Ltmp4:
0x7a: {  	_ = 	snop;
	(pc) =	sbr.rel @p0 .LBB2_10-.Ltmp4, $2  }
0x7b: {  	_ =	sdelay $0x2  }
0x7c: {  	s22 =	sadd.s32 $0x200, s22;
	[tilespmem:v2+s2+$0x0] =	vst.idx.add.f32.msk vm15, v1  }
0x7d: {  	_ =	swait.ge [sflag:s19], $0x4000  }
0x7e: {  	[sflag:s19] =	ssyncset.done $0x0  }
0x7f: {  	s22 =	simm.s32 $0x0;
	[sflag:s19] =	ssyncadd.s32 $0xFFFFC000  }
.LBB2_12:
0x80: {  	s23 =	sshra.s32 s22, $0x2  }
0x81: {  	v1 =	vld [tilespmem:s23+$0x14040];
	_ =	sdelay $0x2  }
0x82: {  	v2 =	vld [tilespmem:s23+$0x14000];
	_ =	sdelay $0x1  }
0x83: {  	vm0 =	vne.s32 v1, $0x0;
	_ =	sdelay $0x5  }
0x84: {  	[tilespmem:v2+s2+$0x0] =	vst.idx.add.f32.msk vm0, v1  }
0x85: {  	v1 =	vld [tilespmem:s23+$0x14050];
	_ =	sdelay $0x2  }
0x86: {  	v2 =	vld [tilespmem:s23+$0x14010];
	_ =	sdelay $0x1  }
0x87: {  	vm13 =	vne.s32 v1, $0x0;
	_ =	sdelay $0x5  }
0x88: {  	[tilespmem:v2+s2+$0x0] =	vst.idx.add.f32.msk vm13, v1  }
0x89: {  	v1 =	vld [tilespmem:s23+$0x14060];
	_ =	sdelay $0x2  }
0x8a: {  	v2 =	vld [tilespmem:s23+$0x14020];
	_ =	sdelay $0x1  }
0x8b: {  	vm14 =	vne.s32 v1, $0x0;
	_ =	sdelay $0x5  }
0x8c: {  	[tilespmem:v2+s2+$0x0] =	vst.idx.add.f32.msk vm14, v1  }
0x8d: {  	v1 =	vld [tilespmem:s23+$0x14070];
	_ =	sdelay $0x2  }
0x8e: {  	v2 =	vld [tilespmem:s23+$0x14030];
	_ =	sdelay $0x1  }
0x8f: {  	vm15 =	vne.s32 v1, $0x0  }
0x90: {  	p0 =	sne.s32 s22, $0xFE00  }
.Ltmp5:
0x91: {  	_ = 	snop;
	(pc) =	sbr.rel @p0 .LBB2_12-.Ltmp5, $2  }
0x92: {  	_ =	sdelay $0x2  }
0x93: {  	s22 =	sadd.s32 $0x200, s22;
	[tilespmem:v2+s2+$0x0] =	vst.idx.add.f32.msk vm15, v1  }
0x94: {  	[hbm4b:s8+s2] =	stream.linear.scatter [tilespmem:s2], [sflag:$0x3], $0x10000, $0x38;
	[tilespmem:$0x18000] =	vst v63  }
0x95: {  	_ =	swait.ge [sflag:s20], $0x10000  }
0x96: {  	[sflag:s20] =	ssyncset.done $0x0  }
0x97: {  	[sflag:s20] =	ssyncadd.s32 $0xFFFF0000  }
0x98: {  	[tilespmem:s16], [sflag:$0x1] =	stream.linear.gather [hbm4b:s9+s2], $0x4000, $0x38;
	[tilespmem:$0x18000] =	vst v63  }
0x99: {  	s22 =	simm.s32 $0x40  }
0x9a: {  	[tilespmem:s17], [sflag:$0x2] =	stream.linear.gather [hbm4b:s10+s2], $0x4000, $0x38;
	[tilespmem:$0x18000] =	vst v63  }
0x9b: {  	[tilespmem:s22+$0xFFFFFFC0] =	vst v0  }
0x9c: {  	[tilespmem:s22+$0x30] =	vst v0  }
0x9d: {  	[tilespmem:s22+$0x20] =	vst v0  }
0x9e: {  	[tilespmem:s22+$0x10] =	vst v0  }
0x9f: {  	[tilespmem:s22+$0x0] =	vst v0  }
0xa0: {  	[tilespmem:s22+$0xFFFFFFF0] =	vst v0  }
0xa1: {  	s23 =	simm.s32 $0x0;
	[tilespmem:s22+$0xFFFFFFE0] =	vst v0  }
.LBB2_14:
0xa2: {  	s23 =	sadd.s32 $0x8, s23;
	[tilespmem:s22+$0xFFFFFFD0] =	vst v0;
	s22 =	sadd.s32 $0x80, s22  }
0xa3: {  	[tilespmem:s22+$0xFFFFFFC0] =	vst v0;
	p0 =	slt.u32 s23, $0xFF8  }
0xa4: {  	[tilespmem:s22+$0x30] =	vst v0  }
.Ltmp6:
0xa5: {  	[tilespmem:s22+$0x20] =	vst v0;
	(pc) =	sbr.rel @p0 .LBB2_14-.Ltmp6, $4  }
0xa6: {  	[tilespmem:s22+$0x10] =	vst v0  }
0xa7: {  	[tilespmem:s22+$0x0] =	vst v0  }
0xa8: {  	[tilespmem:s22+$0xFFFFFFF0] =	vst v0  }
0xa9: {  	[tilespmem:s22+$0xFFFFFFE0] =	vst v0  }
0xaa: {  	[tilespmem:s22+$0xFFFFFFD0] =	vst v0  }
0xab: {  	_ =	swait.ge [sflag:s18], $0x4000  }
0xac: {  	[sflag:s18] =	ssyncset.done $0x0  }
0xad: {  	s22 =	simm.s32 $0x0;
	[sflag:s18] =	ssyncadd.s32 $0xFFFFC000  }
.LBB2_16:
0xae: {  	s23 =	sshra.s32 s22, $0x2  }
0xaf: {  	v1 =	vld [tilespmem:s23+$0x10040];
	_ =	sdelay $0x2  }
0xb0: {  	v2 =	vld [tilespmem:s23+$0x10000];
	_ =	sdelay $0x1  }
0xb1: {  	vm0 =	vne.s32 v1, $0x0;
	_ =	sdelay $0x5  }
0xb2: {  	[tilespmem:v2+s2+$0x0] =	vst.idx.add.f32.msk vm0, v1  }
0xb3: {  	v1 =	vld [tilespmem:s23+$0x10050];
	_ =	sdelay $0x2  }
0xb4: {  	v2 =	vld [tilespmem:s23+$0x10010];
	_ =	sdelay $0x1  }
0xb5: {  	vm13 =	vne.s32 v1, $0x0;
	_ =	sdelay $0x5  }
0xb6: {  	[tilespmem:v2+s2+$0x0] =	vst.idx.add.f32.msk vm13, v1  }
0xb7: {  	v1 =	vld [tilespmem:s23+$0x10060];
	_ =	sdelay $0x2  }
0xb8: {  	v2 =	vld [tilespmem:s23+$0x10020];
	_ =	sdelay $0x1  }
0xb9: {  	vm14 =	vne.s32 v1, $0x0;
	_ =	sdelay $0x5  }
0xba: {  	[tilespmem:v2+s2+$0x0] =	vst.idx.add.f32.msk vm14, v1  }
0xbb: {  	v1 =	vld [tilespmem:s23+$0x10070];
	_ =	sdelay $0x2  }
0xbc: {  	v2 =	vld [tilespmem:s23+$0x10030];
	_ =	sdelay $0x1  }
0xbd: {  	vm15 =	vne.s32 v1, $0x0  }
0xbe: {  	p0 =	sne.s32 s22, $0xFE00  }
.Ltmp7:
0xbf: {  	_ = 	snop;
	(pc) =	sbr.rel @p0 .LBB2_16-.Ltmp7, $2  }
0xc0: {  	_ =	sdelay $0x2  }
0xc1: {  	s22 =	sadd.s32 $0x200, s22;
	[tilespmem:v2+s2+$0x0] =	vst.idx.add.f32.msk vm15, v1  }
0xc2: {  	_ =	swait.ge [sflag:s19], $0x4000  }
0xc3: {  	[sflag:s19] =	ssyncset.done $0x0  }
0xc4: {  	s22 =	simm.s32 $0x0;
	[sflag:s19] =	ssyncadd.s32 $0xFFFFC000  }
.LBB2_18:
0xc5: {  	s23 =	sshra.s32 s22, $0x2  }
0xc6: {  	v1 =	vld [tilespmem:s23+$0x14040];
	_ =	sdelay $0x2  }
0xc7: {  	v2 =	vld [tilespmem:s23+$0x14000];
	_ =	sdelay $0x1  }
0xc8: {  	vm0 =	vne.s32 v1, $0x0;
	_ =	sdelay $0x5  }
0xc9: {  	[tilespmem:v2+s2+$0x0] =	vst.idx.add.f32.msk vm0, v1  }
0xca: {  	v1 =	vld [tilespmem:s23+$0x14050];
	_ =	sdelay $0x2  }
0xcb: {  	v2 =	vld [tilespmem:s23+$0x14010];
	_ =	sdelay $0x1  }
0xcc: {  	vm13 =	vne.s32 v1, $0x0;
	_ =	sdelay $0x5  }
0xcd: {  	[tilespmem:v2+s2+$0x0] =	vst.idx.add.f32.msk vm13, v1  }
0xce: {  	v1 =	vld [tilespmem:s23+$0x14060];
	_ =	sdelay $0x2  }
0xcf: {  	v2 =	vld [tilespmem:s23+$0x14020];
	_ =	sdelay $0x1  }
0xd0: {  	vm14 =	vne.s32 v1, $0x0;
	_ =	sdelay $0x5  }
0xd1: {  	[tilespmem:v2+s2+$0x0] =	vst.idx.add.f32.msk vm14, v1  }
0xd2: {  	v1 =	vld [tilespmem:s23+$0x14070];
	_ =	sdelay $0x2  }
0xd3: {  	v2 =	vld [tilespmem:s23+$0x14030];
	_ =	sdelay $0x1  }
0xd4: {  	vm15 =	vne.s32 v1, $0x0  }
0xd5: {  	p0 =	sne.s32 s22, $0xFE00  }
.Ltmp8:
0xd6: {  	_ = 	snop;
	(pc) =	sbr.rel @p0 .LBB2_18-.Ltmp8, $2  }
0xd7: {  	_ =	sdelay $0x2  }
0xd8: {  	s22 =	sadd.s32 $0x200, s22;
	[tilespmem:v2+s2+$0x0] =	vst.idx.add.f32.msk vm15, v1  }
0xd9: {  	[hbm4b:s11+s2] =	stream.linear.scatter [tilespmem:s2], [sflag:$0x3], $0x10000, $0x38;
	[tilespmem:$0x18000] =	vst v63  }
0xda: {  	_ =	swait.ge [sflag:s20], $0x10000  }
0xdb: {  	[sflag:s20] =	ssyncset.done $0x0  }
0xdc: {  	[sflag:s20] =	ssyncadd.s32 $0xFFFF0000  }
0xdd: {  	[tilespmem:s16], [sflag:$0x1] =	stream.linear.gather [hbm4b:s12+s2], $0x4000, $0x38;
	[tilespmem:$0x18000] =	vst v63  }
0xde: {  	s22 =	simm.s32 $0x40  }
0xdf: {  	[tilespmem:s17], [sflag:$0x2] =	stream.linear.gather [hbm4b:s13+s2], $0x4000, $0x38;
	[tilespmem:$0x18000] =	vst v63  }
0xe0: {  	[tilespmem:s22+$0xFFFFFFC0] =	vst v0  }
0xe1: {  	[tilespmem:s22+$0x30] =	vst v0  }
0xe2: {  	[tilespmem:s22+$0x20] =	vst v0  }
0xe3: {  	[tilespmem:s22+$0x10] =	vst v0  }
0xe4: {  	[tilespmem:s22+$0x0] =	vst v0  }
0xe5: {  	[tilespmem:s22+$0xFFFFFFF0] =	vst v0  }
0xe6: {  	s23 =	simm.s32 $0x0;
	[tilespmem:s22+$0xFFFFFFE0] =	vst v0  }
.LBB2_20:
0xe7: {  	s23 =	sadd.s32 $0x8, s23;
	[tilespmem:s22+$0xFFFFFFD0] =	vst v0;
	s22 =	sadd.s32 $0x80, s22  }
0xe8: {  	[tilespmem:s22+$0xFFFFFFC0] =	vst v0;
	p0 =	slt.u32 s23, $0xFF8  }
0xe9: {  	[tilespmem:s22+$0x30] =	vst v0  }
.Ltmp9:
0xea: {  	[tilespmem:s22+$0x20] =	vst v0;
	(pc) =	sbr.rel @p0 .LBB2_20-.Ltmp9, $4  }
0xeb: {  	[tilespmem:s22+$0x10] =	vst v0  }
0xec: {  	[tilespmem:s22+$0x0] =	vst v0  }
0xed: {  	[tilespmem:s22+$0xFFFFFFF0] =	vst v0  }
0xee: {  	[tilespmem:s22+$0xFFFFFFE0] =	vst v0  }
0xef: {  	[tilespmem:s22+$0xFFFFFFD0] =	vst v0  }
0xf0: {  	_ =	swait.ge [sflag:s18], $0x4000  }
0xf1: {  	[sflag:s18] =	ssyncset.done $0x0  }
0xf2: {  	s22 =	simm.s32 $0x0;
	[sflag:s18] =	ssyncadd.s32 $0xFFFFC000  }
.LBB2_22:
0xf3: {  	s23 =	sshra.s32 s22, $0x2  }
0xf4: {  	v1 =	vld [tilespmem:s23+$0x10040];
	_ =	sdelay $0x2  }
0xf5: {  	v2 =	vld [tilespmem:s23+$0x10000];
	_ =	sdelay $0x1  }
0xf6: {  	vm0 =	vne.s32 v1, $0x0;
	_ =	sdelay $0x5  }
0xf7: {  	[tilespmem:v2+s2+$0x0] =	vst.idx.add.f32.msk vm0, v1  }
0xf8: {  	v1 =	vld [tilespmem:s23+$0x10050];
	_ =	sdelay $0x2  }
0xf9: {  	v2 =	vld [tilespmem:s23+$0x10010];
	_ =	sdelay $0x1  }
0xfa: {  	vm13 =	vne.s32 v1, $0x0;
	_ =	sdelay $0x5  }
0xfb: {  	[tilespmem:v2+s2+$0x0] =	vst.idx.add.f32.msk vm13, v1  }
0xfc: {  	v1 =	vld [tilespmem:s23+$0x10060];
	_ =	sdelay $0x2  }
0xfd: {  	v2 =	vld [tilespmem:s23+$0x10020];
	_ =	sdelay $0x1  }
0xfe: {  	vm14 =	vne.s32 v1, $0x0;
	_ =	sdelay $0x5  }
0xff: {  	[tilespmem:v2+s2+$0x0] =	vst.idx.add.f32.msk vm14, v1  }
0x100: {  	v1 =	vld [tilespmem:s23+$0x10070];
	_ =	sdelay $0x2  }
0x101: {  	v2 =	vld [tilespmem:s23+$0x10030];
	_ =	sdelay $0x1  }
0x102: {  	vm15 =	vne.s32 v1, $0x0  }
0x103: {  	p0 =	sne.s32 s22, $0xFE00  }
.Ltmp10:
0x104: {  	_ = 	snop;
	(pc) =	sbr.rel @p0 .LBB2_22-.Ltmp10, $2  }
0x105: {  	_ =	sdelay $0x2  }
0x106: {  	s22 =	sadd.s32 $0x200, s22;
	[tilespmem:v2+s2+$0x0] =	vst.idx.add.f32.msk vm15, v1  }
0x107: {  	_ =	swait.ge [sflag:s19], $0x4000  }
0x108: {  	[sflag:s19] =	ssyncset.done $0x0  }
0x109: {  	s22 =	simm.s32 $0x0;
	[sflag:s19] =	ssyncadd.s32 $0xFFFFC000  }
.LBB2_24:
0x10a: {  	s23 =	sshra.s32 s22, $0x2  }
0x10b: {  	v1 =	vld [tilespmem:s23+$0x14040];
	_ =	sdelay $0x2  }
0x10c: {  	v2 =	vld [tilespmem:s23+$0x14000];
	_ =	sdelay $0x1  }
0x10d: {  	vm0 =	vne.s32 v1, $0x0;
	_ =	sdelay $0x5  }
0x10e: {  	[tilespmem:v2+s2+$0x0] =	vst.idx.add.f32.msk vm0, v1  }
0x10f: {  	v1 =	vld [tilespmem:s23+$0x14050];
	_ =	sdelay $0x2  }
0x110: {  	v2 =	vld [tilespmem:s23+$0x14010];
	_ =	sdelay $0x1  }
0x111: {  	vm13 =	vne.s32 v1, $0x0;
	_ =	sdelay $0x5  }
0x112: {  	[tilespmem:v2+s2+$0x0] =	vst.idx.add.f32.msk vm13, v1  }
0x113: {  	v1 =	vld [tilespmem:s23+$0x14060];
	_ =	sdelay $0x2  }
0x114: {  	v2 =	vld [tilespmem:s23+$0x14020];
	_ =	sdelay $0x1  }
0x115: {  	vm14 =	vne.s32 v1, $0x0;
	_ =	sdelay $0x5  }
0x116: {  	[tilespmem:v2+s2+$0x0] =	vst.idx.add.f32.msk vm14, v1  }
0x117: {  	v1 =	vld [tilespmem:s23+$0x14070];
	_ =	sdelay $0x2  }
0x118: {  	v2 =	vld [tilespmem:s23+$0x14030];
	_ =	sdelay $0x1  }
0x119: {  	vm15 =	vne.s32 v1, $0x0  }
0x11a: {  	p0 =	sne.s32 s22, $0xFE00  }
.Ltmp11:
0x11b: {  	_ = 	snop;
	(pc) =	sbr.rel @p0 .LBB2_24-.Ltmp11, $2  }
0x11c: {  	_ =	sdelay $0x2  }
0x11d: {  	s22 =	sadd.s32 $0x200, s22;
	[tilespmem:v2+s2+$0x0] =	vst.idx.add.f32.msk vm15, v1  }
0x11e: {  	s21 =	sadd.s32 $0x1, s21  }
0x11f: {  	p0 =	sne.s32 s21, s15  }
.Ltmp12:
0x120: {  	_ = 	snop;
	(pc) =	sbr.rel @p0 .LBB2_1-.Ltmp12, $4  }
0x121: {  	[hbm4b:s14+s2] =	stream.linear.scatter [tilespmem:s2], [sflag:$0x3], $0x10000, $0x38;
	[tilespmem:$0x18000] =	vst v63  }
0x122: {  	_ =	swait.ge [sflag:s20], $0x10000  }
0x123: {  	[sflag:s20] =	ssyncset.done $0x0  }
0x124: {  	[sflag:s20] =	ssyncadd.s32 $0xFFFF0000  }
0x125: {  	_ =	sfence.sel $0x180000  }
0x126: {  	[bflag:$0x0] =	sbarrier.arrive $0xFFFF  }
0x127: {  	p0 =	sne.s32 s0, $0x0;
	_ =	strace $0x9000004D  }
0x128: {  	s0 =	sadd.s32 @!p0 $0x100000, s1;
	[bflag:$0x2] =	sbarrier.arrive $0xFFFF  }
0x129: {  	[sflag:s0] =	ssyncadd.tile.s32 @!p0 $0x1;
	_ =	shalt  }
.Lfunc_end2:
_tile_overlayer_lowered:
.L_overlay_start_2:
0x12a: {  	(tag) =	ssettag $0x2  }
0x12b: {  	s0 =	rddreg [dreg:$0x0];
	s2 =	stileid.u32  }
0x12c: {  	s1 =	rddreg [dreg:$0x1];
	p0 =	sne.s32 s2, $0x0  }
0x12d: {  	s3 =	rddreg [dreg:$0x2];
	[bflag:$0x3] =	sbarrier.arrive $0xFFFF;
	s2 =	simm.s32 @!p0 $0x1C03  }
0x12e: {  	[timem:s3], [sflag:s2] =	dma.local @!p0 [hbm:s0], s1  }
0x12f: {  	s0 =	simm.s32 @!p0 $0x3  }
0x130: {  	_ =	swait.ge @!p0 [sflag:s0], s1  }
0x131: {  	s1 =	ssub.s32 @!p0 $0x0, s1;
	[sflag:s0] =	ssyncset.done @!p0 $0x0  }
0x132: {  	[sflag:s0] =	ssyncadd.s32 @!p0 s1  }
0x133: {  	[bflag:$0x3] =	sbarrier.arrive $0xFFFF  }
0x134: {  	_ =	shalt  }

// kernel: kernel.7.cloned.1.call-start
scs
__scs_entry_jumppad:
0x0: {  	(pc) =	sbr.rel $0x88, $3  }
0x1: {  	(tag) =	ssettag $0x0;
	lr =	simm.s32 $0x1  }
0x2: {  	[smem:$0x3F98] =	sst lr;
	_ =	strace $0xD0000000  }
0x3: {  	_ = 	snop  }
0x4: {  	_ = 	snop  }
0x5: {  	_ = 	snop  }
0x6: {  	_ = 	snop  }
0x7: {  	_ = 	snop  }
__scs_overlays_trampoline_lowered:
0x8: {  	[smem:$0x3FA7] =	sst s0  }
0x9: {  	[smem:$0x3FA8] =	sst s1  }
0xa: {  	[smem:$0x3FA9] =	sst s2  }
0xb: {  	[smem:$0x3FAA] =	sst s3  }
0xc: {  	[smem:$0x3FAB] =	sst s4  }
0xd: {  	[smem:$0x3FAC] =	sst s5  }
0xe: {  	[smem:$0x3FAD] =	sst s6  }
0xf: {  	[smem:$0x3FAE] =	sst s7  }
0x10: {  	[smem:$0x3FAF] =	sst s8  }
0x11: {  	[smem:$0x3FB0] =	sst s9;
	s0 =	simm.s32 @!p0 $0x0  }
0x12: {  	s1 =	sld [smem:$0x3F96];
	s0 =	simm.s32 @p0 $0x1  }
0x13: {  	[smem:$0x3FB1] =	sst s0;
	s0 =	simm.s32 @!p1 $0x0  }
0x14: {  	s2 =	sld [smem:$0x3F95];
	s0 =	simm.s32 @p1 $0x1  }
0x15: {  	[smem:$0x3FB2] =	sst s0;
	s0 =	simm.s32 @!p2 $0x0  }
0x16: {  	s3 =	sld [smem:$0x3FDB];
	s0 =	simm.s32 @p2 $0x1  }
0x17: {  	s4 =	simm.s32 $0x1BF5;
	[smem:$0x3FB4] =	sst s0  }
0x18: {  	s0 =	sld [smem:$0x3F97];
	_ =	swait.ge [sflag:s4], $0x0  }
0x19: {  	s7 =	sld [smem:$0x3F98]  }
0x1a: {  	s8 =	sadd.s32 $0xFFFFE003, lr  }
0x1b: {  	s9 =	sadd.s32 $0xFFFFFEF7, lr;
	s5 =	simm.s32 $0xFFFFFFFF;
	p2 =	slt.u32 s8, $0xFFFFF086  }
0x1c: {  	p1 =	slt.u32 s9, $0xF7A;
	s5 =	simm.s32 @!p2 $0x0  }
0x1d: {  	s5 =	simm.s32 @p1 $0x1;
	p0 =	seq.s32 s7, s2  }
0x1e: {  	s7 =	smul.u32 @!p0 $0xF7A, s2;
	p2 =	seq.s32 @!p0 s5, $0x0  }
0x1f: {  	s9 =	smul.u32 $0xF7A, s1;
	s8 =	simm.s32 @!p0 $0x1BF5;
	p2 =	por !p2, p0  }
0x20: {  	[sflag:s8] =	ssyncset.s32 @!p0 $0xFFFFF086;
	s6 =	sadd.s32 @!p0 s3, s7;
	s7 =	simm.s32 @!p0 $0x108  }
0x21: {  	s3 =	sadd.s32 s3, s9;
	s6 =	sadd.s32 @!p0 $0x88, s6;
	s7 =	simm.s32 @p2 $0x1082  }
0x22: {  	[simem:s7], [sflag:s8] =	dma.local @!p0 [hbm:s6], $0xF7A  }
0x23: {  	s9 =	sor.u32 $0xD0000000, s2;
	s6 =	simm.s32 $0x108;
	_ =	swait.ge @!p0 [sflag:s8], $0x0  }
0x24: {  	s3 =	sadd.s32 $0x88, s3;
	s6 =	simm.s32 @!p1 $0x1082;
	[sflag:s4] =	ssyncset.s32 $0xFFFFF086  }
0x25: {  	[simem:s6], [sflag:s4] =	dma.local [hbm:s3], $0xF7A  }
0x26: {  	[smem:$0x3F98] =	sst s1;
	(tag) =	ssettag s2;
	_ =	strace s9  }
0x27: {  	s1 =	sld [smem:$0x3FA8]  }
0x28: {  	s2 =	sld [smem:$0x3FA9]  }
0x29: {  	s4 =	sld [smem:$0x3FAB]  }
0x2a: {  	p0 =	seq.s32 s5, $0x0;
	s5 =	sld [smem:$0x3FAC]  }
0x2b: {  	s6 =	sld [smem:$0x3FAD]  }
0x2c: {  	s7 =	sld [smem:$0x3FAE]  }
0x2d: {  	s3 =	simm.s32 $0x108;
	s8 =	sld [smem:$0x3FAF]  }
0x2e: {  	s3 =	simm.s32 @!p0 $0x1082;
	s9 =	sld [smem:$0x3FB0]  }
0x2f: {  	lr =	sadd.s32 s0, s3;
	s0 =	sld [smem:$0x3FA7]  }
0x30: {  	s3 =	sld [smem:$0x3FAA]  }
0x31: {  	[smem:$0x3FB3] =	sst s10  }
0x32: {  	s10 =	sld [smem:$0x3FB1];
	_ =	sdelay $0x3  }
0x33: {  	p0 =	seq.s32 s10, $0x1;
	s10 =	sld [smem:$0x3FB3];
	_ =	sdelay $0x3  }
0x34: {  	[smem:$0x3FB3] =	sst s10  }
0x35: {  	s10 =	sld [smem:$0x3FB2];
	_ =	sdelay $0x3  }
0x36: {  	p1 =	seq.s32 s10, $0x1;
	s10 =	sld [smem:$0x3FB3];
	_ =	sdelay $0x3  }
0x37: {  	[smem:$0x3FB3] =	sst s10  }
0x38: {  	s10 =	sld [smem:$0x3FB4]  }
0x39: {  	_ = 	snop;
	(pc) =	sbr.ind lr, $3  }
0x3a: {  	_ = 	snop  }
0x3b: {  	_ = 	snop  }
0x3c: {  	p2 =	seq.s32 s10, $0x1;
	s10 =	sld [smem:$0x3FB3]  }
0x3d: {  	_ =	shalt  }
0x3e: {  	_ =	shalt  }
0x3f: {  	_ =	shalt  }
0x40: {  	_ =	shalt  }
0x41: {  	_ =	shalt  }
0x42: {  	_ =	shalt  }
0x43: {  	_ =	shalt  }
0x44: {  	_ =	shalt  }
0x45: {  	_ =	shalt  }
0x46: {  	_ =	shalt  }
0x47: {  	_ =	shalt  }
0x48: {  	_ =	shalt  }
0x49: {  	_ =	shalt  }
0x4a: {  	_ =	shalt  }
0x4b: {  	_ =	shalt  }
0x4c: {  	_ =	shalt  }
0x4d: {  	_ =	shalt  }
0x4e: {  	_ =	shalt  }
0x4f: {  	_ =	shalt  }
0x50: {  	_ =	shalt  }
0x51: {  	_ =	shalt  }
0x52: {  	_ =	shalt  }
0x53: {  	_ =	shalt  }
0x54: {  	_ =	shalt  }
0x55: {  	_ =	shalt  }
0x56: {  	_ =	shalt  }
0x57: {  	_ =	shalt  }
0x58: {  	_ =	shalt  }
0x59: {  	_ =	shalt  }
0x5a: {  	_ =	shalt  }
0x5b: {  	_ =	shalt  }
0x5c: {  	_ =	shalt  }
0x5d: {  	_ =	shalt  }
0x5e: {  	_ =	shalt  }
0x5f: {  	_ =	shalt  }
0x60: {  	_ =	shalt  }
0x61: {  	_ =	shalt  }
0x62: {  	_ =	shalt  }
0x63: {  	_ =	shalt  }
0x64: {  	_ =	shalt  }
0x65: {  	_ =	shalt  }
0x66: {  	_ =	shalt  }
0x67: {  	_ =	shalt  }
0x68: {  	_ =	shalt  }
0x69: {  	_ =	shalt  }
0x6a: {  	_ =	shalt  }
0x6b: {  	_ =	shalt  }
0x6c: {  	_ =	shalt  }
0x6d: {  	_ =	shalt  }
0x6e: {  	_ =	shalt  }
0x6f: {  	_ =	shalt  }
0x70: {  	_ =	shalt  }
0x71: {  	_ =	shalt  }
0x72: {  	_ =	shalt  }
0x73: {  	_ =	shalt  }
0x74: {  	_ =	shalt  }
0x75: {  	_ =	shalt  }
0x76: {  	_ =	shalt  }
0x77: {  	_ =	shalt  }
0x78: {  	_ =	shalt  }
0x79: {  	_ =	shalt  }
0x7a: {  	_ =	shalt  }
0x7b: {  	_ =	shalt  }
0x7c: {  	_ =	shalt  }
0x7d: {  	_ =	shalt  }
0x7e: {  	_ =	shalt  }
0x7f: {  	_ =	shalt  }
0x80: {  	_ =	shalt  }
0x81: {  	_ =	shalt  }
0x82: {  	_ =	shalt  }
0x83: {  	_ =	shalt  }
0x84: {  	_ =	shalt  }
0x85: {  	_ =	shalt  }
0x86: {  	_ =	shalt  }
0x87: {  	_ =	shalt  }
.Lfunc_end0:
.L_simem_size_0:
called_computation_lowered:
.L_overlay_start_0:
0x88: {  	s2 =	sld [smem:$0x3FD9]  }
0x89: {  	s3 =	sld [smem:$0x3FFE];
	_ =	sdelay $0x1  }
0x8a: {  	s1 =	srdreg.scid  }
0x8b: {  	s0 =	sand.u32 $0x1, s1  }
0x8c: {  	s16 =	sshll.u32 s0, $0xA;
	s2 =	sadd.s32 s3, s2  }
0x8d: {  	s2 =	sadd.s32 s2, s16  }
0x8e: {  	[smem:$0x3FBF] =	sst s2  }
0x8f: {  	_ = 	snop  }
0x90: {  	(tm) =	ssettm $0x1  }
0x91: {  	s17 =	sld [smem:$0x3FFB];
	_ =	sdelay $0x3  }
0x92: {  	_ =	strace s17  }
0x93: {  	s2 =	sld [smem:$0x3FFC];
	_ =	sdelay $0x3  }
0x94: {  	_ =	strace s2  }
0x95: {  	s2 =	sld [smem:$0x3FFD];
	_ =	sdelay $0x3  }
0x96: {  	_ =	strace s2  }
0x97: {  	_ =	strace $0x8FFFFFFF  }
0x98: {  	s18 =	sld [smem:$0x3FDB];
	_ =	sdelay $0x1  }
0x99: {  	s19 =	simm.s32 $_scs_section_size  }
0x9a: {  	s4 =	simm.s32 $_size__tile_overlayer_lowered;
	s5 =	simm.s32 $_tile_overlayer_lowered  }
0x9b: {  	s22 =	simm.s32 $0x1BFF;
	s21 =	sshll.u32 s5, $0x1;
	s2 =	sadd.s32 s19, s18  }
0x9c: {  	s6 =	simm.s32 $0x0;
	s20 =	sshll.u32 s4, $0x1;
	s4 =	sadd.s32 s21, s2  }
0x9d: {  	[timem:s6], [sflag:s22] =	dma.local [hbm:s4], s20  }
0x9e: {  	_ =	swait.ge [sflag:s22], s20  }
0x9f: {  	s3 =	ssub.s32 $0x0, s20;
	[sflag:s22] =	ssyncset.done $0x0  }
0xa0: {  	[sflag:s22] =	ssyncadd.s32 s3;
	_ =	sdelay $0x1  }
0xa1: {  	s23 =	simm.s32 $0x1B8B  }
0xa2: {  	_ =	swait.ge [sflag:s23], $0x1  }
0xa3: {  	[sflag:s23] =	ssyncset.done $0x0  }
0xa4: {  	s25 =	simm.s32 $0x1B8E;
	s24 =	sld [smem:$0x3FFE];
	[sflag:s23] =	ssyncadd.s32 $0xFFFFFFFF  }
0xa5: {  	s26 =	simm.s32 $execute0_lowered;
	[smem:$0x3FD2] =	sst s25  }
0xa6: {  	s4 =	sshll.u32 s26, $0x1;
	_ =	strace $0x80000046;
	[dreg:$0x1] =	wrdreg $0xFFFFFFFF  }
0xa7: {  	s28 =	simm.s32 $_size_execute0_lowered;
	s2 =	sadd.s32 s2, s4;
	[dreg:$0x0] =	wrdreg $0x0  }
0xa8: {  	s4 =	sshll.u32 s28, $0x1;
	[dreg:$0x2] =	wrdreg s2  }
0xa9: {  	[dreg:$0x3] =	wrdreg s4  }
0xaa: {  	[dreg:$0x4] =	wrdreg $0xC0  }
0xab: {  	_ =	task [dreg:s6], $0x5FFFF  }
0xac: {  	[dreg:$0x1] =	wrdreg $0xFFFFFFFF  }
0xad: {  	[dreg:$0x0] =	wrdreg $0x60  }
0xae: {  	[dreg:$0x2] =	wrdreg s24  }
0xaf: {  	[dreg:$0x3] =	wrdreg $0x9  }
0xb0: {  	_ =	task.clear_ibuf [dreg:s6], $0x4FFFF;
	_ =	strace $0x90000046  }
0xb1: {  	s29 =	simm.s32 $0x9;
	_ =	strace $0x80000048  }
0xb2: {  	_ =	swait.ge [sflag:s29], $0x1  }
0xb3: {  	[sflag:s29] =	ssyncadd.s32 $0xFFFFFFFF  }
0xb4: {  	_ =	strace $0x90000048  }
0xb5: {  	_ =	sfence  }
0xb6: {  	s30 =	sld [smem:$0x0];
	_ =	sdelay $0x2  }
0xb7: {  	s31 =	sshll.u32 s1, $0xD;
	s1 =	sshrl.u32 s1, $0x2  }
0xb8: {  	s3 =	sand.u32 $0x4000, s31;
	s1 =	sadd.s32 s1, s30  }
0xb9: {  	s0 =	sor.u32 s3, s0;
	s1 =	sshll.u32 s1, $0x11  }
0xba: {  	s0 =	sor.u32 s1, s0  }
0xbb: {  	s0 =	sadd.s32 $0x8F2B, s0  }
0xbc: {  	[sflag:s0] =	ssyncadd.remote.s32 $0x1  }
0xbd: {  	_ =	sfence.sel $0xFFFF  }
0xbe: {  	[dreg:$0x0] =	wrdreg $0xFFFFFFFF;
	(pc) =	sbr.abs _section_cstart, $3  }
0xbf: {  	[dreg:$0x1] =	wrdreg $0xFFFFFFFF  }
0xc0: {  	_ =	task.clear_ibuf [dreg:s6], $0x2FFFF;
	_ =	strace $0x9FFFFFFF  }
0xc1: {  	(tm) =	ssettm $0x7FFFFFFF  }
tec
execute0_lowered:
.L_overlay_start_1:
0x0: {  	(tag) =	ssettag $0x1  }
0x1: {  	s3 =	rddreg [dreg:$0x0];
	s2 =	simm.s32 $0x0;
	s4 =	srdreg.scid  }
0x2: {  	s1 =	stileid.u32;
	s20 =	simm.s32 $0xD180;
	s21 =	simm.s32 $0x1  }
0x3: {  	s22 =	simm.s32 $0x9000;
	s23 =	simm.s32 $0x9180;
	s24 =	simm.s32 $0x3  }
0x4: {  	s25 =	simm.s32 $0x2;
	s26 =	simm.s32 $0x0;
	[smem:$0x7FF] =	sst s2  }
0x5: {  	s10 =	sand.u32 $0x1, s4;
	s29 =	sshll.u32 s1, $0xF;
	s30 =	sshll.u32 s1, $0x8  }
0x6: {  	_ =	strace $0x80000047;
	s5 =	sshll.u32 s10, $0xE;
	s6 =	ssub.s32 $0x2, s10  }
0x7: {  	s12 =	sadd.s32 s30, s3;
	s14 =	sshll.u32 s10, $0x7;
	s4 =	sor.u32 s5, s29  }
0x8: {  	s31 =	sshrl.u32 s6, $0x1;
	s19 =	sadd.s32 s14, s12;
	s11 =	sadd.s32 s4, s3  }
0x9: {  	s13 =	ssub.s32 s6, s31;
	s12 =	sadd.s32 $0x82E00, s19;
	s14 =	sadd.s32 $0x82E20, s19  }
0xa: {  	s15 =	sadd.s32 $0x82E30, s19;
	s16 =	sadd.s32 $0x82E40, s19;
	s17 =	sadd.s32 $0x82E50, s19  }
0xb: {  	s18 =	sadd.s32 $0x82E60, s19;
	s3 =	sadd.s32 $0x2E00, s11;
	s4 =	sadd.s32 $0x3600, s11  }
0xc: {  	s5 =	sadd.s32 $0x3E00, s11;
	s6 =	sadd.s32 $0x4600, s11;
	s7 =	sadd.s32 $0x4E00, s11  }
0xd: {  	s8 =	sadd.s32 $0x5600, s11;
	s9 =	sadd.s32 $0x5E00, s11;
	s10 =	sadd.s32 $0x6600, s11  }
0xe: {  	v0 =	vimm.s32 $0x0;
	v1 =	vimm.s32 $0x1;
	s11 =	smax.u32 s13, $0x1;
	s13 =	sadd.s32 $0x82E10, s19;
	s19 =	sadd.s32 $0x82E70, s19  }
.LBB2_1:
0xf: {  	s28 =	simm.s32 $0x40;
	s29 =	simm.s32 $0x0  }
.LBB2_2:
0x10: {  	p0 =	sne.s32 s28, $0x23FC0;
	[tilespmem:s29+$0x0] =	vst v0;
	s29 =	smov.u32 s28;
	s28 =	sadd.s32 $0x40, s28  }
.Ltmp0:
0x11: {  	(pc) =	sbr.rel @p0 .LBB2_2-.Ltmp0, $2  }
0x12: {  	_ =	sdelay $0x2  }
0x13: {  	s29 =	sshra.s32 s29, $0x2  }
0x14: {  	[tilespmem:s29+$0x0] =	vst v0;
	s28 =	simm.s32 $0x0;
	s29 =	simm.s32 $0x9180  }
0x15: {  	[tilespmem:s29], [sflag:$0x1] =	stream.linear.gather [hbm4b:s3+s28], $0x4000, $0x38;
	[tilespmem:$0x11180] =	vst v63  }
0x16: {  	_ = 	snop  }
0x17: {  	[tilespmem:s20], [sflag:$0x2] =	stream.linear.gather [hbm4b:s4+s28], $0x4000, $0x38;
	[tilespmem:$0x11180] =	vst v63  }
0x18: {  	[tilespmem:$0x9000] =	vst v0  }
0x19: {  	[tilespmem:$0x9010] =	vst v0  }
0x1a: {  	[tilespmem:$0x9020] =	vst v0  }
0x1b: {  	[tilespmem:$0x9030] =	vst v0  }
0x1c: {  	[tilespmem:$0x9040] =	vst v0  }
0x1d: {  	[tilespmem:$0x9050] =	vst v0  }
0x1e: {  	[tilespmem:$0x9060] =	vst v0  }
0x1f: {  	[tilespmem:$0x9070] =	vst v0  }
0x20: {  	[tilespmem:$0x9080] =	vst v0  }
0x21: {  	[tilespmem:$0x9090] =	vst v0  }
0x22: {  	[tilespmem:$0x90A0] =	vst v0  }
0x23: {  	[tilespmem:$0x90B0] =	vst v0  }
0x24: {  	[tilespmem:$0x90C0] =	vst v0  }
0x25: {  	[tilespmem:$0x90D0] =	vst v0  }
0x26: {  	[tilespmem:$0x90E0] =	vst v0  }
0x27: {  	[tilespmem:$0x90F0] =	vst v0  }
0x28: {  	[tilespmem:$0x9100] =	vst v0  }
0x29: {  	[tilespmem:$0x9110] =	vst v0  }
0x2a: {  	[tilespmem:$0x9120] =	vst v0  }
0x2b: {  	_ =	swait.ge [sflag:s21], $0x4000  }
0x2c: {  	[sflag:s21] =	ssyncset.done $0x0  }
0x2d: {  	s30 =	simm.s32 $0xFFFFFFFC;
	[sflag:s21] =	ssyncadd.s32 $0xFFFFC000  }
.LBB2_4:
0x2e: {  	v2 =	vld [tilespmem:s29+$0x0];
	_ =	sdelay $0x4  }
0x2f: {  	v3 =	vshrl.u32 v2, $0x10  }
0x30: {  	(xrf1) =	vunique.msk.u32 $0xffff, v3;
	_ =	sdelay $0x9  }
0x31: {  	v4 =	vld.idx.msk [tilespmem:v3+s22+$0x0], $0xffff;
	_ =	sdelay $0x3  }
0x32: {  	_, v5, _ =	vpop (xrf1)  }
0x33: {  	v4 =	vadd.s32 v5, v4  }
0x34: {  	v4 =	vadd.s32 $0xFFFFFFFF, v4  }
0x35: {  	vm0 =	vlt.u32 v2, $0x1200000;
	v50 =	vshll.u32 v3, $0x7;
	vm1 =	vlt.s32 v4, $0x40  }
0x36: {  	v4 =	vadd.s32 v50, v4;
	vm0 =	vmand vm0, vm1  }
0x37: {  	s31 =	sand.u32 $0x1FC0, s28;
	v4 =	vnsel vm0, $0x0, v4  }
0x38: {  	v51 =	vld [tilespmem:s31+$0xB180];
	v6 =	vadd.s32 $0x40, v4;
	_ =	sdelay $0x2  }
0x39: {  	v2 =	vand.u32 $0xFFFF, v2  }
0x3a: {  	[tilespmem:v4+s2+$0x0] =	vst.idx.msk vm0, v2  }
0x3b: {  	[tilespmem:v6+s2+$0x0] =	vst.idx.msk vm0, v51  }
0x3c: {  	[tilespmem:v3+s22+$0x0] =	vst.idx.add.s32.msk vm0, v1  }
0x3d: {  	v2 =	vld [tilespmem:s29+$0x10];
	_ =	sdelay $0x4  }
0x3e: {  	v3 =	vshrl.u32 v2, $0x10  }
0x3f: {  	(xrf1) =	vunique.msk.u32 $0xffff, v3;
	_ =	sdelay $0x9  }
0x40: {  	v4 =	vld.idx.msk [tilespmem:v3+s22+$0x0], $0xffff;
	_ =	sdelay $0x3  }
0x41: {  	_, v52, _ =	vpop (xrf1)  }
0x42: {  	v4 =	vadd.s32 v52, v4  }
0x43: {  	v4 =	vadd.s32 $0xFFFFFFFF, v4  }
0x44: {  	vm10 =	vlt.u32 v2, $0x1200000;
	v53 =	vshll.u32 v3, $0x7;
	vm11 =	vlt.s32 v4, $0x40  }
0x45: {  	v4 =	vadd.s32 v53, v4;
	vm0 =	vmand vm10, vm11  }
0x46: {  	v4 =	vnsel vm0, $0x0, v4  }
0x47: {  	v54 =	vld [tilespmem:s29+$0x2010];
	v55 =	vadd.s32 $0x40, v4;
	_ =	sdelay $0x2  }
0x48: {  	v2 =	vand.u32 $0xFFFF, v2  }
0x49: {  	[tilespmem:v4+s2+$0x0] =	vst.idx.msk vm0, v2  }
0x4a: {  	[tilespmem:v55+s2+$0x0] =	vst.idx.msk vm0, v54  }
0x4b: {  	[tilespmem:v3+s22+$0x0] =	vst.idx.add.s32.msk vm0, v1  }
0x4c: {  	v2 =	vld [tilespmem:s29+$0x20];
	_ =	sdelay $0x4  }
0x4d: {  	v3 =	vshrl.u32 v2, $0x10  }
0x4e: {  	(xrf1) =	vunique.msk.u32 $0xffff, v3;
	_ =	sdelay $0x9  }
0x4f: {  	v4 =	vld.idx.msk [tilespmem:v3+s22+$0x0], $0xffff;
	_ =	sdelay $0x3  }
0x50: {  	_, v56, _ =	vpop (xrf1)  }
0x51: {  	v4 =	vadd.s32 v56, v4  }
0x52: {  	v4 =	vadd.s32 $0xFFFFFFFF, v4  }
0x53: {  	vm12 =	vlt.u32 v2, $0x1200000;
	v57 =	vshll.u32 v3, $0x7;
	vm13 =	vlt.s32 v4, $0x40  }
0x54: {  	v4 =	vadd.s32 v57, v4;
	vm0 =	vmand vm12, vm13  }
0x55: {  	v4 =	vnsel vm0, $0x0, v4  }
0x56: {  	v58 =	vld [tilespmem:s29+$0x2020];
	v59 =	vadd.s32 $0x40, v4;
	_ =	sdelay $0x2  }
0x57: {  	v2 =	vand.u32 $0xFFFF, v2  }
0x58: {  	[tilespmem:v4+s2+$0x0] =	vst.idx.msk vm0, v2  }
0x59: {  	[tilespmem:v59+s2+$0x0] =	vst.idx.msk vm0, v58  }
0x5a: {  	[tilespmem:v3+s22+$0x0] =	vst.idx.add.s32.msk vm0, v1  }
0x5b: {  	v2 =	vld [tilespmem:s29+$0x30];
	_ =	sdelay $0x4  }
0x5c: {  	v3 =	vshrl.u32 v2, $0x10  }
0x5d: {  	(xrf1) =	vunique.msk.u32 $0xffff, v3;
	_ =	sdelay $0x9  }
0x5e: {  	v4 =	vld.idx.msk [tilespmem:v3+s22+$0x0], $0xffff;
	_ =	sdelay $0x3  }
0x5f: {  	_, v60, _ =	vpop (xrf1)  }
0x60: {  	v4 =	vadd.s32 v60, v4  }
0x61: {  	v4 =	vadd.s32 $0xFFFFFFFF, v4  }
0x62: {  	vm14 =	vlt.u32 v2, $0x1200000;
	v61 =	vshll.u32 v3, $0x7;
	vm15 =	vlt.s32 v4, $0x40  }
0x63: {  	v4 =	vadd.s32 v61, v4;
	vm0 =	vmand vm14, vm15  }
0x64: {  	v4 =	vnsel vm0, $0x0, v4  }
0x65: {  	s30 =	sadd.s32 $0x4, s30;
	v62 =	vld [tilespmem:s29+$0x2030];
	v63 =	vadd.s32 $0x40, v4  }
0x66: {  	p0 =	slt.u32 s30, $0x1FC  }
.Ltmp1:
0x67: {  	_ = 	snop;
	(pc) =	sbr.rel @p0 .LBB2_4-.Ltmp1, $4  }
0x68: {  	v2 =	vand.u32 $0xFFFF, v2  }
0x69: {  	[tilespmem:v4+s2+$0x0] =	vst.idx.msk vm0, v2  }
0x6a: {  	[tilespmem:v63+s2+$0x0] =	vst.idx.msk vm0, v62  }
0x6b: {  	s28 =	sadd.s32 $0x40, s28;
	s29 =	sadd.s32 $0x40, s29;
	[tilespmem:v3+s22+$0x0] =	vst.idx.add.s32.msk vm0, v1  }
0x6c: {  	s28 =	simm.s32 $0x0;
	s29 =	smov.u32 s12  }
0x6d: {  	[tilespmem:s23], [sflag:$0x1] =	stream.linear.gather [hbm4b:s5+s28], $0x4000, $0x38;
	[tilespmem:$0x11180] =	vst v63  }
.LBB2_6:
0x6e: {  	p0 =	sne.s32 s28, $0x23E00  }
.Ltmp2:
0x6f: {  	_ = 	snop;
	(pc) =	sbr.rel @p0 .LBB2_6-.Ltmp2, $4  }
0x70: {  	_ = 	snop  }
0x71: {  	s30 =	sshra.s32 s28, $0x2  }
0x72: {  	[hbm4b:s29+s2] =	stream.linear.scatter [tilespmem:s30], [sflag:$0x3], $0x80, $0x38;
	[tilespmem:$0x11180] =	vst v63  }
0x73: {  	s28 =	sadd.s32 $0x200, s28;
	s29 =	sadd.s32 $0x1000, s29  }
0x74: {  	s28 =	simm.s32 $0x120  }
.LBB2_8:
0x75: {  	p0 =	sne.s32 s28, $0x1  }
.Ltmp3:
0x76: {  	_ = 	snop;
	(pc) =	sbr.rel @p0 .LBB2_8-.Ltmp3, $4  }
0x77: {  	_ = 	snop  }
0x78: {  	_ =	swait.ge [sflag:s24], $0x80  }
0x79: {  	[sflag:s24] =	ssyncset.done $0x0  }
0x7a: {  	s28 =	sadd.s32 $0xFFFFFFFF, s28;
	[sflag:s24] =	ssyncadd.s32 $0xFFFFFF80  }
0x7b: {  	s29 =	simm.s32 $0xFFFDC200;
	s28 =	simm.s32 $0xFFFF7000  }
.LBB2_10:
0x7c: {  	p0 =	sne.s32 s29, $0xFFFFFE00;
	[tilespmem:s28+$0x9070] =	vst v0;
	s30 =	smov.u32 s29;
	s29 =	sadd.s32 $0x200, s29  }
.Ltmp4:
0x7d: {  	[tilespmem:s28+$0x9060] =	vst v0;
	(pc) =	sbr.rel @p0 .LBB2_10-.Ltmp4, $3  }
0x7e: {  	[tilespmem:s28+$0x9040] =	vst v0  }
0x7f: {  	[tilespmem:s28+$0x9050] =	vst v0;
	_ =	sdelay $0x1  }
0x80: {  	s28 =	sshra.s32 s30, $0x2  }
0x81: {  	[tilespmem:s28+$0x9070] =	vst v0  }
0x82: {  	[tilespmem:s28+$0x9060] =	vst v0  }
0x83: {  	[tilespmem:s28+$0x9040] =	vst v0  }
0x84: {  	[tilespmem:s28+$0x9050] =	vst v0  }
0x85: {  	[tilespmem:$0x9000] =	vst v0  }
0x86: {  	[tilespmem:$0x9010] =	vst v0  }
0x87: {  	[tilespmem:$0x9020] =	vst v0  }
0x88: {  	[tilespmem:$0x9030] =	vst v0  }
0x89: {  	[tilespmem:$0x9040] =	vst v0  }
0x8a: {  	[tilespmem:$0x9050] =	vst v0  }
0x8b: {  	[tilespmem:$0x9060] =	vst v0  }
0x8c: {  	[tilespmem:$0x9070] =	vst v0  }
0x8d: {  	[tilespmem:$0x9080] =	vst v0  }
0x8e: {  	[tilespmem:$0x9090] =	vst v0  }
0x8f: {  	[tilespmem:$0x90A0] =	vst v0  }
0x90: {  	[tilespmem:$0x90B0] =	vst v0  }
0x91: {  	[tilespmem:$0x90C0] =	vst v0  }
0x92: {  	[tilespmem:$0x90D0] =	vst v0  }
0x93: {  	[tilespmem:$0x90E0] =	vst v0  }
0x94: {  	[tilespmem:$0x90F0] =	vst v0  }
0x95: {  	[tilespmem:$0x9100] =	vst v0  }
0x96: {  	[tilespmem:$0x9110] =	vst v0  }
0x97: {  	[tilespmem:$0x9120] =	vst v0  }
0x98: {  	_ =	swait.ge [sflag:s25], $0x4000  }
0x99: {  	s28 =	simm.s32 $0xFFFFFFFC;
	[sflag:s25] =	ssyncset.done $0x0  }
0x9a: {  	s29 =	simm.s32 $0x0;
	s30 =	simm.s32 $0xD180;
	[sflag:s25] =	ssyncadd.s32 $0xFFFFC000  }
.LBB2_12:
0x9b: {  	v2 =	vld [tilespmem:s30+$0x0];
	_ =	sdelay $0x4  }
0x9c: {  	v3 =	vshrl.u32 v2, $0x10  }
0x9d: {  	(xrf1) =	vunique.msk.u32 $0xffff, v3;
	_ =	sdelay $0x9  }
0x9e: {  	v4 =	vld.idx.msk [tilespmem:v3+s22+$0x0], $0xffff;
	_ =	sdelay $0x3  }
0x9f: {  	_, v5, _ =	vpop (xrf1)  }
0xa0: {  	v4 =	vadd.s32 v5, v4  }
0xa1: {  	v4 =	vadd.s32 $0xFFFFFFFF, v4  }
0xa2: {  	vm0 =	vlt.u32 v2, $0x1200000;
	v50 =	vshll.u32 v3, $0x7;
	vm1 =	vlt.s32 v4, $0x40  }
0xa3: {  	v4 =	vadd.s32 v50, v4;
	vm0 =	vmand vm0, vm1  }
0xa4: {  	s31 =	sand.u32 $0x1FC0, s29;
	v4 =	vnsel vm0, $0x0, v4  }
0xa5: {  	v51 =	vld [tilespmem:s31+$0xF180];
	v6 =	vadd.s32 $0x40, v4;
	_ =	sdelay $0x2  }
0xa6: {  	v2 =	vand.u32 $0xFFFF, v2  }
0xa7: {  	[tilespmem:v4+s2+$0x0] =	vst.idx.msk vm0, v2  }
0xa8: {  	[tilespmem:v6+s2+$0x0] =	vst.idx.msk vm0, v51  }
0xa9: {  	[tilespmem:v3+s22+$0x0] =	vst.idx.add.s32.msk vm0, v1  }
0xaa: {  	v2 =	vld [tilespmem:s30+$0x10];
	_ =	sdelay $0x4  }
0xab: {  	v3 =	vshrl.u32 v2, $0x10  }
0xac: {  	(xrf1) =	vunique.msk.u32 $0xffff, v3;
	_ =	sdelay $0x9  }
0xad: {  	v4 =	vld.idx.msk [tilespmem:v3+s22+$0x0], $0xffff;
	_ =	sdelay $0x3  }
0xae: {  	_, v52, _ =	vpop (xrf1)  }
0xaf: {  	v4 =	vadd.s32 v52, v4  }
0xb0: {  	v4 =	vadd.s32 $0xFFFFFFFF, v4  }
0xb1: {  	vm10 =	vlt.u32 v2, $0x1200000;
	v53 =	vshll.u32 v3, $0x7;
	vm11 =	vlt.s32 v4, $0x40  }
0xb2: {  	v4 =	vadd.s32 v53, v4;
	vm0 =	vmand vm10, vm11  }
0xb3: {  	v4 =	vnsel vm0, $0x0, v4  }
0xb4: {  	v54 =	vld [tilespmem:s30+$0x2010];
	v55 =	vadd.s32 $0x40, v4;
	_ =	sdelay $0x2  }
0xb5: {  	v2 =	vand.u32 $0xFFFF, v2  }
0xb6: {  	[tilespmem:v4+s2+$0x0] =	vst.idx.msk vm0, v2  }
0xb7: {  	[tilespmem:v55+s2+$0x0] =	vst.idx.msk vm0, v54  }
0xb8: {  	[tilespmem:v3+s22+$0x0] =	vst.idx.add.s32.msk vm0, v1  }
0xb9: {  	v2 =	vld [tilespmem:s30+$0x20];
	_ =	sdelay $0x4  }
0xba: {  	v3 =	vshrl.u32 v2, $0x10  }
0xbb: {  	(xrf1) =	vunique.msk.u32 $0xffff, v3;
	_ =	sdelay $0x9  }
0xbc: {  	v4 =	vld.idx.msk [tilespmem:v3+s22+$0x0], $0xffff;
	_ =	sdelay $0x3  }
0xbd: {  	_, v56, _ =	vpop (xrf1)  }
0xbe: {  	v4 =	vadd.s32 v56, v4  }
0xbf: {  	v4 =	vadd.s32 $0xFFFFFFFF, v4  }
0xc0: {  	vm12 =	vlt.u32 v2, $0x1200000;
	v57 =	vshll.u32 v3, $0x7;
	vm13 =	vlt.s32 v4, $0x40  }
0xc1: {  	v4 =	vadd.s32 v57, v4;
	vm0 =	vmand vm12, vm13  }
0xc2: {  	v4 =	vnsel vm0, $0x0, v4  }
0xc3: {  	v58 =	vld [tilespmem:s30+$0x2020];
	v59 =	vadd.s32 $0x40, v4;
	_ =	sdelay $0x2  }
0xc4: {  	v2 =	vand.u32 $0xFFFF, v2  }
0xc5: {  	[tilespmem:v4+s2+$0x0] =	vst.idx.msk vm0, v2  }
0xc6: {  	[tilespmem:v59+s2+$0x0] =	vst.idx.msk vm0, v58  }
0xc7: {  	[tilespmem:v3+s22+$0x0] =	vst.idx.add.s32.msk vm0, v1  }
0xc8: {  	v2 =	vld [tilespmem:s30+$0x30];
	_ =	sdelay $0x4  }
0xc9: {  	v3 =	vshrl.u32 v2, $0x10  }
0xca: {  	(xrf1) =	vunique.msk.u32 $0xffff, v3;
	_ =	sdelay $0x9  }
0xcb: {  	v4 =	vld.idx.msk [tilespmem:v3+s22+$0x0], $0xffff;
	_ =	sdelay $0x3  }
0xcc: {  	_, v60, _ =	vpop (xrf1)  }
0xcd: {  	v4 =	vadd.s32 v60, v4  }
0xce: {  	v4 =	vadd.s32 $0xFFFFFFFF, v4  }
0xcf: {  	vm14 =	vlt.u32 v2, $0x1200000;
	v61 =	vshll.u32 v3, $0x7;
	vm15 =	vlt.s32 v4, $0x40  }
0xd0: {  	v4 =	vadd.s32 v61, v4;
	vm0 =	vmand vm14, vm15  }
0xd1: {  	v4 =	vnsel vm0, $0x0, v4  }
0xd2: {  	s28 =	sadd.s32 $0x4, s28;
	v62 =	vld [tilespmem:s30+$0x2030];
	v63 =	vadd.s32 $0x40, v4  }
0xd3: {  	p0 =	slt.u32 s28, $0x1FC  }
.Ltmp5:
0xd4: {  	_ = 	snop;
	(pc) =	sbr.rel @p0 .LBB2_12-.Ltmp5, $4  }
0xd5: {  	v2 =	vand.u32 $0xFFFF, v2  }
0xd6: {  	[tilespmem:v4+s2+$0x0] =	vst.idx.msk vm0, v2  }
0xd7: {  	[tilespmem:v63+s2+$0x0] =	vst.idx.msk vm0, v62  }
0xd8: {  	s29 =	sadd.s32 $0x40, s29;
	s30 =	sadd.s32 $0x40, s30;
	[tilespmem:v3+s22+$0x0] =	vst.idx.add.s32.msk vm0, v1  }
0xd9: {  	s28 =	simm.s32 $0x0;
	s29 =	smov.u32 s13  }
0xda: {  	[tilespmem:s20], [sflag:$0x2] =	stream.linear.gather [hbm4b:s6+s28], $0x4000, $0x38;
	[tilespmem:$0x11180] =	vst v63  }
.LBB2_14:
0xdb: {  	p0 =	sne.s32 s28, $0x23E00  }
.Ltmp6:
0xdc: {  	_ = 	snop;
	(pc) =	sbr.rel @p0 .LBB2_14-.Ltmp6, $4  }
0xdd: {  	_ = 	snop  }
0xde: {  	s30 =	sshra.s32 s28, $0x2  }
0xdf: {  	[hbm4b:s29+s2] =	stream.linear.scatter [tilespmem:s30], [sflag:$0x3], $0x80, $0x38;
	[tilespmem:$0x11180] =	vst v63  }
0xe0: {  	s28 =	sadd.s32 $0x200, s28;
	s29 =	sadd.s32 $0x1000, s29  }
0xe1: {  	s28 =	simm.s32 $0x120  }
.LBB2_16:
0xe2: {  	p0 =	sne.s32 s28, $0x1  }
.Ltmp7:
0xe3: {  	_ = 	snop;
	(pc) =	sbr.rel @p0 .LBB2_16-.Ltmp7, $4  }
0xe4: {  	_ = 	snop  }
0xe5: {  	_ =	swait.ge [sflag:s24], $0x80  }
0xe6: {  	[sflag:s24] =	ssyncset.done $0x0  }
0xe7: {  	s28 =	sadd.s32 $0xFFFFFFFF, s28;
	[sflag:s24] =	ssyncadd.s32 $0xFFFFFF80  }
0xe8: {  	s29 =	simm.s32 $0xFFFDC200;
	s28 =	simm.s32 $0xFFFF7000  }
.LBB2_18:
0xe9: {  	p0 =	sne.s32 s29, $0xFFFFFE00;
	[tilespmem:s28+$0x9070] =	vst v0;
	s30 =	smov.u32 s29;
	s29 =	sadd.s32 $0x200, s29  }
.Ltmp8:
0xea: {  	[tilespmem:s28+$0x9060] =	vst v0;
	(pc) =	sbr.rel @p0 .LBB2_18-.Ltmp8, $3  }
0xeb: {  	[tilespmem:s28+$0x9040] =	vst v0  }
0xec: {  	[tilespmem:s28+$0x9050] =	vst v0;
	_ =	sdelay $0x1  }
0xed: {  	s28 =	sshra.s32 s30, $0x2  }
0xee: {  	[tilespmem:s28+$0x9070] =	vst v0  }
0xef: {  	[tilespmem:s28+$0x9060] =	vst v0  }
0xf0: {  	[tilespmem:s28+$0x9040] =	vst v0  }
0xf1: {  	[tilespmem:s28+$0x9050] =	vst v0  }
0xf2: {  	[tilespmem:$0x9000] =	vst v0  }
0xf3: {  	[tilespmem:$0x9010] =	vst v0  }
0xf4: {  	[tilespmem:$0x9020] =	vst v0  }
0xf5: {  	[tilespmem:$0x9030] =	vst v0  }
0xf6: {  	[tilespmem:$0x9040] =	vst v0  }
0xf7: {  	[tilespmem:$0x9050] =	vst v0  }
0xf8: {  	[tilespmem:$0x9060] =	vst v0  }
0xf9: {  	[tilespmem:$0x9070] =	vst v0  }
0xfa: {  	[tilespmem:$0x9080] =	vst v0  }
0xfb: {  	[tilespmem:$0x9090] =	vst v0  }
0xfc: {  	[tilespmem:$0x90A0] =	vst v0  }
0xfd: {  	[tilespmem:$0x90B0] =	vst v0  }
0xfe: {  	[tilespmem:$0x90C0] =	vst v0  }
0xff: {  	[tilespmem:$0x90D0] =	vst v0  }
0x100: {  	[tilespmem:$0x90E0] =	vst v0  }
0x101: {  	[tilespmem:$0x90F0] =	vst v0  }
0x102: {  	[tilespmem:$0x9100] =	vst v0  }
0x103: {  	[tilespmem:$0x9110] =	vst v0  }
0x104: {  	[tilespmem:$0x9120] =	vst v0  }
0x105: {  	_ =	swait.ge [sflag:s21], $0x4000  }
0x106: {  	s28 =	simm.s32 $0xFFFFFFFC;
	[sflag:s21] =	ssyncset.done $0x0  }
0x107: {  	s29 =	simm.s32 $0x0;
	s30 =	simm.s32 $0x9180;
	[sflag:s21] =	ssyncadd.s32 $0xFFFFC000  }
.LBB2_20:
0x108: {  	v2 =	vld [tilespmem:s30+$0x0];
	_ =	sdelay $0x4  }
0x109: {  	v3 =	vshrl.u32 v2, $0x10  }
0x10a: {  	(xrf1) =	vunique.msk.u32 $0xffff, v3;
	_ =	sdelay $0x9  }
0x10b: {  	v4 =	vld.idx.msk [tilespmem:v3+s22+$0x0], $0xffff;
	_ =	sdelay $0x3  }
0x10c: {  	_, v5, _ =	vpop (xrf1)  }
0x10d: {  	v4 =	vadd.s32 v5, v4  }
0x10e: {  	v4 =	vadd.s32 $0xFFFFFFFF, v4  }
0x10f: {  	vm0 =	vlt.u32 v2, $0x1200000;
	v50 =	vshll.u32 v3, $0x7;
	vm1 =	vlt.s32 v4, $0x40  }
0x110: {  	v4 =	vadd.s32 v50, v4;
	vm0 =	vmand vm0, vm1  }
0x111: {  	s31 =	sand.u32 $0x1FC0, s29;
	v4 =	vnsel vm0, $0x0, v4  }
0x112: {  	v51 =	vld [tilespmem:s31+$0xB180];
	v6 =	vadd.s32 $0x40, v4;
	_ =	sdelay $0x2  }
0x113: {  	v2 =	vand.u32 $0xFFFF, v2  }
0x114: {  	[tilespmem:v4+s2+$0x0] =	vst.idx.msk vm0, v2  }
0x115: {  	[tilespmem:v6+s2+$0x0] =	vst.idx.msk vm0, v51  }
0x116: {  	[tilespmem:v3+s22+$0x0] =	vst.idx.add.s32.msk vm0, v1  }
0x117: {  	v2 =	vld [tilespmem:s30+$0x10];
	_ =	sdelay $0x4  }
0x118: {  	v3 =	vshrl.u32 v2, $0x10  }
0x119: {  	(xrf1) =	vunique.msk.u32 $0xffff, v3;
	_ =	sdelay $0x9  }
0x11a: {  	v4 =	vld.idx.msk [tilespmem:v3+s22+$0x0], $0xffff;
	_ =	sdelay $0x3  }
0x11b: {  	_, v52, _ =	vpop (xrf1)  }
0x11c: {  	v4 =	vadd.s32 v52, v4  }
0x11d: {  	v4 =	vadd.s32 $0xFFFFFFFF, v4  }
0x11e: {  	vm10 =	vlt.u32 v2, $0x1200000;
	v53 =	vshll.u32 v3, $0x7;
	vm11 =	vlt.s32 v4, $0x40  }
0x11f: {  	v4 =	vadd.s32 v53, v4;
	vm0 =	vmand vm10, vm11  }
0x120: {  	v4 =	vnsel vm0, $0x0, v4  }
0x121: {  	v54 =	vld [tilespmem:s30+$0x2010];
	v55 =	vadd.s32 $0x40, v4;
	_ =	sdelay $0x2  }
0x122: {  	v2 =	vand.u32 $0xFFFF, v2  }
0x123: {  	[tilespmem:v4+s2+$0x0] =	vst.idx.msk vm0, v2  }
0x124: {  	[tilespmem:v55+s2+$0x0] =	vst.idx.msk vm0, v54  }
0x125: {  	[tilespmem:v3+s22+$0x0] =	vst.idx.add.s32.msk vm0, v1  }
0x126: {  	v2 =	vld [tilespmem:s30+$0x20];
	_ =	sdelay $0x4  }
0x127: {  	v3 =	vshrl.u32 v2, $0x10  }
0x128: {  	(xrf1) =	vunique.msk.u32 $0xffff, v3;
	_ =	sdelay $0x9  }
0x129: {  	v4 =	vld.idx.msk [tilespmem:v3+s22+$0x0], $0xffff;
	_ =	sdelay $0x3  }
0x12a: {  	_, v56, _ =	vpop (xrf1)  }
0x12b: {  	v4 =	vadd.s32 v56, v4  }
0x12c: {  	v4 =	vadd.s32 $0xFFFFFFFF, v4  }
0x12d: {  	vm12 =	vlt.u32 v2, $0x1200000;
	v57 =	vshll.u32 v3, $0x7;
	vm13 =	vlt.s32 v4, $0x40  }
0x12e: {  	v4 =	vadd.s32 v57, v4;
	vm0 =	vmand vm12, vm13  }
0x12f: {  	v4 =	vnsel vm0, $0x0, v4  }
0x130: {  	v58 =	vld [tilespmem:s30+$0x2020];
	v59 =	vadd.s32 $0x40, v4;
	_ =	sdelay $0x2  }
0x131: {  	v2 =	vand.u32 $0xFFFF, v2  }
0x132: {  	[tilespmem:v4+s2+$0x0] =	vst.idx.msk vm0, v2  }
0x133: {  	[tilespmem:v59+s2+$0x0] =	vst.idx.msk vm0, v58  }
0x134: {  	[tilespmem:v3+s22+$0x0] =	vst.idx.add.s32.msk vm0, v1  }
0x135: {  	v2 =	vld [tilespmem:s30+$0x30];
	_ =	sdelay $0x4  }
0x136: {  	v3 =	vshrl.u32 v2, $0x10  }
0x137: {  	(xrf1) =	vunique.msk.u32 $0xffff, v3;
	_ =	sdelay $0x9  }
0x138: {  	v4 =	vld.idx.msk [tilespmem:v3+s22+$0x0], $0xffff;
	_ =	sdelay $0x3  }
0x139: {  	_, v60, _ =	vpop (xrf1)  }
0x13a: {  	v4 =	vadd.s32 v60, v4  }
0x13b: {  	v4 =	vadd.s32 $0xFFFFFFFF, v4  }
0x13c: {  	vm14 =	vlt.u32 v2, $0x1200000;
	v61 =	vshll.u32 v3, $0x7;
	vm15 =	vlt.s32 v4, $0x40  }
0x13d: {  	v4 =	vadd.s32 v61, v4;
	vm0 =	vmand vm14, vm15  }
0x13e: {  	v4 =	vnsel vm0, $0x0, v4  }
0x13f: {  	s28 =	sadd.s32 $0x4, s28;
	v62 =	vld [tilespmem:s30+$0x2030];
	v63 =	vadd.s32 $0x40, v4  }
0x140: {  	p0 =	slt.u32 s28, $0x1FC  }
.Ltmp9:
0x141: {  	_ = 	snop;
	(pc) =	sbr.rel @p0 .LBB2_20-.Ltmp9, $4  }
0x142: {  	v2 =	vand.u32 $0xFFFF, v2  }
0x143: {  	[tilespmem:v4+s2+$0x0] =	vst.idx.msk vm0, v2  }
0x144: {  	[tilespmem:v63+s2+$0x0] =	vst.idx.msk vm0, v62  }
0x145: {  	s29 =	sadd.s32 $0x40, s29;
	s30 =	sadd.s32 $0x40, s30;
	[tilespmem:v3+s22+$0x0] =	vst.idx.add.s32.msk vm0, v1  }
0x146: {  	s28 =	simm.s32 $0x0;
	s29 =	smov.u32 s14  }
0x147: {  	[tilespmem:s23], [sflag:$0x1] =	stream.linear.gather [hbm4b:s7+s28], $0x4000, $0x38;
	[tilespmem:$0x11180] =	vst v63  }
.LBB2_22:
0x148: {  	p0 =	sne.s32 s28, $0x23E00  }
.Ltmp10:
0x149: {  	_ = 	snop;
	(pc) =	sbr.rel @p0 .LBB2_22-.Ltmp10, $4  }
0x14a: {  	_ = 	snop  }
0x14b: {  	s30 =	sshra.s32 s28, $0x2  }
0x14c: {  	[hbm4b:s29+s2] =	stream.linear.scatter [tilespmem:s30], [sflag:$0x3], $0x80, $0x38;
	[tilespmem:$0x11180] =	vst v63  }
0x14d: {  	s28 =	sadd.s32 $0x200, s28;
	s29 =	sadd.s32 $0x1000, s29  }
0x14e: {  	s28 =	simm.s32 $0x120  }
.LBB2_24:
0x14f: {  	p0 =	sne.s32 s28, $0x1  }
.Ltmp11:
0x150: {  	_ = 	snop;
	(pc) =	sbr.rel @p0 .LBB2_24-.Ltmp11, $4  }
0x151: {  	_ = 	snop  }
0x152: {  	_ =	swait.ge [sflag:s24], $0x80  }
0x153: {  	[sflag:s24] =	ssyncset.done $0x0  }
0x154: {  	s28 =	sadd.s32 $0xFFFFFFFF, s28;
	[sflag:s24] =	ssyncadd.s32 $0xFFFFFF80  }
0x155: {  	s29 =	simm.s32 $0xFFFDC200;
	s28 =	simm.s32 $0xFFFF7000  }
.LBB2_26:
0x156: {  	p0 =	sne.s32 s29, $0xFFFFFE00;
	[tilespmem:s28+$0x9070] =	vst v0;
	s30 =	smov.u32 s29;
	s29 =	sadd.s32 $0x200, s29  }
.Ltmp12:
0x157: {  	[tilespmem:s28+$0x9060] =	vst v0;
	(pc) =	sbr.rel @p0 .LBB2_26-.Ltmp12, $3  }
0x158: {  	[tilespmem:s28+$0x9040] =	vst v0  }
0x159: {  	[tilespmem:s28+$0x9050] =	vst v0;
	_ =	sdelay $0x1  }
0x15a: {  	s28 =	sshra.s32 s30, $0x2  }
0x15b: {  	[tilespmem:s28+$0x9070] =	vst v0  }
0x15c: {  	[tilespmem:s28+$0x9060] =	vst v0  }
0x15d: {  	[tilespmem:s28+$0x9040] =	vst v0  }
0x15e: {  	[tilespmem:s28+$0x9050] =	vst v0  }
0x15f: {  	[tilespmem:$0x9000] =	vst v0  }
0x160: {  	[tilespmem:$0x9010] =	vst v0  }
0x161: {  	[tilespmem:$0x9020] =	vst v0  }
0x162: {  	[tilespmem:$0x9030] =	vst v0  }
0x163: {  	[tilespmem:$0x9040] =	vst v0  }
0x164: {  	[tilespmem:$0x9050] =	vst v0  }
0x165: {  	[tilespmem:$0x9060] =	vst v0  }
0x166: {  	[tilespmem:$0x9070] =	vst v0  }
0x167: {  	[tilespmem:$0x9080] =	vst v0  }
0x168: {  	[tilespmem:$0x9090] =	vst v0  }
0x169: {  	[tilespmem:$0x90A0] =	vst v0  }
0x16a: {  	[tilespmem:$0x90B0] =	vst v0  }
0x16b: {  	[tilespmem:$0x90C0] =	vst v0  }
0x16c: {  	[tilespmem:$0x90D0] =	vst v0  }
0x16d: {  	[tilespmem:$0x90E0] =	vst v0  }
0x16e: {  	[tilespmem:$0x90F0] =	vst v0  }
0x16f: {  	[tilespmem:$0x9100] =	vst v0  }
0x170: {  	[tilespmem:$0x9110] =	vst v0  }
0x171: {  	[tilespmem:$0x9120] =	vst v0  }
0x172: {  	_ =	swait.ge [sflag:s25], $0x4000  }
0x173: {  	s28 =	simm.s32 $0xFFFFFFFC;
	[sflag:s25] =	ssyncset.done $0x0  }
0x174: {  	s29 =	simm.s32 $0x0;
	s30 =	simm.s32 $0xD180;
	[sflag:s25] =	ssyncadd.s32 $0xFFFFC000  }
.LBB2_28:
0x175: {  	v2 =	vld [tilespmem:s30+$0x0];
	_ =	sdelay $0x4  }
0x176: {  	v3 =	vshrl.u32 v2, $0x10  }
0x177: {  	(xrf1) =	vunique.msk.u32 $0xffff, v3;
	_ =	sdelay $0x9  }
0x178: {  	v4 =	vld.idx.msk [tilespmem:v3+s22+$0x0], $0xffff;
	_ =	sdelay $0x3  }
0x179: {  	_, v5, _ =	vpop (xrf1)  }
0x17a: {  	v4 =	vadd.s32 v5, v4  }
0x17b: {  	v4 =	vadd.s32 $0xFFFFFFFF, v4  }
0x17c: {  	vm0 =	vlt.u32 v2, $0x1200000;
	v50 =	vshll.u32 v3, $0x7;
	vm1 =	vlt.s32 v4, $0x40  }
0x17d: {  	v4 =	vadd.s32 v50, v4;
	vm0 =	vmand vm0, vm1  }
0x17e: {  	s31 =	sand.u32 $0x1FC0, s29;
	v4 =	vnsel vm0, $0x0, v4  }
0x17f: {  	v51 =	vld [tilespmem:s31+$0xF180];
	v6 =	vadd.s32 $0x40, v4;
	_ =	sdelay $0x2  }
0x180: {  	v2 =	vand.u32 $0xFFFF, v2  }
0x181: {  	[tilespmem:v4+s2+$0x0] =	vst.idx.msk vm0, v2  }
0x182: {  	[tilespmem:v6+s2+$0x0] =	vst.idx.msk vm0, v51  }
0x183: {  	[tilespmem:v3+s22+$0x0] =	vst.idx.add.s32.msk vm0, v1  }
0x184: {  	v2 =	vld [tilespmem:s30+$0x10];
	_ =	sdelay $0x4  }
0x185: {  	v3 =	vshrl.u32 v2, $0x10  }
0x186: {  	(xrf1) =	vunique.msk.u32 $0xffff, v3;
	_ =	sdelay $0x9  }
0x187: {  	v4 =	vld.idx.msk [tilespmem:v3+s22+$0x0], $0xffff;
	_ =	sdelay $0x3  }
0x188: {  	_, v52, _ =	vpop (xrf1)  }
0x189: {  	v4 =	vadd.s32 v52, v4  }
0x18a: {  	v4 =	vadd.s32 $0xFFFFFFFF, v4  }
0x18b: {  	vm10 =	vlt.u32 v2, $0x1200000;
	v53 =	vshll.u32 v3, $0x7;
	vm11 =	vlt.s32 v4, $0x40  }
0x18c: {  	v4 =	vadd.s32 v53, v4;
	vm0 =	vmand vm10, vm11  }
0x18d: {  	v4 =	vnsel vm0, $0x0, v4  }
0x18e: {  	v54 =	vld [tilespmem:s30+$0x2010];
	v55 =	vadd.s32 $0x40, v4;
	_ =	sdelay $0x2  }
0x18f: {  	v2 =	vand.u32 $0xFFFF, v2  }
0x190: {  	[tilespmem:v4+s2+$0x0] =	vst.idx.msk vm0, v2  }
0x191: {  	[tilespmem:v55+s2+$0x0] =	vst.idx.msk vm0, v54  }
0x192: {  	[tilespmem:v3+s22+$0x0] =	vst.idx.add.s32.msk vm0, v1  }
0x193: {  	v2 =	vld [tilespmem:s30+$0x20];
	_ =	sdelay $0x4  }
0x194: {  	v3 =	vshrl.u32 v2, $0x10  }
0x195: {  	(xrf1) =	vunique.msk.u32 $0xffff, v3;
	_ =	sdelay $0x9  }
0x196: {  	v4 =	vld.idx.msk [tilespmem:v3+s22+$0x0], $0xffff;
	_ =	sdelay $0x3  }
0x197: {  	_, v56, _ =	vpop (xrf1)  }
0x198: {  	v4 =	vadd.s32 v56, v4  }
0x199: {  	v4 =	vadd.s32 $0xFFFFFFFF, v4  }
0x19a: {  	vm12 =	vlt.u32 v2, $0x1200000;
	v57 =	vshll.u32 v3, $0x7;
	vm13 =	vlt.s32 v4, $0x40  }
0x19b: {  	v4 =	vadd.s32 v57, v4;
	vm0 =	vmand vm12, vm13  }
0x19c: {  	v4 =	vnsel vm0, $0x0, v4  }
0x19d: {  	v58 =	vld [tilespmem:s30+$0x2020];
	v59 =	vadd.s32 $0x40, v4;
	_ =	sdelay $0x2  }
0x19e: {  	v2 =	vand.u32 $0xFFFF, v2  }
0x19f: {  	[tilespmem:v4+s2+$0x0] =	vst.idx.msk vm0, v2  }
0x1a0: {  	[tilespmem:v59+s2+$0x0] =	vst.idx.msk vm0, v58  }
0x1a1: {  	[tilespmem:v3+s22+$0x0] =	vst.idx.add.s32.msk vm0, v1  }
0x1a2: {  	v2 =	vld [tilespmem:s30+$0x30];
	_ =	sdelay $0x4  }
0x1a3: {  	v3 =	vshrl.u32 v2, $0x10  }
0x1a4: {  	(xrf1) =	vunique.msk.u32 $0xffff, v3;
	_ =	sdelay $0x9  }
0x1a5: {  	v4 =	vld.idx.msk [tilespmem:v3+s22+$0x0], $0xffff;
	_ =	sdelay $0x3  }
0x1a6: {  	_, v60, _ =	vpop (xrf1)  }
0x1a7: {  	v4 =	vadd.s32 v60, v4  }
0x1a8: {  	v4 =	vadd.s32 $0xFFFFFFFF, v4  }
0x1a9: {  	vm14 =	vlt.u32 v2, $0x1200000;
	v61 =	vshll.u32 v3, $0x7;
	vm15 =	vlt.s32 v4, $0x40  }
0x1aa: {  	v4 =	vadd.s32 v61, v4;
	vm0 =	vmand vm14, vm15  }
0x1ab: {  	v4 =	vnsel vm0, $0x0, v4  }
0x1ac: {  	s28 =	sadd.s32 $0x4, s28;
	v62 =	vld [tilespmem:s30+$0x2030];
	v63 =	vadd.s32 $0x40, v4  }
0x1ad: {  	p0 =	slt.u32 s28, $0x1FC  }
.Ltmp13:
0x1ae: {  	_ = 	snop;
	(pc) =	sbr.rel @p0 .LBB2_28-.Ltmp13, $4  }
0x1af: {  	v2 =	vand.u32 $0xFFFF, v2  }
0x1b0: {  	[tilespmem:v4+s2+$0x0] =	vst.idx.msk vm0, v2  }
0x1b1: {  	[tilespmem:v63+s2+$0x0] =	vst.idx.msk vm0, v62  }
0x1b2: {  	s29 =	sadd.s32 $0x40, s29;
	s30 =	sadd.s32 $0x40, s30;
	[tilespmem:v3+s22+$0x0] =	vst.idx.add.s32.msk vm0, v1  }
0x1b3: {  	s28 =	simm.s32 $0x0;
	s29 =	smov.u32 s15  }
0x1b4: {  	[tilespmem:s20], [sflag:$0x2] =	stream.linear.gather [hbm4b:s8+s28], $0x4000, $0x38;
	[tilespmem:$0x11180] =	vst v63  }
.LBB2_30:
0x1b5: {  	p0 =	sne.s32 s28, $0x23E00  }
.Ltmp14:
0x1b6: {  	_ = 	snop;
	(pc) =	sbr.rel @p0 .LBB2_30-.Ltmp14, $4  }
0x1b7: {  	_ = 	snop  }
0x1b8: {  	s30 =	sshra.s32 s28, $0x2  }
0x1b9: {  	[hbm4b:s29+s2] =	stream.linear.scatter [tilespmem:s30], [sflag:$0x3], $0x80, $0x38;
	[tilespmem:$0x11180] =	vst v63  }
0x1ba: {  	s28 =	sadd.s32 $0x200, s28;
	s29 =	sadd.s32 $0x1000, s29  }
0x1bb: {  	s28 =	simm.s32 $0x120  }
.LBB2_32:
0x1bc: {  	p0 =	sne.s32 s28, $0x1  }
.Ltmp15:
0x1bd: {  	_ = 	snop;
	(pc) =	sbr.rel @p0 .LBB2_32-.Ltmp15, $4  }
0x1be: {  	_ = 	snop  }
0x1bf: {  	_ =	swait.ge [sflag:s24], $0x80  }
0x1c0: {  	[sflag:s24] =	ssyncset.done $0x0  }
0x1c1: {  	s28 =	sadd.s32 $0xFFFFFFFF, s28;
	[sflag:s24] =	ssyncadd.s32 $0xFFFFFF80  }
0x1c2: {  	s29 =	simm.s32 $0xFFFDC200;
	s28 =	simm.s32 $0xFFFF7000  }
.LBB2_34:
0x1c3: {  	p0 =	sne.s32 s29, $0xFFFFFE00;
	[tilespmem:s28+$0x9070] =	vst v0;
	s30 =	smov.u32 s29;
	s29 =	sadd.s32 $0x200, s29  }
.Ltmp16:
0x1c4: {  	[tilespmem:s28+$0x9060] =	vst v0;
	(pc) =	sbr.rel @p0 .LBB2_34-.Ltmp16, $3  }
0x1c5: {  	[tilespmem:s28+$0x9040] =	vst v0  }
0x1c6: {  	[tilespmem:s28+$0x9050] =	vst v0;
	_ =	sdelay $0x1  }
0x1c7: {  	s28 =	sshra.s32 s30, $0x2  }
0x1c8: {  	[tilespmem:s28+$0x9070] =	vst v0  }
0x1c9: {  	[tilespmem:s28+$0x9060] =	vst v0  }
0x1ca: {  	[tilespmem:s28+$0x9040] =	vst v0  }
0x1cb: {  	[tilespmem:s28+$0x9050] =	vst v0  }
0x1cc: {  	[tilespmem:$0x9000] =	vst v0  }
0x1cd: {  	[tilespmem:$0x9010] =	vst v0  }
0x1ce: {  	[tilespmem:$0x9020] =	vst v0  }
0x1cf: {  	[tilespmem:$0x9030] =	vst v0  }
0x1d0: {  	[tilespmem:$0x9040] =	vst v0  }
0x1d1: {  	[tilespmem:$0x9050] =	vst v0  }
0x1d2: {  	[tilespmem:$0x9060] =	vst v0  }
0x1d3: {  	[tilespmem:$0x9070] =	vst v0  }
0x1d4: {  	[tilespmem:$0x9080] =	vst v0  }
0x1d5: {  	[tilespmem:$0x9090] =	vst v0  }
0x1d6: {  	[tilespmem:$0x90A0] =	vst v0  }
0x1d7: {  	[tilespmem:$0x90B0] =	vst v0  }
0x1d8: {  	[tilespmem:$0x90C0] =	vst v0  }
0x1d9: {  	[tilespmem:$0x90D0] =	vst v0  }
0x1da: {  	[tilespmem:$0x90E0] =	vst v0  }
0x1db: {  	[tilespmem:$0x90F0] =	vst v0  }
0x1dc: {  	[tilespmem:$0x9100] =	vst v0  }
0x1dd: {  	[tilespmem:$0x9110] =	vst v0  }
0x1de: {  	[tilespmem:$0x9120] =	vst v0  }
0x1df: {  	_ =	swait.ge [sflag:s21], $0x4000  }
0x1e0: {  	s28 =	simm.s32 $0xFFFFFFFC;
	[sflag:s21] =	ssyncset.done $0x0  }
0x1e1: {  	s29 =	simm.s32 $0x0;
	s30 =	simm.s32 $0x9180;
	[sflag:s21] =	ssyncadd.s32 $0xFFFFC000  }
.LBB2_36:
0x1e2: {  	v2 =	vld [tilespmem:s30+$0x0];
	_ =	sdelay $0x4  }
0x1e3: {  	v3 =	vshrl.u32 v2, $0x10  }
0x1e4: {  	(xrf1) =	vunique.msk.u32 $0xffff, v3;
	_ =	sdelay $0x9  }
0x1e5: {  	v4 =	vld.idx.msk [tilespmem:v3+s22+$0x0], $0xffff;
	_ =	sdelay $0x3  }
0x1e6: {  	_, v5, _ =	vpop (xrf1)  }
0x1e7: {  	v4 =	vadd.s32 v5, v4  }
0x1e8: {  	v4 =	vadd.s32 $0xFFFFFFFF, v4  }
0x1e9: {  	vm0 =	vlt.u32 v2, $0x1200000;
	v50 =	vshll.u32 v3, $0x7;
	vm1 =	vlt.s32 v4, $0x40  }
0x1ea: {  	v4 =	vadd.s32 v50, v4;
	vm0 =	vmand vm0, vm1  }
0x1eb: {  	s31 =	sand.u32 $0x1FC0, s29;
	v4 =	vnsel vm0, $0x0, v4  }
0x1ec: {  	v51 =	vld [tilespmem:s31+$0xB180];
	v6 =	vadd.s32 $0x40, v4;
	_ =	sdelay $0x2  }
0x1ed: {  	v2 =	vand.u32 $0xFFFF, v2  }
0x1ee: {  	[tilespmem:v4+s2+$0x0] =	vst.idx.msk vm0, v2  }
0x1ef: {  	[tilespmem:v6+s2+$0x0] =	vst.idx.msk vm0, v51  }
0x1f0: {  	[tilespmem:v3+s22+$0x0] =	vst.idx.add.s32.msk vm0, v1  }
0x1f1: {  	v2 =	vld [tilespmem:s30+$0x10];
	_ =	sdelay $0x4  }
0x1f2: {  	v3 =	vshrl.u32 v2, $0x10  }
0x1f3: {  	(xrf1) =	vunique.msk.u32 $0xffff, v3;
	_ =	sdelay $0x9  }
0x1f4: {  	v4 =	vld.idx.msk [tilespmem:v3+s22+$0x0], $0xffff;
	_ =	sdelay $0x3  }
0x1f5: {  	_, v52, _ =	vpop (xrf1)  }
0x1f6: {  	v4 =	vadd.s32 v52, v4  }
0x1f7: {  	v4 =	vadd.s32 $0xFFFFFFFF, v4  }
0x1f8: {  	vm10 =	vlt.u32 v2, $0x1200000;
	v53 =	vshll.u32 v3, $0x7;
	vm11 =	vlt.s32 v4, $0x40  }
0x1f9: {  	v4 =	vadd.s32 v53, v4;
	vm0 =	vmand vm10, vm11  }
0x1fa: {  	v4 =	vnsel vm0, $0x0, v4  }
0x1fb: {  	v54 =	vld [tilespmem:s30+$0x2010];
	v55 =	vadd.s32 $0x40, v4;
	_ =	sdelay $0x2  }
0x1fc: {  	v2 =	vand.u32 $0xFFFF, v2  }
0x1fd: {  	[tilespmem:v4+s2+$0x0] =	vst.idx.msk vm0, v2  }
0x1fe: {  	[tilespmem:v55+s2+$0x0] =	vst.idx.msk vm0, v54  }
0x1ff: {  	[tilespmem:v3+s22+$0x0] =	vst.idx.add.s32.msk vm0, v1  }
0x200: {  	v2 =	vld [tilespmem:s30+$0x20];
	_ =	sdelay $0x4  }
0x201: {  	v3 =	vshrl.u32 v2, $0x10  }
0x202: {  	(xrf1) =	vunique.msk.u32 $0xffff, v3;
	_ =	sdelay $0x9  }
0x203: {  	v4 =	vld.idx.msk [tilespmem:v3+s22+$0x0], $0xffff;
	_ =	sdelay $0x3  }
0x204: {  	_, v56, _ =	vpop (xrf1)  }
0x205: {  	v4 =	vadd.s32 v56, v4  }
0x206: {  	v4 =	vadd.s32 $0xFFFFFFFF, v4  }
0x207: {  	vm12 =	vlt.u32 v2, $0x1200000;
	v57 =	vshll.u32 v3, $0x7;
	vm13 =	vlt.s32 v4, $0x40  }
0x208: {  	v4 =	vadd.s32 v57, v4;
	vm0 =	vmand vm12, vm13  }
0x209: {  	v4 =	vnsel vm0, $0x0, v4  }
0x20a: {  	v58 =	vld [tilespmem:s30+$0x2020];
	v59 =	vadd.s32 $0x40, v4;
	_ =	sdelay $0x2  }
0x20b: {  	v2 =	vand.u32 $0xFFFF, v2  }
0x20c: {  	[tilespmem:v4+s2+$0x0] =	vst.idx.msk vm0, v2  }
0x20d: {  	[tilespmem:v59+s2+$0x0] =	vst.idx.msk vm0, v58  }
0x20e: {  	[tilespmem:v3+s22+$0x0] =	vst.idx.add.s32.msk vm0, v1  }
0x20f: {  	v2 =	vld [tilespmem:s30+$0x30];
	_ =	sdelay $0x4  }
0x210: {  	v3 =	vshrl.u32 v2, $0x10  }
0x211: {  	(xrf1) =	vunique.msk.u32 $0xffff, v3;
	_ =	sdelay $0x9  }
0x212: {  	v4 =	vld.idx.msk [tilespmem:v3+s22+$0x0], $0xffff;
	_ =	sdelay $0x3  }
0x213: {  	_, v60, _ =	vpop (xrf1)  }
0x214: {  	v4 =	vadd.s32 v60, v4  }
0x215: {  	v4 =	vadd.s32 $0xFFFFFFFF, v4  }
0x216: {  	vm14 =	vlt.u32 v2, $0x1200000;
	v61 =	vshll.u32 v3, $0x7;
	vm15 =	vlt.s32 v4, $0x40  }
0x217: {  	v4 =	vadd.s32 v61, v4;
	vm0 =	vmand vm14, vm15  }
0x218: {  	v4 =	vnsel vm0, $0x0, v4  }
0x219: {  	s28 =	sadd.s32 $0x4, s28;
	v62 =	vld [tilespmem:s30+$0x2030];
	v63 =	vadd.s32 $0x40, v4  }
0x21a: {  	p0 =	slt.u32 s28, $0x1FC  }
.Ltmp17:
0x21b: {  	_ = 	snop;
	(pc) =	sbr.rel @p0 .LBB2_36-.Ltmp17, $4  }
0x21c: {  	v2 =	vand.u32 $0xFFFF, v2  }
0x21d: {  	[tilespmem:v4+s2+$0x0] =	vst.idx.msk vm0, v2  }
0x21e: {  	[tilespmem:v63+s2+$0x0] =	vst.idx.msk vm0, v62  }
0x21f: {  	s29 =	sadd.s32 $0x40, s29;
	s30 =	sadd.s32 $0x40, s30;
	[tilespmem:v3+s22+$0x0] =	vst.idx.add.s32.msk vm0, v1  }
0x220: {  	s28 =	simm.s32 $0x0;
	s29 =	smov.u32 s16  }
0x221: {  	[tilespmem:s23], [sflag:$0x1] =	stream.linear.gather [hbm4b:s9+s28], $0x4000, $0x38;
	[tilespmem:$0x11180] =	vst v63  }
.LBB2_38:
0x222: {  	p0 =	sne.s32 s28, $0x23E00  }
.Ltmp18:
0x223: {  	_ = 	snop;
	(pc) =	sbr.rel @p0 .LBB2_38-.Ltmp18, $4  }
0x224: {  	_ = 	snop  }
0x225: {  	s30 =	sshra.s32 s28, $0x2  }
0x226: {  	[hbm4b:s29+s2] =	stream.linear.scatter [tilespmem:s30], [sflag:$0x3], $0x80, $0x38;
	[tilespmem:$0x11180] =	vst v63  }
0x227: {  	s28 =	sadd.s32 $0x200, s28;
	s29 =	sadd.s32 $0x1000, s29  }
0x228: {  	s28 =	simm.s32 $0x120  }
.LBB2_40:
0x229: {  	p0 =	sne.s32 s28, $0x1  }
.Ltmp19:
0x22a: {  	_ = 	snop;
	(pc) =	sbr.rel @p0 .LBB2_40-.Ltmp19, $4  }
0x22b: {  	_ = 	snop  }
0x22c: {  	_ =	swait.ge [sflag:s24], $0x80  }
0x22d: {  	[sflag:s24] =	ssyncset.done $0x0  }
0x22e: {  	s28 =	sadd.s32 $0xFFFFFFFF, s28;
	[sflag:s24] =	ssyncadd.s32 $0xFFFFFF80  }
0x22f: {  	s29 =	simm.s32 $0xFFFDC200;
	s28 =	simm.s32 $0xFFFF7000  }
.LBB2_42:
0x230: {  	p0 =	sne.s32 s29, $0xFFFFFE00;
	[tilespmem:s28+$0x9070] =	vst v0;
	s30 =	smov.u32 s29;
	s29 =	sadd.s32 $0x200, s29  }
.Ltmp20:
0x231: {  	[tilespmem:s28+$0x9060] =	vst v0;
	(pc) =	sbr.rel @p0 .LBB2_42-.Ltmp20, $3  }
0x232: {  	[tilespmem:s28+$0x9040] =	vst v0  }
0x233: {  	[tilespmem:s28+$0x9050] =	vst v0;
	_ =	sdelay $0x1  }
0x234: {  	s28 =	sshra.s32 s30, $0x2  }
0x235: {  	[tilespmem:s28+$0x9070] =	vst v0  }
0x236: {  	[tilespmem:s28+$0x9060] =	vst v0  }
0x237: {  	[tilespmem:s28+$0x9040] =	vst v0  }
0x238: {  	[tilespmem:s28+$0x9050] =	vst v0  }
0x239: {  	[tilespmem:$0x9000] =	vst v0  }
0x23a: {  	[tilespmem:$0x9010] =	vst v0  }
0x23b: {  	[tilespmem:$0x9020] =	vst v0  }
0x23c: {  	[tilespmem:$0x9030] =	vst v0  }
0x23d: {  	[tilespmem:$0x9040] =	vst v0  }
0x23e: {  	[tilespmem:$0x9050] =	vst v0  }
0x23f: {  	[tilespmem:$0x9060] =	vst v0  }
0x240: {  	[tilespmem:$0x9070] =	vst v0  }
0x241: {  	[tilespmem:$0x9080] =	vst v0  }
0x242: {  	[tilespmem:$0x9090] =	vst v0  }
0x243: {  	[tilespmem:$0x90A0] =	vst v0  }
0x244: {  	[tilespmem:$0x90B0] =	vst v0  }
0x245: {  	[tilespmem:$0x90C0] =	vst v0  }
0x246: {  	[tilespmem:$0x90D0] =	vst v0  }
0x247: {  	[tilespmem:$0x90E0] =	vst v0  }
0x248: {  	[tilespmem:$0x90F0] =	vst v0  }
0x249: {  	[tilespmem:$0x9100] =	vst v0  }
0x24a: {  	[tilespmem:$0x9110] =	vst v0  }
0x24b: {  	[tilespmem:$0x9120] =	vst v0  }
0x24c: {  	_ =	swait.ge [sflag:s25], $0x4000  }
0x24d: {  	s28 =	simm.s32 $0xFFFFFFFC;
	[sflag:s25] =	ssyncset.done $0x0  }
0x24e: {  	s29 =	simm.s32 $0x0;
	s30 =	simm.s32 $0xD180;
	[sflag:s25] =	ssyncadd.s32 $0xFFFFC000  }
.LBB2_44:
0x24f: {  	v2 =	vld [tilespmem:s30+$0x0];
	_ =	sdelay $0x4  }
0x250: {  	v3 =	vshrl.u32 v2, $0x10  }
0x251: {  	(xrf1) =	vunique.msk.u32 $0xffff, v3;
	_ =	sdelay $0x9  }
0x252: {  	v4 =	vld.idx.msk [tilespmem:v3+s22+$0x0], $0xffff;
	_ =	sdelay $0x3  }
0x253: {  	_, v5, _ =	vpop (xrf1)  }
0x254: {  	v4 =	vadd.s32 v5, v4  }
0x255: {  	v4 =	vadd.s32 $0xFFFFFFFF, v4  }
0x256: {  	vm0 =	vlt.u32 v2, $0x1200000;
	v50 =	vshll.u32 v3, $0x7;
	vm1 =	vlt.s32 v4, $0x40  }
0x257: {  	v4 =	vadd.s32 v50, v4;
	vm0 =	vmand vm0, vm1  }
0x258: {  	s31 =	sand.u32 $0x1FC0, s29;
	v4 =	vnsel vm0, $0x0, v4  }
0x259: {  	v51 =	vld [tilespmem:s31+$0xF180];
	v6 =	vadd.s32 $0x40, v4;
	_ =	sdelay $0x2  }
0x25a: {  	v2 =	vand.u32 $0xFFFF, v2  }
0x25b: {  	[tilespmem:v4+s2+$0x0] =	vst.idx.msk vm0, v2  }
0x25c: {  	[tilespmem:v6+s2+$0x0] =	vst.idx.msk vm0, v51  }
0x25d: {  	[tilespmem:v3+s22+$0x0] =	vst.idx.add.s32.msk vm0, v1  }
0x25e: {  	v2 =	vld [tilespmem:s30+$0x10];
	_ =	sdelay $0x4  }
0x25f: {  	v3 =	vshrl.u32 v2, $0x10  }
0x260: {  	(xrf1) =	vunique.msk.u32 $0xffff, v3;
	_ =	sdelay $0x9  }
0x261: {  	v4 =	vld.idx.msk [tilespmem:v3+s22+$0x0], $0xffff;
	_ =	sdelay $0x3  }
0x262: {  	_, v52, _ =	vpop (xrf1)  }
0x263: {  	v4 =	vadd.s32 v52, v4  }
0x264: {  	v4 =	vadd.s32 $0xFFFFFFFF, v4  }
0x265: {  	vm10 =	vlt.u32 v2, $0x1200000;
	v53 =	vshll.u32 v3, $0x7;
	vm11 =	vlt.s32 v4, $0x40  }
0x266: {  	v4 =	vadd.s32 v53, v4;
	vm0 =	vmand vm10, vm11  }
0x267: {  	v4 =	vnsel vm0, $0x0, v4  }
0x268: {  	v54 =	vld [tilespmem:s30+$0x2010];
	v55 =	vadd.s32 $0x40, v4;
	_ =	sdelay $0x2  }
0x269: {  	v2 =	vand.u32 $0xFFFF, v2  }
0x26a: {  	[tilespmem:v4+s2+$0x0] =	vst.idx.msk vm0, v2  }
0x26b: {  	[tilespmem:v55+s2+$0x0] =	vst.idx.msk vm0, v54  }
0x26c: {  	[tilespmem:v3+s22+$0x0] =	vst.idx.add.s32.msk vm0, v1  }
0x26d: {  	v2 =	vld [tilespmem:s30+$0x20];
	_ =	sdelay $0x4  }
0x26e: {  	v3 =	vshrl.u32 v2, $0x10  }
0x26f: {  	(xrf1) =	vunique.msk.u32 $0xffff, v3;
	_ =	sdelay $0x9  }
0x270: {  	v4 =	vld.idx.msk [tilespmem:v3+s22+$0x0], $0xffff;
	_ =	sdelay $0x3  }
0x271: {  	_, v56, _ =	vpop (xrf1)  }
0x272: {  	v4 =	vadd.s32 v56, v4  }
0x273: {  	v4 =	vadd.s32 $0xFFFFFFFF, v4  }
0x274: {  	vm12 =	vlt.u32 v2, $0x1200000;
	v57 =	vshll.u32 v3, $0x7;
	vm13 =	vlt.s32 v4, $0x40  }
0x275: {  	v4 =	vadd.s32 v57, v4;
	vm0 =	vmand vm12, vm13  }
0x276: {  	v4 =	vnsel vm0, $0x0, v4  }
0x277: {  	v58 =	vld [tilespmem:s30+$0x2020];
	v59 =	vadd.s32 $0x40, v4;
	_ =	sdelay $0x2  }
0x278: {  	v2 =	vand.u32 $0xFFFF, v2  }
0x279: {  	[tilespmem:v4+s2+$0x0] =	vst.idx.msk vm0, v2  }
0x27a: {  	[tilespmem:v59+s2+$0x0] =	vst.idx.msk vm0, v58  }
0x27b: {  	[tilespmem:v3+s22+$0x0] =	vst.idx.add.s32.msk vm0, v1  }
0x27c: {  	v2 =	vld [tilespmem:s30+$0x30];
	_ =	sdelay $0x4  }
0x27d: {  	v3 =	vshrl.u32 v2, $0x10  }
0x27e: {  	(xrf1) =	vunique.msk.u32 $0xffff, v3;
	_ =	sdelay $0x9  }
0x27f: {  	v4 =	vld.idx.msk [tilespmem:v3+s22+$0x0], $0xffff;
	_ =	sdelay $0x3  }
0x280: {  	_, v60, _ =	vpop (xrf1)  }
0x281: {  	v4 =	vadd.s32 v60, v4  }
0x282: {  	v4 =	vadd.s32 $0xFFFFFFFF, v4  }
0x283: {  	vm14 =	vlt.u32 v2, $0x1200000;
	v61 =	vshll.u32 v3, $0x7;
	vm15 =	vlt.s32 v4, $0x40  }
0x284: {  	v4 =	vadd.s32 v61, v4;
	vm0 =	vmand vm14, vm15  }
0x285: {  	v4 =	vnsel vm0, $0x0, v4  }
0x286: {  	s28 =	sadd.s32 $0x4, s28;
	v62 =	vld [tilespmem:s30+$0x2030];
	v63 =	vadd.s32 $0x40, v4  }
0x287: {  	p0 =	slt.u32 s28, $0x1FC  }
.Ltmp21:
0x288: {  	_ = 	snop;
	(pc) =	sbr.rel @p0 .LBB2_44-.Ltmp21, $4  }
0x289: {  	v2 =	vand.u32 $0xFFFF, v2  }
0x28a: {  	[tilespmem:v4+s2+$0x0] =	vst.idx.msk vm0, v2  }
0x28b: {  	[tilespmem:v63+s2+$0x0] =	vst.idx.msk vm0, v62  }
0x28c: {  	s29 =	sadd.s32 $0x40, s29;
	s30 =	sadd.s32 $0x40, s30;
	[tilespmem:v3+s22+$0x0] =	vst.idx.add.s32.msk vm0, v1  }
0x28d: {  	s28 =	simm.s32 $0x0;
	s29 =	smov.u32 s17  }
0x28e: {  	[tilespmem:s20], [sflag:$0x2] =	stream.linear.gather [hbm4b:s10+s28], $0x4000, $0x38;
	[tilespmem:$0x11180] =	vst v63  }
.LBB2_46:
0x28f: {  	p0 =	sne.s32 s28, $0x23E00  }
.Ltmp22:
0x290: {  	_ = 	snop;
	(pc) =	sbr.rel @p0 .LBB2_46-.Ltmp22, $4  }
0x291: {  	_ = 	snop  }
0x292: {  	s30 =	sshra.s32 s28, $0x2  }
0x293: {  	[hbm4b:s29+s2] =	stream.linear.scatter [tilespmem:s30], [sflag:$0x3], $0x80, $0x38;
	[tilespmem:$0x11180] =	vst v63  }
0x294: {  	s28 =	sadd.s32 $0x200, s28;
	s29 =	sadd.s32 $0x1000, s29  }
0x295: {  	s28 =	simm.s32 $0x120  }
.LBB2_48:
0x296: {  	p0 =	sne.s32 s28, $0x1  }
.Ltmp23:
0x297: {  	_ = 	snop;
	(pc) =	sbr.rel @p0 .LBB2_48-.Ltmp23, $4  }
0x298: {  	_ = 	snop  }
0x299: {  	_ =	swait.ge [sflag:s24], $0x80  }
0x29a: {  	[sflag:s24] =	ssyncset.done $0x0  }
0x29b: {  	s28 =	sadd.s32 $0xFFFFFFFF, s28;
	[sflag:s24] =	ssyncadd.s32 $0xFFFFFF80  }
0x29c: {  	s29 =	simm.s32 $0xFFFDC200;
	s28 =	simm.s32 $0xFFFF7000  }
.LBB2_50:
0x29d: {  	p0 =	sne.s32 s29, $0xFFFFFE00;
	[tilespmem:s28+$0x9070] =	vst v0;
	s30 =	smov.u32 s29;
	s29 =	sadd.s32 $0x200, s29  }
.Ltmp24:
0x29e: {  	[tilespmem:s28+$0x9060] =	vst v0;
	(pc) =	sbr.rel @p0 .LBB2_50-.Ltmp24, $3  }
0x29f: {  	[tilespmem:s28+$0x9040] =	vst v0  }
0x2a0: {  	[tilespmem:s28+$0x9050] =	vst v0;
	_ =	sdelay $0x1  }
0x2a1: {  	s28 =	sshra.s32 s30, $0x2  }
0x2a2: {  	[tilespmem:s28+$0x9070] =	vst v0  }
0x2a3: {  	[tilespmem:s28+$0x9060] =	vst v0  }
0x2a4: {  	[tilespmem:s28+$0x9040] =	vst v0  }
0x2a5: {  	[tilespmem:s28+$0x9050] =	vst v0  }
0x2a6: {  	[tilespmem:$0x9000] =	vst v0  }
0x2a7: {  	[tilespmem:$0x9010] =	vst v0  }
0x2a8: {  	[tilespmem:$0x9020] =	vst v0  }
0x2a9: {  	[tilespmem:$0x9030] =	vst v0  }
0x2aa: {  	[tilespmem:$0x9040] =	vst v0  }
0x2ab: {  	[tilespmem:$0x9050] =	vst v0  }
0x2ac: {  	[tilespmem:$0x9060] =	vst v0  }
0x2ad: {  	[tilespmem:$0x9070] =	vst v0  }
0x2ae: {  	[tilespmem:$0x9080] =	vst v0  }
0x2af: {  	[tilespmem:$0x9090] =	vst v0  }
0x2b0: {  	[tilespmem:$0x90A0] =	vst v0  }
0x2b1: {  	[tilespmem:$0x90B0] =	vst v0  }
0x2b2: {  	[tilespmem:$0x90C0] =	vst v0  }
0x2b3: {  	[tilespmem:$0x90D0] =	vst v0  }
0x2b4: {  	[tilespmem:$0x90E0] =	vst v0  }
0x2b5: {  	[tilespmem:$0x90F0] =	vst v0  }
0x2b6: {  	[tilespmem:$0x9100] =	vst v0  }
0x2b7: {  	[tilespmem:$0x9110] =	vst v0  }
0x2b8: {  	[tilespmem:$0x9120] =	vst v0  }
0x2b9: {  	_ =	swait.ge [sflag:s21], $0x4000  }
0x2ba: {  	s29 =	simm.s32 $0xFFFFFFFC;
	s28 =	simm.s32 $0x0;
	[sflag:s21] =	ssyncset.done $0x0  }
0x2bb: {  	s30 =	simm.s32 $0x9180;
	s31 =	simm.s32 $0x0;
	[sflag:s21] =	ssyncadd.s32 $0xFFFFC000  }
.LBB2_52:
0x2bc: {  	v2 =	vld [tilespmem:s30+$0x0];
	_ =	sdelay $0x4  }
0x2bd: {  	v3 =	vshrl.u32 v2, $0x10  }
0x2be: {  	(xrf1) =	vunique.msk.u32 $0xffff, v3;
	_ =	sdelay $0x9  }
0x2bf: {  	v4 =	vld.idx.msk [tilespmem:v3+s22+$0x0], $0xffff;
	_ =	sdelay $0x3  }
0x2c0: {  	_, v5, _ =	vpop (xrf1)  }
0x2c1: {  	v4 =	vadd.s32 v5, v4  }
0x2c2: {  	v4 =	vadd.s32 $0xFFFFFFFF, v4  }
0x2c3: {  	vm0 =	vlt.u32 v2, $0x1200000;
	v50 =	vshll.u32 v3, $0x7;
	vm1 =	vlt.s32 v4, $0x40  }
0x2c4: {  	v4 =	vadd.s32 v50, v4;
	vm0 =	vmand vm0, vm1  }
0x2c5: {  	s0 =	sand.u32 $0x1FC0, s31;
	v4 =	vnsel vm0, $0x0, v4  }
0x2c6: {  	v51 =	vld [tilespmem:s0+$0xB180];
	v6 =	vadd.s32 $0x40, v4;
	_ =	sdelay $0x2  }
0x2c7: {  	v2 =	vand.u32 $0xFFFF, v2  }
0x2c8: {  	[tilespmem:v4+s28+$0x0] =	vst.idx.msk vm0, v2  }
0x2c9: {  	[tilespmem:v6+s28+$0x0] =	vst.idx.msk vm0, v51  }
0x2ca: {  	[tilespmem:v3+s22+$0x0] =	vst.idx.add.s32.msk vm0, v1  }
0x2cb: {  	v2 =	vld [tilespmem:s30+$0x10];
	_ =	sdelay $0x4  }
0x2cc: {  	v3 =	vshrl.u32 v2, $0x10  }
0x2cd: {  	(xrf1) =	vunique.msk.u32 $0xffff, v3;
	_ =	sdelay $0x9  }
0x2ce: {  	v4 =	vld.idx.msk [tilespmem:v3+s22+$0x0], $0xffff;
	_ =	sdelay $0x3  }
0x2cf: {  	_, v52, _ =	vpop (xrf1)  }
0x2d0: {  	v4 =	vadd.s32 v52, v4  }
0x2d1: {  	v4 =	vadd.s32 $0xFFFFFFFF, v4  }
0x2d2: {  	vm10 =	vlt.u32 v2, $0x1200000;
	v53 =	vshll.u32 v3, $0x7;
	vm11 =	vlt.s32 v4, $0x40  }
0x2d3: {  	v4 =	vadd.s32 v53, v4;
	vm0 =	vmand vm10, vm11  }
0x2d4: {  	v4 =	vnsel vm0, $0x0, v4  }
0x2d5: {  	v54 =	vld [tilespmem:s30+$0x2010];
	v55 =	vadd.s32 $0x40, v4;
	_ =	sdelay $0x2  }
0x2d6: {  	v2 =	vand.u32 $0xFFFF, v2  }
0x2d7: {  	[tilespmem:v4+s28+$0x0] =	vst.idx.msk vm0, v2  }
0x2d8: {  	[tilespmem:v55+s28+$0x0] =	vst.idx.msk vm0, v54  }
0x2d9: {  	[tilespmem:v3+s22+$0x0] =	vst.idx.add.s32.msk vm0, v1  }
0x2da: {  	v2 =	vld [tilespmem:s30+$0x20];
	_ =	sdelay $0x4  }
0x2db: {  	v3 =	vshrl.u32 v2, $0x10  }
0x2dc: {  	(xrf1) =	vunique.msk.u32 $0xffff, v3;
	_ =	sdelay $0x9  }
0x2dd: {  	v4 =	vld.idx.msk [tilespmem:v3+s22+$0x0], $0xffff;
	_ =	sdelay $0x3  }
0x2de: {  	_, v56, _ =	vpop (xrf1)  }
0x2df: {  	v4 =	vadd.s32 v56, v4  }
0x2e0: {  	v4 =	vadd.s32 $0xFFFFFFFF, v4  }
0x2e1: {  	vm12 =	vlt.u32 v2, $0x1200000;
	v57 =	vshll.u32 v3, $0x7;
	vm13 =	vlt.s32 v4, $0x40  }
0x2e2: {  	v4 =	vadd.s32 v57, v4;
	vm0 =	vmand vm12, vm13  }
0x2e3: {  	v4 =	vnsel vm0, $0x0, v4  }
0x2e4: {  	v58 =	vld [tilespmem:s30+$0x2020];
	v59 =	vadd.s32 $0x40, v4;
	_ =	sdelay $0x2  }
0x2e5: {  	v2 =	vand.u32 $0xFFFF, v2  }
0x2e6: {  	[tilespmem:v4+s28+$0x0] =	vst.idx.msk vm0, v2  }
0x2e7: {  	[tilespmem:v59+s28+$0x0] =	vst.idx.msk vm0, v58  }
0x2e8: {  	[tilespmem:v3+s22+$0x0] =	vst.idx.add.s32.msk vm0, v1  }
0x2e9: {  	v2 =	vld [tilespmem:s30+$0x30];
	_ =	sdelay $0x4  }
0x2ea: {  	v3 =	vshrl.u32 v2, $0x10  }
0x2eb: {  	(xrf1) =	vunique.msk.u32 $0xffff, v3;
	_ =	sdelay $0x9  }
0x2ec: {  	v4 =	vld.idx.msk [tilespmem:v3+s22+$0x0], $0xffff;
	_ =	sdelay $0x3  }
0x2ed: {  	_, v60, _ =	vpop (xrf1)  }
0x2ee: {  	v4 =	vadd.s32 v60, v4  }
0x2ef: {  	v4 =	vadd.s32 $0xFFFFFFFF, v4  }
0x2f0: {  	vm14 =	vlt.u32 v2, $0x1200000;
	v61 =	vshll.u32 v3, $0x7;
	vm15 =	vlt.s32 v4, $0x40  }
0x2f1: {  	v4 =	vadd.s32 v61, v4;
	vm0 =	vmand vm14, vm15  }
0x2f2: {  	v4 =	vnsel vm0, $0x0, v4  }
0x2f3: {  	s29 =	sadd.s32 $0x4, s29;
	v62 =	vld [tilespmem:s30+$0x2030];
	v63 =	vadd.s32 $0x40, v4  }
0x2f4: {  	p0 =	slt.u32 s29, $0x1FC  }
.Ltmp25:
0x2f5: {  	_ = 	snop;
	(pc) =	sbr.rel @p0 .LBB2_52-.Ltmp25, $4  }
0x2f6: {  	v2 =	vand.u32 $0xFFFF, v2  }
0x2f7: {  	[tilespmem:v4+s28+$0x0] =	vst.idx.msk vm0, v2  }
0x2f8: {  	[tilespmem:v63+s28+$0x0] =	vst.idx.msk vm0, v62  }
0x2f9: {  	s31 =	sadd.s32 $0x40, s31;
	s30 =	sadd.s32 $0x40, s30;
	[tilespmem:v3+s22+$0x0] =	vst.idx.add.s32.msk vm0, v1  }
0x2fa: {  	s29 =	smov.u32 s18  }
.LBB2_54:
0x2fb: {  	p0 =	sne.s32 s28, $0x23E00  }
.Ltmp26:
0x2fc: {  	_ = 	snop;
	(pc) =	sbr.rel @p0 .LBB2_54-.Ltmp26, $4  }
0x2fd: {  	_ = 	snop  }
0x2fe: {  	s0 =	sshra.s32 s28, $0x2  }
0x2ff: {  	[hbm4b:s29+s2] =	stream.linear.scatter [tilespmem:s0], [sflag:$0x3], $0x80, $0x38;
	[tilespmem:$0x11180] =	vst v63  }
0x300: {  	s28 =	sadd.s32 $0x200, s28;
	s29 =	sadd.s32 $0x1000, s29  }
0x301: {  	s28 =	simm.s32 $0x120  }
.LBB2_56:
0x302: {  	p0 =	sne.s32 s28, $0x1  }
.Ltmp27:
0x303: {  	_ = 	snop;
	(pc) =	sbr.rel @p0 .LBB2_56-.Ltmp27, $4  }
0x304: {  	_ = 	snop  }
0x305: {  	_ =	swait.ge [sflag:s24], $0x80  }
0x306: {  	[sflag:s24] =	ssyncset.done $0x0  }
0x307: {  	s28 =	sadd.s32 $0xFFFFFFFF, s28;
	[sflag:s24] =	ssyncadd.s32 $0xFFFFFF80  }
0x308: {  	s29 =	simm.s32 $0xFFFDC200;
	s28 =	simm.s32 $0xFFFF7000  }
.LBB2_58:
0x309: {  	p0 =	sne.s32 s29, $0xFFFFFE00;
	[tilespmem:s28+$0x9070] =	vst v0;
	s0 =	smov.u32 s29;
	s29 =	sadd.s32 $0x200, s29  }
.Ltmp28:
0x30a: {  	[tilespmem:s28+$0x9060] =	vst v0;
	(pc) =	sbr.rel @p0 .LBB2_58-.Ltmp28, $3  }
0x30b: {  	[tilespmem:s28+$0x9040] =	vst v0  }
0x30c: {  	[tilespmem:s28+$0x9050] =	vst v0;
	_ =	sdelay $0x1  }
0x30d: {  	s28 =	sshra.s32 s0, $0x2  }
0x30e: {  	[tilespmem:s28+$0x9070] =	vst v0  }
0x30f: {  	[tilespmem:s28+$0x9060] =	vst v0  }
0x310: {  	[tilespmem:s28+$0x9040] =	vst v0  }
0x311: {  	[tilespmem:s28+$0x9050] =	vst v0  }
0x312: {  	[tilespmem:$0x9000] =	vst v0  }
0x313: {  	[tilespmem:$0x9010] =	vst v0  }
0x314: {  	[tilespmem:$0x9020] =	vst v0  }
0x315: {  	[tilespmem:$0x9030] =	vst v0  }
0x316: {  	[tilespmem:$0x9040] =	vst v0  }
0x317: {  	[tilespmem:$0x9050] =	vst v0  }
0x318: {  	[tilespmem:$0x9060] =	vst v0  }
0x319: {  	[tilespmem:$0x9070] =	vst v0  }
0x31a: {  	[tilespmem:$0x9080] =	vst v0  }
0x31b: {  	[tilespmem:$0x9090] =	vst v0  }
0x31c: {  	[tilespmem:$0x90A0] =	vst v0  }
0x31d: {  	[tilespmem:$0x90B0] =	vst v0  }
0x31e: {  	[tilespmem:$0x90C0] =	vst v0  }
0x31f: {  	[tilespmem:$0x90D0] =	vst v0  }
0x320: {  	[tilespmem:$0x90E0] =	vst v0  }
0x321: {  	[tilespmem:$0x90F0] =	vst v0  }
0x322: {  	[tilespmem:$0x9100] =	vst v0  }
0x323: {  	[tilespmem:$0x9110] =	vst v0  }
0x324: {  	[tilespmem:$0x9120] =	vst v0  }
0x325: {  	_ =	swait.ge [sflag:s25], $0x4000  }
0x326: {  	s29 =	simm.s32 $0xFFFFFFFC;
	s28 =	simm.s32 $0x0;
	[sflag:s25] =	ssyncset.done $0x0  }
0x327: {  	s30 =	simm.s32 $0xD180;
	s31 =	simm.s32 $0x0;
	[sflag:s25] =	ssyncadd.s32 $0xFFFFC000  }
.LBB2_60:
0x328: {  	v2 =	vld [tilespmem:s30+$0x0];
	_ =	sdelay $0x4  }
0x329: {  	v3 =	vshrl.u32 v2, $0x10  }
0x32a: {  	(xrf1) =	vunique.msk.u32 $0xffff, v3;
	_ =	sdelay $0x9  }
0x32b: {  	v4 =	vld.idx.msk [tilespmem:v3+s22+$0x0], $0xffff;
	_ =	sdelay $0x3  }
0x32c: {  	_, v5, _ =	vpop (xrf1)  }
0x32d: {  	v4 =	vadd.s32 v5, v4  }
0x32e: {  	v4 =	vadd.s32 $0xFFFFFFFF, v4  }
0x32f: {  	vm0 =	vlt.u32 v2, $0x1200000;
	v50 =	vshll.u32 v3, $0x7;
	vm1 =	vlt.s32 v4, $0x40  }
0x330: {  	v4 =	vadd.s32 v50, v4;
	vm0 =	vmand vm0, vm1  }
0x331: {  	s0 =	sand.u32 $0x1FC0, s31;
	v4 =	vnsel vm0, $0x0, v4  }
0x332: {  	v51 =	vld [tilespmem:s0+$0xF180];
	v6 =	vadd.s32 $0x40, v4;
	_ =	sdelay $0x2  }
0x333: {  	v2 =	vand.u32 $0xFFFF, v2  }
0x334: {  	[tilespmem:v4+s28+$0x0] =	vst.idx.msk vm0, v2  }
0x335: {  	[tilespmem:v6+s28+$0x0] =	vst.idx.msk vm0, v51  }
0x336: {  	[tilespmem:v3+s22+$0x0] =	vst.idx.add.s32.msk vm0, v1  }
0x337: {  	v2 =	vld [tilespmem:s30+$0x10];
	_ =	sdelay $0x4  }
0x338: {  	v3 =	vshrl.u32 v2, $0x10  }
0x339: {  	(xrf1) =	vunique.msk.u32 $0xffff, v3;
	_ =	sdelay $0x9  }
0x33a: {  	v4 =	vld.idx.msk [tilespmem:v3+s22+$0x0], $0xffff;
	_ =	sdelay $0x3  }
0x33b: {  	_, v52, _ =	vpop (xrf1)  }
0x33c: {  	v4 =	vadd.s32 v52, v4  }
0x33d: {  	v4 =	vadd.s32 $0xFFFFFFFF, v4  }
0x33e: {  	vm10 =	vlt.u32 v2, $0x1200000;
	v53 =	vshll.u32 v3, $0x7;
	vm11 =	vlt.s32 v4, $0x40  }
0x33f: {  	v4 =	vadd.s32 v53, v4;
	vm0 =	vmand vm10, vm11  }
0x340: {  	v4 =	vnsel vm0, $0x0, v4  }
0x341: {  	v54 =	vld [tilespmem:s30+$0x2010];
	v55 =	vadd.s32 $0x40, v4;
	_ =	sdelay $0x2  }
0x342: {  	v2 =	vand.u32 $0xFFFF, v2  }
0x343: {  	[tilespmem:v4+s28+$0x0] =	vst.idx.msk vm0, v2  }
0x344: {  	[tilespmem:v55+s28+$0x0] =	vst.idx.msk vm0, v54  }
0x345: {  	[tilespmem:v3+s22+$0x0] =	vst.idx.add.s32.msk vm0, v1  }
0x346: {  	v2 =	vld [tilespmem:s30+$0x20];
	_ =	sdelay $0x4  }
0x347: {  	v3 =	vshrl.u32 v2, $0x10  }
0x348: {  	(xrf1) =	vunique.msk.u32 $0xffff, v3;
	_ =	sdelay $0x9  }
0x349: {  	v4 =	vld.idx.msk [tilespmem:v3+s22+$0x0], $0xffff;
	_ =	sdelay $0x3  }
0x34a: {  	_, v56, _ =	vpop (xrf1)  }
0x34b: {  	v4 =	vadd.s32 v56, v4  }
0x34c: {  	v4 =	vadd.s32 $0xFFFFFFFF, v4  }
0x34d: {  	vm12 =	vlt.u32 v2, $0x1200000;
	v57 =	vshll.u32 v3, $0x7;
	vm13 =	vlt.s32 v4, $0x40  }
0x34e: {  	v4 =	vadd.s32 v57, v4;
	vm0 =	vmand vm12, vm13  }
0x34f: {  	v4 =	vnsel vm0, $0x0, v4  }
0x350: {  	v58 =	vld [tilespmem:s30+$0x2020];
	v59 =	vadd.s32 $0x40, v4;
	_ =	sdelay $0x2  }
0x351: {  	v2 =	vand.u32 $0xFFFF, v2  }
0x352: {  	[tilespmem:v4+s28+$0x0] =	vst.idx.msk vm0, v2  }
0x353: {  	[tilespmem:v59+s28+$0x0] =	vst.idx.msk vm0, v58  }
0x354: {  	[tilespmem:v3+s22+$0x0] =	vst.idx.add.s32.msk vm0, v1  }
0x355: {  	v2 =	vld [tilespmem:s30+$0x30];
	_ =	sdelay $0x4  }
0x356: {  	v3 =	vshrl.u32 v2, $0x10  }
0x357: {  	(xrf1) =	vunique.msk.u32 $0xffff, v3;
	_ =	sdelay $0x9  }
0x358: {  	v4 =	vld.idx.msk [tilespmem:v3+s22+$0x0], $0xffff;
	_ =	sdelay $0x3  }
0x359: {  	_, v60, _ =	vpop (xrf1)  }
0x35a: {  	v4 =	vadd.s32 v60, v4  }
0x35b: {  	v4 =	vadd.s32 $0xFFFFFFFF, v4  }
0x35c: {  	vm14 =	vlt.u32 v2, $0x1200000;
	v61 =	vshll.u32 v3, $0x7;
	vm15 =	vlt.s32 v4, $0x40  }
0x35d: {  	v4 =	vadd.s32 v61, v4;
	vm0 =	vmand vm14, vm15  }
0x35e: {  	v4 =	vnsel vm0, $0x0, v4  }
0x35f: {  	s29 =	sadd.s32 $0x4, s29;
	v62 =	vld [tilespmem:s30+$0x2030];
	v63 =	vadd.s32 $0x40, v4  }
0x360: {  	p0 =	slt.u32 s29, $0x1FC  }
.Ltmp29:
0x361: {  	_ = 	snop;
	(pc) =	sbr.rel @p0 .LBB2_60-.Ltmp29, $4  }
0x362: {  	v2 =	vand.u32 $0xFFFF, v2  }
0x363: {  	[tilespmem:v4+s28+$0x0] =	vst.idx.msk vm0, v2  }
0x364: {  	[tilespmem:v63+s28+$0x0] =	vst.idx.msk vm0, v62  }
0x365: {  	s31 =	sadd.s32 $0x40, s31;
	s30 =	sadd.s32 $0x40, s30;
	[tilespmem:v3+s22+$0x0] =	vst.idx.add.s32.msk vm0, v1  }
0x366: {  	s29 =	smov.u32 s19  }
.LBB2_62:
0x367: {  	p0 =	sne.s32 s28, $0x23E00  }
.Ltmp30:
0x368: {  	_ = 	snop;
	(pc) =	sbr.rel @p0 .LBB2_62-.Ltmp30, $4  }
0x369: {  	_ = 	snop  }
0x36a: {  	s0 =	sshra.s32 s28, $0x2  }
0x36b: {  	[hbm4b:s29+s2] =	stream.linear.scatter [tilespmem:s0], [sflag:$0x3], $0x80, $0x38;
	[tilespmem:$0x11180] =	vst v63  }
0x36c: {  	s28 =	sadd.s32 $0x200, s28;
	s29 =	sadd.s32 $0x1000, s29  }
0x36d: {  	_ =	swait.ge [sflag:s24], $0x80  }
0x36e: {  	s28 =	simm.s32 $0x11F;
	[sflag:s24] =	ssyncset.done $0x0  }
.LBB2_64:
0x36f: {  	p0 =	sne.s32 s28, $0x1;
	s28 =	sadd.s32 $0xFFFFFFFF, s28;
	[sflag:s24] =	ssyncadd.s32 $0xFFFFFF80  }
.Ltmp31:
0x370: {  	(pc) =	sbr.rel @p0 .LBB2_64-.Ltmp31, $3  }
0x371: {  	_ =	sdelay $0x1  }
0x372: {  	_ =	swait.ge [sflag:s24], $0x80  }
0x373: {  	[sflag:s24] =	ssyncset.done $0x0  }
0x374: {  	s26 =	sadd.s32 $0x1, s26  }
0x375: {  	p0 =	sne.s32 s26, s11  }
.Ltmp32:
0x376: {  	_ = 	snop;
	(pc) =	sbr.rel @p0 .LBB2_1-.Ltmp32, $2  }
0x377: {  	_ =	sdelay $0x2  }
0x378: {  	[sflag:s24] =	ssyncadd.s32 $0xFFFFFF80  }
0x379: {  	_ =	sfence.sel $0x180000  }
0x37a: {  	[bflag:$0x0] =	sbarrier.arrive $0xFFFF  }
0x37b: {  	_ =	strace $0x90000047  }
0x37c: {  	[bflag:$0x2] =	sbarrier.arrive $0xFFFF  }
0x37d: {  	p0 =	sne.s32 s1, $0x0;
	s0 =	rddreg [dreg:$0x1]  }
0x37e: {  	s0 =	sadd.s32 @!p0 $0x100000, s0  }
0x37f: {  	[sflag:s0] =	ssyncadd.tile.s32 @!p0 $0x1;
	_ =	shalt  }
.Lfunc_end2:
_tile_overlayer_lowered:
.L_overlay_start_2:
0x380: {  	(tag) =	ssettag $0x2  }
0x381: {  	s0 =	rddreg [dreg:$0x0];
	s2 =	stileid.u32  }
0x382: {  	s1 =	rddreg [dreg:$0x1];
	p0 =	sne.s32 s2, $0x0  }
0x383: {  	s3 =	rddreg [dreg:$0x2];
	[bflag:$0x3] =	sbarrier.arrive $0xFFFF;
	s2 =	simm.s32 @!p0 $0x1C04  }
0x384: {  	[timem:s3], [sflag:s2] =	dma.local @!p0 [hbm:s0], s1  }
0x385: {  	s0 =	simm.s32 @!p0 $0x4  }
0x386: {  	_ =	swait.ge @!p0 [sflag:s0], s1  }
0x387: {  	s1 =	ssub.s32 @!p0 $0x0, s1;
	[sflag:s0] =	ssyncset.done @!p0 $0x0  }
0x388: {  	[sflag:s0] =	ssyncadd.s32 @!p0 s1  }
0x389: {  	[bflag:$0x3] =	sbarrier.arrive $0xFFFF  }
0x38a: {  	_ =	shalt  }

</sc_bundles>
